<compile_context>
chip_gen: v7x
topology: tpu7x:2x2x1
jax: 0.10.2.dev20260603
libtpu: 0.0.44.dev20260713+nightly
codegen_flags: <defaults>
</compile_context>

<pallas_src>
import functools

import jax
import jax.numpy as jnp
from jax import lax
from jax.experimental import pallas as pl
from jax.experimental.pallas import tpu as pltpu
from jax.experimental.pallas import tpu_sc as plsc

VOCAB = 100000
HIDDEN = 2048
MAX_SEQ = 4096
IDS_LEN = 2048

NUM_CORES = 2
NUM_SUBCORES = 16
NW = NUM_CORES * NUM_SUBCORES
BPW = IDS_LEN // NW
SL = 16
LN = 128


def _gather_body(ids_hbm, ss_hbm, zz_hbm, embed_hbm, rows_out, sw_out, zw_out,
                 idx_v, ss_v, zz_v, rows_v, sem_rows, sem_sz):
    wid = lax.axis_index("s") * NUM_CORES + lax.axis_index("c")
    base = wid * BPW

    pltpu.sync_copy(ids_hbm.at[pl.ds(base, BPW)], idx_v)
    cp_ss = pltpu.async_copy(ss_hbm.at[idx_v], ss_v, sem_sz)
    cp_zz = pltpu.async_copy(zz_hbm.at[idx_v], zz_v, sem_sz)

    row_copies = []
    for g in range(BPW // 16):
        idv = idx_v[pl.ds(g * 16, 16)]
        for i in range(16):
            r = g * 16 + i
            row_copies.append(pltpu.async_copy(
                embed_hbm.at[idv[i]], rows_v.at[r], sem_rows))

    cp_ss.wait()
    cp_zz.wait()
    cp_sw = pltpu.async_copy(ss_v, sw_out.at[pl.ds(base, BPW)], sem_sz)
    cp_zw = pltpu.async_copy(zz_v, zw_out.at[pl.ds(base, BPW)], sem_sz)

    for cp in row_copies:
        cp.wait()
    pltpu.sync_copy(rows_v, rows_out.at[pl.ds(base, BPW)])
    cp_sw.wait()
    cp_zw.wait()


@functools.partial(jax.jit, static_argnums=())
def _embed_call(input_ids, embed3, ss_f32, zz_f32):
    mesh = plsc.VectorSubcoreMesh(core_axis_name="c", subcore_axis_name="s")
    rows, sw, zw = pl.kernel(
        _gather_body,
        out_type=[
            jax.ShapeDtypeStruct((IDS_LEN, SL, LN), jnp.float16),
            jax.ShapeDtypeStruct((IDS_LEN,), jnp.float32),
            jax.ShapeDtypeStruct((IDS_LEN,), jnp.float32),
        ],
        mesh=mesh,
        scratch_types=[
            pltpu.VMEM((BPW,), jnp.int32),
            pltpu.VMEM((BPW,), jnp.float32),
            pltpu.VMEM((BPW,), jnp.float32),
            pltpu.VMEM((BPW, SL, LN), jnp.float16),
            pltpu.SemaphoreType.DMA,
            pltpu.SemaphoreType.DMA,
        ],
        compiler_params=pltpu.CompilerParams(needs_layout_passes=False,
                                             use_tc_tiling_on_sc=True),
    )(input_ids, ss_f32, zz_f32, embed3)

    rows_f16 = rows.reshape(IDS_LEN, HIDDEN)
    deq = (rows_f16.astype(jnp.float32) * sw[:, None]
           + zw[:, None]).astype(jnp.float16)
    out = jnp.concatenate(
        [deq, jnp.zeros((MAX_SEQ - IDS_LEN, HIDDEN), dtype=jnp.float16)],
        axis=0)
    return out


def kernel(input_ids, ids_len, embed_data, scale, zero_point):
    del ids_len
    embed3 = embed_data.reshape(VOCAB, SL, LN)
    ss_f32 = scale.astype(jnp.float32).reshape(VOCAB)
    zz_f32 = zero_point.astype(jnp.float32).reshape(VOCAB)
    return _embed_call(input_ids, embed3, ss_f32, zz_f32)

# --- scband reference (transcript-rebuilt; emitter-appended) ---
"""Pipeline reference for scband-qwen-vl-part-b-48627619725397 (READ-ONLY COPY).

The authoritative reference and input builder live on the scoring server;
editing this copy changes nothing except your own understanding.
"""

import jax, jax.numpy as jnp
import numpy as np

VOCAB = 100000
HIDDEN = 2048
MAX_SEQ = 4096
IDS_LEN = 2048


def setup_inputs(seed: int = 0) -> dict:
    key = jax.random.key(seed)
    k1, k2, k3, k4 = jax.random.split(key, 4)
    embed_data = (jax.random.normal(k1, (VOCAB, HIDDEN), dtype=jnp.float32) * 0.02).astype(jnp.float16)
    scale = (jax.random.uniform(k2, (VOCAB, 1), dtype=jnp.float32) * 0.1 + 0.95).astype(jnp.float16)
    zero_point = (jax.random.normal(k3, (VOCAB, 1), dtype=jnp.float32) * 0.01).astype(jnp.float16)
    input_ids = jax.random.randint(k4, (MAX_SEQ,), 0, VOCAB, dtype=jnp.int32)
    ids_len = IDS_LEN  # python int, static
    return {"input_ids": input_ids, "ids_len": ids_len, "embed_data": embed_data, "scale": scale, "zero_point": zero_point}


def reference(input_ids, ids_len, embed_data, scale, zero_point):
    # faithful translation of QwenVL_PartB.forward
    hidden_states = embed_data[input_ids] * scale[input_ids] + zero_point[input_ids]
    mask = (jnp.arange(MAX_SEQ) < ids_len)[:, None]
    return jnp.where(mask, hidden_states, jnp.zeros((), dtype=jnp.float16))

if __name__ == "__main__":
    import jax
    _d = setup_inputs()
    print(jax.jit(kernel)(*tuple(_d.values())))

</pallas_src>

<mosaic_0001>
#map = affine_map<(d0, d1) -> (0)>
#map1 = affine_map<(d0, d1) -> (0, 0, 0)>
module attributes {stable_mosaic.version = 14 : i64} {
  func.func @_gather_body(%arg0: i32, %arg1: i32, %arg2: memref<4096xi32, #tpu.memory_space<hbm>>, %arg3: memref<100000xf32, #tpu.memory_space<hbm>>, %arg4: memref<100000xf32, #tpu.memory_space<hbm>>, %arg5: memref<100000x16x128xf16, #tpu.memory_space<hbm>>, %arg6: memref<2048x16x128xf16, #tpu.memory_space<hbm>>, %arg7: memref<2048xf32, #tpu.memory_space<hbm>>, %arg8: memref<2048xf32, #tpu.memory_space<hbm>>, %arg9: memref<64xi32, #tpu.memory_space<vmem>>, %arg10: memref<64xf32, #tpu.memory_space<vmem>>, %arg11: memref<64xf32, #tpu.memory_space<vmem>>, %arg12: memref<64x16x128xf16, #tpu.memory_space<vmem>>, %arg13: memref<!tpu.dma_semaphore, #tpu.memory_space<semaphore_mem>>, %arg14: memref<!tpu.dma_semaphore, #tpu.memory_space<semaphore_mem>>) attributes {dimension_semantics = [#tpu.dimension_semantics<core_parallel>, #tpu.dimension_semantics<subcore_parallel>], iteration_bounds = array<i64: 2, 16>, scalar_prefetch = 0 : i64, scratch_operands = 6 : i64, tpu.core_type = #tpu.core_type<sc_vector_subcore>, window_params = [{transform_indices = #map}, {transform_indices = #map}, {transform_indices = #map}, {transform_indices = #map1}, {transform_indices = #map1}, {transform_indices = #map}, {transform_indices = #map}]} {
    %mul3A = arith.constant 2 : i32
    %mul3A_0 = arith.muli %arg1, %mul3A : i32
    %add3A = arith.addi %mul3A_0, %arg0 : i32
    %mul3A_1 = arith.constant 64 : i32
    %mul3A_2 = arith.muli %add3A, %mul3A_1 : i32
    "tpu.region"() ({
      %run_scoped3A = tpu.sem_alloc : memref<!tpu.dma_semaphore, #tpu.memory_space<semaphore_mem>>
      %dma_start3A_2326 = tpu.memref_slice %arg2[%mul3A_2] : memref<4096xi32, #tpu.memory_space<hbm>> -> memref<64xi32, #tpu.memory_space<hbm>>
      %dma_start3A_2327 = tpu.memref_slice %arg2[%mul3A_2] : memref<4096xi32, #tpu.memory_space<hbm>> -> memref<64xi32, #tpu.memory_space<hbm>>
      tpu.enqueue_dma source(%dma_start3A_2327 : memref<64xi32, #tpu.memory_space<hbm>>) target(%arg9 : memref<64xi32, #tpu.memory_space<vmem>>) target_semaphore(%run_scoped3A : memref<!tpu.dma_semaphore, #tpu.memory_space<semaphore_mem>>)
      %dma_wait3A_2328 = tpu.memref_slice %arg2[%mul3A_2] : memref<4096xi32, #tpu.memory_space<hbm>> -> memref<64xi32, #tpu.memory_space<hbm>>
      %dma_wait3A_2329 = tpu.memref_slice %arg2[%mul3A_2] : memref<4096xi32, #tpu.memory_space<hbm>> -> memref<64xi32, #tpu.memory_space<hbm>>
      tpu.wait_dma2 semaphore(%run_scoped3A : memref<!tpu.dma_semaphore, #tpu.memory_space<semaphore_mem>>) src(%dma_wait3A_2329 : memref<64xi32, #tpu.memory_space<hbm>>) dst(%arg9 : memref<64xi32, #tpu.memory_space<vmem>>)
      tpu.yield
    }) : () -> ()
    %dma_start3A = arith.constant 0 : i32
    %dma_start3A_3 = tpu.memref_slice %arg3[%dma_start3A] : memref<100000xf32, #tpu.memory_space<hbm>> -> memref<100000xf32, #tpu.memory_space<hbm>>
    tpu.enqueue_indirect_dma source(%dma_start3A_3 : memref<100000xf32, #tpu.memory_space<hbm>>) target(%arg10 : memref<64xf32, #tpu.memory_space<vmem>>) offsets(%arg9 : memref<64xi32, #tpu.memory_space<vmem>>) semaphore(%arg14 : memref<!tpu.dma_semaphore, #tpu.memory_space<semaphore_mem>>)
    %dma_start3A_4 = arith.constant 0 : i32
    %dma_start3A_5 = tpu.memref_slice %arg4[%dma_start3A_4] : memref<100000xf32, #tpu.memory_space<hbm>> -> memref<100000xf32, #tpu.memory_space<hbm>>
    tpu.enqueue_indirect_dma source(%dma_start3A_5 : memref<100000xf32, #tpu.memory_space<hbm>>) target(%arg11 : memref<64xf32, #tpu.memory_space<vmem>>) offsets(%arg9 : memref<64xi32, #tpu.memory_space<vmem>>) semaphore(%arg14 : memref<!tpu.dma_semaphore, #tpu.memory_space<semaphore_mem>>)
    %get3A = arith.constant 0 : index
    %get3A_6 = tpu.vector_load %arg9[%get3A] {strides = array<i32>} : memref<64xi32, #tpu.memory_space<vmem>>, vector<16xi32>,
    %slice3A = vector.extract_strided_slice %get3A_6 {offsets = [0], sizes = [1], strides = [1]} : vector<16xi32> to vector<1xi32>
    %squeeze3A = vector.extract %slice3A[0] : i32 from vector<1xi32>
    %dma_start3A_7 = arith.constant 0 : i32
    %dma_start3A_8 = arith.constant 0 : i32
    %dma_start3A_9 = arith.constant 0 : i32
    %dma_start3A_10 = tpu.memref_slice %arg12[%dma_start3A_7, %dma_start3A_8, %dma_start3A_9] : memref<64x16x128xf16, #tpu.memory_space<vmem>> -> memref<1x16x128xf16, #tpu.memory_space<vmem>>
    %dma_start3A_11 = tpu.memref_squeeze %dma_start3A_10 : memref<1x16x128xf16, #tpu.memory_space<vmem>> -> memref<16x128xf16, #tpu.memory_space<vmem>>
    %dma_start3A_12 = arith.constant 0 : i32
    %dma_start3A_13 = arith.constant 0 : i32
    %dma_start3A_14 = tpu.memref_slice %arg5[%squeeze3A, %dma_start3A_12, %dma_start3A_13] : memref<100000x16x128xf16, #tpu.memory_space<hbm>> -> memref<1x16x128xf16, #tpu.memory_space<hbm>>
    %dma_start3A_15 = tpu.memref_squeeze %dma_start3A_14 : memref<1x16x128xf16, #tpu.memory_space<hbm>> -> memref<16x128xf16, #tpu.memory_space<hbm>>
    %dma_start3A_16 = arith.constant 0 : i32
    %dma_start3A_17 = arith.constant 0 : i32
    %dma_start3A_18 = tpu.memref_slice %arg12[%dma_start3A_7, %dma_start3A_16, %dma_start3A_17] : memref<64x16x128xf16, #tpu.memory_space<vmem>> -> memref<1x16x128xf16, #tpu.memory_space<vmem>>
    %dma_start3A_19 = tpu.memref_squeeze %dma_start3A_18 : memref<1x16x128xf16, #tpu.memory_space<vmem>> -> memref<16x128xf16, #tpu.memory_space<vmem>>
    %dma_start3A_20 = arith.constant 0 : i32
    %dma_start3A_21 = arith.constant 0 : i32
    %dma_start3A_22 = tpu.memref_slice %arg5[%squeeze3A, %dma_start3A_20, %dma_start3A_21] : memref<100000x16x128xf16, #tpu.memory_space<hbm>> -> memref<1x16x128xf16, #tpu.memory_space<hbm>>
    %dma_start3A_23 = tpu.memref_squeeze %dma_start3A_22 : memref<1x16x128xf16, #tpu.memory_space<hbm>> -> memref<16x128xf16, #tpu.memory_space<hbm>>
    tpu.enqueue_dma source(%dma_start3A_23 : memref<16x128xf16, #tpu.memory_space<hbm>>) target(%dma_start3A_19 : memref<16x128xf16, #tpu.memory_space<vmem>>) target_semaphore(%arg13 : memref<!tpu.dma_semaphore, #tpu.memory_space<semaphore_mem>>)
    %slice3A_24 = vector.extract_strided_slice %get3A_6 {offsets = [1], sizes = [1], strides = [1]} : vector<16xi32> to vector<1xi32>
    %squeeze3A_25 = vector.extract %slice3A_24[0] : i32 from vector<1xi32>
    %dma_start3A_26 = arith.constant 1 : i32
    %dma_start3A_27 = arith.constant 0 : i32
    %dma_start3A_28 = arith.constant 0 : i32
    %dma_start3A_29 = tpu.memref_slice %arg12[%dma_start3A_26, %dma_start3A_27, %dma_start3A_28] : memref<64x16x128xf16, #tpu.memory_space<vmem>> -> memref<1x16x128xf16, #tpu.memory_space<vmem>>
    %dma_start3A_30 = tpu.memref_squeeze %dma_start3A_29 : memref<1x16x128xf16, #tpu.memory_space<vmem>> -> memref<16x128xf16, #tpu.memory_space<vmem>>
    %dma_start3A_31 = arith.constant 0 : i32
    %dma_start3A_32 = arith.constant 0 : i32
    %dma_start3A_33 = tpu.memref_slice %arg5[%squeeze3A_25, %dma_start3A_31, %dma_start3A_32] : memref<100000x16x128xf16, #tpu.memory_space<hbm>> -> memref<1x16x128xf16, #tpu.memory_space<hbm>>
    %dma_start3A_34 = tpu.memref_squeeze %dma_start3A_33 : memref<1x16x128xf16, #tpu.memory_space<hbm>> -> memref<16x128xf16, #tpu.memory_space<hbm>>
    %dma_start3A_35 = arith.constant 0 : i32
    %dma_start3A_36 = arith.constant 0 : i32
    %dma_start3A_37 = tpu.memref_slice %arg12[%dma_start3A_26, %dma_start3A_35, %dma_start3A_36] : memref<64x16x128xf16, #tpu.memory_space<vmem>> -> memref<1x16x128xf16, #tpu.memory_space<vmem>>
    %dma_start3A_38 = tpu.memref_squeeze %dma_start3A_37 : memref<1x16x128xf16, #tpu.memory_space<vmem>> -> memref<16x128xf16, #tpu.memory_space<vmem>>
    %dma_start3A_39 = arith.constant 0 : i32
    %dma_start3A_40 = arith.constant 0 : i32
    %dma_start3A_41 = tpu.memref_slice %arg5[%squeeze3A_25, %dma_start3A_39, %dma_start3A_40] : memref<100000x16x128xf16, #tpu.memory_space<hbm>> -> memref<1x16x128xf16, #tpu.memory_space<hbm>>
    %dma_start3A_42 = tpu.memref_squeeze %dma_start3A_41 : memref<1x16x128xf16, #tpu.memory_space<hbm>> -> memref<16x128xf16, #tpu.memory_space<hbm>>
    tpu.enqueue_dma source(%dma_start3A_42 : memref<16x128xf16, #tpu.memory_space<hbm>>) target(%dma_start3A_38 : memref<16x128xf16, #tpu.memory_space<vmem>>) target_semaphore(%arg13 : memref<!tpu.dma_semaphore, #tpu.memory_space<semaphore_mem>>)
    %slice3A_43 = vector.extract_strided_slice %get3A_6 {offsets = [2], sizes = [1], strides = [1]} : vector<16xi32> to vector<1xi32>
    %squeeze3A_44 = vector.extract %slice3A_43[0] : i32 from vector<1xi32>
    %dma_start3A_45 = arith.constant 2 : i32
    %dma_start3A_46 = arith.constant 0 : i32
    %dma_start3A_47 = arith.constant 0 : i32
    %dma_start3A_48 = tpu.memref_slice %arg12[%dma_start3A_45, %dma_start3A_46, %dma_start3A_47] : memref<64x16x128xf16, #tpu.memory_space<vmem>> -> memref<1x16x128xf16, #tpu.memory_space<vmem>>
    %dma_start3A_49 = tpu.memref_squeeze %dma_start3A_48 : memref<1x16x128xf16, #tpu.memory_space<vmem>> -> memref<16x128xf16, #tpu.memory_space<vmem>>
    %dma_start3A_50 = arith.constant 0 : i32
    %dma_start3A_51 = arith.constant 0 : i32
    %dma_start3A_52 = tpu.memref_slice %arg5[%squeeze3A_44, %dma_start3A_50, %dma_start3A_51] : memref<100000x16x128xf16, #tpu.memory_space<hbm>> -> memref<1x16x128xf16, #tpu.memory_space<hbm>>
    %dma_start3A_53 = tpu.memref_squeeze %dma_start3A_52 : memref<1x16x128xf16, #tpu.memory_space<hbm>> -> memref<16x128xf16, #tpu.memory_space<hbm>>
    %dma_start3A_54 = arith.constant 0 : i32
    %dma_start3A_55 = arith.constant 0 : i32
    %dma_start3A_56 = tpu.memref_slice %arg12[%dma_start3A_45, %dma_start3A_54, %dma_start3A_55] : memref<64x16x128xf16, #tpu.memory_space<vmem>> -> memref<1x16x128xf16, #tpu.memory_space<vmem>>
    %dma_start3A_57 = tpu.memref_squeeze %dma_start3A_56 : memref<1x16x128xf16, #tpu.memory_space<vmem>> -> memref<16x128xf16, #tpu.memory_space<vmem>>
    %dma_start3A_58 = arith.constant 0 : i32
    %dma_start3A_59 = arith.constant 0 : i32
    %dma_start3A_60 = tpu.memref_slice %arg5[%squeeze3A_44, %dma_start3A_58, %dma_start3A_59] : memref<100000x16x128xf16, #tpu.memory_space<hbm>> -> memref<1x16x128xf16, #tpu.memory_space<hbm>>
    %dma_start3A_61 = tpu.memref_squeeze %dma_start3A_60 : memref<1x16x128xf16, #tpu.memory_space<hbm>> -> memref<16x128xf16, #tpu.memory_space<hbm>>
    tpu.enqueue_dma source(%dma_start3A_61 : memref<16x128xf16, #tpu.memory_space<hbm>>) target(%dma_start3A_57 : memref<16x128xf16, #tpu.memory_space<vmem>>) target_semaphore(%arg13 : memref<!tpu.dma_semaphore, #tpu.memory_space<semaphore_mem>>)
    %slice3A_62 = vector.extract_strided_slice %get3A_6 {offsets = [3], sizes = [1], strides = [1]} : vector<16xi32> to vector<1xi32>
    %squeeze3A_63 = vector.extract %slice3A_62[0] : i32 from vector<1xi32>
    %dma_start3A_64 = arith.constant 3 : i32
    %dma_start3A_65 = arith.constant 0 : i32
    %dma_start3A_66 = arith.constant 0 : i32
    %dma_start3A_67 = tpu.memref_slice %arg12[%dma_start3A_64, %dma_start3A_65, %dma_start3A_66] : memref<64x16x128xf16, #tpu.memory_space<vmem>> -> memref<1x16x128xf16, #tpu.memory_space<vmem>>
    %dma_start3A_68 = tpu.memref_squeeze %dma_start3A_67 : memref<1x16x128xf16, #tpu.memory_space<vmem>> -> memref<16x128xf16, #tpu.memory_space<vmem>>
    %dma_start3A_69 = arith.constant 0 : i32
    %dma_start3A_70 = arith.constant 0 : i32
    %dma_start3A_71 = tpu.memref_slice %arg5[%squeeze3A_63, %dma_start3A_69, %dma_start3A_70] : memref<100000x16x128xf16, #tpu.memory_space<hbm>> -> memref<1x16x128xf16, #tpu.memory_space<hbm>>
    %dma_start3A_72 = tpu.memref_squeeze %dma_start3A_71 : memref<1x16x128xf16, #tpu.memory_space<hbm>> -> memref<16x128xf16, #tpu.memory_space<hbm>>
    %dma_start3A_73 = arith.constant 0 : i32
    %dma_start3A_74 = arith.constant 0 : i32
    %dma_start3A_75 = tpu.memref_slice %arg12[%dma_start3A_64, %dma_start3A_73, %dma_start3A_74] : memref<64x16x128xf16, #tpu.memory_space<vmem>> -> memref<1x16x128xf16, #tpu.memory_space<vmem>>
    %dma_start3A_76 = tpu.memref_squeeze %dma_start3A_75 : memref<1x16x128xf16, #tpu.memory_space<vmem>> -> memref<16x128xf16, #tpu.memory_space<vmem>>
    %dma_start3A_77 = arith.constant 0 : i32
    %dma_start3A_78 = arith.constant 0 : i32
    %dma_start3A_79 = tpu.memref_slice %arg5[%squeeze3A_63, %dma_start3A_77, %dma_start3A_78] : memref<100000x16x128xf16, #tpu.memory_space<hbm>> -> memref<1x16x128xf16, #tpu.memory_space<hbm>>
    %dma_start3A_80 = tpu.memref_squeeze %dma_start3A_79 : memref<1x16x128xf16, #tpu.memory_space<hbm>> -> memref<16x128xf16, #tpu.memory_space<hbm>>
    tpu.enqueue_dma source(%dma_start3A_80 : memref<16x128xf16, #tpu.memory_space<hbm>>) target(%dma_start3A_76 : memref<16x128xf16, #tpu.memory_space<vmem>>) target_semaphore(%arg13 : memref<!tpu.dma_semaphore, #tpu.memory_space<semaphore_mem>>)
    %slice3A_81 = vector.extract_strided_slice %get3A_6 {offsets = [4], sizes = [1], strides = [1]} : vector<16xi32> to vector<1xi32>
    %squeeze3A_82 = vector.extract %slice3A_81[0] : i32 from vector<1xi32>
    %dma_start3A_83 = arith.constant 4 : i32
    %dma_start3A_84 = arith.constant 0 : i32
    %dma_start3A_85 = arith.constant 0 : i32
    %dma_start3A_86 = tpu.memref_slice %arg12[%dma_start3A_83, %dma_start3A_84, %dma_start3A_85] : memref<64x16x128xf16, #tpu.memory_space<vmem>> -> memref<1x16x128xf16, #tpu.memory_space<vmem>>
    %dma_start3A_87 = tpu.memref_squeeze %dma_start3A_86 : memref<1x16x128xf16, #tpu.memory_space<vmem>> -> memref<16x128xf16, #tpu.memory_space<vmem>>
    %dma_start3A_88 = arith.constant 0 : i32
    %dma_start3A_89 = arith.constant 0 : i32
    %dma_start3A_90 = tpu.memref_slice %arg5[%squeeze3A_82, %dma_start3A_88, %dma_start3A_89] : memref<100000x16x128xf16, #tpu.memory_space<hbm>> -> memref<1x16x128xf16, #tpu.memory_space<hbm>>
    %dma_start3A_91 = tpu.memref_squeeze %dma_start3A_90 : memref<1x16x128xf16, #tpu.memory_space<hbm>> -> memref<16x128xf16, #tpu.memory_space<hbm>>
    %dma_start3A_92 = arith.constant 0 : i32
    %dma_start3A_93 = arith.constant 0 : i32
    %dma_start3A_94 = tpu.memref_slice %arg12[%dma_start3A_83, %dma_start3A_92, %dma_start3A_93] : memref<64x16x128xf16, #tpu.memory_space<vmem>> -> memref<1x16x128xf16, #tpu.memory_space<vmem>>
    %dma_start3A_95 = tpu.memref_squeeze %dma_start3A_94 : memref<1x16x128xf16, #tpu.memory_space<vmem>> -> memref<16x128xf16, #tpu.memory_space<vmem>>
    %dma_start3A_96 = arith.constant 0 : i32
    %dma_start3A_97 = arith.constant 0 : i32
    %dma_start3A_98 = tpu.memref_slice %arg5[%squeeze3A_82, %dma_start3A_96, %dma_start3A_97] : memref<100000x16x128xf16, #tpu.memory_space<hbm>> -> memref<1x16x128xf16, #tpu.memory_space<hbm>>
    %dma_start3A_99 = tpu.memref_squeeze %dma_start3A_98 : memref<1x16x128xf16, #tpu.memory_space<hbm>> -> memref<16x128xf16, #tpu.memory_space<hbm>>
    tpu.enqueue_dma source(%dma_start3A_99 : memref<16x128xf16, #tpu.memory_space<hbm>>) target(%dma_start3A_95 : memref<16x128xf16, #tpu.memory_space<vmem>>) target_semaphore(%arg13 : memref<!tpu.dma_semaphore, #tpu.memory_space<semaphore_mem>>)
    %slice3A_100 = vector.extract_strided_slice %get3A_6 {offsets = [5], sizes = [1], strides = [1]} : vector<16xi32> to vector<1xi32>
    %squeeze3A_101 = vector.extract %slice3A_100[0] : i32 from vector<1xi32>
    %dma_start3A_102 = arith.constant 5 : i32
    %dma_start3A_103 = arith.constant 0 : i32
    %dma_start3A_104 = arith.constant 0 : i32
    %dma_start3A_105 = tpu.memref_slice %arg12[%dma_start3A_102, %dma_start3A_103, %dma_start3A_104] : memref<64x16x128xf16, #tpu.memory_space<vmem>> -> memref<1x16x128xf16, #tpu.memory_space<vmem>>
    %dma_start3A_106 = tpu.memref_squeeze %dma_start3A_105 : memref<1x16x128xf16, #tpu.memory_space<vmem>> -> memref<16x128xf16, #tpu.memory_space<vmem>>
    %dma_start3A_107 = arith.constant 0 : i32
    %dma_start3A_108 = arith.constant 0 : i32
    %dma_start3A_109 = tpu.memref_slice %arg5[%squeeze3A_101, %dma_start3A_107, %dma_start3A_108] : memref<100000x16x128xf16, #tpu.memory_space<hbm>> -> memref<1x16x128xf16, #tpu.memory_space<hbm>>
    %dma_start3A_110 = tpu.memref_squeeze %dma_start3A_109 : memref<1x16x128xf16, #tpu.memory_space<hbm>> -> memref<16x128xf16, #tpu.memory_space<hbm>>
    %dma_start3A_111 = arith.constant 0 : i32
    %dma_start3A_112 = arith.constant 0 : i32
    %dma_start3A_113 = tpu.memref_slice %arg12[%dma_start3A_102, %dma_start3A_111, %dma_start3A_112] : memref<64x16x128xf16, #tpu.memory_space<vmem>> -> memref<1x16x128xf16, #tpu.memory_space<vmem>>
    %dma_start3A_114 = tpu.memref_squeeze %dma_start3A_113 : memref<1x16x128xf16, #tpu.memory_space<vmem>> -> memref<16x128xf16, #tpu.memory_space<vmem>>
    %dma_start3A_115 = arith.constant 0 : i32
    %dma_start3A_116 = arith.constant 0 : i32
    %dma_start3A_117 = tpu.memref_slice %arg5[%squeeze3A_101, %dma_start3A_115, %dma_start3A_116] : memref<100000x16x128xf16, #tpu.memory_space<hbm>> -> memref<1x16x128xf16, #tpu.memory_space<hbm>>
    %dma_start3A_118 = tpu.memref_squeeze %dma_start3A_117 : memref<1x16x128xf16, #tpu.memory_space<hbm>> -> memref<16x128xf16, #tpu.memory_space<hbm>>
    tpu.enqueue_dma source(%dma_start3A_118 : memref<16x128xf16, #tpu.memory_space<hbm>>) target(%dma_start3A_114 : memref<16x128xf16, #tpu.memory_space<vmem>>) target_semaphore(%arg13 : memref<!tpu.dma_semaphore, #tpu.memory_space<semaphore_mem>>)
    %slice3A_119 = vector.extract_strided_slice %get3A_6 {offsets = [6], sizes = [1], strides = [1]} : vector<16xi32> to vector<1xi32>
    %squeeze3A_120 = vector.extract %slice3A_119[0] : i32 from vector<1xi32>
    %dma_start3A_121 = arith.constant 6 : i32
    %dma_start3A_122 = arith.constant 0 : i32
    %dma_start3A_123 = arith.constant 0 : i32
    %dma_start3A_124 = tpu.memref_slice %arg12[%dma_start3A_121, %dma_start3A_122, %dma_start3A_123] : memref<64x16x128xf16, #tpu.memory_space<vmem>> -> memref<1x16x128xf16, #tpu.memory_space<vmem>>
    %dma_start3A_125 = tpu.memref_squeeze %dma_start3A_124 : memref<1x16x128xf16, #tpu.memory_space<vmem>> -> memref<16x128xf16, #tpu.memory_space<vmem>>
    %dma_start3A_126 = arith.constant 0 : i32
    %dma_start3A_127 = arith.constant 0 : i32
    %dma_start3A_128 = tpu.memref_slice %arg5[%squeeze3A_120, %dma_start3A_126, %dma_start3A_127] : memref<100000x16x128xf16, #tpu.memory_space<hbm>> -> memref<1x16x128xf16, #tpu.memory_space<hbm>>
    %dma_start3A_129 = tpu.memref_squeeze %dma_start3A_128 : memref<1x16x128xf16, #tpu.memory_space<hbm>> -> memref<16x128xf16, #tpu.memory_space<hbm>>
    %dma_start3A_130 = arith.constant 0 : i32
    %dma_start3A_131 = arith.constant 0 : i32
    %dma_start3A_132 = tpu.memref_slice %arg12[%dma_start3A_121, %dma_start3A_130, %dma_start3A_131] : memref<64x16x128xf16, #tpu.memory_space<vmem>> -> memref<1x16x128xf16, #tpu.memory_space<vmem>>
    %dma_start3A_133 = tpu.memref_squeeze %dma_start3A_132 : memref<1x16x128xf16, #tpu.memory_space<vmem>> -> memref<16x128xf16, #tpu.memory_space<vmem>>
    %dma_start3A_134 = arith.constant 0 : i32
    %dma_start3A_135 = arith.constant 0 : i32
    %dma_start3A_136 = tpu.memref_slice %arg5[%squeeze3A_120, %dma_start3A_134, %dma_start3A_135] : memref<100000x16x128xf16, #tpu.memory_space<hbm>> -> memref<1x16x128xf16, #tpu.memory_space<hbm>>
    %dma_start3A_137 = tpu.memref_squeeze %dma_start3A_136 : memref<1x16x128xf16, #tpu.memory_space<hbm>> -> memref<16x128xf16, #tpu.memory_space<hbm>>
    tpu.enqueue_dma source(%dma_start3A_137 : memref<16x128xf16, #tpu.memory_space<hbm>>) target(%dma_start3A_133 : memref<16x128xf16, #tpu.memory_space<vmem>>) target_semaphore(%arg13 : memref<!tpu.dma_semaphore, #tpu.memory_space<semaphore_mem>>)
    %slice3A_138 = vector.extract_strided_slice %get3A_6 {offsets = [7], sizes = [1], strides = [1]} : vector<16xi32> to vector<1xi32>
    %squeeze3A_139 = vector.extract %slice3A_138[0] : i32 from vector<1xi32>
    %dma_start3A_140 = arith.constant 7 : i32
    %dma_start3A_141 = arith.constant 0 : i32
    %dma_start3A_142 = arith.constant 0 : i32
    %dma_start3A_143 = tpu.memref_slice %arg12[%dma_start3A_140, %dma_start3A_141, %dma_start3A_142] : memref<64x16x128xf16, #tpu.memory_space<vmem>> -> memref<1x16x128xf16, #tpu.memory_space<vmem>>
    %dma_start3A_144 = tpu.memref_squeeze %dma_start3A_143 : memref<1x16x128xf16, #tpu.memory_space<vmem>> -> memref<16x128xf16, #tpu.memory_space<vmem>>
    %dma_start3A_145 = arith.constant 0 : i32
    %dma_start3A_146 = arith.constant 0 : i32
    %dma_start3A_147 = tpu.memref_slice %arg5[%squeeze3A_139, %dma_start3A_145, %dma_start3A_146] : memref<100000x16x128xf16, #tpu.memory_space<hbm>> -> memref<1x16x128xf16, #tpu.memory_space<hbm>>
    %dma_start3A_148 = tpu.memref_squeeze %dma_start3A_147 : memref<1x16x128xf16, #tpu.memory_space<hbm>> -> memref<16x128xf16, #tpu.memory_space<hbm>>
    %dma_start3A_149 = arith.constant 0 : i32
    %dma_start3A_150 = arith.constant 0 : i32
    %dma_start3A_151 = tpu.memref_slice %arg12[%dma_start3A_140, %dma_start3A_149, %dma_start3A_150] : memref<64x16x128xf16, #tpu.memory_space<vmem>> -> memref<1x16x128xf16, #tpu.memory_space<vmem>>
    %dma_start3A_152 = tpu.memref_squeeze %dma_start3A_151 : memref<1x16x128xf16, #tpu.memory_space<vmem>> -> memref<16x128xf16, #tpu.memory_space<vmem>>
    %dma_start3A_153 = arith.constant 0 : i32
    %dma_start3A_154 = arith.constant 0 : i32
    %dma_start3A_155 = tpu.memref_slice %arg5[%squeeze3A_139, %dma_start3A_153, %dma_start3A_154] : memref<100000x16x128xf16, #tpu.memory_space<hbm>> -> memref<1x16x128xf16, #tpu.memory_space<hbm>>
    %dma_start3A_156 = tpu.memref_squeeze %dma_start3A_155 : memref<1x16x128xf16, #tpu.memory_space<hbm>> -> memref<16x128xf16, #tpu.memory_space<hbm>>
    tpu.enqueue_dma source(%dma_start3A_156 : memref<16x128xf16, #tpu.memory_space<hbm>>) target(%dma_start3A_152 : memref<16x128xf16, #tpu.memory_space<vmem>>) target_semaphore(%arg13 : memref<!tpu.dma_semaphore, #tpu.memory_space<semaphore_mem>>)
    %slice3A_157 = vector.extract_strided_slice %get3A_6 {offsets = [8], sizes = [1], strides = [1]} : vector<16xi32> to vector<1xi32>
    %squeeze3A_158 = vector.extract %slice3A_157[0] : i32 from vector<1xi32>
    %dma_start3A_159 = arith.constant 8 : i32
    %dma_start3A_160 = arith.constant 0 : i32
    %dma_start3A_161 = arith.constant 0 : i32
    %dma_start3A_162 = tpu.memref_slice %arg12[%dma_start3A_159, %dma_start3A_160, %dma_start3A_161] : memref<64x16x128xf16, #tpu.memory_space<vmem>> -> memref<1x16x128xf16, #tpu.memory_space<vmem>>
    %dma_start3A_163 = tpu.memref_squeeze %dma_start3A_162 : memref<1x16x128xf16, #tpu.memory_space<vmem>> -> memref<16x128xf16, #tpu.memory_space<vmem>>
    %dma_start3A_164 = arith.constant 0 : i32
    %dma_start3A_165 = arith.constant 0 : i32
    %dma_start3A_166 = tpu.memref_slice %arg5[%squeeze3A_158, %dma_start3A_164, %dma_start3A_165] : memref<100000x16x128xf16, #tpu.memory_space<hbm>> -> memref<1x16x128xf16, #tpu.memory_space<hbm>>
    %dma_start3A_167 = tpu.memref_squeeze %dma_start3A_166 : memref<1x16x128xf16, #tpu.memory_space<hbm>> -> memref<16x128xf16, #tpu.memory_space<hbm>>
    %dma_start3A_168 = arith.constant 0 : i32
    %dma_start3A_169 = arith.constant 0 : i32
    %dma_start3A_170 = tpu.memref_slice %arg12[%dma_start3A_159, %dma_start3A_168, %dma_start3A_169] : memref<64x16x128xf16, #tpu.memory_space<vmem>> -> memref<1x16x128xf16, #tpu.memory_space<vmem>>
    %dma_start3A_171 = tpu.memref_squeeze %dma_start3A_170 : memref<1x16x128xf16, #tpu.memory_space<vmem>> -> memref<16x128xf16, #tpu.memory_space<vmem>>
    %dma_start3A_172 = arith.constant 0 : i32
    %dma_start3A_173 = arith.constant 0 : i32
    %dma_start3A_174 = tpu.memref_slice %arg5[%squeeze3A_158, %dma_start3A_172, %dma_start3A_173] : memref<100000x16x128xf16, #tpu.memory_space<hbm>> -> memref<1x16x128xf16, #tpu.memory_space<hbm>>
    %dma_start3A_175 = tpu.memref_squeeze %dma_start3A_174 : memref<1x16x128xf16, #tpu.memory_space<hbm>> -> memref<16x128xf16, #tpu.memory_space<hbm>>
    tpu.enqueue_dma source(%dma_start3A_175 : memref<16x128xf16, #tpu.memory_space<hbm>>) target(%dma_start3A_171 : memref<16x128xf16, #tpu.memory_space<vmem>>) target_semaphore(%arg13 : memref<!tpu.dma_semaphore, #tpu.memory_space<semaphore_mem>>)
    %slice3A_176 = vector.extract_strided_slice %get3A_6 {offsets = [9], sizes = [1], strides = [1]} : vector<16xi32> to vector<1xi32>
    %squeeze3A_177 = vector.extract %slice3A_176[0] : i32 from vector<1xi32>
    %dma_start3A_178 = arith.constant 9 : i32
    %dma_start3A_179 = arith.constant 0 : i32
    %dma_start3A_180 = arith.constant 0 : i32
    %dma_start3A_181 = tpu.memref_slice %arg12[%dma_start3A_178, %dma_start3A_179, %dma_start3A_180] : memref<64x16x128xf16, #tpu.memory_space<vmem>> -> memref<1x16x128xf16, #tpu.memory_space<vmem>>
    %dma_start3A_182 = tpu.memref_squeeze %dma_start3A_181 : memref<1x16x128xf16, #tpu.memory_space<vmem>> -> memref<16x128xf16, #tpu.memory_space<vmem>>
    %dma_start3A_183 = arith.constant 0 : i32
    %dma_start3A_184 = arith.constant 0 : i32
    %dma_start3A_185 = tpu.memref_slice %arg5[%squeeze3A_177, %dma_start3A_183, %dma_start3A_184] : memref<100000x16x128xf16, #tpu.memory_space<hbm>> -> memref<1x16x128xf16, #tpu.memory_space<hbm>>
    %dma_start3A_186 = tpu.memref_squeeze %dma_start3A_185 : memref<1x16x128xf16, #tpu.memory_space<hbm>> -> memref<16x128xf16, #tpu.memory_space<hbm>>
    %dma_start3A_187 = arith.constant 0 : i32
    %dma_start3A_188 = arith.constant 0 : i32
    %dma_start3A_189 = tpu.memref_slice %arg12[%dma_start3A_178, %dma_start3A_187, %dma_start3A_188] : memref<64x16x128xf16, #tpu.memory_space<vmem>> -> memref<1x16x128xf16, #tpu.memory_space<vmem>>
    %dma_start3A_190 = tpu.memref_squeeze %dma_start3A_189 : memref<1x16x128xf16, #tpu.memory_space<vmem>> -> memref<16x128xf16, #tpu.memory_space<vmem>>
    %dma_start3A_191 = arith.constant 0 : i32
    %dma_start3A_192 = arith.constant 0 : i32
    %dma_start3A_193 = tpu.memref_slice %arg5[%squeeze3A_177, %dma_start3A_191, %dma_start3A_192] : memref<100000x16x128xf16, #tpu.memory_space<hbm>> -> memref<1x16x128xf16, #tpu.memory_space<hbm>>
    %dma_start3A_194 = tpu.memref_squeeze %dma_start3A_193 : memref<1x16x128xf16, #tpu.memory_space<hbm>> -> memref<16x128xf16, #tpu.memory_space<hbm>>
    tpu.enqueue_dma source(%dma_start3A_194 : memref<16x128xf16, #tpu.memory_space<hbm>>) target(%dma_start3A_190 : memref<16x128xf16, #tpu.memory_space<vmem>>) target_semaphore(%arg13 : memref<!tpu.dma_semaphore, #tpu.memory_space<semaphore_mem>>)
    %slice3A_195 = vector.extract_strided_slice %get3A_6 {offsets = [10], sizes = [1], strides = [1]} : vector<16xi32> to vector<1xi32>
    %squeeze3A_196 = vector.extract %slice3A_195[0] : i32 from vector<1xi32>
    %dma_start3A_197 = arith.constant 10 : i32
    %dma_start3A_198 = arith.constant 0 : i32
    %dma_start3A_199 = arith.constant 0 : i32
    %dma_start3A_200 = tpu.memref_slice %arg12[%dma_start3A_197, %dma_start3A_198, %dma_start3A_199] : memref<64x16x128xf16, #tpu.memory_space<vmem>> -> memref<1x16x128xf16, #tpu.memory_space<vmem>>
    %dma_start3A_201 = tpu.memref_squeeze %dma_start3A_200 : memref<1x16x128xf16, #tpu.memory_space<vmem>> -> memref<16x128xf16, #tpu.memory_space<vmem>>
    %dma_start3A_202 = arith.constant 0 : i32
    %dma_start3A_203 = arith.constant 0 : i32
    %dma_start3A_204 = tpu.memref_slice %arg5[%squeeze3A_196, %dma_start3A_202, %dma_start3A_203] : memref<100000x16x128xf16, #tpu.memory_space<hbm>> -> memref<1x16x128xf16, #tpu.memory_space<hbm>>
    %dma_start3A_205 = tpu.memref_squeeze %dma_start3A_204 : memref<1x16x128xf16, #tpu.memory_space<hbm>> -> memref<16x128xf16, #tpu.memory_space<hbm>>
    %dma_start3A_206 = arith.constant 0 : i32
    %dma_start3A_207 = arith.constant 0 : i32
    %dma_start3A_208 = tpu.memref_slice %arg12[%dma_start3A_197, %dma_start3A_206, %dma_start3A_207] : memref<64x16x128xf16, #tpu.memory_space<vmem>> -> memref<1x16x128xf16, #tpu.memory_space<vmem>>
    %dma_start3A_209 = tpu.memref_squeeze %dma_start3A_208 : memref<1x16x128xf16, #tpu.memory_space<vmem>> -> memref<16x128xf16, #tpu.memory_space<vmem>>
    %dma_start3A_210 = arith.constant 0 : i32
    %dma_start3A_211 = arith.constant 0 : i32
    %dma_start3A_212 = tpu.memref_slice %arg5[%squeeze3A_196, %dma_start3A_210, %dma_start3A_211] : memref<100000x16x128xf16, #tpu.memory_space<hbm>> -> memref<1x16x128xf16, #tpu.memory_space<hbm>>
    %dma_start3A_213 = tpu.memref_squeeze %dma_start3A_212 : memref<1x16x128xf16, #tpu.memory_space<hbm>> -> memref<16x128xf16, #tpu.memory_space<hbm>>
    tpu.enqueue_dma source(%dma_start3A_213 : memref<16x128xf16, #tpu.memory_space<hbm>>) target(%dma_start3A_209 : memref<16x128xf16, #tpu.memory_space<vmem>>) target_semaphore(%arg13 : memref<!tpu.dma_semaphore, #tpu.memory_space<semaphore_mem>>)
    %slice3A_214 = vector.extract_strided_slice %get3A_6 {offsets = [11], sizes = [1], strides = [1]} : vector<16xi32> to vector<1xi32>
    %squeeze3A_215 = vector.extract %slice3A_214[0] : i32 from vector<1xi32>
    %dma_start3A_216 = arith.constant 11 : i32
    %dma_start3A_217 = arith.constant 0 : i32
    %dma_start3A_218 = arith.constant 0 : i32
    %dma_start3A_219 = tpu.memref_slice %arg12[%dma_start3A_216, %dma_start3A_217, %dma_start3A_218] : memref<64x16x128xf16, #tpu.memory_space<vmem>> -> memref<1x16x128xf16, #tpu.memory_space<vmem>>
    %dma_start3A_220 = tpu.memref_squeeze %dma_start3A_219 : memref<1x16x128xf16, #tpu.memory_space<vmem>> -> memref<16x128xf16, #tpu.memory_space<vmem>>
    %dma_start3A_221 = arith.constant 0 : i32
    %dma_start3A_222 = arith.constant 0 : i32
    %dma_start3A_223 = tpu.memref_slice %arg5[%squeeze3A_215, %dma_start3A_221, %dma_start3A_222] : memref<100000x16x128xf16, #tpu.memory_space<hbm>> -> memref<1x16x128xf16, #tpu.memory_space<hbm>>
    %dma_start3A_224 = tpu.memref_squeeze %dma_start3A_223 : memref<1x16x128xf16, #tpu.memory_space<hbm>> -> memref<16x128xf16, #tpu.memory_space<hbm>>
    %dma_start3A_225 = arith.constant 0 : i32
    %dma_start3A_226 = arith.constant 0 : i32
    %dma_start3A_227 = tpu.memref_slice %arg12[%dma_start3A_216, %dma_start3A_225, %dma_start3A_226] : memref<64x16x128xf16, #tpu.memory_space<vmem>> -> memref<1x16x128xf16, #tpu.memory_space<vmem>>
    %dma_start3A_228 = tpu.memref_squeeze %dma_start3A_227 : memref<1x16x128xf16, #tpu.memory_space<vmem>> -> memref<16x128xf16, #tpu.memory_space<vmem>>
    %dma_start3A_229 = arith.constant 0 : i32
    %dma_start3A_230 = arith.constant 0 : i32
    %dma_start3A_231 = tpu.memref_slice %arg5[%squeeze3A_215, %dma_start3A_229, %dma_start3A_230] : memref<100000x16x128xf16, #tpu.memory_space<hbm>> -> memref<1x16x128xf16, #tpu.memory_space<hbm>>
    %dma_start3A_232 = tpu.memref_squeeze %dma_start3A_231 : memref<1x16x128xf16, #tpu.memory_space<hbm>> -> memref<16x128xf16, #tpu.memory_space<hbm>>
    tpu.enqueue_dma source(%dma_start3A_232 : memref<16x128xf16, #tpu.memory_space<hbm>>) target(%dma_start3A_228 : memref<16x128xf16, #tpu.memory_space<vmem>>) target_semaphore(%arg13 : memref<!tpu.dma_semaphore, #tpu.memory_space<semaphore_mem>>)
    %slice3A_233 = vector.extract_strided_slice %get3A_6 {offsets = [12], sizes = [1], strides = [1]} : vector<16xi32> to vector<1xi32>
    %squeeze3A_234 = vector.extract %slice3A_233[0] : i32 from vector<1xi32>
    %dma_start3A_235 = arith.constant 12 : i32
    %dma_start3A_236 = arith.constant 0 : i32
    %dma_start3A_237 = arith.constant 0 : i32
    %dma_start3A_238 = tpu.memref_slice %arg12[%dma_start3A_235, %dma_start3A_236, %dma_start3A_237] : memref<64x16x128xf16, #tpu.memory_space<vmem>> -> memref<1x16x128xf16, #tpu.memory_space<vmem>>
    %dma_start3A_239 = tpu.memref_squeeze %dma_start3A_238 : memref<1x16x128xf16, #tpu.memory_space<vmem>> -> memref<16x128xf16, #tpu.memory_space<vmem>>
    %dma_start3A_240 = arith.constant 0 : i32
    %dma_start3A_241 = arith.constant 0 : i32
    %dma_start3A_242 = tpu.memref_slice %arg5[%squeeze3A_234, %dma_start3A_240, %dma_start3A_241] : memref<100000x16x128xf16, #tpu.memory_space<hbm>> -> memref<1x16x128xf16, #tpu.memory_space<hbm>>
    %dma_start3A_243 = tpu.memref_squeeze %dma_start3A_242 : memref<1x16x128xf16, #tpu.memory_space<hbm>> -> memref<16x128xf16, #tpu.memory_space<hbm>>
    %dma_start3A_244 = arith.constant 0 : i32
    %dma_start3A_245 = arith.constant 0 : i32
    %dma_start3A_246 = tpu.memref_slice %arg12[%dma_start3A_235, %dma_start3A_244, %dma_start3A_245] : memref<64x16x128xf16, #tpu.memory_space<vmem>> -> memref<1x16x128xf16, #tpu.memory_space<vmem>>
    %dma_start3A_247 = tpu.memref_squeeze %dma_start3A_246 : memref<1x16x128xf16, #tpu.memory_space<vmem>> -> memref<16x128xf16, #tpu.memory_space<vmem>>
    %dma_start3A_248 = arith.constant 0 : i32
    %dma_start3A_249 = arith.constant 0 : i32
    %dma_start3A_250 = tpu.memref_slice %arg5[%squeeze3A_234, %dma_start3A_248, %dma_start3A_249] : memref<100000x16x128xf16, #tpu.memory_space<hbm>> -> memref<1x16x128xf16, #tpu.memory_space<hbm>>
    %dma_start3A_251 = tpu.memref_squeeze %dma_start3A_250 : memref<1x16x128xf16, #tpu.memory_space<hbm>> -> memref<16x128xf16, #tpu.memory_space<hbm>>
    tpu.enqueue_dma source(%dma_start3A_251 : memref<16x128xf16, #tpu.memory_space<hbm>>) target(%dma_start3A_247 : memref<16x128xf16, #tpu.memory_space<vmem>>) target_semaphore(%arg13 : memref<!tpu.dma_semaphore, #tpu.memory_space<semaphore_mem>>)
    %slice3A_252 = vector.extract_strided_slice %get3A_6 {offsets = [13], sizes = [1], strides = [1]} : vector<16xi32> to vector<1xi32>
    %squeeze3A_253 = vector.extract %slice3A_252[0] : i32 from vector<1xi32>
    %dma_start3A_254 = arith.constant 13 : i32
    %dma_start3A_255 = arith.constant 0 : i32
    %dma_start3A_256 = arith.constant 0 : i32
    %dma_start3A_257 = tpu.memref_slice %arg12[%dma_start3A_254, %dma_start3A_255, %dma_start3A_256] : memref<64x16x128xf16, #tpu.memory_space<vmem>> -> memref<1x16x128xf16, #tpu.memory_space<vmem>>
    %dma_start3A_258 = tpu.memref_squeeze %dma_start3A_257 : memref<1x16x128xf16, #tpu.memory_space<vmem>> -> memref<16x128xf16, #tpu.memory_space<vmem>>
    %dma_start3A_259 = arith.constant 0 : i32
    %dma_start3A_260 = arith.constant 0 : i32
    %dma_start3A_261 = tpu.memref_slice %arg5[%squeeze3A_253, %dma_start3A_259, %dma_start3A_260] : memref<100000x16x128xf16, #tpu.memory_space<hbm>> -> memref<1x16x128xf16, #tpu.memory_space<hbm>>
    %dma_start3A_262 = tpu.memref_squeeze %dma_start3A_261 : memref<1x16x128xf16, #tpu.memory_space<hbm>> -> memref<16x128xf16, #tpu.memory_space<hbm>>
    %dma_start3A_263 = arith.constant 0 : i32
    %dma_start3A_264 = arith.constant 0 : i32
    %dma_start3A_265 = tpu.memref_slice %arg12[%dma_start3A_254, %dma_start3A_263, %dma_start3A_264] : memref<64x16x128xf16, #tpu.memory_space<vmem>> -> memref<1x16x128xf16, #tpu.memory_space<vmem>>
    %dma_start3A_266 = tpu.memref_squeeze %dma_start3A_265 : memref<1x16x128xf16, #tpu.memory_space<vmem>> -> memref<16x128xf16, #tpu.memory_space<vmem>>
    %dma_start3A_267 = arith.constant 0 : i32
    %dma_start3A_268 = arith.constant 0 : i32
    %dma_start3A_269 = tpu.memref_slice %arg5[%squeeze3A_253, %dma_start3A_267, %dma_start3A_268] : memref<100000x16x128xf16, #tpu.memory_space<hbm>> -> memref<1x16x128xf16, #tpu.memory_space<hbm>>
    %dma_start3A_270 = tpu.memref_squeeze %dma_start3A_269 : memref<1x16x128xf16, #tpu.memory_space<hbm>> -> memref<16x128xf16, #tpu.memory_space<hbm>>
    tpu.enqueue_dma source(%dma_start3A_270 : memref<16x128xf16, #tpu.memory_space<hbm>>) target(%dma_start3A_266 : memref<16x128xf16, #tpu.memory_space<vmem>>) target_semaphore(%arg13 : memref<!tpu.dma_semaphore, #tpu.memory_space<semaphore_mem>>)
    %slice3A_271 = vector.extract_strided_slice %get3A_6 {offsets = [14], sizes = [1], strides = [1]} : vector<16xi32> to vector<1xi32>
    %squeeze3A_272 = vector.extract %slice3A_271[0] : i32 from vector<1xi32>
    %dma_start3A_273 = arith.constant 14 : i32
    %dma_start3A_274 = arith.constant 0 : i32
    %dma_start3A_275 = arith.constant 0 : i32
    %dma_start3A_276 = tpu.memref_slice %arg12[%dma_start3A_273, %dma_start3A_274, %dma_start3A_275] : memref<64x16x128xf16, #tpu.memory_space<vmem>> -> memref<1x16x128xf16, #tpu.memory_space<vmem>>
    %dma_start3A_277 = tpu.memref_squeeze %dma_start3A_276 : memref<1x16x128xf16, #tpu.memory_space<vmem>> -> memref<16x128xf16, #tpu.memory_space<vmem>>
    %dma_start3A_278 = arith.constant 0 : i32
    %dma_start3A_279 = arith.constant 0 : i32
    %dma_start3A_280 = tpu.memref_slice %arg5[%squeeze3A_272, %dma_start3A_278, %dma_start3A_279] : memref<100000x16x128xf16, #tpu.memory_space<hbm>> -> memref<1x16x128xf16, #tpu.memory_space<hbm>>
    %dma_start3A_281 = tpu.memref_squeeze %dma_start3A_280 : memref<1x16x128xf16, #tpu.memory_space<hbm>> -> memref<16x128xf16, #tpu.memory_space<hbm>>
    %dma_start3A_282 = arith.constant 0 : i32
    %dma_start3A_283 = arith.constant 0 : i32
    %dma_start3A_284 = tpu.memref_slice %arg12[%dma_start3A_273, %dma_start3A_282, %dma_start3A_283] : memref<64x16x128xf16, #tpu.memory_space<vmem>> -> memref<1x16x128xf16, #tpu.memory_space<vmem>>
    %dma_start3A_285 = tpu.memref_squeeze %dma_start3A_284 : memref<1x16x128xf16, #tpu.memory_space<vmem>> -> memref<16x128xf16, #tpu.memory_space<vmem>>
    %dma_start3A_286 = arith.constant 0 : i32
    %dma_start3A_287 = arith.constant 0 : i32
    %dma_start3A_288 = tpu.memref_slice %arg5[%squeeze3A_272, %dma_start3A_286, %dma_start3A_287] : memref<100000x16x128xf16, #tpu.memory_space<hbm>> -> memref<1x16x128xf16, #tpu.memory_space<hbm>>
    %dma_start3A_289 = tpu.memref_squeeze %dma_start3A_288 : memref<1x16x128xf16, #tpu.memory_space<hbm>> -> memref<16x128xf16, #tpu.memory_space<hbm>>
    tpu.enqueue_dma source(%dma_start3A_289 : memref<16x128xf16, #tpu.memory_space<hbm>>) target(%dma_start3A_285 : memref<16x128xf16, #tpu.memory_space<vmem>>) target_semaphore(%arg13 : memref<!tpu.dma_semaphore, #tpu.memory_space<semaphore_mem>>)
    %slice3A_290 = vector.extract_strided_slice %get3A_6 {offsets = [15], sizes = [1], strides = [1]} : vector<16xi32> to vector<1xi32>
    %squeeze3A_291 = vector.extract %slice3A_290[0] : i32 from vector<1xi32>
    %dma_start3A_292 = arith.constant 15 : i32
    %dma_start3A_293 = arith.constant 0 : i32
    %dma_start3A_294 = arith.constant 0 : i32
    %dma_start3A_295 = tpu.memref_slice %arg12[%dma_start3A_292, %dma_start3A_293, %dma_start3A_294] : memref<64x16x128xf16, #tpu.memory_space<vmem>> -> memref<1x16x128xf16, #tpu.memory_space<vmem>>
    %dma_start3A_296 = tpu.memref_squeeze %dma_start3A_295 : memref<1x16x128xf16, #tpu.memory_space<vmem>> -> memref<16x128xf16, #tpu.memory_space<vmem>>
    %dma_start3A_297 = arith.constant 0 : i32
    %dma_start3A_298 = arith.constant 0 : i32
    %dma_start3A_299 = tpu.memref_slice %arg5[%squeeze3A_291, %dma_start3A_297, %dma_start3A_298] : memref<100000x16x128xf16, #tpu.memory_space<hbm>> -> memref<1x16x128xf16, #tpu.memory_space<hbm>>
    %dma_start3A_300 = tpu.memref_squeeze %dma_start3A_299 : memref<1x16x128xf16, #tpu.memory_space<hbm>> -> memref<16x128xf16, #tpu.memory_space<hbm>>
    %dma_start3A_301 = arith.constant 0 : i32
    %dma_start3A_302 = arith.constant 0 : i32
    %dma_start3A_303 = tpu.memref_slice %arg12[%dma_start3A_292, %dma_start3A_301, %dma_start3A_302] : memref<64x16x128xf16, #tpu.memory_space<vmem>> -> memref<1x16x128xf16, #tpu.memory_space<vmem>>
    %dma_start3A_304 = tpu.memref_squeeze %dma_start3A_303 : memref<1x16x128xf16, #tpu.memory_space<vmem>> -> memref<16x128xf16, #tpu.memory_space<vmem>>
    %dma_start3A_305 = arith.constant 0 : i32
    %dma_start3A_306 = arith.constant 0 : i32
    %dma_start3A_307 = tpu.memref_slice %arg5[%squeeze3A_291, %dma_start3A_305, %dma_start3A_306] : memref<100000x16x128xf16, #tpu.memory_space<hbm>> -> memref<1x16x128xf16, #tpu.memory_space<hbm>>
    %dma_start3A_308 = tpu.memref_squeeze %dma_start3A_307 : memref<1x16x128xf16, #tpu.memory_space<hbm>> -> memref<16x128xf16, #tpu.memory_space<hbm>>
    tpu.enqueue_dma source(%dma_start3A_308 : memref<16x128xf16, #tpu.memory_space<hbm>>) target(%dma_start3A_304 : memref<16x128xf16, #tpu.memory_space<vmem>>) target_semaphore(%arg13 : memref<!tpu.dma_semaphore, #tpu.memory_space<semaphore_mem>>)
    %get3A_309 = arith.constant 16 : index
    %get3A_310 = tpu.vector_load %arg9[%get3A_309] {strides = array<i32>} : memref<64xi32, #tpu.memory_space<vmem>>, vector<16xi32>,
    %slice3A_311 = vector.extract_strided_slice %get3A_310 {offsets = [0], sizes = [1], strides = [1]} : vector<16xi32> to vector<1xi32>
    %squeeze3A_312 = vector.extract %slice3A_311[0] : i32 from vector<1xi32>
    %dma_start3A_313 = arith.constant 16 : i32
    %dma_start3A_314 = arith.constant 0 : i32
    %dma_start3A_315 = arith.constant 0 : i32
    %dma_start3A_316 = tpu.memref_slice %arg12[%dma_start3A_313, %dma_start3A_314, %dma_start3A_315] : memref<64x16x128xf16, #tpu.memory_space<vmem>> -> memref<1x16x128xf16, #tpu.memory_space<vmem>>
    %dma_start3A_317 = tpu.memref_squeeze %dma_start3A_316 : memref<1x16x128xf16, #tpu.memory_space<vmem>> -> memref<16x128xf16, #tpu.memory_space<vmem>>
    %dma_start3A_318 = arith.constant 0 : i32
    %dma_start3A_319 = arith.constant 0 : i32
    %dma_start3A_320 = tpu.memref_slice %arg5[%squeeze3A_312, %dma_start3A_318, %dma_start3A_319] : memref<100000x16x128xf16, #tpu.memory_space<hbm>> -> memref<1x16x128xf16, #tpu.memory_space<hbm>>
    %dma_start3A_321 = tpu.memref_squeeze %dma_start3A_320 : memref<1x16x128xf16, #tpu.memory_space<hbm>> -> memref<16x128xf16, #tpu.memory_space<hbm>>
    %dma_start3A_322 = arith.constant 0 : i32
    %dma_start3A_323 = arith.constant 0 : i32
    %dma_start3A_324 = tpu.memref_slice %arg12[%dma_start3A_313, %dma_start3A_322, %dma_start3A_323] : memref<64x16x128xf16, #tpu.memory_space<vmem>> -> memref<1x16x128xf16, #tpu.memory_space<vmem>>
    %dma_start3A_325 = tpu.memref_squeeze %dma_start3A_324 : memref<1x16x128xf16, #tpu.memory_space<vmem>> -> memref<16x128xf16, #tpu.memory_space<vmem>>
    %dma_start3A_326 = arith.constant 0 : i32
    %dma_start3A_327 = arith.constant 0 : i32
    %dma_start3A_328 = tpu.memref_slice %arg5[%squeeze3A_312, %dma_start3A_326, %dma_start3A_327] : memref<100000x16x128xf16, #tpu.memory_space<hbm>> -> memref<1x16x128xf16, #tpu.memory_space<hbm>>
    %dma_start3A_329 = tpu.memref_squeeze %dma_start3A_328 : memref<1x16x128xf16, #tpu.memory_space<hbm>> -> memref<16x128xf16, #tpu.memory_space<hbm>>
    tpu.enqueue_dma source(%dma_start3A_329 : memref<16x128xf16, #tpu.memory_space<hbm>>) target(%dma_start3A_325 : memref<16x128xf16, #tpu.memory_space<vmem>>) target_semaphore(%arg13 : memref<!tpu.dma_semaphore, #tpu.memory_space<semaphore_mem>>)
    %slice3A_330 = vector.extract_strided_slice %get3A_310 {offsets = [1], sizes = [1], strides = [1]} : vector<16xi32> to vector<1xi32>
    %squeeze3A_331 = vector.extract %slice3A_330[0] : i32 from vector<1xi32>
    %dma_start3A_332 = arith.constant 17 : i32
    %dma_start3A_333 = arith.constant 0 : i32
    %dma_start3A_334 = arith.constant 0 : i32
    %dma_start3A_335 = tpu.memref_slice %arg12[%dma_start3A_332, %dma_start3A_333, %dma_start3A_334] : memref<64x16x128xf16, #tpu.memory_space<vmem>> -> memref<1x16x128xf16, #tpu.memory_space<vmem>>
    %dma_start3A_336 = tpu.memref_squeeze %dma_start3A_335 : memref<1x16x128xf16, #tpu.memory_space<vmem>> -> memref<16x128xf16, #tpu.memory_space<vmem>>
    %dma_start3A_337 = arith.constant 0 : i32
    %dma_start3A_338 = arith.constant 0 : i32
    %dma_start3A_339 = tpu.memref_slice %arg5[%squeeze3A_331, %dma_start3A_337, %dma_start3A_338] : memref<100000x16x128xf16, #tpu.memory_space<hbm>> -> memref<1x16x128xf16, #tpu.memory_space<hbm>>
    %dma_start3A_340 = tpu.memref_squeeze %dma_start3A_339 : memref<1x16x128xf16, #tpu.memory_space<hbm>> -> memref<16x128xf16, #tpu.memory_space<hbm>>
    %dma_start3A_341 = arith.constant 0 : i32
    %dma_start3A_342 = arith.constant 0 : i32
    %dma_start3A_343 = tpu.memref_slice %arg12[%dma_start3A_332, %dma_start3A_341, %dma_start3A_342] : memref<64x16x128xf16, #tpu.memory_space<vmem>> -> memref<1x16x128xf16, #tpu.memory_space<vmem>>
    %dma_start3A_344 = tpu.memref_squeeze %dma_start3A_343 : memref<1x16x128xf16, #tpu.memory_space<vmem>> -> memref<16x128xf16, #tpu.memory_space<vmem>>
    %dma_start3A_345 = arith.constant 0 : i32
    %dma_start3A_346 = arith.constant 0 : i32
    %dma_start3A_347 = tpu.memref_slice %arg5[%squeeze3A_331, %dma_start3A_345, %dma_start3A_346] : memref<100000x16x128xf16, #tpu.memory_space<hbm>> -> memref<1x16x128xf16, #tpu.memory_space<hbm>>
    %dma_start3A_348 = tpu.memref_squeeze %dma_start3A_347 : memref<1x16x128xf16, #tpu.memory_space<hbm>> -> memref<16x128xf16, #tpu.memory_space<hbm>>
    tpu.enqueue_dma source(%dma_start3A_348 : memref<16x128xf16, #tpu.memory_space<hbm>>) target(%dma_start3A_344 : memref<16x128xf16, #tpu.memory_space<vmem>>) target_semaphore(%arg13 : memref<!tpu.dma_semaphore, #tpu.memory_space<semaphore_mem>>)
    %slice3A_349 = vector.extract_strided_slice %get3A_310 {offsets = [2], sizes = [1], strides = [1]} : vector<16xi32> to vector<1xi32>
    %squeeze3A_350 = vector.extract %slice3A_349[0] : i32 from vector<1xi32>
    %dma_start3A_351 = arith.constant 18 : i32
    %dma_start3A_352 = arith.constant 0 : i32
    %dma_start3A_353 = arith.constant 0 : i32
    %dma_start3A_354 = tpu.memref_slice %arg12[%dma_start3A_351, %dma_start3A_352, %dma_start3A_353] : memref<64x16x128xf16, #tpu.memory_space<vmem>> -> memref<1x16x128xf16, #tpu.memory_space<vmem>>
    %dma_start3A_355 = tpu.memref_squeeze %dma_start3A_354 : memref<1x16x128xf16, #tpu.memory_space<vmem>> -> memref<16x128xf16, #tpu.memory_space<vmem>>
    %dma_start3A_356 = arith.constant 0 : i32
    %dma_start3A_357 = arith.constant 0 : i32
    %dma_start3A_358 = tpu.memref_slice %arg5[%squeeze3A_350, %dma_start3A_356, %dma_start3A_357] : memref<100000x16x128xf16, #tpu.memory_space<hbm>> -> memref<1x16x128xf16, #tpu.memory_space<hbm>>
    %dma_start3A_359 = tpu.memref_squeeze %dma_start3A_358 : memref<1x16x128xf16, #tpu.memory_space<hbm>> -> memref<16x128xf16, #tpu.memory_space<hbm>>
    %dma_start3A_360 = arith.constant 0 : i32
    %dma_start3A_361 = arith.constant 0 : i32
    %dma_start3A_362 = tpu.memref_slice %arg12[%dma_start3A_351, %dma_start3A_360, %dma_start3A_361] : memref<64x16x128xf16, #tpu.memory_space<vmem>> -> memref<1x16x128xf16, #tpu.memory_space<vmem>>
    %dma_start3A_363 = tpu.memref_squeeze %dma_start3A_362 : memref<1x16x128xf16, #tpu.memory_space<vmem>> -> memref<16x128xf16, #tpu.memory_space<vmem>>
    %dma_start3A_364 = arith.constant 0 : i32
    %dma_start3A_365 = arith.constant 0 : i32
    %dma_start3A_366 = tpu.memref_slice %arg5[%squeeze3A_350, %dma_start3A_364, %dma_start3A_365] : memref<100000x16x128xf16, #tpu.memory_space<hbm>> -> memref<1x16x128xf16, #tpu.memory_space<hbm>>
    %dma_start3A_367 = tpu.memref_squeeze %dma_start3A_366 : memref<1x16x128xf16, #tpu.memory_space<hbm>> -> memref<16x128xf16, #tpu.memory_space<hbm>>
    tpu.enqueue_dma source(%dma_start3A_367 : memref<16x128xf16, #tpu.memory_space<hbm>>) target(%dma_start3A_363 : memref<16x128xf16, #tpu.memory_space<vmem>>) target_semaphore(%arg13 : memref<!tpu.dma_semaphore, #tpu.memory_space<semaphore_mem>>)
    %slice3A_368 = vector.extract_strided_slice %get3A_310 {offsets = [3], sizes = [1], strides = [1]} : vector<16xi32> to vector<1xi32>
    %squeeze3A_369 = vector.extract %slice3A_368[0] : i32 from vector<1xi32>
    %dma_start3A_370 = arith.constant 19 : i32
    %dma_start3A_371 = arith.constant 0 : i32
    %dma_start3A_372 = arith.constant 0 : i32
    %dma_start3A_373 = tpu.memref_slice %arg12[%dma_start3A_370, %dma_start3A_371, %dma_start3A_372] : memref<64x16x128xf16, #tpu.memory_space<vmem>> -> memref<1x16x128xf16, #tpu.memory_space<vmem>>
    %dma_start3A_374 = tpu.memref_squeeze %dma_start3A_373 : memref<1x16x128xf16, #tpu.memory_space<vmem>> -> memref<16x128xf16, #tpu.memory_space<vmem>>
    %dma_start3A_375 = arith.constant 0 : i32
    %dma_start3A_376 = arith.constant 0 : i32
    %dma_start3A_377 = tpu.memref_slice %arg5[%squeeze3A_369, %dma_start3A_375, %dma_start3A_376] : memref<100000x16x128xf16, #tpu.memory_space<hbm>> -> memref<1x16x128xf16, #tpu.memory_space<hbm>>
    %dma_start3A_378 = tpu.memref_squeeze %dma_start3A_377 : memref<1x16x128xf16, #tpu.memory_space<hbm>> -> memref<16x128xf16, #tpu.memory_space<hbm>>
    %dma_start3A_379 = arith.constant 0 : i32
    %dma_start3A_380 = arith.constant 0 : i32
    %dma_start3A_381 = tpu.memref_slice %arg12[%dma_start3A_370, %dma_start3A_379, %dma_start3A_380] : memref<64x16x128xf16, #tpu.memory_space<vmem>> -> memref<1x16x128xf16, #tpu.memory_space<vmem>>
    %dma_start3A_382 = tpu.memref_squeeze %dma_start3A_381 : memref<1x16x128xf16, #tpu.memory_space<vmem>> -> memref<16x128xf16, #tpu.memory_space<vmem>>
    %dma_start3A_383 = arith.constant 0 : i32
    %dma_start3A_384 = arith.constant 0 : i32
    %dma_start3A_385 = tpu.memref_slice %arg5[%squeeze3A_369, %dma_start3A_383, %dma_start3A_384] : memref<100000x16x128xf16, #tpu.memory_space<hbm>> -> memref<1x16x128xf16, #tpu.memory_space<hbm>>
    %dma_start3A_386 = tpu.memref_squeeze %dma_start3A_385 : memref<1x16x128xf16, #tpu.memory_space<hbm>> -> memref<16x128xf16, #tpu.memory_space<hbm>>
    tpu.enqueue_dma source(%dma_start3A_386 : memref<16x128xf16, #tpu.memory_space<hbm>>) target(%dma_start3A_382 : memref<16x128xf16, #tpu.memory_space<vmem>>) target_semaphore(%arg13 : memref<!tpu.dma_semaphore, #tpu.memory_space<semaphore_mem>>)
    %slice3A_387 = vector.extract_strided_slice %get3A_310 {offsets = [4], sizes = [1], strides = [1]} : vector<16xi32> to vector<1xi32>
    %squeeze3A_388 = vector.extract %slice3A_387[0] : i32 from vector<1xi32>
    %dma_start3A_389 = arith.constant 20 : i32
    %dma_start3A_390 = arith.constant 0 : i32
    %dma_start3A_391 = arith.constant 0 : i32
    %dma_start3A_392 = tpu.memref_slice %arg12[%dma_start3A_389, %dma_start3A_390, %dma_start3A_391] : memref<64x16x128xf16, #tpu.memory_space<vmem>> -> memref<1x16x128xf16, #tpu.memory_space<vmem>>
    %dma_start3A_393 = tpu.memref_squeeze %dma_start3A_392 : memref<1x16x128xf16, #tpu.memory_space<vmem>> -> memref<16x128xf16, #tpu.memory_space<vmem>>
    %dma_start3A_394 = arith.constant 0 : i32
    %dma_start3A_395 = arith.constant 0 : i32
    %dma_start3A_396 = tpu.memref_slice %arg5[%squeeze3A_388, %dma_start3A_394, %dma_start3A_395] : memref<100000x16x128xf16, #tpu.memory_space<hbm>> -> memref<1x16x128xf16, #tpu.memory_space<hbm>>
    %dma_start3A_397 = tpu.memref_squeeze %dma_start3A_396 : memref<1x16x128xf16, #tpu.memory_space<hbm>> -> memref<16x128xf16, #tpu.memory_space<hbm>>
    %dma_start3A_398 = arith.constant 0 : i32
    %dma_start3A_399 = arith.constant 0 : i32
    %dma_start3A_400 = tpu.memref_slice %arg12[%dma_start3A_389, %dma_start3A_398, %dma_start3A_399] : memref<64x16x128xf16, #tpu.memory_space<vmem>> -> memref<1x16x128xf16, #tpu.memory_space<vmem>>
    %dma_start3A_401 = tpu.memref_squeeze %dma_start3A_400 : memref<1x16x128xf16, #tpu.memory_space<vmem>> -> memref<16x128xf16, #tpu.memory_space<vmem>>
    %dma_start3A_402 = arith.constant 0 : i32
    %dma_start3A_403 = arith.constant 0 : i32
    %dma_start3A_404 = tpu.memref_slice %arg5[%squeeze3A_388, %dma_start3A_402, %dma_start3A_403] : memref<100000x16x128xf16, #tpu.memory_space<hbm>> -> memref<1x16x128xf16, #tpu.memory_space<hbm>>
    %dma_start3A_405 = tpu.memref_squeeze %dma_start3A_404 : memref<1x16x128xf16, #tpu.memory_space<hbm>> -> memref<16x128xf16, #tpu.memory_space<hbm>>
    tpu.enqueue_dma source(%dma_start3A_405 : memref<16x128xf16, #tpu.memory_space<hbm>>) target(%dma_start3A_401 : memref<16x128xf16, #tpu.memory_space<vmem>>) target_semaphore(%arg13 : memref<!tpu.dma_semaphore, #tpu.memory_space<semaphore_mem>>)
    %slice3A_406 = vector.extract_strided_slice %get3A_310 {offsets = [5], sizes = [1], strides = [1]} : vector<16xi32> to vector<1xi32>
    %squeeze3A_407 = vector.extract %slice3A_406[0] : i32 from vector<1xi32>
    %dma_start3A_408 = arith.constant 21 : i32
    %dma_start3A_409 = arith.constant 0 : i32
    %dma_start3A_410 = arith.constant 0 : i32
    %dma_start3A_411 = tpu.memref_slice %arg12[%dma_start3A_408, %dma_start3A_409, %dma_start3A_410] : memref<64x16x128xf16, #tpu.memory_space<vmem>> -> memref<1x16x128xf16, #tpu.memory_space<vmem>>
    %dma_start3A_412 = tpu.memref_squeeze %dma_start3A_411 : memref<1x16x128xf16, #tpu.memory_space<vmem>> -> memref<16x128xf16, #tpu.memory_space<vmem>>
    %dma_start3A_413 = arith.constant 0 : i32
    %dma_start3A_414 = arith.constant 0 : i32
    %dma_start3A_415 = tpu.memref_slice %arg5[%squeeze3A_407, %dma_start3A_413, %dma_start3A_414] : memref<100000x16x128xf16, #tpu.memory_space<hbm>> -> memref<1x16x128xf16, #tpu.memory_space<hbm>>
    %dma_start3A_416 = tpu.memref_squeeze %dma_start3A_415 : memref<1x16x128xf16, #tpu.memory_space<hbm>> -> memref<16x128xf16, #tpu.memory_space<hbm>>
    %dma_start3A_417 = arith.constant 0 : i32
    %dma_start3A_418 = arith.constant 0 : i32
    %dma_start3A_419 = tpu.memref_slice %arg12[%dma_start3A_408, %dma_start3A_417, %dma_start3A_418] : memref<64x16x128xf16, #tpu.memory_space<vmem>> -> memref<1x16x128xf16, #tpu.memory_space<vmem>>
    %dma_start3A_420 = tpu.memref_squeeze %dma_start3A_419 : memref<1x16x128xf16, #tpu.memory_space<vmem>> -> memref<16x128xf16, #tpu.memory_space<vmem>>
    %dma_start3A_421 = arith.constant 0 : i32
    %dma_start3A_422 = arith.constant 0 : i32
    %dma_start3A_423 = tpu.memref_slice %arg5[%squeeze3A_407, %dma_start3A_421, %dma_start3A_422] : memref<100000x16x128xf16, #tpu.memory_space<hbm>> -> memref<1x16x128xf16, #tpu.memory_space<hbm>>
    %dma_start3A_424 = tpu.memref_squeeze %dma_start3A_423 : memref<1x16x128xf16, #tpu.memory_space<hbm>> -> memref<16x128xf16, #tpu.memory_space<hbm>>
    tpu.enqueue_dma source(%dma_start3A_424 : memref<16x128xf16, #tpu.memory_space<hbm>>) target(%dma_start3A_420 : memref<16x128xf16, #tpu.memory_space<vmem>>) target_semaphore(%arg13 : memref<!tpu.dma_semaphore, #tpu.memory_space<semaphore_mem>>)
    %slice3A_425 = vector.extract_strided_slice %get3A_310 {offsets = [6], sizes = [1], strides = [1]} : vector<16xi32> to vector<1xi32>
    %squeeze3A_426 = vector.extract %slice3A_425[0] : i32 from vector<1xi32>
    %dma_start3A_427 = arith.constant 22 : i32
    %dma_start3A_428 = arith.constant 0 : i32
    %dma_start3A_429 = arith.constant 0 : i32
    %dma_start3A_430 = tpu.memref_slice %arg12[%dma_start3A_427, %dma_start3A_428, %dma_start3A_429] : memref<64x16x128xf16, #tpu.memory_space<vmem>> -> memref<1x16x128xf16, #tpu.memory_space<vmem>>
    %dma_start3A_431 = tpu.memref_squeeze %dma_start3A_430 : memref<1x16x128xf16, #tpu.memory_space<vmem>> -> memref<16x128xf16, #tpu.memory_space<vmem>>
    %dma_start3A_432 = arith.constant 0 : i32
    %dma_start3A_433 = arith.constant 0 : i32
    %dma_start3A_434 = tpu.memref_slice %arg5[%squeeze3A_426, %dma_start3A_432, %dma_start3A_433] : memref<100000x16x128xf16, #tpu.memory_space<hbm>> -> memref<1x16x128xf16, #tpu.memory_space<hbm>>
    %dma_start3A_435 = tpu.memref_squeeze %dma_start3A_434 : memref<1x16x128xf16, #tpu.memory_space<hbm>> -> memref<16x128xf16, #tpu.memory_space<hbm>>
    %dma_start3A_436 = arith.constant 0 : i32
    %dma_start3A_437 = arith.constant 0 : i32
    %dma_start3A_438 = tpu.memref_slice %arg12[%dma_start3A_427, %dma_start3A_436, %dma_start3A_437] : memref<64x16x128xf16, #tpu.memory_space<vmem>> -> memref<1x16x128xf16, #tpu.memory_space<vmem>>
    %dma_start3A_439 = tpu.memref_squeeze %dma_start3A_438 : memref<1x16x128xf16, #tpu.memory_space<vmem>> -> memref<16x128xf16, #tpu.memory_space<vmem>>
    %dma_start3A_440 = arith.constant 0 : i32
    %dma_start3A_441 = arith.constant 0 : i32
    %dma_start3A_442 = tpu.memref_slice %arg5[%squeeze3A_426, %dma_start3A_440, %dma_start3A_441] : memref<100000x16x128xf16, #tpu.memory_space<hbm>> -> memref<1x16x128xf16, #tpu.memory_space<hbm>>
    %dma_start3A_443 = tpu.memref_squeeze %dma_start3A_442 : memref<1x16x128xf16, #tpu.memory_space<hbm>> -> memref<16x128xf16, #tpu.memory_space<hbm>>
    tpu.enqueue_dma source(%dma_start3A_443 : memref<16x128xf16, #tpu.memory_space<hbm>>) target(%dma_start3A_439 : memref<16x128xf16, #tpu.memory_space<vmem>>) target_semaphore(%arg13 : memref<!tpu.dma_semaphore, #tpu.memory_space<semaphore_mem>>)
    %slice3A_444 = vector.extract_strided_slice %get3A_310 {offsets = [7], sizes = [1], strides = [1]} : vector<16xi32> to vector<1xi32>
    %squeeze3A_445 = vector.extract %slice3A_444[0] : i32 from vector<1xi32>
    %dma_start3A_446 = arith.constant 23 : i32
    %dma_start3A_447 = arith.constant 0 : i32
    %dma_start3A_448 = arith.constant 0 : i32
    %dma_start3A_449 = tpu.memref_slice %arg12[%dma_start3A_446, %dma_start3A_447, %dma_start3A_448] : memref<64x16x128xf16, #tpu.memory_space<vmem>> -> memref<1x16x128xf16, #tpu.memory_space<vmem>>
    %dma_start3A_450 = tpu.memref_squeeze %dma_start3A_449 : memref<1x16x128xf16, #tpu.memory_space<vmem>> -> memref<16x128xf16, #tpu.memory_space<vmem>>
    %dma_start3A_451 = arith.constant 0 : i32
    %dma_start3A_452 = arith.constant 0 : i32
    %dma_start3A_453 = tpu.memref_slice %arg5[%squeeze3A_445, %dma_start3A_451, %dma_start3A_452] : memref<100000x16x128xf16, #tpu.memory_space<hbm>> -> memref<1x16x128xf16, #tpu.memory_space<hbm>>
    %dma_start3A_454 = tpu.memref_squeeze %dma_start3A_453 : memref<1x16x128xf16, #tpu.memory_space<hbm>> -> memref<16x128xf16, #tpu.memory_space<hbm>>
    %dma_start3A_455 = arith.constant 0 : i32
    %dma_start3A_456 = arith.constant 0 : i32
    %dma_start3A_457 = tpu.memref_slice %arg12[%dma_start3A_446, %dma_start3A_455, %dma_start3A_456] : memref<64x16x128xf16, #tpu.memory_space<vmem>> -> memref<1x16x128xf16, #tpu.memory_space<vmem>>
    %dma_start3A_458 = tpu.memref_squeeze %dma_start3A_457 : memref<1x16x128xf16, #tpu.memory_space<vmem>> -> memref<16x128xf16, #tpu.memory_space<vmem>>
    %dma_start3A_459 = arith.constant 0 : i32
    %dma_start3A_460 = arith.constant 0 : i32
    %dma_start3A_461 = tpu.memref_slice %arg5[%squeeze3A_445, %dma_start3A_459, %dma_start3A_460] : memref<100000x16x128xf16, #tpu.memory_space<hbm>> -> memref<1x16x128xf16, #tpu.memory_space<hbm>>
    %dma_start3A_462 = tpu.memref_squeeze %dma_start3A_461 : memref<1x16x128xf16, #tpu.memory_space<hbm>> -> memref<16x128xf16, #tpu.memory_space<hbm>>
    tpu.enqueue_dma source(%dma_start3A_462 : memref<16x128xf16, #tpu.memory_space<hbm>>) target(%dma_start3A_458 : memref<16x128xf16, #tpu.memory_space<vmem>>) target_semaphore(%arg13 : memref<!tpu.dma_semaphore, #tpu.memory_space<semaphore_mem>>)
    %slice3A_463 = vector.extract_strided_slice %get3A_310 {offsets = [8], sizes = [1], strides = [1]} : vector<16xi32> to vector<1xi32>
    %squeeze3A_464 = vector.extract %slice3A_463[0] : i32 from vector<1xi32>
    %dma_start3A_465 = arith.constant 24 : i32
    %dma_start3A_466 = arith.constant 0 : i32
    %dma_start3A_467 = arith.constant 0 : i32
    %dma_start3A_468 = tpu.memref_slice %arg12[%dma_start3A_465, %dma_start3A_466, %dma_start3A_467] : memref<64x16x128xf16, #tpu.memory_space<vmem>> -> memref<1x16x128xf16, #tpu.memory_space<vmem>>
    %dma_start3A_469 = tpu.memref_squeeze %dma_start3A_468 : memref<1x16x128xf16, #tpu.memory_space<vmem>> -> memref<16x128xf16, #tpu.memory_space<vmem>>
    %dma_start3A_470 = arith.constant 0 : i32
    %dma_start3A_471 = arith.constant 0 : i32
    %dma_start3A_472 = tpu.memref_slice %arg5[%squeeze3A_464, %dma_start3A_470, %dma_start3A_471] : memref<100000x16x128xf16, #tpu.memory_space<hbm>> -> memref<1x16x128xf16, #tpu.memory_space<hbm>>
    %dma_start3A_473 = tpu.memref_squeeze %dma_start3A_472 : memref<1x16x128xf16, #tpu.memory_space<hbm>> -> memref<16x128xf16, #tpu.memory_space<hbm>>
    %dma_start3A_474 = arith.constant 0 : i32
    %dma_start3A_475 = arith.constant 0 : i32
    %dma_start3A_476 = tpu.memref_slice %arg12[%dma_start3A_465, %dma_start3A_474, %dma_start3A_475] : memref<64x16x128xf16, #tpu.memory_space<vmem>> -> memref<1x16x128xf16, #tpu.memory_space<vmem>>
    %dma_start3A_477 = tpu.memref_squeeze %dma_start3A_476 : memref<1x16x128xf16, #tpu.memory_space<vmem>> -> memref<16x128xf16, #tpu.memory_space<vmem>>
    %dma_start3A_478 = arith.constant 0 : i32
    %dma_start3A_479 = arith.constant 0 : i32
    %dma_start3A_480 = tpu.memref_slice %arg5[%squeeze3A_464, %dma_start3A_478, %dma_start3A_479] : memref<100000x16x128xf16, #tpu.memory_space<hbm>> -> memref<1x16x128xf16, #tpu.memory_space<hbm>>
    %dma_start3A_481 = tpu.memref_squeeze %dma_start3A_480 : memref<1x16x128xf16, #tpu.memory_space<hbm>> -> memref<16x128xf16, #tpu.memory_space<hbm>>
    tpu.enqueue_dma source(%dma_start3A_481 : memref<16x128xf16, #tpu.memory_space<hbm>>) target(%dma_start3A_477 : memref<16x128xf16, #tpu.memory_space<vmem>>) target_semaphore(%arg13 : memref<!tpu.dma_semaphore, #tpu.memory_space<semaphore_mem>>)
    %slice3A_482 = vector.extract_strided_slice %get3A_310 {offsets = [9], sizes = [1], strides = [1]} : vector<16xi32> to vector<1xi32>
    %squeeze3A_483 = vector.extract %slice3A_482[0] : i32 from vector<1xi32>
    %dma_start3A_484 = arith.constant 25 : i32
    %dma_start3A_485 = arith.constant 0 : i32
    %dma_start3A_486 = arith.constant 0 : i32
    %dma_start3A_487 = tpu.memref_slice %arg12[%dma_start3A_484, %dma_start3A_485, %dma_start3A_486] : memref<64x16x128xf16, #tpu.memory_space<vmem>> -> memref<1x16x128xf16, #tpu.memory_space<vmem>>
    %dma_start3A_488 = tpu.memref_squeeze %dma_start3A_487 : memref<1x16x128xf16, #tpu.memory_space<vmem>> -> memref<16x128xf16, #tpu.memory_space<vmem>>
    %dma_start3A_489 = arith.constant 0 : i32
    %dma_start3A_490 = arith.constant 0 : i32
    %dma_start3A_491 = tpu.memref_slice %arg5[%squeeze3A_483, %dma_start3A_489, %dma_start3A_490] : memref<100000x16x128xf16, #tpu.memory_space<hbm>> -> memref<1x16x128xf16, #tpu.memory_space<hbm>>
    %dma_start3A_492 = tpu.memref_squeeze %dma_start3A_491 : memref<1x16x128xf16, #tpu.memory_space<hbm>> -> memref<16x128xf16, #tpu.memory_space<hbm>>
    %dma_start3A_493 = arith.constant 0 : i32
    %dma_start3A_494 = arith.constant 0 : i32
    %dma_start3A_495 = tpu.memref_slice %arg12[%dma_start3A_484, %dma_start3A_493, %dma_start3A_494] : memref<64x16x128xf16, #tpu.memory_space<vmem>> -> memref<1x16x128xf16, #tpu.memory_space<vmem>>
    %dma_start3A_496 = tpu.memref_squeeze %dma_start3A_495 : memref<1x16x128xf16, #tpu.memory_space<vmem>> -> memref<16x128xf16, #tpu.memory_space<vmem>>
    %dma_start3A_497 = arith.constant 0 : i32
    %dma_start3A_498 = arith.constant 0 : i32
    %dma_start3A_499 = tpu.memref_slice %arg5[%squeeze3A_483, %dma_start3A_497, %dma_start3A_498] : memref<100000x16x128xf16, #tpu.memory_space<hbm>> -> memref<1x16x128xf16, #tpu.memory_space<hbm>>
    %dma_start3A_500 = tpu.memref_squeeze %dma_start3A_499 : memref<1x16x128xf16, #tpu.memory_space<hbm>> -> memref<16x128xf16, #tpu.memory_space<hbm>>
    tpu.enqueue_dma source(%dma_start3A_500 : memref<16x128xf16, #tpu.memory_space<hbm>>) target(%dma_start3A_496 : memref<16x128xf16, #tpu.memory_space<vmem>>) target_semaphore(%arg13 : memref<!tpu.dma_semaphore, #tpu.memory_space<semaphore_mem>>)
    %slice3A_501 = vector.extract_strided_slice %get3A_310 {offsets = [10], sizes = [1], strides = [1]} : vector<16xi32> to vector<1xi32>
    %squeeze3A_502 = vector.extract %slice3A_501[0] : i32 from vector<1xi32>
    %dma_start3A_503 = arith.constant 26 : i32
    %dma_start3A_504 = arith.constant 0 : i32
    %dma_start3A_505 = arith.constant 0 : i32
    %dma_start3A_506 = tpu.memref_slice %arg12[%dma_start3A_503, %dma_start3A_504, %dma_start3A_505] : memref<64x16x128xf16, #tpu.memory_space<vmem>> -> memref<1x16x128xf16, #tpu.memory_space<vmem>>
    %dma_start3A_507 = tpu.memref_squeeze %dma_start3A_506 : memref<1x16x128xf16, #tpu.memory_space<vmem>> -> memref<16x128xf16, #tpu.memory_space<vmem>>
    %dma_start3A_508 = arith.constant 0 : i32
    %dma_start3A_509 = arith.constant 0 : i32
    %dma_start3A_510 = tpu.memref_slice %arg5[%squeeze3A_502, %dma_start3A_508, %dma_start3A_509] : memref<100000x16x128xf16, #tpu.memory_space<hbm>> -> memref<1x16x128xf16, #tpu.memory_space<hbm>>
    %dma_start3A_511 = tpu.memref_squeeze %dma_start3A_510 : memref<1x16x128xf16, #tpu.memory_space<hbm>> -> memref<16x128xf16, #tpu.memory_space<hbm>>
    %dma_start3A_512 = arith.constant 0 : i32
    %dma_start3A_513 = arith.constant 0 : i32
    %dma_start3A_514 = tpu.memref_slice %arg12[%dma_start3A_503, %dma_start3A_512, %dma_start3A_513] : memref<64x16x128xf16, #tpu.memory_space<vmem>> -> memref<1x16x128xf16, #tpu.memory_space<vmem>>
    %dma_start3A_515 = tpu.memref_squeeze %dma_start3A_514 : memref<1x16x128xf16, #tpu.memory_space<vmem>> -> memref<16x128xf16, #tpu.memory_space<vmem>>
    %dma_start3A_516 = arith.constant 0 : i32
    %dma_start3A_517 = arith.constant 0 : i32
    %dma_start3A_518 = tpu.memref_slice %arg5[%squeeze3A_502, %dma_start3A_516, %dma_start3A_517] : memref<100000x16x128xf16, #tpu.memory_space<hbm>> -> memref<1x16x128xf16, #tpu.memory_space<hbm>>
    %dma_start3A_519 = tpu.memref_squeeze %dma_start3A_518 : memref<1x16x128xf16, #tpu.memory_space<hbm>> -> memref<16x128xf16, #tpu.memory_space<hbm>>
    tpu.enqueue_dma source(%dma_start3A_519 : memref<16x128xf16, #tpu.memory_space<hbm>>) target(%dma_start3A_515 : memref<16x128xf16, #tpu.memory_space<vmem>>) target_semaphore(%arg13 : memref<!tpu.dma_semaphore, #tpu.memory_space<semaphore_mem>>)
    %slice3A_520 = vector.extract_strided_slice %get3A_310 {offsets = [11], sizes = [1], strides = [1]} : vector<16xi32> to vector<1xi32>
    %squeeze3A_521 = vector.extract %slice3A_520[0] : i32 from vector<1xi32>
    %dma_start3A_522 = arith.constant 27 : i32
    %dma_start3A_523 = arith.constant 0 : i32
    %dma_start3A_524 = arith.constant 0 : i32
    %dma_start3A_525 = tpu.memref_slice %arg12[%dma_start3A_522, %dma_start3A_523, %dma_start3A_524] : memref<64x16x128xf16, #tpu.memory_space<vmem>> -> memref<1x16x128xf16, #tpu.memory_space<vmem>>
    %dma_start3A_526 = tpu.memref_squeeze %dma_start3A_525 : memref<1x16x128xf16, #tpu.memory_space<vmem>> -> memref<16x128xf16, #tpu.memory_space<vmem>>
    %dma_start3A_527 = arith.constant 0 : i32
    %dma_start3A_528 = arith.constant 0 : i32
    %dma_start3A_529 = tpu.memref_slice %arg5[%squeeze3A_521, %dma_start3A_527, %dma_start3A_528] : memref<100000x16x128xf16, #tpu.memory_space<hbm>> -> memref<1x16x128xf16, #tpu.memory_space<hbm>>
    %dma_start3A_530 = tpu.memref_squeeze %dma_start3A_529 : memref<1x16x128xf16, #tpu.memory_space<hbm>> -> memref<16x128xf16, #tpu.memory_space<hbm>>
    %dma_start3A_531 = arith.constant 0 : i32
    %dma_start3A_532 = arith.constant 0 : i32
    %dma_start3A_533 = tpu.memref_slice %arg12[%dma_start3A_522, %dma_start3A_531, %dma_start3A_532] : memref<64x16x128xf16, #tpu.memory_space<vmem>> -> memref<1x16x128xf16, #tpu.memory_space<vmem>>
    %dma_start3A_534 = tpu.memref_squeeze %dma_start3A_533 : memref<1x16x128xf16, #tpu.memory_space<vmem>> -> memref<16x128xf16, #tpu.memory_space<vmem>>
    %dma_start3A_535 = arith.constant 0 : i32
    %dma_start3A_536 = arith.constant 0 : i32
    %dma_start3A_537 = tpu.memref_slice %arg5[%squeeze3A_521, %dma_start3A_535, %dma_start3A_536] : memref<100000x16x128xf16, #tpu.memory_space<hbm>> -> memref<1x16x128xf16, #tpu.memory_space<hbm>>
    %dma_start3A_538 = tpu.memref_squeeze %dma_start3A_537 : memref<1x16x128xf16, #tpu.memory_space<hbm>> -> memref<16x128xf16, #tpu.memory_space<hbm>>
    tpu.enqueue_dma source(%dma_start3A_538 : memref<16x128xf16, #tpu.memory_space<hbm>>) target(%dma_start3A_534 : memref<16x128xf16, #tpu.memory_space<vmem>>) target_semaphore(%arg13 : memref<!tpu.dma_semaphore, #tpu.memory_space<semaphore_mem>>)
    %slice3A_539 = vector.extract_strided_slice %get3A_310 {offsets = [12], sizes = [1], strides = [1]} : vector<16xi32> to vector<1xi32>
    %squeeze3A_540 = vector.extract %slice3A_539[0] : i32 from vector<1xi32>
    %dma_start3A_541 = arith.constant 28 : i32
    %dma_start3A_542 = arith.constant 0 : i32
    %dma_start3A_543 = arith.constant 0 : i32
    %dma_start3A_544 = tpu.memref_slice %arg12[%dma_start3A_541, %dma_start3A_542, %dma_start3A_543] : memref<64x16x128xf16, #tpu.memory_space<vmem>> -> memref<1x16x128xf16, #tpu.memory_space<vmem>>
    %dma_start3A_545 = tpu.memref_squeeze %dma_start3A_544 : memref<1x16x128xf16, #tpu.memory_space<vmem>> -> memref<16x128xf16, #tpu.memory_space<vmem>>
    %dma_start3A_546 = arith.constant 0 : i32
    %dma_start3A_547 = arith.constant 0 : i32
    %dma_start3A_548 = tpu.memref_slice %arg5[%squeeze3A_540, %dma_start3A_546, %dma_start3A_547] : memref<100000x16x128xf16, #tpu.memory_space<hbm>> -> memref<1x16x128xf16, #tpu.memory_space<hbm>>
    %dma_start3A_549 = tpu.memref_squeeze %dma_start3A_548 : memref<1x16x128xf16, #tpu.memory_space<hbm>> -> memref<16x128xf16, #tpu.memory_space<hbm>>
    %dma_start3A_550 = arith.constant 0 : i32
    %dma_start3A_551 = arith.constant 0 : i32
    %dma_start3A_552 = tpu.memref_slice %arg12[%dma_start3A_541, %dma_start3A_550, %dma_start3A_551] : memref<64x16x128xf16, #tpu.memory_space<vmem>> -> memref<1x16x128xf16, #tpu.memory_space<vmem>>
    %dma_start3A_553 = tpu.memref_squeeze %dma_start3A_552 : memref<1x16x128xf16, #tpu.memory_space<vmem>> -> memref<16x128xf16, #tpu.memory_space<vmem>>
    %dma_start3A_554 = arith.constant 0 : i32
    %dma_start3A_555 = arith.constant 0 : i32
    %dma_start3A_556 = tpu.memref_slice %arg5[%squeeze3A_540, %dma_start3A_554, %dma_start3A_555] : memref<100000x16x128xf16, #tpu.memory_space<hbm>> -> memref<1x16x128xf16, #tpu.memory_space<hbm>>
    %dma_start3A_557 = tpu.memref_squeeze %dma_start3A_556 : memref<1x16x128xf16, #tpu.memory_space<hbm>> -> memref<16x128xf16, #tpu.memory_space<hbm>>
    tpu.enqueue_dma source(%dma_start3A_557 : memref<16x128xf16, #tpu.memory_space<hbm>>) target(%dma_start3A_553 : memref<16x128xf16, #tpu.memory_space<vmem>>) target_semaphore(%arg13 : memref<!tpu.dma_semaphore, #tpu.memory_space<semaphore_mem>>)
    %slice3A_558 = vector.extract_strided_slice %get3A_310 {offsets = [13], sizes = [1], strides = [1]} : vector<16xi32> to vector<1xi32>
    %squeeze3A_559 = vector.extract %slice3A_558[0] : i32 from vector<1xi32>
    %dma_start3A_560 = arith.constant 29 : i32
    %dma_start3A_561 = arith.constant 0 : i32
    %dma_start3A_562 = arith.constant 0 : i32
    %dma_start3A_563 = tpu.memref_slice %arg12[%dma_start3A_560, %dma_start3A_561, %dma_start3A_562] : memref<64x16x128xf16, #tpu.memory_space<vmem>> -> memref<1x16x128xf16, #tpu.memory_space<vmem>>
    %dma_start3A_564 = tpu.memref_squeeze %dma_start3A_563 : memref<1x16x128xf16, #tpu.memory_space<vmem>> -> memref<16x128xf16, #tpu.memory_space<vmem>>
    %dma_start3A_565 = arith.constant 0 : i32
    %dma_start3A_566 = arith.constant 0 : i32
    %dma_start3A_567 = tpu.memref_slice %arg5[%squeeze3A_559, %dma_start3A_565, %dma_start3A_566] : memref<100000x16x128xf16, #tpu.memory_space<hbm>> -> memref<1x16x128xf16, #tpu.memory_space<hbm>>
    %dma_start3A_568 = tpu.memref_squeeze %dma_start3A_567 : memref<1x16x128xf16, #tpu.memory_space<hbm>> -> memref<16x128xf16, #tpu.memory_space<hbm>>
    %dma_start3A_569 = arith.constant 0 : i32
    %dma_start3A_570 = arith.constant 0 : i32
    %dma_start3A_571 = tpu.memref_slice %arg12[%dma_start3A_560, %dma_start3A_569, %dma_start3A_570] : memref<64x16x128xf16, #tpu.memory_space<vmem>> -> memref<1x16x128xf16, #tpu.memory_space<vmem>>
    %dma_start3A_572 = tpu.memref_squeeze %dma_start3A_571 : memref<1x16x128xf16, #tpu.memory_space<vmem>> -> memref<16x128xf16, #tpu.memory_space<vmem>>
    %dma_start3A_573 = arith.constant 0 : i32
    %dma_start3A_574 = arith.constant 0 : i32
    %dma_start3A_575 = tpu.memref_slice %arg5[%squeeze3A_559, %dma_start3A_573, %dma_start3A_574] : memref<100000x16x128xf16, #tpu.memory_space<hbm>> -> memref<1x16x128xf16, #tpu.memory_space<hbm>>
    %dma_start3A_576 = tpu.memref_squeeze %dma_start3A_575 : memref<1x16x128xf16, #tpu.memory_space<hbm>> -> memref<16x128xf16, #tpu.memory_space<hbm>>
    tpu.enqueue_dma source(%dma_start3A_576 : memref<16x128xf16, #tpu.memory_space<hbm>>) target(%dma_start3A_572 : memref<16x128xf16, #tpu.memory_space<vmem>>) target_semaphore(%arg13 : memref<!tpu.dma_semaphore, #tpu.memory_space<semaphore_mem>>)
    %slice3A_577 = vector.extract_strided_slice %get3A_310 {offsets = [14], sizes = [1], strides = [1]} : vector<16xi32> to vector<1xi32>
    %squeeze3A_578 = vector.extract %slice3A_577[0] : i32 from vector<1xi32>
    %dma_start3A_579 = arith.constant 30 : i32
    %dma_start3A_580 = arith.constant 0 : i32
    %dma_start3A_581 = arith.constant 0 : i32
    %dma_start3A_582 = tpu.memref_slice %arg12[%dma_start3A_579, %dma_start3A_580, %dma_start3A_581] : memref<64x16x128xf16, #tpu.memory_space<vmem>> -> memref<1x16x128xf16, #tpu.memory_space<vmem>>
    %dma_start3A_583 = tpu.memref_squeeze %dma_start3A_582 : memref<1x16x128xf16, #tpu.memory_space<vmem>> -> memref<16x128xf16, #tpu.memory_space<vmem>>
    %dma_start3A_584 = arith.constant 0 : i32
    %dma_start3A_585 = arith.constant 0 : i32
    %dma_start3A_586 = tpu.memref_slice %arg5[%squeeze3A_578, %dma_start3A_584, %dma_start3A_585] : memref<100000x16x128xf16, #tpu.memory_space<hbm>> -> memref<1x16x128xf16, #tpu.memory_space<hbm>>
    %dma_start3A_587 = tpu.memref_squeeze %dma_start3A_586 : memref<1x16x128xf16, #tpu.memory_space<hbm>> -> memref<16x128xf16, #tpu.memory_space<hbm>>
    %dma_start3A_588 = arith.constant 0 : i32
    %dma_start3A_589 = arith.constant 0 : i32
    %dma_start3A_590 = tpu.memref_slice %arg12[%dma_start3A_579, %dma_start3A_588, %dma_start3A_589] : memref<64x16x128xf16, #tpu.memory_space<vmem>> -> memref<1x16x128xf16, #tpu.memory_space<vmem>>
    %dma_start3A_591 = tpu.memref_squeeze %dma_start3A_590 : memref<1x16x128xf16, #tpu.memory_space<vmem>> -> memref<16x128xf16, #tpu.memory_space<vmem>>
    %dma_start3A_592 = arith.constant 0 : i32
    %dma_start3A_593 = arith.constant 0 : i32
    %dma_start3A_594 = tpu.memref_slice %arg5[%squeeze3A_578, %dma_start3A_592, %dma_start3A_593] : memref<100000x16x128xf16, #tpu.memory_space<hbm>> -> memref<1x16x128xf16, #tpu.memory_space<hbm>>
    %dma_start3A_595 = tpu.memref_squeeze %dma_start3A_594 : memref<1x16x128xf16, #tpu.memory_space<hbm>> -> memref<16x128xf16, #tpu.memory_space<hbm>>
    tpu.enqueue_dma source(%dma_start3A_595 : memref<16x128xf16, #tpu.memory_space<hbm>>) target(%dma_start3A_591 : memref<16x128xf16, #tpu.memory_space<vmem>>) target_semaphore(%arg13 : memref<!tpu.dma_semaphore, #tpu.memory_space<semaphore_mem>>)
    %slice3A_596 = vector.extract_strided_slice %get3A_310 {offsets = [15], sizes = [1], strides = [1]} : vector<16xi32> to vector<1xi32>
    %squeeze3A_597 = vector.extract %slice3A_596[0] : i32 from vector<1xi32>
    %dma_start3A_598 = arith.constant 31 : i32
    %dma_start3A_599 = arith.constant 0 : i32
    %dma_start3A_600 = arith.constant 0 : i32
    %dma_start3A_601 = tpu.memref_slice %arg12[%dma_start3A_598, %dma_start3A_599, %dma_start3A_600] : memref<64x16x128xf16, #tpu.memory_space<vmem>> -> memref<1x16x128xf16, #tpu.memory_space<vmem>>
    %dma_start3A_602 = tpu.memref_squeeze %dma_start3A_601 : memref<1x16x128xf16, #tpu.memory_space<vmem>> -> memref<16x128xf16, #tpu.memory_space<vmem>>
    %dma_start3A_603 = arith.constant 0 : i32
    %dma_start3A_604 = arith.constant 0 : i32
    %dma_start3A_605 = tpu.memref_slice %arg5[%squeeze3A_597, %dma_start3A_603, %dma_start3A_604] : memref<100000x16x128xf16, #tpu.memory_space<hbm>> -> memref<1x16x128xf16, #tpu.memory_space<hbm>>
    %dma_start3A_606 = tpu.memref_squeeze %dma_start3A_605 : memref<1x16x128xf16, #tpu.memory_space<hbm>> -> memref<16x128xf16, #tpu.memory_space<hbm>>
    %dma_start3A_607 = arith.constant 0 : i32
    %dma_start3A_608 = arith.constant 0 : i32
    %dma_start3A_609 = tpu.memref_slice %arg12[%dma_start3A_598, %dma_start3A_607, %dma_start3A_608] : memref<64x16x128xf16, #tpu.memory_space<vmem>> -> memref<1x16x128xf16, #tpu.memory_space<vmem>>
    %dma_start3A_610 = tpu.memref_squeeze %dma_start3A_609 : memref<1x16x128xf16, #tpu.memory_space<vmem>> -> memref<16x128xf16, #tpu.memory_space<vmem>>
    %dma_start3A_611 = arith.constant 0 : i32
    %dma_start3A_612 = arith.constant 0 : i32
    %dma_start3A_613 = tpu.memref_slice %arg5[%squeeze3A_597, %dma_start3A_611, %dma_start3A_612] : memref<100000x16x128xf16, #tpu.memory_space<hbm>> -> memref<1x16x128xf16, #tpu.memory_space<hbm>>
    %dma_start3A_614 = tpu.memref_squeeze %dma_start3A_613 : memref<1x16x128xf16, #tpu.memory_space<hbm>> -> memref<16x128xf16, #tpu.memory_space<hbm>>
    tpu.enqueue_dma source(%dma_start3A_614 : memref<16x128xf16, #tpu.memory_space<hbm>>) target(%dma_start3A_610 : memref<16x128xf16, #tpu.memory_space<vmem>>) target_semaphore(%arg13 : memref<!tpu.dma_semaphore, #tpu.memory_space<semaphore_mem>>)
    %get3A_615 = arith.constant 32 : index
    %get3A_616 = tpu.vector_load %arg9[%get3A_615] {strides = array<i32>} : memref<64xi32, #tpu.memory_space<vmem>>, vector<16xi32>,
    %slice3A_617 = vector.extract_strided_slice %get3A_616 {offsets = [0], sizes = [1], strides = [1]} : vector<16xi32> to vector<1xi32>
    %squeeze3A_618 = vector.extract %slice3A_617[0] : i32 from vector<1xi32>
    %dma_start3A_619 = arith.constant 32 : i32
    %dma_start3A_620 = arith.constant 0 : i32
    %dma_start3A_621 = arith.constant 0 : i32
    %dma_start3A_622 = tpu.memref_slice %arg12[%dma_start3A_619, %dma_start3A_620, %dma_start3A_621] : memref<64x16x128xf16, #tpu.memory_space<vmem>> -> memref<1x16x128xf16, #tpu.memory_space<vmem>>
    %dma_start3A_623 = tpu.memref_squeeze %dma_start3A_622 : memref<1x16x128xf16, #tpu.memory_space<vmem>> -> memref<16x128xf16, #tpu.memory_space<vmem>>
    %dma_start3A_624 = arith.constant 0 : i32
    %dma_start3A_625 = arith.constant 0 : i32
    %dma_start3A_626 = tpu.memref_slice %arg5[%squeeze3A_618, %dma_start3A_624, %dma_start3A_625] : memref<100000x16x128xf16, #tpu.memory_space<hbm>> -> memref<1x16x128xf16, #tpu.memory_space<hbm>>
    %dma_start3A_627 = tpu.memref_squeeze %dma_start3A_626 : memref<1x16x128xf16, #tpu.memory_space<hbm>> -> memref<16x128xf16, #tpu.memory_space<hbm>>
    %dma_start3A_628 = arith.constant 0 : i32
    %dma_start3A_629 = arith.constant 0 : i32
    %dma_start3A_630 = tpu.memref_slice %arg12[%dma_start3A_619, %dma_start3A_628, %dma_start3A_629] : memref<64x16x128xf16, #tpu.memory_space<vmem>> -> memref<1x16x128xf16, #tpu.memory_space<vmem>>
    %dma_start3A_631 = tpu.memref_squeeze %dma_start3A_630 : memref<1x16x128xf16, #tpu.memory_space<vmem>> -> memref<16x128xf16, #tpu.memory_space<vmem>>
    %dma_start3A_632 = arith.constant 0 : i32
    %dma_start3A_633 = arith.constant 0 : i32
    %dma_start3A_634 = tpu.memref_slice %arg5[%squeeze3A_618, %dma_start3A_632, %dma_start3A_633] : memref<100000x16x128xf16, #tpu.memory_space<hbm>> -> memref<1x16x128xf16, #tpu.memory_space<hbm>>
    %dma_start3A_635 = tpu.memref_squeeze %dma_start3A_634 : memref<1x16x128xf16, #tpu.memory_space<hbm>> -> memref<16x128xf16, #tpu.memory_space<hbm>>
    tpu.enqueue_dma source(%dma_start3A_635 : memref<16x128xf16, #tpu.memory_space<hbm>>) target(%dma_start3A_631 : memref<16x128xf16, #tpu.memory_space<vmem>>) target_semaphore(%arg13 : memref<!tpu.dma_semaphore, #tpu.memory_space<semaphore_mem>>)
    %slice3A_636 = vector.extract_strided_slice %get3A_616 {offsets = [1], sizes = [1], strides = [1]} : vector<16xi32> to vector<1xi32>
    %squeeze3A_637 = vector.extract %slice3A_636[0] : i32 from vector<1xi32>
    %dma_start3A_638 = arith.constant 33 : i32
    %dma_start3A_639 = arith.constant 0 : i32
    %dma_start3A_640 = arith.constant 0 : i32
    %dma_start3A_641 = tpu.memref_slice %arg12[%dma_start3A_638, %dma_start3A_639, %dma_start3A_640] : memref<64x16x128xf16, #tpu.memory_space<vmem>> -> memref<1x16x128xf16, #tpu.memory_space<vmem>>
    %dma_start3A_642 = tpu.memref_squeeze %dma_start3A_641 : memref<1x16x128xf16, #tpu.memory_space<vmem>> -> memref<16x128xf16, #tpu.memory_space<vmem>>
    %dma_start3A_643 = arith.constant 0 : i32
    %dma_start3A_644 = arith.constant 0 : i32
    %dma_start3A_645 = tpu.memref_slice %arg5[%squeeze3A_637, %dma_start3A_643, %dma_start3A_644] : memref<100000x16x128xf16, #tpu.memory_space<hbm>> -> memref<1x16x128xf16, #tpu.memory_space<hbm>>
    %dma_start3A_646 = tpu.memref_squeeze %dma_start3A_645 : memref<1x16x128xf16, #tpu.memory_space<hbm>> -> memref<16x128xf16, #tpu.memory_space<hbm>>
    %dma_start3A_647 = arith.constant 0 : i32
    %dma_start3A_648 = arith.constant 0 : i32
    %dma_start3A_649 = tpu.memref_slice %arg12[%dma_start3A_638, %dma_start3A_647, %dma_start3A_648] : memref<64x16x128xf16, #tpu.memory_space<vmem>> -> memref<1x16x128xf16, #tpu.memory_space<vmem>>
    %dma_start3A_650 = tpu.memref_squeeze %dma_start3A_649 : memref<1x16x128xf16, #tpu.memory_space<vmem>> -> memref<16x128xf16, #tpu.memory_space<vmem>>
    %dma_start3A_651 = arith.constant 0 : i32
    %dma_start3A_652 = arith.constant 0 : i32
    %dma_start3A_653 = tpu.memref_slice %arg5[%squeeze3A_637, %dma_start3A_651, %dma_start3A_652] : memref<100000x16x128xf16, #tpu.memory_space<hbm>> -> memref<1x16x128xf16, #tpu.memory_space<hbm>>
    %dma_start3A_654 = tpu.memref_squeeze %dma_start3A_653 : memref<1x16x128xf16, #tpu.memory_space<hbm>> -> memref<16x128xf16, #tpu.memory_space<hbm>>
    tpu.enqueue_dma source(%dma_start3A_654 : memref<16x128xf16, #tpu.memory_space<hbm>>) target(%dma_start3A_650 : memref<16x128xf16, #tpu.memory_space<vmem>>) target_semaphore(%arg13 : memref<!tpu.dma_semaphore, #tpu.memory_space<semaphore_mem>>)
    %slice3A_655 = vector.extract_strided_slice %get3A_616 {offsets = [2], sizes = [1], strides = [1]} : vector<16xi32> to vector<1xi32>
    %squeeze3A_656 = vector.extract %slice3A_655[0] : i32 from vector<1xi32>
    %dma_start3A_657 = arith.constant 34 : i32
    %dma_start3A_658 = arith.constant 0 : i32
    %dma_start3A_659 = arith.constant 0 : i32
    %dma_start3A_660 = tpu.memref_slice %arg12[%dma_start3A_657, %dma_start3A_658, %dma_start3A_659] : memref<64x16x128xf16, #tpu.memory_space<vmem>> -> memref<1x16x128xf16, #tpu.memory_space<vmem>>
    %dma_start3A_661 = tpu.memref_squeeze %dma_start3A_660 : memref<1x16x128xf16, #tpu.memory_space<vmem>> -> memref<16x128xf16, #tpu.memory_space<vmem>>
    %dma_start3A_662 = arith.constant 0 : i32
    %dma_start3A_663 = arith.constant 0 : i32
    %dma_start3A_664 = tpu.memref_slice %arg5[%squeeze3A_656, %dma_start3A_662, %dma_start3A_663] : memref<100000x16x128xf16, #tpu.memory_space<hbm>> -> memref<1x16x128xf16, #tpu.memory_space<hbm>>
    %dma_start3A_665 = tpu.memref_squeeze %dma_start3A_664 : memref<1x16x128xf16, #tpu.memory_space<hbm>> -> memref<16x128xf16, #tpu.memory_space<hbm>>
    %dma_start3A_666 = arith.constant 0 : i32
    %dma_start3A_667 = arith.constant 0 : i32
    %dma_start3A_668 = tpu.memref_slice %arg12[%dma_start3A_657, %dma_start3A_666, %dma_start3A_667] : memref<64x16x128xf16, #tpu.memory_space<vmem>> -> memref<1x16x128xf16, #tpu.memory_space<vmem>>
    %dma_start3A_669 = tpu.memref_squeeze %dma_start3A_668 : memref<1x16x128xf16, #tpu.memory_space<vmem>> -> memref<16x128xf16, #tpu.memory_space<vmem>>
    %dma_start3A_670 = arith.constant 0 : i32
    %dma_start3A_671 = arith.constant 0 : i32
    %dma_start3A_672 = tpu.memref_slice %arg5[%squeeze3A_656, %dma_start3A_670, %dma_start3A_671] : memref<100000x16x128xf16, #tpu.memory_space<hbm>> -> memref<1x16x128xf16, #tpu.memory_space<hbm>>
    %dma_start3A_673 = tpu.memref_squeeze %dma_start3A_672 : memref<1x16x128xf16, #tpu.memory_space<hbm>> -> memref<16x128xf16, #tpu.memory_space<hbm>>
    tpu.enqueue_dma source(%dma_start3A_673 : memref<16x128xf16, #tpu.memory_space<hbm>>) target(%dma_start3A_669 : memref<16x128xf16, #tpu.memory_space<vmem>>) target_semaphore(%arg13 : memref<!tpu.dma_semaphore, #tpu.memory_space<semaphore_mem>>)
    %slice3A_674 = vector.extract_strided_slice %get3A_616 {offsets = [3], sizes = [1], strides = [1]} : vector<16xi32> to vector<1xi32>
    %squeeze3A_675 = vector.extract %slice3A_674[0] : i32 from vector<1xi32>
    %dma_start3A_676 = arith.constant 35 : i32
    %dma_start3A_677 = arith.constant 0 : i32
    %dma_start3A_678 = arith.constant 0 : i32
    %dma_start3A_679 = tpu.memref_slice %arg12[%dma_start3A_676, %dma_start3A_677, %dma_start3A_678] : memref<64x16x128xf16, #tpu.memory_space<vmem>> -> memref<1x16x128xf16, #tpu.memory_space<vmem>>
    %dma_start3A_680 = tpu.memref_squeeze %dma_start3A_679 : memref<1x16x128xf16, #tpu.memory_space<vmem>> -> memref<16x128xf16, #tpu.memory_space<vmem>>
    %dma_start3A_681 = arith.constant 0 : i32
    %dma_start3A_682 = arith.constant 0 : i32
    %dma_start3A_683 = tpu.memref_slice %arg5[%squeeze3A_675, %dma_start3A_681, %dma_start3A_682] : memref<100000x16x128xf16, #tpu.memory_space<hbm>> -> memref<1x16x128xf16, #tpu.memory_space<hbm>>
    %dma_start3A_684 = tpu.memref_squeeze %dma_start3A_683 : memref<1x16x128xf16, #tpu.memory_space<hbm>> -> memref<16x128xf16, #tpu.memory_space<hbm>>
    %dma_start3A_685 = arith.constant 0 : i32
    %dma_start3A_686 = arith.constant 0 : i32
    %dma_start3A_687 = tpu.memref_slice %arg12[%dma_start3A_676, %dma_start3A_685, %dma_start3A_686] : memref<64x16x128xf16, #tpu.memory_space<vmem>> -> memref<1x16x128xf16, #tpu.memory_space<vmem>>
    %dma_start3A_688 = tpu.memref_squeeze %dma_start3A_687 : memref<1x16x128xf16, #tpu.memory_space<vmem>> -> memref<16x128xf16, #tpu.memory_space<vmem>>
    %dma_start3A_689 = arith.constant 0 : i32
    %dma_start3A_690 = arith.constant 0 : i32
    %dma_start3A_691 = tpu.memref_slice %arg5[%squeeze3A_675, %dma_start3A_689, %dma_start3A_690] : memref<100000x16x128xf16, #tpu.memory_space<hbm>> -> memref<1x16x128xf16, #tpu.memory_space<hbm>>
    %dma_start3A_692 = tpu.memref_squeeze %dma_start3A_691 : memref<1x16x128xf16, #tpu.memory_space<hbm>> -> memref<16x128xf16, #tpu.memory_space<hbm>>
    tpu.enqueue_dma source(%dma_start3A_692 : memref<16x128xf16, #tpu.memory_space<hbm>>) target(%dma_start3A_688 : memref<16x128xf16, #tpu.memory_space<vmem>>) target_semaphore(%arg13 : memref<!tpu.dma_semaphore, #tpu.memory_space<semaphore_mem>>)
    %slice3A_693 = vector.extract_strided_slice %get3A_616 {offsets = [4], sizes = [1], strides = [1]} : vector<16xi32> to vector<1xi32>
    %squeeze3A_694 = vector.extract %slice3A_693[0] : i32 from vector<1xi32>
    %dma_start3A_695 = arith.constant 36 : i32
    %dma_start3A_696 = arith.constant 0 : i32
    %dma_start3A_697 = arith.constant 0 : i32
    %dma_start3A_698 = tpu.memref_slice %arg12[%dma_start3A_695, %dma_start3A_696, %dma_start3A_697] : memref<64x16x128xf16, #tpu.memory_space<vmem>> -> memref<1x16x128xf16, #tpu.memory_space<vmem>>
    %dma_start3A_699 = tpu.memref_squeeze %dma_start3A_698 : memref<1x16x128xf16, #tpu.memory_space<vmem>> -> memref<16x128xf16, #tpu.memory_space<vmem>>
    %dma_start3A_700 = arith.constant 0 : i32
    %dma_start3A_701 = arith.constant 0 : i32
    %dma_start3A_702 = tpu.memref_slice %arg5[%squeeze3A_694, %dma_start3A_700, %dma_start3A_701] : memref<100000x16x128xf16, #tpu.memory_space<hbm>> -> memref<1x16x128xf16, #tpu.memory_space<hbm>>
    %dma_start3A_703 = tpu.memref_squeeze %dma_start3A_702 : memref<1x16x128xf16, #tpu.memory_space<hbm>> -> memref<16x128xf16, #tpu.memory_space<hbm>>
    %dma_start3A_704 = arith.constant 0 : i32
    %dma_start3A_705 = arith.constant 0 : i32
    %dma_start3A_706 = tpu.memref_slice %arg12[%dma_start3A_695, %dma_start3A_704, %dma_start3A_705] : memref<64x16x128xf16, #tpu.memory_space<vmem>> -> memref<1x16x128xf16, #tpu.memory_space<vmem>>
    %dma_start3A_707 = tpu.memref_squeeze %dma_start3A_706 : memref<1x16x128xf16, #tpu.memory_space<vmem>> -> memref<16x128xf16, #tpu.memory_space<vmem>>
    %dma_start3A_708 = arith.constant 0 : i32
    %dma_start3A_709 = arith.constant 0 : i32
    %dma_start3A_710 = tpu.memref_slice %arg5[%squeeze3A_694, %dma_start3A_708, %dma_start3A_709] : memref<100000x16x128xf16, #tpu.memory_space<hbm>> -> memref<1x16x128xf16, #tpu.memory_space<hbm>>
    %dma_start3A_711 = tpu.memref_squeeze %dma_start3A_710 : memref<1x16x128xf16, #tpu.memory_space<hbm>> -> memref<16x128xf16, #tpu.memory_space<hbm>>
    tpu.enqueue_dma source(%dma_start3A_711 : memref<16x128xf16, #tpu.memory_space<hbm>>) target(%dma_start3A_707 : memref<16x128xf16, #tpu.memory_space<vmem>>) target_semaphore(%arg13 : memref<!tpu.dma_semaphore, #tpu.memory_space<semaphore_mem>>)
    %slice3A_712 = vector.extract_strided_slice %get3A_616 {offsets = [5], sizes = [1], strides = [1]} : vector<16xi32> to vector<1xi32>
    %squeeze3A_713 = vector.extract %slice3A_712[0] : i32 from vector<1xi32>
    %dma_start3A_714 = arith.constant 37 : i32
    %dma_start3A_715 = arith.constant 0 : i32
    %dma_start3A_716 = arith.constant 0 : i32
    %dma_start3A_717 = tpu.memref_slice %arg12[%dma_start3A_714, %dma_start3A_715, %dma_start3A_716] : memref<64x16x128xf16, #tpu.memory_space<vmem>> -> memref<1x16x128xf16, #tpu.memory_space<vmem>>
    %dma_start3A_718 = tpu.memref_squeeze %dma_start3A_717 : memref<1x16x128xf16, #tpu.memory_space<vmem>> -> memref<16x128xf16, #tpu.memory_space<vmem>>
    %dma_start3A_719 = arith.constant 0 : i32
    %dma_start3A_720 = arith.constant 0 : i32
    %dma_start3A_721 = tpu.memref_slice %arg5[%squeeze3A_713, %dma_start3A_719, %dma_start3A_720] : memref<100000x16x128xf16, #tpu.memory_space<hbm>> -> memref<1x16x128xf16, #tpu.memory_space<hbm>>
    %dma_start3A_722 = tpu.memref_squeeze %dma_start3A_721 : memref<1x16x128xf16, #tpu.memory_space<hbm>> -> memref<16x128xf16, #tpu.memory_space<hbm>>
    %dma_start3A_723 = arith.constant 0 : i32
    %dma_start3A_724 = arith.constant 0 : i32
    %dma_start3A_725 = tpu.memref_slice %arg12[%dma_start3A_714, %dma_start3A_723, %dma_start3A_724] : memref<64x16x128xf16, #tpu.memory_space<vmem>> -> memref<1x16x128xf16, #tpu.memory_space<vmem>>
    %dma_start3A_726 = tpu.memref_squeeze %dma_start3A_725 : memref<1x16x128xf16, #tpu.memory_space<vmem>> -> memref<16x128xf16, #tpu.memory_space<vmem>>
    %dma_start3A_727 = arith.constant 0 : i32
    %dma_start3A_728 = arith.constant 0 : i32
    %dma_start3A_729 = tpu.memref_slice %arg5[%squeeze3A_713, %dma_start3A_727, %dma_start3A_728] : memref<100000x16x128xf16, #tpu.memory_space<hbm>> -> memref<1x16x128xf16, #tpu.memory_space<hbm>>
    %dma_start3A_730 = tpu.memref_squeeze %dma_start3A_729 : memref<1x16x128xf16, #tpu.memory_space<hbm>> -> memref<16x128xf16, #tpu.memory_space<hbm>>
    tpu.enqueue_dma source(%dma_start3A_730 : memref<16x128xf16, #tpu.memory_space<hbm>>) target(%dma_start3A_726 : memref<16x128xf16, #tpu.memory_space<vmem>>) target_semaphore(%arg13 : memref<!tpu.dma_semaphore, #tpu.memory_space<semaphore_mem>>)
    %slice3A_731 = vector.extract_strided_slice %get3A_616 {offsets = [6], sizes = [1], strides = [1]} : vector<16xi32> to vector<1xi32>
    %squeeze3A_732 = vector.extract %slice3A_731[0] : i32 from vector<1xi32>
    %dma_start3A_733 = arith.constant 38 : i32
    %dma_start3A_734 = arith.constant 0 : i32
    %dma_start3A_735 = arith.constant 0 : i32
    %dma_start3A_736 = tpu.memref_slice %arg12[%dma_start3A_733, %dma_start3A_734, %dma_start3A_735] : memref<64x16x128xf16, #tpu.memory_space<vmem>> -> memref<1x16x128xf16, #tpu.memory_space<vmem>>
    %dma_start3A_737 = tpu.memref_squeeze %dma_start3A_736 : memref<1x16x128xf16, #tpu.memory_space<vmem>> -> memref<16x128xf16, #tpu.memory_space<vmem>>
    %dma_start3A_738 = arith.constant 0 : i32
    %dma_start3A_739 = arith.constant 0 : i32
    %dma_start3A_740 = tpu.memref_slice %arg5[%squeeze3A_732, %dma_start3A_738, %dma_start3A_739] : memref<100000x16x128xf16, #tpu.memory_space<hbm>> -> memref<1x16x128xf16, #tpu.memory_space<hbm>>
    %dma_start3A_741 = tpu.memref_squeeze %dma_start3A_740 : memref<1x16x128xf16, #tpu.memory_space<hbm>> -> memref<16x128xf16, #tpu.memory_space<hbm>>
    %dma_start3A_742 = arith.constant 0 : i32
    %dma_start3A_743 = arith.constant 0 : i32
    %dma_start3A_744 = tpu.memref_slice %arg12[%dma_start3A_733, %dma_start3A_742, %dma_start3A_743] : memref<64x16x128xf16, #tpu.memory_space<vmem>> -> memref<1x16x128xf16, #tpu.memory_space<vmem>>
    %dma_start3A_745 = tpu.memref_squeeze %dma_start3A_744 : memref<1x16x128xf16, #tpu.memory_space<vmem>> -> memref<16x128xf16, #tpu.memory_space<vmem>>
    %dma_start3A_746 = arith.constant 0 : i32
    %dma_start3A_747 = arith.constant 0 : i32
    %dma_start3A_748 = tpu.memref_slice %arg5[%squeeze3A_732, %dma_start3A_746, %dma_start3A_747] : memref<100000x16x128xf16, #tpu.memory_space<hbm>> -> memref<1x16x128xf16, #tpu.memory_space<hbm>>
    %dma_start3A_749 = tpu.memref_squeeze %dma_start3A_748 : memref<1x16x128xf16, #tpu.memory_space<hbm>> -> memref<16x128xf16, #tpu.memory_space<hbm>>
    tpu.enqueue_dma source(%dma_start3A_749 : memref<16x128xf16, #tpu.memory_space<hbm>>) target(%dma_start3A_745 : memref<16x128xf16, #tpu.memory_space<vmem>>) target_semaphore(%arg13 : memref<!tpu.dma_semaphore, #tpu.memory_space<semaphore_mem>>)
    %slice3A_750 = vector.extract_strided_slice %get3A_616 {offsets = [7], sizes = [1], strides = [1]} : vector<16xi32> to vector<1xi32>
    %squeeze3A_751 = vector.extract %slice3A_750[0] : i32 from vector<1xi32>
    %dma_start3A_752 = arith.constant 39 : i32
    %dma_start3A_753 = arith.constant 0 : i32
    %dma_start3A_754 = arith.constant 0 : i32
    %dma_start3A_755 = tpu.memref_slice %arg12[%dma_start3A_752, %dma_start3A_753, %dma_start3A_754] : memref<64x16x128xf16, #tpu.memory_space<vmem>> -> memref<1x16x128xf16, #tpu.memory_space<vmem>>
    %dma_start3A_756 = tpu.memref_squeeze %dma_start3A_755 : memref<1x16x128xf16, #tpu.memory_space<vmem>> -> memref<16x128xf16, #tpu.memory_space<vmem>>
    %dma_start3A_757 = arith.constant 0 : i32
    %dma_start3A_758 = arith.constant 0 : i32
    %dma_start3A_759 = tpu.memref_slice %arg5[%squeeze3A_751, %dma_start3A_757, %dma_start3A_758] : memref<100000x16x128xf16, #tpu.memory_space<hbm>> -> memref<1x16x128xf16, #tpu.memory_space<hbm>>
    %dma_start3A_760 = tpu.memref_squeeze %dma_start3A_759 : memref<1x16x128xf16, #tpu.memory_space<hbm>> -> memref<16x128xf16, #tpu.memory_space<hbm>>
    %dma_start3A_761 = arith.constant 0 : i32
    %dma_start3A_762 = arith.constant 0 : i32
    %dma_start3A_763 = tpu.memref_slice %arg12[%dma_start3A_752, %dma_start3A_761, %dma_start3A_762] : memref<64x16x128xf16, #tpu.memory_space<vmem>> -> memref<1x16x128xf16, #tpu.memory_space<vmem>>
    %dma_start3A_764 = tpu.memref_squeeze %dma_start3A_763 : memref<1x16x128xf16, #tpu.memory_space<vmem>> -> memref<16x128xf16, #tpu.memory_space<vmem>>
    %dma_start3A_765 = arith.constant 0 : i32
    %dma_start3A_766 = arith.constant 0 : i32
    %dma_start3A_767 = tpu.memref_slice %arg5[%squeeze3A_751, %dma_start3A_765, %dma_start3A_766] : memref<100000x16x128xf16, #tpu.memory_space<hbm>> -> memref<1x16x128xf16, #tpu.memory_space<hbm>>
    %dma_start3A_768 = tpu.memref_squeeze %dma_start3A_767 : memref<1x16x128xf16, #tpu.memory_space<hbm>> -> memref<16x128xf16, #tpu.memory_space<hbm>>
    tpu.enqueue_dma source(%dma_start3A_768 : memref<16x128xf16, #tpu.memory_space<hbm>>) target(%dma_start3A_764 : memref<16x128xf16, #tpu.memory_space<vmem>>) target_semaphore(%arg13 : memref<!tpu.dma_semaphore, #tpu.memory_space<semaphore_mem>>)
    %slice3A_769 = vector.extract_strided_slice %get3A_616 {offsets = [8], sizes = [1], strides = [1]} : vector<16xi32> to vector<1xi32>
    %squeeze3A_770 = vector.extract %slice3A_769[0] : i32 from vector<1xi32>
    %dma_start3A_771 = arith.constant 40 : i32
    %dma_start3A_772 = arith.constant 0 : i32
    %dma_start3A_773 = arith.constant 0 : i32
    %dma_start3A_774 = tpu.memref_slice %arg12[%dma_start3A_771, %dma_start3A_772, %dma_start3A_773] : memref<64x16x128xf16, #tpu.memory_space<vmem>> -> memref<1x16x128xf16, #tpu.memory_space<vmem>>
    %dma_start3A_775 = tpu.memref_squeeze %dma_start3A_774 : memref<1x16x128xf16, #tpu.memory_space<vmem>> -> memref<16x128xf16, #tpu.memory_space<vmem>>
    %dma_start3A_776 = arith.constant 0 : i32
    %dma_start3A_777 = arith.constant 0 : i32
    %dma_start3A_778 = tpu.memref_slice %arg5[%squeeze3A_770, %dma_start3A_776, %dma_start3A_777] : memref<100000x16x128xf16, #tpu.memory_space<hbm>> -> memref<1x16x128xf16, #tpu.memory_space<hbm>>
    %dma_start3A_779 = tpu.memref_squeeze %dma_start3A_778 : memref<1x16x128xf16, #tpu.memory_space<hbm>> -> memref<16x128xf16, #tpu.memory_space<hbm>>
    %dma_start3A_780 = arith.constant 0 : i32
    %dma_start3A_781 = arith.constant 0 : i32
    %dma_start3A_782 = tpu.memref_slice %arg12[%dma_start3A_771, %dma_start3A_780, %dma_start3A_781] : memref<64x16x128xf16, #tpu.memory_space<vmem>> -> memref<1x16x128xf16, #tpu.memory_space<vmem>>
    %dma_start3A_783 = tpu.memref_squeeze %dma_start3A_782 : memref<1x16x128xf16, #tpu.memory_space<vmem>> -> memref<16x128xf16, #tpu.memory_space<vmem>>
    %dma_start3A_784 = arith.constant 0 : i32
    %dma_start3A_785 = arith.constant 0 : i32
    %dma_start3A_786 = tpu.memref_slice %arg5[%squeeze3A_770, %dma_start3A_784, %dma_start3A_785] : memref<100000x16x128xf16, #tpu.memory_space<hbm>> -> memref<1x16x128xf16, #tpu.memory_space<hbm>>
    %dma_start3A_787 = tpu.memref_squeeze %dma_start3A_786 : memref<1x16x128xf16, #tpu.memory_space<hbm>> -> memref<16x128xf16, #tpu.memory_space<hbm>>
    tpu.enqueue_dma source(%dma_start3A_787 : memref<16x128xf16, #tpu.memory_space<hbm>>) target(%dma_start3A_783 : memref<16x128xf16, #tpu.memory_space<vmem>>) target_semaphore(%arg13 : memref<!tpu.dma_semaphore, #tpu.memory_space<semaphore_mem>>)
    %slice3A_788 = vector.extract_strided_slice %get3A_616 {offsets = [9], sizes = [1], strides = [1]} : vector<16xi32> to vector<1xi32>
    %squeeze3A_789 = vector.extract %slice3A_788[0] : i32 from vector<1xi32>
    %dma_start3A_790 = arith.constant 41 : i32
    %dma_start3A_791 = arith.constant 0 : i32
    %dma_start3A_792 = arith.constant 0 : i32
    %dma_start3A_793 = tpu.memref_slice %arg12[%dma_start3A_790, %dma_start3A_791, %dma_start3A_792] : memref<64x16x128xf16, #tpu.memory_space<vmem>> -> memref<1x16x128xf16, #tpu.memory_space<vmem>>
    %dma_start3A_794 = tpu.memref_squeeze %dma_start3A_793 : memref<1x16x128xf16, #tpu.memory_space<vmem>> -> memref<16x128xf16, #tpu.memory_space<vmem>>
    %dma_start3A_795 = arith.constant 0 : i32
    %dma_start3A_796 = arith.constant 0 : i32
    %dma_start3A_797 = tpu.memref_slice %arg5[%squeeze3A_789, %dma_start3A_795, %dma_start3A_796] : memref<100000x16x128xf16, #tpu.memory_space<hbm>> -> memref<1x16x128xf16, #tpu.memory_space<hbm>>
    %dma_start3A_798 = tpu.memref_squeeze %dma_start3A_797 : memref<1x16x128xf16, #tpu.memory_space<hbm>> -> memref<16x128xf16, #tpu.memory_space<hbm>>
    %dma_start3A_799 = arith.constant 0 : i32
    %dma_start3A_800 = arith.constant 0 : i32
    %dma_start3A_801 = tpu.memref_slice %arg12[%dma_start3A_790, %dma_start3A_799, %dma_start3A_800] : memref<64x16x128xf16, #tpu.memory_space<vmem>> -> memref<1x16x128xf16, #tpu.memory_space<vmem>>
    %dma_start3A_802 = tpu.memref_squeeze %dma_start3A_801 : memref<1x16x128xf16, #tpu.memory_space<vmem>> -> memref<16x128xf16, #tpu.memory_space<vmem>>
    %dma_start3A_803 = arith.constant 0 : i32
    %dma_start3A_804 = arith.constant 0 : i32
    %dma_start3A_805 = tpu.memref_slice %arg5[%squeeze3A_789, %dma_start3A_803, %dma_start3A_804] : memref<100000x16x128xf16, #tpu.memory_space<hbm>> -> memref<1x16x128xf16, #tpu.memory_space<hbm>>
    %dma_start3A_806 = tpu.memref_squeeze %dma_start3A_805 : memref<1x16x128xf16, #tpu.memory_space<hbm>> -> memref<16x128xf16, #tpu.memory_space<hbm>>
    tpu.enqueue_dma source(%dma_start3A_806 : memref<16x128xf16, #tpu.memory_space<hbm>>) target(%dma_start3A_802 : memref<16x128xf16, #tpu.memory_space<vmem>>) target_semaphore(%arg13 : memref<!tpu.dma_semaphore, #tpu.memory_space<semaphore_mem>>)
    %slice3A_807 = vector.extract_strided_slice %get3A_616 {offsets = [10], sizes = [1], strides = [1]} : vector<16xi32> to vector<1xi32>
    %squeeze3A_808 = vector.extract %slice3A_807[0] : i32 from vector<1xi32>
    %dma_start3A_809 = arith.constant 42 : i32
    %dma_start3A_810 = arith.constant 0 : i32
    %dma_start3A_811 = arith.constant 0 : i32
    %dma_start3A_812 = tpu.memref_slice %arg12[%dma_start3A_809, %dma_start3A_810, %dma_start3A_811] : memref<64x16x128xf16, #tpu.memory_space<vmem>> -> memref<1x16x128xf16, #tpu.memory_space<vmem>>
    %dma_start3A_813 = tpu.memref_squeeze %dma_start3A_812 : memref<1x16x128xf16, #tpu.memory_space<vmem>> -> memref<16x128xf16, #tpu.memory_space<vmem>>
    %dma_start3A_814 = arith.constant 0 : i32
    %dma_start3A_815 = arith.constant 0 : i32
    %dma_start3A_816 = tpu.memref_slice %arg5[%squeeze3A_808, %dma_start3A_814, %dma_start3A_815] : memref<100000x16x128xf16, #tpu.memory_space<hbm>> -> memref<1x16x128xf16, #tpu.memory_space<hbm>>
    %dma_start3A_817 = tpu.memref_squeeze %dma_start3A_816 : memref<1x16x128xf16, #tpu.memory_space<hbm>> -> memref<16x128xf16, #tpu.memory_space<hbm>>
    %dma_start3A_818 = arith.constant 0 : i32
    %dma_start3A_819 = arith.constant 0 : i32
    %dma_start3A_820 = tpu.memref_slice %arg12[%dma_start3A_809, %dma_start3A_818, %dma_start3A_819] : memref<64x16x128xf16, #tpu.memory_space<vmem>> -> memref<1x16x128xf16, #tpu.memory_space<vmem>>
    %dma_start3A_821 = tpu.memref_squeeze %dma_start3A_820 : memref<1x16x128xf16, #tpu.memory_space<vmem>> -> memref<16x128xf16, #tpu.memory_space<vmem>>
    %dma_start3A_822 = arith.constant 0 : i32
    %dma_start3A_823 = arith.constant 0 : i32
    %dma_start3A_824 = tpu.memref_slice %arg5[%squeeze3A_808, %dma_start3A_822, %dma_start3A_823] : memref<100000x16x128xf16, #tpu.memory_space<hbm>> -> memref<1x16x128xf16, #tpu.memory_space<hbm>>
    %dma_start3A_825 = tpu.memref_squeeze %dma_start3A_824 : memref<1x16x128xf16, #tpu.memory_space<hbm>> -> memref<16x128xf16, #tpu.memory_space<hbm>>
    tpu.enqueue_dma source(%dma_start3A_825 : memref<16x128xf16, #tpu.memory_space<hbm>>) target(%dma_start3A_821 : memref<16x128xf16, #tpu.memory_space<vmem>>) target_semaphore(%arg13 : memref<!tpu.dma_semaphore, #tpu.memory_space<semaphore_mem>>)
    %slice3A_826 = vector.extract_strided_slice %get3A_616 {offsets = [11], sizes = [1], strides = [1]} : vector<16xi32> to vector<1xi32>
    %squeeze3A_827 = vector.extract %slice3A_826[0] : i32 from vector<1xi32>
    %dma_start3A_828 = arith.constant 43 : i32
    %dma_start3A_829 = arith.constant 0 : i32
    %dma_start3A_830 = arith.constant 0 : i32
    %dma_start3A_831 = tpu.memref_slice %arg12[%dma_start3A_828, %dma_start3A_829, %dma_start3A_830] : memref<64x16x128xf16, #tpu.memory_space<vmem>> -> memref<1x16x128xf16, #tpu.memory_space<vmem>>
    %dma_start3A_832 = tpu.memref_squeeze %dma_start3A_831 : memref<1x16x128xf16, #tpu.memory_space<vmem>> -> memref<16x128xf16, #tpu.memory_space<vmem>>
    %dma_start3A_833 = arith.constant 0 : i32
    %dma_start3A_834 = arith.constant 0 : i32
    %dma_start3A_835 = tpu.memref_slice %arg5[%squeeze3A_827, %dma_start3A_833, %dma_start3A_834] : memref<100000x16x128xf16, #tpu.memory_space<hbm>> -> memref<1x16x128xf16, #tpu.memory_space<hbm>>
    %dma_start3A_836 = tpu.memref_squeeze %dma_start3A_835 : memref<1x16x128xf16, #tpu.memory_space<hbm>> -> memref<16x128xf16, #tpu.memory_space<hbm>>
    %dma_start3A_837 = arith.constant 0 : i32
    %dma_start3A_838 = arith.constant 0 : i32
    %dma_start3A_839 = tpu.memref_slice %arg12[%dma_start3A_828, %dma_start3A_837, %dma_start3A_838] : memref<64x16x128xf16, #tpu.memory_space<vmem>> -> memref<1x16x128xf16, #tpu.memory_space<vmem>>
    %dma_start3A_840 = tpu.memref_squeeze %dma_start3A_839 : memref<1x16x128xf16, #tpu.memory_space<vmem>> -> memref<16x128xf16, #tpu.memory_space<vmem>>
    %dma_start3A_841 = arith.constant 0 : i32
    %dma_start3A_842 = arith.constant 0 : i32
    %dma_start3A_843 = tpu.memref_slice %arg5[%squeeze3A_827, %dma_start3A_841, %dma_start3A_842] : memref<100000x16x128xf16, #tpu.memory_space<hbm>> -> memref<1x16x128xf16, #tpu.memory_space<hbm>>
    %dma_start3A_844 = tpu.memref_squeeze %dma_start3A_843 : memref<1x16x128xf16, #tpu.memory_space<hbm>> -> memref<16x128xf16, #tpu.memory_space<hbm>>
    tpu.enqueue_dma source(%dma_start3A_844 : memref<16x128xf16, #tpu.memory_space<hbm>>) target(%dma_start3A_840 : memref<16x128xf16, #tpu.memory_space<vmem>>) target_semaphore(%arg13 : memref<!tpu.dma_semaphore, #tpu.memory_space<semaphore_mem>>)
    %slice3A_845 = vector.extract_strided_slice %get3A_616 {offsets = [12], sizes = [1], strides = [1]} : vector<16xi32> to vector<1xi32>
    %squeeze3A_846 = vector.extract %slice3A_845[0] : i32 from vector<1xi32>
    %dma_start3A_847 = arith.constant 44 : i32
    %dma_start3A_848 = arith.constant 0 : i32
    %dma_start3A_849 = arith.constant 0 : i32
    %dma_start3A_850 = tpu.memref_slice %arg12[%dma_start3A_847, %dma_start3A_848, %dma_start3A_849] : memref<64x16x128xf16, #tpu.memory_space<vmem>> -> memref<1x16x128xf16, #tpu.memory_space<vmem>>
    %dma_start3A_851 = tpu.memref_squeeze %dma_start3A_850 : memref<1x16x128xf16, #tpu.memory_space<vmem>> -> memref<16x128xf16, #tpu.memory_space<vmem>>
    %dma_start3A_852 = arith.constant 0 : i32
    %dma_start3A_853 = arith.constant 0 : i32
    %dma_start3A_854 = tpu.memref_slice %arg5[%squeeze3A_846, %dma_start3A_852, %dma_start3A_853] : memref<100000x16x128xf16, #tpu.memory_space<hbm>> -> memref<1x16x128xf16, #tpu.memory_space<hbm>>
    %dma_start3A_855 = tpu.memref_squeeze %dma_start3A_854 : memref<1x16x128xf16, #tpu.memory_space<hbm>> -> memref<16x128xf16, #tpu.memory_space<hbm>>
    %dma_start3A_856 = arith.constant 0 : i32
    %dma_start3A_857 = arith.constant 0 : i32
    %dma_start3A_858 = tpu.memref_slice %arg12[%dma_start3A_847, %dma_start3A_856, %dma_start3A_857] : memref<64x16x128xf16, #tpu.memory_space<vmem>> -> memref<1x16x128xf16, #tpu.memory_space<vmem>>
    %dma_start3A_859 = tpu.memref_squeeze %dma_start3A_858 : memref<1x16x128xf16, #tpu.memory_space<vmem>> -> memref<16x128xf16, #tpu.memory_space<vmem>>
    %dma_start3A_860 = arith.constant 0 : i32
    %dma_start3A_861 = arith.constant 0 : i32
    %dma_start3A_862 = tpu.memref_slice %arg5[%squeeze3A_846, %dma_start3A_860, %dma_start3A_861] : memref<100000x16x128xf16, #tpu.memory_space<hbm>> -> memref<1x16x128xf16, #tpu.memory_space<hbm>>
    %dma_start3A_863 = tpu.memref_squeeze %dma_start3A_862 : memref<1x16x128xf16, #tpu.memory_space<hbm>> -> memref<16x128xf16, #tpu.memory_space<hbm>>
    tpu.enqueue_dma source(%dma_start3A_863 : memref<16x128xf16, #tpu.memory_space<hbm>>) target(%dma_start3A_859 : memref<16x128xf16, #tpu.memory_space<vmem>>) target_semaphore(%arg13 : memref<!tpu.dma_semaphore, #tpu.memory_space<semaphore_mem>>)
    %slice3A_864 = vector.extract_strided_slice %get3A_616 {offsets = [13], sizes = [1], strides = [1]} : vector<16xi32> to vector<1xi32>
    %squeeze3A_865 = vector.extract %slice3A_864[0] : i32 from vector<1xi32>
    %dma_start3A_866 = arith.constant 45 : i32
    %dma_start3A_867 = arith.constant 0 : i32
    %dma_start3A_868 = arith.constant 0 : i32
    %dma_start3A_869 = tpu.memref_slice %arg12[%dma_start3A_866, %dma_start3A_867, %dma_start3A_868] : memref<64x16x128xf16, #tpu.memory_space<vmem>> -> memref<1x16x128xf16, #tpu.memory_space<vmem>>
    %dma_start3A_870 = tpu.memref_squeeze %dma_start3A_869 : memref<1x16x128xf16, #tpu.memory_space<vmem>> -> memref<16x128xf16, #tpu.memory_space<vmem>>
    %dma_start3A_871 = arith.constant 0 : i32
    %dma_start3A_872 = arith.constant 0 : i32
    %dma_start3A_873 = tpu.memref_slice %arg5[%squeeze3A_865, %dma_start3A_871, %dma_start3A_872] : memref<100000x16x128xf16, #tpu.memory_space<hbm>> -> memref<1x16x128xf16, #tpu.memory_space<hbm>>
    %dma_start3A_874 = tpu.memref_squeeze %dma_start3A_873 : memref<1x16x128xf16, #tpu.memory_space<hbm>> -> memref<16x128xf16, #tpu.memory_space<hbm>>
    %dma_start3A_875 = arith.constant 0 : i32
    %dma_start3A_876 = arith.constant 0 : i32
    %dma_start3A_877 = tpu.memref_slice %arg12[%dma_start3A_866, %dma_start3A_875, %dma_start3A_876] : memref<64x16x128xf16, #tpu.memory_space<vmem>> -> memref<1x16x128xf16, #tpu.memory_space<vmem>>
    %dma_start3A_878 = tpu.memref_squeeze %dma_start3A_877 : memref<1x16x128xf16, #tpu.memory_space<vmem>> -> memref<16x128xf16, #tpu.memory_space<vmem>>
    %dma_start3A_879 = arith.constant 0 : i32
    %dma_start3A_880 = arith.constant 0 : i32
    %dma_start3A_881 = tpu.memref_slice %arg5[%squeeze3A_865, %dma_start3A_879, %dma_start3A_880] : memref<100000x16x128xf16, #tpu.memory_space<hbm>> -> memref<1x16x128xf16, #tpu.memory_space<hbm>>
    %dma_start3A_882 = tpu.memref_squeeze %dma_start3A_881 : memref<1x16x128xf16, #tpu.memory_space<hbm>> -> memref<16x128xf16, #tpu.memory_space<hbm>>
    tpu.enqueue_dma source(%dma_start3A_882 : memref<16x128xf16, #tpu.memory_space<hbm>>) target(%dma_start3A_878 : memref<16x128xf16, #tpu.memory_space<vmem>>) target_semaphore(%arg13 : memref<!tpu.dma_semaphore, #tpu.memory_space<semaphore_mem>>)
    %slice3A_883 = vector.extract_strided_slice %get3A_616 {offsets = [14], sizes = [1], strides = [1]} : vector<16xi32> to vector<1xi32>
    %squeeze3A_884 = vector.extract %slice3A_883[0] : i32 from vector<1xi32>
    %dma_start3A_885 = arith.constant 46 : i32
    %dma_start3A_886 = arith.constant 0 : i32
    %dma_start3A_887 = arith.constant 0 : i32
    %dma_start3A_888 = tpu.memref_slice %arg12[%dma_start3A_885, %dma_start3A_886, %dma_start3A_887] : memref<64x16x128xf16, #tpu.memory_space<vmem>> -> memref<1x16x128xf16, #tpu.memory_space<vmem>>
    %dma_start3A_889 = tpu.memref_squeeze %dma_start3A_888 : memref<1x16x128xf16, #tpu.memory_space<vmem>> -> memref<16x128xf16, #tpu.memory_space<vmem>>
    %dma_start3A_890 = arith.constant 0 : i32
    %dma_start3A_891 = arith.constant 0 : i32
    %dma_start3A_892 = tpu.memref_slice %arg5[%squeeze3A_884, %dma_start3A_890, %dma_start3A_891] : memref<100000x16x128xf16, #tpu.memory_space<hbm>> -> memref<1x16x128xf16, #tpu.memory_space<hbm>>
    %dma_start3A_893 = tpu.memref_squeeze %dma_start3A_892 : memref<1x16x128xf16, #tpu.memory_space<hbm>> -> memref<16x128xf16, #tpu.memory_space<hbm>>
    %dma_start3A_894 = arith.constant 0 : i32
    %dma_start3A_895 = arith.constant 0 : i32
    %dma_start3A_896 = tpu.memref_slice %arg12[%dma_start3A_885, %dma_start3A_894, %dma_start3A_895] : memref<64x16x128xf16, #tpu.memory_space<vmem>> -> memref<1x16x128xf16, #tpu.memory_space<vmem>>
    %dma_start3A_897 = tpu.memref_squeeze %dma_start3A_896 : memref<1x16x128xf16, #tpu.memory_space<vmem>> -> memref<16x128xf16, #tpu.memory_space<vmem>>
    %dma_start3A_898 = arith.constant 0 : i32
    %dma_start3A_899 = arith.constant 0 : i32
    %dma_start3A_900 = tpu.memref_slice %arg5[%squeeze3A_884, %dma_start3A_898, %dma_start3A_899] : memref<100000x16x128xf16, #tpu.memory_space<hbm>> -> memref<1x16x128xf16, #tpu.memory_space<hbm>>
    %dma_start3A_901 = tpu.memref_squeeze %dma_start3A_900 : memref<1x16x128xf16, #tpu.memory_space<hbm>> -> memref<16x128xf16, #tpu.memory_space<hbm>>
    tpu.enqueue_dma source(%dma_start3A_901 : memref<16x128xf16, #tpu.memory_space<hbm>>) target(%dma_start3A_897 : memref<16x128xf16, #tpu.memory_space<vmem>>) target_semaphore(%arg13 : memref<!tpu.dma_semaphore, #tpu.memory_space<semaphore_mem>>)
    %slice3A_902 = vector.extract_strided_slice %get3A_616 {offsets = [15], sizes = [1], strides = [1]} : vector<16xi32> to vector<1xi32>
    %squeeze3A_903 = vector.extract %slice3A_902[0] : i32 from vector<1xi32>
    %dma_start3A_904 = arith.constant 47 : i32
    %dma_start3A_905 = arith.constant 0 : i32
    %dma_start3A_906 = arith.constant 0 : i32
    %dma_start3A_907 = tpu.memref_slice %arg12[%dma_start3A_904, %dma_start3A_905, %dma_start3A_906] : memref<64x16x128xf16, #tpu.memory_space<vmem>> -> memref<1x16x128xf16, #tpu.memory_space<vmem>>
    %dma_start3A_908 = tpu.memref_squeeze %dma_start3A_907 : memref<1x16x128xf16, #tpu.memory_space<vmem>> -> memref<16x128xf16, #tpu.memory_space<vmem>>
    %dma_start3A_909 = arith.constant 0 : i32
    %dma_start3A_910 = arith.constant 0 : i32
    %dma_start3A_911 = tpu.memref_slice %arg5[%squeeze3A_903, %dma_start3A_909, %dma_start3A_910] : memref<100000x16x128xf16, #tpu.memory_space<hbm>> -> memref<1x16x128xf16, #tpu.memory_space<hbm>>
    %dma_start3A_912 = tpu.memref_squeeze %dma_start3A_911 : memref<1x16x128xf16, #tpu.memory_space<hbm>> -> memref<16x128xf16, #tpu.memory_space<hbm>>
    %dma_start3A_913 = arith.constant 0 : i32
    %dma_start3A_914 = arith.constant 0 : i32
    %dma_start3A_915 = tpu.memref_slice %arg12[%dma_start3A_904, %dma_start3A_913, %dma_start3A_914] : memref<64x16x128xf16, #tpu.memory_space<vmem>> -> memref<1x16x128xf16, #tpu.memory_space<vmem>>
    %dma_start3A_916 = tpu.memref_squeeze %dma_start3A_915 : memref<1x16x128xf16, #tpu.memory_space<vmem>> -> memref<16x128xf16, #tpu.memory_space<vmem>>
    %dma_start3A_917 = arith.constant 0 : i32
    %dma_start3A_918 = arith.constant 0 : i32
    %dma_start3A_919 = tpu.memref_slice %arg5[%squeeze3A_903, %dma_start3A_917, %dma_start3A_918] : memref<100000x16x128xf16, #tpu.memory_space<hbm>> -> memref<1x16x128xf16, #tpu.memory_space<hbm>>
    %dma_start3A_920 = tpu.memref_squeeze %dma_start3A_919 : memref<1x16x128xf16, #tpu.memory_space<hbm>> -> memref<16x128xf16, #tpu.memory_space<hbm>>
    tpu.enqueue_dma source(%dma_start3A_920 : memref<16x128xf16, #tpu.memory_space<hbm>>) target(%dma_start3A_916 : memref<16x128xf16, #tpu.memory_space<vmem>>) target_semaphore(%arg13 : memref<!tpu.dma_semaphore, #tpu.memory_space<semaphore_mem>>)
    %get3A_921 = arith.constant 48 : index
    %get3A_922 = tpu.vector_load %arg9[%get3A_921] {strides = array<i32>} : memref<64xi32, #tpu.memory_space<vmem>>, vector<16xi32>,
    %slice3A_923 = vector.extract_strided_slice %get3A_922 {offsets = [0], sizes = [1], strides = [1]} : vector<16xi32> to vector<1xi32>
    %squeeze3A_924 = vector.extract %slice3A_923[0] : i32 from vector<1xi32>
    %dma_start3A_925 = arith.constant 48 : i32
    %dma_start3A_926 = arith.constant 0 : i32
    %dma_start3A_927 = arith.constant 0 : i32
    %dma_start3A_928 = tpu.memref_slice %arg12[%dma_start3A_925, %dma_start3A_926, %dma_start3A_927] : memref<64x16x128xf16, #tpu.memory_space<vmem>> -> memref<1x16x128xf16, #tpu.memory_space<vmem>>
    %dma_start3A_929 = tpu.memref_squeeze %dma_start3A_928 : memref<1x16x128xf16, #tpu.memory_space<vmem>> -> memref<16x128xf16, #tpu.memory_space<vmem>>
    %dma_start3A_930 = arith.constant 0 : i32
    %dma_start3A_931 = arith.constant 0 : i32
    %dma_start3A_932 = tpu.memref_slice %arg5[%squeeze3A_924, %dma_start3A_930, %dma_start3A_931] : memref<100000x16x128xf16, #tpu.memory_space<hbm>> -> memref<1x16x128xf16, #tpu.memory_space<hbm>>
    %dma_start3A_933 = tpu.memref_squeeze %dma_start3A_932 : memref<1x16x128xf16, #tpu.memory_space<hbm>> -> memref<16x128xf16, #tpu.memory_space<hbm>>
    %dma_start3A_934 = arith.constant 0 : i32
    %dma_start3A_935 = arith.constant 0 : i32
    %dma_start3A_936 = tpu.memref_slice %arg12[%dma_start3A_925, %dma_start3A_934, %dma_start3A_935] : memref<64x16x128xf16, #tpu.memory_space<vmem>> -> memref<1x16x128xf16, #tpu.memory_space<vmem>>
    %dma_start3A_937 = tpu.memref_squeeze %dma_start3A_936 : memref<1x16x128xf16, #tpu.memory_space<vmem>> -> memref<16x128xf16, #tpu.memory_space<vmem>>
    %dma_start3A_938 = arith.constant 0 : i32
    %dma_start3A_939 = arith.constant 0 : i32
    %dma_start3A_940 = tpu.memref_slice %arg5[%squeeze3A_924, %dma_start3A_938, %dma_start3A_939] : memref<100000x16x128xf16, #tpu.memory_space<hbm>> -> memref<1x16x128xf16, #tpu.memory_space<hbm>>
    %dma_start3A_941 = tpu.memref_squeeze %dma_start3A_940 : memref<1x16x128xf16, #tpu.memory_space<hbm>> -> memref<16x128xf16, #tpu.memory_space<hbm>>
    tpu.enqueue_dma source(%dma_start3A_941 : memref<16x128xf16, #tpu.memory_space<hbm>>) target(%dma_start3A_937 : memref<16x128xf16, #tpu.memory_space<vmem>>) target_semaphore(%arg13 : memref<!tpu.dma_semaphore, #tpu.memory_space<semaphore_mem>>)
    %slice3A_942 = vector.extract_strided_slice %get3A_922 {offsets = [1], sizes = [1], strides = [1]} : vector<16xi32> to vector<1xi32>
    %squeeze3A_943 = vector.extract %slice3A_942[0] : i32 from vector<1xi32>
    %dma_start3A_944 = arith.constant 49 : i32
    %dma_start3A_945 = arith.constant 0 : i32
    %dma_start3A_946 = arith.constant 0 : i32
    %dma_start3A_947 = tpu.memref_slice %arg12[%dma_start3A_944, %dma_start3A_945, %dma_start3A_946] : memref<64x16x128xf16, #tpu.memory_space<vmem>> -> memref<1x16x128xf16, #tpu.memory_space<vmem>>
    %dma_start3A_948 = tpu.memref_squeeze %dma_start3A_947 : memref<1x16x128xf16, #tpu.memory_space<vmem>> -> memref<16x128xf16, #tpu.memory_space<vmem>>
    %dma_start3A_949 = arith.constant 0 : i32
    %dma_start3A_950 = arith.constant 0 : i32
    %dma_start3A_951 = tpu.memref_slice %arg5[%squeeze3A_943, %dma_start3A_949, %dma_start3A_950] : memref<100000x16x128xf16, #tpu.memory_space<hbm>> -> memref<1x16x128xf16, #tpu.memory_space<hbm>>
    %dma_start3A_952 = tpu.memref_squeeze %dma_start3A_951 : memref<1x16x128xf16, #tpu.memory_space<hbm>> -> memref<16x128xf16, #tpu.memory_space<hbm>>
    %dma_start3A_953 = arith.constant 0 : i32
    %dma_start3A_954 = arith.constant 0 : i32
    %dma_start3A_955 = tpu.memref_slice %arg12[%dma_start3A_944, %dma_start3A_953, %dma_start3A_954] : memref<64x16x128xf16, #tpu.memory_space<vmem>> -> memref<1x16x128xf16, #tpu.memory_space<vmem>>
    %dma_start3A_956 = tpu.memref_squeeze %dma_start3A_955 : memref<1x16x128xf16, #tpu.memory_space<vmem>> -> memref<16x128xf16, #tpu.memory_space<vmem>>
    %dma_start3A_957 = arith.constant 0 : i32
    %dma_start3A_958 = arith.constant 0 : i32
    %dma_start3A_959 = tpu.memref_slice %arg5[%squeeze3A_943, %dma_start3A_957, %dma_start3A_958] : memref<100000x16x128xf16, #tpu.memory_space<hbm>> -> memref<1x16x128xf16, #tpu.memory_space<hbm>>
    %dma_start3A_960 = tpu.memref_squeeze %dma_start3A_959 : memref<1x16x128xf16, #tpu.memory_space<hbm>> -> memref<16x128xf16, #tpu.memory_space<hbm>>
    tpu.enqueue_dma source(%dma_start3A_960 : memref<16x128xf16, #tpu.memory_space<hbm>>) target(%dma_start3A_956 : memref<16x128xf16, #tpu.memory_space<vmem>>) target_semaphore(%arg13 : memref<!tpu.dma_semaphore, #tpu.memory_space<semaphore_mem>>)
    %slice3A_961 = vector.extract_strided_slice %get3A_922 {offsets = [2], sizes = [1], strides = [1]} : vector<16xi32> to vector<1xi32>
    %squeeze3A_962 = vector.extract %slice3A_961[0] : i32 from vector<1xi32>
    %dma_start3A_963 = arith.constant 50 : i32
    %dma_start3A_964 = arith.constant 0 : i32
    %dma_start3A_965 = arith.constant 0 : i32
    %dma_start3A_966 = tpu.memref_slice %arg12[%dma_start3A_963, %dma_start3A_964, %dma_start3A_965] : memref<64x16x128xf16, #tpu.memory_space<vmem>> -> memref<1x16x128xf16, #tpu.memory_space<vmem>>
    %dma_start3A_967 = tpu.memref_squeeze %dma_start3A_966 : memref<1x16x128xf16, #tpu.memory_space<vmem>> -> memref<16x128xf16, #tpu.memory_space<vmem>>
    %dma_start3A_968 = arith.constant 0 : i32
    %dma_start3A_969 = arith.constant 0 : i32
    %dma_start3A_970 = tpu.memref_slice %arg5[%squeeze3A_962, %dma_start3A_968, %dma_start3A_969] : memref<100000x16x128xf16, #tpu.memory_space<hbm>> -> memref<1x16x128xf16, #tpu.memory_space<hbm>>
    %dma_start3A_971 = tpu.memref_squeeze %dma_start3A_970 : memref<1x16x128xf16, #tpu.memory_space<hbm>> -> memref<16x128xf16, #tpu.memory_space<hbm>>
    %dma_start3A_972 = arith.constant 0 : i32
    %dma_start3A_973 = arith.constant 0 : i32
    %dma_start3A_974 = tpu.memref_slice %arg12[%dma_start3A_963, %dma_start3A_972, %dma_start3A_973] : memref<64x16x128xf16, #tpu.memory_space<vmem>> -> memref<1x16x128xf16, #tpu.memory_space<vmem>>
    %dma_start3A_975 = tpu.memref_squeeze %dma_start3A_974 : memref<1x16x128xf16, #tpu.memory_space<vmem>> -> memref<16x128xf16, #tpu.memory_space<vmem>>
    %dma_start3A_976 = arith.constant 0 : i32
    %dma_start3A_977 = arith.constant 0 : i32
    %dma_start3A_978 = tpu.memref_slice %arg5[%squeeze3A_962, %dma_start3A_976, %dma_start3A_977] : memref<100000x16x128xf16, #tpu.memory_space<hbm>> -> memref<1x16x128xf16, #tpu.memory_space<hbm>>
    %dma_start3A_979 = tpu.memref_squeeze %dma_start3A_978 : memref<1x16x128xf16, #tpu.memory_space<hbm>> -> memref<16x128xf16, #tpu.memory_space<hbm>>
    tpu.enqueue_dma source(%dma_start3A_979 : memref<16x128xf16, #tpu.memory_space<hbm>>) target(%dma_start3A_975 : memref<16x128xf16, #tpu.memory_space<vmem>>) target_semaphore(%arg13 : memref<!tpu.dma_semaphore, #tpu.memory_space<semaphore_mem>>)
    %slice3A_980 = vector.extract_strided_slice %get3A_922 {offsets = [3], sizes = [1], strides = [1]} : vector<16xi32> to vector<1xi32>
    %squeeze3A_981 = vector.extract %slice3A_980[0] : i32 from vector<1xi32>
    %dma_start3A_982 = arith.constant 51 : i32
    %dma_start3A_983 = arith.constant 0 : i32
    %dma_start3A_984 = arith.constant 0 : i32
    %dma_start3A_985 = tpu.memref_slice %arg12[%dma_start3A_982, %dma_start3A_983, %dma_start3A_984] : memref<64x16x128xf16, #tpu.memory_space<vmem>> -> memref<1x16x128xf16, #tpu.memory_space<vmem>>
    %dma_start3A_986 = tpu.memref_squeeze %dma_start3A_985 : memref<1x16x128xf16, #tpu.memory_space<vmem>> -> memref<16x128xf16, #tpu.memory_space<vmem>>
    %dma_start3A_987 = arith.constant 0 : i32
    %dma_start3A_988 = arith.constant 0 : i32
    %dma_start3A_989 = tpu.memref_slice %arg5[%squeeze3A_981, %dma_start3A_987, %dma_start3A_988] : memref<100000x16x128xf16, #tpu.memory_space<hbm>> -> memref<1x16x128xf16, #tpu.memory_space<hbm>>
    %dma_start3A_990 = tpu.memref_squeeze %dma_start3A_989 : memref<1x16x128xf16, #tpu.memory_space<hbm>> -> memref<16x128xf16, #tpu.memory_space<hbm>>
    %dma_start3A_991 = arith.constant 0 : i32
    %dma_start3A_992 = arith.constant 0 : i32
    %dma_start3A_993 = tpu.memref_slice %arg12[%dma_start3A_982, %dma_start3A_991, %dma_start3A_992] : memref<64x16x128xf16, #tpu.memory_space<vmem>> -> memref<1x16x128xf16, #tpu.memory_space<vmem>>
    %dma_start3A_994 = tpu.memref_squeeze %dma_start3A_993 : memref<1x16x128xf16, #tpu.memory_space<vmem>> -> memref<16x128xf16, #tpu.memory_space<vmem>>
    %dma_start3A_995 = arith.constant 0 : i32
    %dma_start3A_996 = arith.constant 0 : i32
    %dma_start3A_997 = tpu.memref_slice %arg5[%squeeze3A_981, %dma_start3A_995, %dma_start3A_996] : memref<100000x16x128xf16, #tpu.memory_space<hbm>> -> memref<1x16x128xf16, #tpu.memory_space<hbm>>
    %dma_start3A_998 = tpu.memref_squeeze %dma_start3A_997 : memref<1x16x128xf16, #tpu.memory_space<hbm>> -> memref<16x128xf16, #tpu.memory_space<hbm>>
    tpu.enqueue_dma source(%dma_start3A_998 : memref<16x128xf16, #tpu.memory_space<hbm>>) target(%dma_start3A_994 : memref<16x128xf16, #tpu.memory_space<vmem>>) target_semaphore(%arg13 : memref<!tpu.dma_semaphore, #tpu.memory_space<semaphore_mem>>)
    %slice3A_999 = vector.extract_strided_slice %get3A_922 {offsets = [4], sizes = [1], strides = [1]} : vector<16xi32> to vector<1xi32>
    %squeeze3A_1000 = vector.extract %slice3A_999[0] : i32 from vector<1xi32>
    %dma_start3A_1001 = arith.constant 52 : i32
    %dma_start3A_1002 = arith.constant 0 : i32
    %dma_start3A_1003 = arith.constant 0 : i32
    %dma_start3A_1004 = tpu.memref_slice %arg12[%dma_start3A_1001, %dma_start3A_1002, %dma_start3A_1003] : memref<64x16x128xf16, #tpu.memory_space<vmem>> -> memref<1x16x128xf16, #tpu.memory_space<vmem>>
    %dma_start3A_1005 = tpu.memref_squeeze %dma_start3A_1004 : memref<1x16x128xf16, #tpu.memory_space<vmem>> -> memref<16x128xf16, #tpu.memory_space<vmem>>
    %dma_start3A_1006 = arith.constant 0 : i32
    %dma_start3A_1007 = arith.constant 0 : i32
    %dma_start3A_1008 = tpu.memref_slice %arg5[%squeeze3A_1000, %dma_start3A_1006, %dma_start3A_1007] : memref<100000x16x128xf16, #tpu.memory_space<hbm>> -> memref<1x16x128xf16, #tpu.memory_space<hbm>>
    %dma_start3A_1009 = tpu.memref_squeeze %dma_start3A_1008 : memref<1x16x128xf16, #tpu.memory_space<hbm>> -> memref<16x128xf16, #tpu.memory_space<hbm>>
    %dma_start3A_1010 = arith.constant 0 : i32
    %dma_start3A_1011 = arith.constant 0 : i32
    %dma_start3A_1012 = tpu.memref_slice %arg12[%dma_start3A_1001, %dma_start3A_1010, %dma_start3A_1011] : memref<64x16x128xf16, #tpu.memory_space<vmem>> -> memref<1x16x128xf16, #tpu.memory_space<vmem>>
    %dma_start3A_1013 = tpu.memref_squeeze %dma_start3A_1012 : memref<1x16x128xf16, #tpu.memory_space<vmem>> -> memref<16x128xf16, #tpu.memory_space<vmem>>
    %dma_start3A_1014 = arith.constant 0 : i32
    %dma_start3A_1015 = arith.constant 0 : i32
    %dma_start3A_1016 = tpu.memref_slice %arg5[%squeeze3A_1000, %dma_start3A_1014, %dma_start3A_1015] : memref<100000x16x128xf16, #tpu.memory_space<hbm>> -> memref<1x16x128xf16, #tpu.memory_space<hbm>>
    %dma_start3A_1017 = tpu.memref_squeeze %dma_start3A_1016 : memref<1x16x128xf16, #tpu.memory_space<hbm>> -> memref<16x128xf16, #tpu.memory_space<hbm>>
    tpu.enqueue_dma source(%dma_start3A_1017 : memref<16x128xf16, #tpu.memory_space<hbm>>) target(%dma_start3A_1013 : memref<16x128xf16, #tpu.memory_space<vmem>>) target_semaphore(%arg13 : memref<!tpu.dma_semaphore, #tpu.memory_space<semaphore_mem>>)
    %slice3A_1018 = vector.extract_strided_slice %get3A_922 {offsets = [5], sizes = [1], strides = [1]} : vector<16xi32> to vector<1xi32>
    %squeeze3A_1019 = vector.extract %slice3A_1018[0] : i32 from vector<1xi32>
    %dma_start3A_1020 = arith.constant 53 : i32
    %dma_start3A_1021 = arith.constant 0 : i32
    %dma_start3A_1022 = arith.constant 0 : i32
    %dma_start3A_1023 = tpu.memref_slice %arg12[%dma_start3A_1020, %dma_start3A_1021, %dma_start3A_1022] : memref<64x16x128xf16, #tpu.memory_space<vmem>> -> memref<1x16x128xf16, #tpu.memory_space<vmem>>
    %dma_start3A_1024 = tpu.memref_squeeze %dma_start3A_1023 : memref<1x16x128xf16, #tpu.memory_space<vmem>> -> memref<16x128xf16, #tpu.memory_space<vmem>>
    %dma_start3A_1025 = arith.constant 0 : i32
    %dma_start3A_1026 = arith.constant 0 : i32
    %dma_start3A_1027 = tpu.memref_slice %arg5[%squeeze3A_1019, %dma_start3A_1025, %dma_start3A_1026] : memref<100000x16x128xf16, #tpu.memory_space<hbm>> -> memref<1x16x128xf16, #tpu.memory_space<hbm>>
    %dma_start3A_1028 = tpu.memref_squeeze %dma_start3A_1027 : memref<1x16x128xf16, #tpu.memory_space<hbm>> -> memref<16x128xf16, #tpu.memory_space<hbm>>
    %dma_start3A_1029 = arith.constant 0 : i32
    %dma_start3A_1030 = arith.constant 0 : i32
    %dma_start3A_1031 = tpu.memref_slice %arg12[%dma_start3A_1020, %dma_start3A_1029, %dma_start3A_1030] : memref<64x16x128xf16, #tpu.memory_space<vmem>> -> memref<1x16x128xf16, #tpu.memory_space<vmem>>
    %dma_start3A_1032 = tpu.memref_squeeze %dma_start3A_1031 : memref<1x16x128xf16, #tpu.memory_space<vmem>> -> memref<16x128xf16, #tpu.memory_space<vmem>>
    %dma_start3A_1033 = arith.constant 0 : i32
    %dma_start3A_1034 = arith.constant 0 : i32
    %dma_start3A_1035 = tpu.memref_slice %arg5[%squeeze3A_1019, %dma_start3A_1033, %dma_start3A_1034] : memref<100000x16x128xf16, #tpu.memory_space<hbm>> -> memref<1x16x128xf16, #tpu.memory_space<hbm>>
    %dma_start3A_1036 = tpu.memref_squeeze %dma_start3A_1035 : memref<1x16x128xf16, #tpu.memory_space<hbm>> -> memref<16x128xf16, #tpu.memory_space<hbm>>
    tpu.enqueue_dma source(%dma_start3A_1036 : memref<16x128xf16, #tpu.memory_space<hbm>>) target(%dma_start3A_1032 : memref<16x128xf16, #tpu.memory_space<vmem>>) target_semaphore(%arg13 : memref<!tpu.dma_semaphore, #tpu.memory_space<semaphore_mem>>)
    %slice3A_1037 = vector.extract_strided_slice %get3A_922 {offsets = [6], sizes = [1], strides = [1]} : vector<16xi32> to vector<1xi32>
    %squeeze3A_1038 = vector.extract %slice3A_1037[0] : i32 from vector<1xi32>
    %dma_start3A_1039 = arith.constant 54 : i32
    %dma_start3A_1040 = arith.constant 0 : i32
    %dma_start3A_1041 = arith.constant 0 : i32
    %dma_start3A_1042 = tpu.memref_slice %arg12[%dma_start3A_1039, %dma_start3A_1040, %dma_start3A_1041] : memref<64x16x128xf16, #tpu.memory_space<vmem>> -> memref<1x16x128xf16, #tpu.memory_space<vmem>>
    %dma_start3A_1043 = tpu.memref_squeeze %dma_start3A_1042 : memref<1x16x128xf16, #tpu.memory_space<vmem>> -> memref<16x128xf16, #tpu.memory_space<vmem>>
    %dma_start3A_1044 = arith.constant 0 : i32
    %dma_start3A_1045 = arith.constant 0 : i32
    %dma_start3A_1046 = tpu.memref_slice %arg5[%squeeze3A_1038, %dma_start3A_1044, %dma_start3A_1045] : memref<100000x16x128xf16, #tpu.memory_space<hbm>> -> memref<1x16x128xf16, #tpu.memory_space<hbm>>
    %dma_start3A_1047 = tpu.memref_squeeze %dma_start3A_1046 : memref<1x16x128xf16, #tpu.memory_space<hbm>> -> memref<16x128xf16, #tpu.memory_space<hbm>>
    %dma_start3A_1048 = arith.constant 0 : i32
    %dma_start3A_1049 = arith.constant 0 : i32
    %dma_start3A_1050 = tpu.memref_slice %arg12[%dma_start3A_1039, %dma_start3A_1048, %dma_start3A_1049] : memref<64x16x128xf16, #tpu.memory_space<vmem>> -> memref<1x16x128xf16, #tpu.memory_space<vmem>>
    %dma_start3A_1051 = tpu.memref_squeeze %dma_start3A_1050 : memref<1x16x128xf16, #tpu.memory_space<vmem>> -> memref<16x128xf16, #tpu.memory_space<vmem>>
    %dma_start3A_1052 = arith.constant 0 : i32
    %dma_start3A_1053 = arith.constant 0 : i32
    %dma_start3A_1054 = tpu.memref_slice %arg5[%squeeze3A_1038, %dma_start3A_1052, %dma_start3A_1053] : memref<100000x16x128xf16, #tpu.memory_space<hbm>> -> memref<1x16x128xf16, #tpu.memory_space<hbm>>
    %dma_start3A_1055 = tpu.memref_squeeze %dma_start3A_1054 : memref<1x16x128xf16, #tpu.memory_space<hbm>> -> memref<16x128xf16, #tpu.memory_space<hbm>>
    tpu.enqueue_dma source(%dma_start3A_1055 : memref<16x128xf16, #tpu.memory_space<hbm>>) target(%dma_start3A_1051 : memref<16x128xf16, #tpu.memory_space<vmem>>) target_semaphore(%arg13 : memref<!tpu.dma_semaphore, #tpu.memory_space<semaphore_mem>>)
    %slice3A_1056 = vector.extract_strided_slice %get3A_922 {offsets = [7], sizes = [1], strides = [1]} : vector<16xi32> to vector<1xi32>
    %squeeze3A_1057 = vector.extract %slice3A_1056[0] : i32 from vector<1xi32>
    %dma_start3A_1058 = arith.constant 55 : i32
    %dma_start3A_1059 = arith.constant 0 : i32
    %dma_start3A_1060 = arith.constant 0 : i32
    %dma_start3A_1061 = tpu.memref_slice %arg12[%dma_start3A_1058, %dma_start3A_1059, %dma_start3A_1060] : memref<64x16x128xf16, #tpu.memory_space<vmem>> -> memref<1x16x128xf16, #tpu.memory_space<vmem>>
    %dma_start3A_1062 = tpu.memref_squeeze %dma_start3A_1061 : memref<1x16x128xf16, #tpu.memory_space<vmem>> -> memref<16x128xf16, #tpu.memory_space<vmem>>
    %dma_start3A_1063 = arith.constant 0 : i32
    %dma_start3A_1064 = arith.constant 0 : i32
    %dma_start3A_1065 = tpu.memref_slice %arg5[%squeeze3A_1057, %dma_start3A_1063, %dma_start3A_1064] : memref<100000x16x128xf16, #tpu.memory_space<hbm>> -> memref<1x16x128xf16, #tpu.memory_space<hbm>>
    %dma_start3A_1066 = tpu.memref_squeeze %dma_start3A_1065 : memref<1x16x128xf16, #tpu.memory_space<hbm>> -> memref<16x128xf16, #tpu.memory_space<hbm>>
    %dma_start3A_1067 = arith.constant 0 : i32
    %dma_start3A_1068 = arith.constant 0 : i32
    %dma_start3A_1069 = tpu.memref_slice %arg12[%dma_start3A_1058, %dma_start3A_1067, %dma_start3A_1068] : memref<64x16x128xf16, #tpu.memory_space<vmem>> -> memref<1x16x128xf16, #tpu.memory_space<vmem>>
    %dma_start3A_1070 = tpu.memref_squeeze %dma_start3A_1069 : memref<1x16x128xf16, #tpu.memory_space<vmem>> -> memref<16x128xf16, #tpu.memory_space<vmem>>
    %dma_start3A_1071 = arith.constant 0 : i32
    %dma_start3A_1072 = arith.constant 0 : i32
    %dma_start3A_1073 = tpu.memref_slice %arg5[%squeeze3A_1057, %dma_start3A_1071, %dma_start3A_1072] : memref<100000x16x128xf16, #tpu.memory_space<hbm>> -> memref<1x16x128xf16, #tpu.memory_space<hbm>>
    %dma_start3A_1074 = tpu.memref_squeeze %dma_start3A_1073 : memref<1x16x128xf16, #tpu.memory_space<hbm>> -> memref<16x128xf16, #tpu.memory_space<hbm>>
    tpu.enqueue_dma source(%dma_start3A_1074 : memref<16x128xf16, #tpu.memory_space<hbm>>) target(%dma_start3A_1070 : memref<16x128xf16, #tpu.memory_space<vmem>>) target_semaphore(%arg13 : memref<!tpu.dma_semaphore, #tpu.memory_space<semaphore_mem>>)
    %slice3A_1075 = vector.extract_strided_slice %get3A_922 {offsets = [8], sizes = [1], strides = [1]} : vector<16xi32> to vector<1xi32>
    %squeeze3A_1076 = vector.extract %slice3A_1075[0] : i32 from vector<1xi32>
    %dma_start3A_1077 = arith.constant 56 : i32
    %dma_start3A_1078 = arith.constant 0 : i32
    %dma_start3A_1079 = arith.constant 0 : i32
    %dma_start3A_1080 = tpu.memref_slice %arg12[%dma_start3A_1077, %dma_start3A_1078, %dma_start3A_1079] : memref<64x16x128xf16, #tpu.memory_space<vmem>> -> memref<1x16x128xf16, #tpu.memory_space<vmem>>
    %dma_start3A_1081 = tpu.memref_squeeze %dma_start3A_1080 : memref<1x16x128xf16, #tpu.memory_space<vmem>> -> memref<16x128xf16, #tpu.memory_space<vmem>>
    %dma_start3A_1082 = arith.constant 0 : i32
    %dma_start3A_1083 = arith.constant 0 : i32
    %dma_start3A_1084 = tpu.memref_slice %arg5[%squeeze3A_1076, %dma_start3A_1082, %dma_start3A_1083] : memref<100000x16x128xf16, #tpu.memory_space<hbm>> -> memref<1x16x128xf16, #tpu.memory_space<hbm>>
    %dma_start3A_1085 = tpu.memref_squeeze %dma_start3A_1084 : memref<1x16x128xf16, #tpu.memory_space<hbm>> -> memref<16x128xf16, #tpu.memory_space<hbm>>
    %dma_start3A_1086 = arith.constant 0 : i32
    %dma_start3A_1087 = arith.constant 0 : i32
    %dma_start3A_1088 = tpu.memref_slice %arg12[%dma_start3A_1077, %dma_start3A_1086, %dma_start3A_1087] : memref<64x16x128xf16, #tpu.memory_space<vmem>> -> memref<1x16x128xf16, #tpu.memory_space<vmem>>
    %dma_start3A_1089 = tpu.memref_squeeze %dma_start3A_1088 : memref<1x16x128xf16, #tpu.memory_space<vmem>> -> memref<16x128xf16, #tpu.memory_space<vmem>>
    %dma_start3A_1090 = arith.constant 0 : i32
    %dma_start3A_1091 = arith.constant 0 : i32
    %dma_start3A_1092 = tpu.memref_slice %arg5[%squeeze3A_1076, %dma_start3A_1090, %dma_start3A_1091] : memref<100000x16x128xf16, #tpu.memory_space<hbm>> -> memref<1x16x128xf16, #tpu.memory_space<hbm>>
    %dma_start3A_1093 = tpu.memref_squeeze %dma_start3A_1092 : memref<1x16x128xf16, #tpu.memory_space<hbm>> -> memref<16x128xf16, #tpu.memory_space<hbm>>
    tpu.enqueue_dma source(%dma_start3A_1093 : memref<16x128xf16, #tpu.memory_space<hbm>>) target(%dma_start3A_1089 : memref<16x128xf16, #tpu.memory_space<vmem>>) target_semaphore(%arg13 : memref<!tpu.dma_semaphore, #tpu.memory_space<semaphore_mem>>)
    %slice3A_1094 = vector.extract_strided_slice %get3A_922 {offsets = [9], sizes = [1], strides = [1]} : vector<16xi32> to vector<1xi32>
    %squeeze3A_1095 = vector.extract %slice3A_1094[0] : i32 from vector<1xi32>
    %dma_start3A_1096 = arith.constant 57 : i32
    %dma_start3A_1097 = arith.constant 0 : i32
    %dma_start3A_1098 = arith.constant 0 : i32
    %dma_start3A_1099 = tpu.memref_slice %arg12[%dma_start3A_1096, %dma_start3A_1097, %dma_start3A_1098] : memref<64x16x128xf16, #tpu.memory_space<vmem>> -> memref<1x16x128xf16, #tpu.memory_space<vmem>>
    %dma_start3A_1100 = tpu.memref_squeeze %dma_start3A_1099 : memref<1x16x128xf16, #tpu.memory_space<vmem>> -> memref<16x128xf16, #tpu.memory_space<vmem>>
    %dma_start3A_1101 = arith.constant 0 : i32
    %dma_start3A_1102 = arith.constant 0 : i32
    %dma_start3A_1103 = tpu.memref_slice %arg5[%squeeze3A_1095, %dma_start3A_1101, %dma_start3A_1102] : memref<100000x16x128xf16, #tpu.memory_space<hbm>> -> memref<1x16x128xf16, #tpu.memory_space<hbm>>
    %dma_start3A_1104 = tpu.memref_squeeze %dma_start3A_1103 : memref<1x16x128xf16, #tpu.memory_space<hbm>> -> memref<16x128xf16, #tpu.memory_space<hbm>>
    %dma_start3A_1105 = arith.constant 0 : i32
    %dma_start3A_1106 = arith.constant 0 : i32
    %dma_start3A_1107 = tpu.memref_slice %arg12[%dma_start3A_1096, %dma_start3A_1105, %dma_start3A_1106] : memref<64x16x128xf16, #tpu.memory_space<vmem>> -> memref<1x16x128xf16, #tpu.memory_space<vmem>>
    %dma_start3A_1108 = tpu.memref_squeeze %dma_start3A_1107 : memref<1x16x128xf16, #tpu.memory_space<vmem>> -> memref<16x128xf16, #tpu.memory_space<vmem>>
    %dma_start3A_1109 = arith.constant 0 : i32
    %dma_start3A_1110 = arith.constant 0 : i32
    %dma_start3A_1111 = tpu.memref_slice %arg5[%squeeze3A_1095, %dma_start3A_1109, %dma_start3A_1110] : memref<100000x16x128xf16, #tpu.memory_space<hbm>> -> memref<1x16x128xf16, #tpu.memory_space<hbm>>
    %dma_start3A_1112 = tpu.memref_squeeze %dma_start3A_1111 : memref<1x16x128xf16, #tpu.memory_space<hbm>> -> memref<16x128xf16, #tpu.memory_space<hbm>>
    tpu.enqueue_dma source(%dma_start3A_1112 : memref<16x128xf16, #tpu.memory_space<hbm>>) target(%dma_start3A_1108 : memref<16x128xf16, #tpu.memory_space<vmem>>) target_semaphore(%arg13 : memref<!tpu.dma_semaphore, #tpu.memory_space<semaphore_mem>>)
    %slice3A_1113 = vector.extract_strided_slice %get3A_922 {offsets = [10], sizes = [1], strides = [1]} : vector<16xi32> to vector<1xi32>
    %squeeze3A_1114 = vector.extract %slice3A_1113[0] : i32 from vector<1xi32>
    %dma_start3A_1115 = arith.constant 58 : i32
    %dma_start3A_1116 = arith.constant 0 : i32
    %dma_start3A_1117 = arith.constant 0 : i32
    %dma_start3A_1118 = tpu.memref_slice %arg12[%dma_start3A_1115, %dma_start3A_1116, %dma_start3A_1117] : memref<64x16x128xf16, #tpu.memory_space<vmem>> -> memref<1x16x128xf16, #tpu.memory_space<vmem>>
    %dma_start3A_1119 = tpu.memref_squeeze %dma_start3A_1118 : memref<1x16x128xf16, #tpu.memory_space<vmem>> -> memref<16x128xf16, #tpu.memory_space<vmem>>
    %dma_start3A_1120 = arith.constant 0 : i32
    %dma_start3A_1121 = arith.constant 0 : i32
    %dma_start3A_1122 = tpu.memref_slice %arg5[%squeeze3A_1114, %dma_start3A_1120, %dma_start3A_1121] : memref<100000x16x128xf16, #tpu.memory_space<hbm>> -> memref<1x16x128xf16, #tpu.memory_space<hbm>>
    %dma_start3A_1123 = tpu.memref_squeeze %dma_start3A_1122 : memref<1x16x128xf16, #tpu.memory_space<hbm>> -> memref<16x128xf16, #tpu.memory_space<hbm>>
    %dma_start3A_1124 = arith.constant 0 : i32
    %dma_start3A_1125 = arith.constant 0 : i32
    %dma_start3A_1126 = tpu.memref_slice %arg12[%dma_start3A_1115, %dma_start3A_1124, %dma_start3A_1125] : memref<64x16x128xf16, #tpu.memory_space<vmem>> -> memref<1x16x128xf16, #tpu.memory_space<vmem>>
    %dma_start3A_1127 = tpu.memref_squeeze %dma_start3A_1126 : memref<1x16x128xf16, #tpu.memory_space<vmem>> -> memref<16x128xf16, #tpu.memory_space<vmem>>
    %dma_start3A_1128 = arith.constant 0 : i32
    %dma_start3A_1129 = arith.constant 0 : i32
    %dma_start3A_1130 = tpu.memref_slice %arg5[%squeeze3A_1114, %dma_start3A_1128, %dma_start3A_1129] : memref<100000x16x128xf16, #tpu.memory_space<hbm>> -> memref<1x16x128xf16, #tpu.memory_space<hbm>>
    %dma_start3A_1131 = tpu.memref_squeeze %dma_start3A_1130 : memref<1x16x128xf16, #tpu.memory_space<hbm>> -> memref<16x128xf16, #tpu.memory_space<hbm>>
    tpu.enqueue_dma source(%dma_start3A_1131 : memref<16x128xf16, #tpu.memory_space<hbm>>) target(%dma_start3A_1127 : memref<16x128xf16, #tpu.memory_space<vmem>>) target_semaphore(%arg13 : memref<!tpu.dma_semaphore, #tpu.memory_space<semaphore_mem>>)
    %slice3A_1132 = vector.extract_strided_slice %get3A_922 {offsets = [11], sizes = [1], strides = [1]} : vector<16xi32> to vector<1xi32>
    %squeeze3A_1133 = vector.extract %slice3A_1132[0] : i32 from vector<1xi32>
    %dma_start3A_1134 = arith.constant 59 : i32
    %dma_start3A_1135 = arith.constant 0 : i32
    %dma_start3A_1136 = arith.constant 0 : i32
    %dma_start3A_1137 = tpu.memref_slice %arg12[%dma_start3A_1134, %dma_start3A_1135, %dma_start3A_1136] : memref<64x16x128xf16, #tpu.memory_space<vmem>> -> memref<1x16x128xf16, #tpu.memory_space<vmem>>
    %dma_start3A_1138 = tpu.memref_squeeze %dma_start3A_1137 : memref<1x16x128xf16, #tpu.memory_space<vmem>> -> memref<16x128xf16, #tpu.memory_space<vmem>>
    %dma_start3A_1139 = arith.constant 0 : i32
    %dma_start3A_1140 = arith.constant 0 : i32
    %dma_start3A_1141 = tpu.memref_slice %arg5[%squeeze3A_1133, %dma_start3A_1139, %dma_start3A_1140] : memref<100000x16x128xf16, #tpu.memory_space<hbm>> -> memref<1x16x128xf16, #tpu.memory_space<hbm>>
    %dma_start3A_1142 = tpu.memref_squeeze %dma_start3A_1141 : memref<1x16x128xf16, #tpu.memory_space<hbm>> -> memref<16x128xf16, #tpu.memory_space<hbm>>
    %dma_start3A_1143 = arith.constant 0 : i32
    %dma_start3A_1144 = arith.constant 0 : i32
    %dma_start3A_1145 = tpu.memref_slice %arg12[%dma_start3A_1134, %dma_start3A_1143, %dma_start3A_1144] : memref<64x16x128xf16, #tpu.memory_space<vmem>> -> memref<1x16x128xf16, #tpu.memory_space<vmem>>
    %dma_start3A_1146 = tpu.memref_squeeze %dma_start3A_1145 : memref<1x16x128xf16, #tpu.memory_space<vmem>> -> memref<16x128xf16, #tpu.memory_space<vmem>>
    %dma_start3A_1147 = arith.constant 0 : i32
    %dma_start3A_1148 = arith.constant 0 : i32
    %dma_start3A_1149 = tpu.memref_slice %arg5[%squeeze3A_1133, %dma_start3A_1147, %dma_start3A_1148] : memref<100000x16x128xf16, #tpu.memory_space<hbm>> -> memref<1x16x128xf16, #tpu.memory_space<hbm>>
    %dma_start3A_1150 = tpu.memref_squeeze %dma_start3A_1149 : memref<1x16x128xf16, #tpu.memory_space<hbm>> -> memref<16x128xf16, #tpu.memory_space<hbm>>
    tpu.enqueue_dma source(%dma_start3A_1150 : memref<16x128xf16, #tpu.memory_space<hbm>>) target(%dma_start3A_1146 : memref<16x128xf16, #tpu.memory_space<vmem>>) target_semaphore(%arg13 : memref<!tpu.dma_semaphore, #tpu.memory_space<semaphore_mem>>)
    %slice3A_1151 = vector.extract_strided_slice %get3A_922 {offsets = [12], sizes = [1], strides = [1]} : vector<16xi32> to vector<1xi32>
    %squeeze3A_1152 = vector.extract %slice3A_1151[0] : i32 from vector<1xi32>
    %dma_start3A_1153 = arith.constant 60 : i32
    %dma_start3A_1154 = arith.constant 0 : i32
    %dma_start3A_1155 = arith.constant 0 : i32
    %dma_start3A_1156 = tpu.memref_slice %arg12[%dma_start3A_1153, %dma_start3A_1154, %dma_start3A_1155] : memref<64x16x128xf16, #tpu.memory_space<vmem>> -> memref<1x16x128xf16, #tpu.memory_space<vmem>>
    %dma_start3A_1157 = tpu.memref_squeeze %dma_start3A_1156 : memref<1x16x128xf16, #tpu.memory_space<vmem>> -> memref<16x128xf16, #tpu.memory_space<vmem>>
    %dma_start3A_1158 = arith.constant 0 : i32
    %dma_start3A_1159 = arith.constant 0 : i32
    %dma_start3A_1160 = tpu.memref_slice %arg5[%squeeze3A_1152, %dma_start3A_1158, %dma_start3A_1159] : memref<100000x16x128xf16, #tpu.memory_space<hbm>> -> memref<1x16x128xf16, #tpu.memory_space<hbm>>
    %dma_start3A_1161 = tpu.memref_squeeze %dma_start3A_1160 : memref<1x16x128xf16, #tpu.memory_space<hbm>> -> memref<16x128xf16, #tpu.memory_space<hbm>>
    %dma_start3A_1162 = arith.constant 0 : i32
    %dma_start3A_1163 = arith.constant 0 : i32
    %dma_start3A_1164 = tpu.memref_slice %arg12[%dma_start3A_1153, %dma_start3A_1162, %dma_start3A_1163] : memref<64x16x128xf16, #tpu.memory_space<vmem>> -> memref<1x16x128xf16, #tpu.memory_space<vmem>>
    %dma_start3A_1165 = tpu.memref_squeeze %dma_start3A_1164 : memref<1x16x128xf16, #tpu.memory_space<vmem>> -> memref<16x128xf16, #tpu.memory_space<vmem>>
    %dma_start3A_1166 = arith.constant 0 : i32
    %dma_start3A_1167 = arith.constant 0 : i32
    %dma_start3A_1168 = tpu.memref_slice %arg5[%squeeze3A_1152, %dma_start3A_1166, %dma_start3A_1167] : memref<100000x16x128xf16, #tpu.memory_space<hbm>> -> memref<1x16x128xf16, #tpu.memory_space<hbm>>
    %dma_start3A_1169 = tpu.memref_squeeze %dma_start3A_1168 : memref<1x16x128xf16, #tpu.memory_space<hbm>> -> memref<16x128xf16, #tpu.memory_space<hbm>>
    tpu.enqueue_dma source(%dma_start3A_1169 : memref<16x128xf16, #tpu.memory_space<hbm>>) target(%dma_start3A_1165 : memref<16x128xf16, #tpu.memory_space<vmem>>) target_semaphore(%arg13 : memref<!tpu.dma_semaphore, #tpu.memory_space<semaphore_mem>>)
    %slice3A_1170 = vector.extract_strided_slice %get3A_922 {offsets = [13], sizes = [1], strides = [1]} : vector<16xi32> to vector<1xi32>
    %squeeze3A_1171 = vector.extract %slice3A_1170[0] : i32 from vector<1xi32>
    %dma_start3A_1172 = arith.constant 61 : i32
    %dma_start3A_1173 = arith.constant 0 : i32
    %dma_start3A_1174 = arith.constant 0 : i32
    %dma_start3A_1175 = tpu.memref_slice %arg12[%dma_start3A_1172, %dma_start3A_1173, %dma_start3A_1174] : memref<64x16x128xf16, #tpu.memory_space<vmem>> -> memref<1x16x128xf16, #tpu.memory_space<vmem>>
    %dma_start3A_1176 = tpu.memref_squeeze %dma_start3A_1175 : memref<1x16x128xf16, #tpu.memory_space<vmem>> -> memref<16x128xf16, #tpu.memory_space<vmem>>
    %dma_start3A_1177 = arith.constant 0 : i32
    %dma_start3A_1178 = arith.constant 0 : i32
    %dma_start3A_1179 = tpu.memref_slice %arg5[%squeeze3A_1171, %dma_start3A_1177, %dma_start3A_1178] : memref<100000x16x128xf16, #tpu.memory_space<hbm>> -> memref<1x16x128xf16, #tpu.memory_space<hbm>>
    %dma_start3A_1180 = tpu.memref_squeeze %dma_start3A_1179 : memref<1x16x128xf16, #tpu.memory_space<hbm>> -> memref<16x128xf16, #tpu.memory_space<hbm>>
    %dma_start3A_1181 = arith.constant 0 : i32
    %dma_start3A_1182 = arith.constant 0 : i32
    %dma_start3A_1183 = tpu.memref_slice %arg12[%dma_start3A_1172, %dma_start3A_1181, %dma_start3A_1182] : memref<64x16x128xf16, #tpu.memory_space<vmem>> -> memref<1x16x128xf16, #tpu.memory_space<vmem>>
    %dma_start3A_1184 = tpu.memref_squeeze %dma_start3A_1183 : memref<1x16x128xf16, #tpu.memory_space<vmem>> -> memref<16x128xf16, #tpu.memory_space<vmem>>
    %dma_start3A_1185 = arith.constant 0 : i32
    %dma_start3A_1186 = arith.constant 0 : i32
    %dma_start3A_1187 = tpu.memref_slice %arg5[%squeeze3A_1171, %dma_start3A_1185, %dma_start3A_1186] : memref<100000x16x128xf16, #tpu.memory_space<hbm>> -> memref<1x16x128xf16, #tpu.memory_space<hbm>>
    %dma_start3A_1188 = tpu.memref_squeeze %dma_start3A_1187 : memref<1x16x128xf16, #tpu.memory_space<hbm>> -> memref<16x128xf16, #tpu.memory_space<hbm>>
    tpu.enqueue_dma source(%dma_start3A_1188 : memref<16x128xf16, #tpu.memory_space<hbm>>) target(%dma_start3A_1184 : memref<16x128xf16, #tpu.memory_space<vmem>>) target_semaphore(%arg13 : memref<!tpu.dma_semaphore, #tpu.memory_space<semaphore_mem>>)
    %slice3A_1189 = vector.extract_strided_slice %get3A_922 {offsets = [14], sizes = [1], strides = [1]} : vector<16xi32> to vector<1xi32>
    %squeeze3A_1190 = vector.extract %slice3A_1189[0] : i32 from vector<1xi32>
    %dma_start3A_1191 = arith.constant 62 : i32
    %dma_start3A_1192 = arith.constant 0 : i32
    %dma_start3A_1193 = arith.constant 0 : i32
    %dma_start3A_1194 = tpu.memref_slice %arg12[%dma_start3A_1191, %dma_start3A_1192, %dma_start3A_1193] : memref<64x16x128xf16, #tpu.memory_space<vmem>> -> memref<1x16x128xf16, #tpu.memory_space<vmem>>
    %dma_start3A_1195 = tpu.memref_squeeze %dma_start3A_1194 : memref<1x16x128xf16, #tpu.memory_space<vmem>> -> memref<16x128xf16, #tpu.memory_space<vmem>>
    %dma_start3A_1196 = arith.constant 0 : i32
    %dma_start3A_1197 = arith.constant 0 : i32
    %dma_start3A_1198 = tpu.memref_slice %arg5[%squeeze3A_1190, %dma_start3A_1196, %dma_start3A_1197] : memref<100000x16x128xf16, #tpu.memory_space<hbm>> -> memref<1x16x128xf16, #tpu.memory_space<hbm>>
    %dma_start3A_1199 = tpu.memref_squeeze %dma_start3A_1198 : memref<1x16x128xf16, #tpu.memory_space<hbm>> -> memref<16x128xf16, #tpu.memory_space<hbm>>
    %dma_start3A_1200 = arith.constant 0 : i32
    %dma_start3A_1201 = arith.constant 0 : i32
    %dma_start3A_1202 = tpu.memref_slice %arg12[%dma_start3A_1191, %dma_start3A_1200, %dma_start3A_1201] : memref<64x16x128xf16, #tpu.memory_space<vmem>> -> memref<1x16x128xf16, #tpu.memory_space<vmem>>
    %dma_start3A_1203 = tpu.memref_squeeze %dma_start3A_1202 : memref<1x16x128xf16, #tpu.memory_space<vmem>> -> memref<16x128xf16, #tpu.memory_space<vmem>>
    %dma_start3A_1204 = arith.constant 0 : i32
    %dma_start3A_1205 = arith.constant 0 : i32
    %dma_start3A_1206 = tpu.memref_slice %arg5[%squeeze3A_1190, %dma_start3A_1204, %dma_start3A_1205] : memref<100000x16x128xf16, #tpu.memory_space<hbm>> -> memref<1x16x128xf16, #tpu.memory_space<hbm>>
    %dma_start3A_1207 = tpu.memref_squeeze %dma_start3A_1206 : memref<1x16x128xf16, #tpu.memory_space<hbm>> -> memref<16x128xf16, #tpu.memory_space<hbm>>
    tpu.enqueue_dma source(%dma_start3A_1207 : memref<16x128xf16, #tpu.memory_space<hbm>>) target(%dma_start3A_1203 : memref<16x128xf16, #tpu.memory_space<vmem>>) target_semaphore(%arg13 : memref<!tpu.dma_semaphore, #tpu.memory_space<semaphore_mem>>)
    %slice3A_1208 = vector.extract_strided_slice %get3A_922 {offsets = [15], sizes = [1], strides = [1]} : vector<16xi32> to vector<1xi32>
    %squeeze3A_1209 = vector.extract %slice3A_1208[0] : i32 from vector<1xi32>
    %dma_start3A_1210 = arith.constant 63 : i32
    %dma_start3A_1211 = arith.constant 0 : i32
    %dma_start3A_1212 = arith.constant 0 : i32
    %dma_start3A_1213 = tpu.memref_slice %arg12[%dma_start3A_1210, %dma_start3A_1211, %dma_start3A_1212] : memref<64x16x128xf16, #tpu.memory_space<vmem>> -> memref<1x16x128xf16, #tpu.memory_space<vmem>>
    %dma_start3A_1214 = tpu.memref_squeeze %dma_start3A_1213 : memref<1x16x128xf16, #tpu.memory_space<vmem>> -> memref<16x128xf16, #tpu.memory_space<vmem>>
    %dma_start3A_1215 = arith.constant 0 : i32
    %dma_start3A_1216 = arith.constant 0 : i32
    %dma_start3A_1217 = tpu.memref_slice %arg5[%squeeze3A_1209, %dma_start3A_1215, %dma_start3A_1216] : memref<100000x16x128xf16, #tpu.memory_space<hbm>> -> memref<1x16x128xf16, #tpu.memory_space<hbm>>
    %dma_start3A_1218 = tpu.memref_squeeze %dma_start3A_1217 : memref<1x16x128xf16, #tpu.memory_space<hbm>> -> memref<16x128xf16, #tpu.memory_space<hbm>>
    %dma_start3A_1219 = arith.constant 0 : i32
    %dma_start3A_1220 = arith.constant 0 : i32
    %dma_start3A_1221 = tpu.memref_slice %arg12[%dma_start3A_1210, %dma_start3A_1219, %dma_start3A_1220] : memref<64x16x128xf16, #tpu.memory_space<vmem>> -> memref<1x16x128xf16, #tpu.memory_space<vmem>>
    %dma_start3A_1222 = tpu.memref_squeeze %dma_start3A_1221 : memref<1x16x128xf16, #tpu.memory_space<vmem>> -> memref<16x128xf16, #tpu.memory_space<vmem>>
    %dma_start3A_1223 = arith.constant 0 : i32
    %dma_start3A_1224 = arith.constant 0 : i32
    %dma_start3A_1225 = tpu.memref_slice %arg5[%squeeze3A_1209, %dma_start3A_1223, %dma_start3A_1224] : memref<100000x16x128xf16, #tpu.memory_space<hbm>> -> memref<1x16x128xf16, #tpu.memory_space<hbm>>
    %dma_start3A_1226 = tpu.memref_squeeze %dma_start3A_1225 : memref<1x16x128xf16, #tpu.memory_space<hbm>> -> memref<16x128xf16, #tpu.memory_space<hbm>>
    tpu.enqueue_dma source(%dma_start3A_1226 : memref<16x128xf16, #tpu.memory_space<hbm>>) target(%dma_start3A_1222 : memref<16x128xf16, #tpu.memory_space<vmem>>) target_semaphore(%arg13 : memref<!tpu.dma_semaphore, #tpu.memory_space<semaphore_mem>>)
    %dma_wait3A = arith.constant 0 : i32
    %dma_wait3A_1227 = tpu.memref_slice %arg3[%dma_wait3A] : memref<100000xf32, #tpu.memory_space<hbm>> -> memref<100000xf32, #tpu.memory_space<hbm>>
    tpu.wait_indirect_dma semaphore(%arg14 : memref<!tpu.dma_semaphore, #tpu.memory_space<semaphore_mem>>) src(%dma_wait3A_1227 : memref<100000xf32, #tpu.memory_space<hbm>>) dst(%arg10 : memref<64xf32, #tpu.memory_space<vmem>>)
    %dma_wait3A_1228 = arith.constant 0 : i32
    %dma_wait3A_1229 = tpu.memref_slice %arg4[%dma_wait3A_1228] : memref<100000xf32, #tpu.memory_space<hbm>> -> memref<100000xf32, #tpu.memory_space<hbm>>
    tpu.wait_indirect_dma semaphore(%arg14 : memref<!tpu.dma_semaphore, #tpu.memory_space<semaphore_mem>>) src(%dma_wait3A_1229 : memref<100000xf32, #tpu.memory_space<hbm>>) dst(%arg11 : memref<64xf32, #tpu.memory_space<vmem>>)
    %dma_start3A_1230 = tpu.memref_slice %arg7[%mul3A_2] : memref<2048xf32, #tpu.memory_space<hbm>> -> memref<64xf32, #tpu.memory_space<hbm>>
    %dma_start3A_1231 = tpu.memref_slice %arg7[%mul3A_2] : memref<2048xf32, #tpu.memory_space<hbm>> -> memref<64xf32, #tpu.memory_space<hbm>>
    tpu.enqueue_dma source(%arg10 : memref<64xf32, #tpu.memory_space<vmem>>) target(%dma_start3A_1231 : memref<64xf32, #tpu.memory_space<hbm>>) target_semaphore(%arg14 : memref<!tpu.dma_semaphore, #tpu.memory_space<semaphore_mem>>)
    %dma_start3A_1232 = tpu.memref_slice %arg8[%mul3A_2] : memref<2048xf32, #tpu.memory_space<hbm>> -> memref<64xf32, #tpu.memory_space<hbm>>
    %dma_start3A_1233 = tpu.memref_slice %arg8[%mul3A_2] : memref<2048xf32, #tpu.memory_space<hbm>> -> memref<64xf32, #tpu.memory_space<hbm>>
    tpu.enqueue_dma source(%arg11 : memref<64xf32, #tpu.memory_space<vmem>>) target(%dma_start3A_1233 : memref<64xf32, #tpu.memory_space<hbm>>) target_semaphore(%arg14 : memref<!tpu.dma_semaphore, #tpu.memory_space<semaphore_mem>>)
    %dma_wait3A_1234 = arith.constant 0 : i32
    %dma_wait3A_1235 = arith.constant 0 : i32
    %dma_wait3A_1236 = arith.constant 0 : i32
    %dma_wait3A_1237 = tpu.memref_slice %arg12[%dma_wait3A_1234, %dma_wait3A_1235, %dma_wait3A_1236] : memref<64x16x128xf16, #tpu.memory_space<vmem>> -> memref<1x16x128xf16, #tpu.memory_space<vmem>>
    %dma_wait3A_1238 = tpu.memref_squeeze %dma_wait3A_1237 : memref<1x16x128xf16, #tpu.memory_space<vmem>> -> memref<16x128xf16, #tpu.memory_space<vmem>>
    %dma_wait3A_1239 = arith.constant 0 : i32
    %dma_wait3A_1240 = arith.constant 0 : i32
    %dma_wait3A_1241 = tpu.memref_slice %arg5[%squeeze3A, %dma_wait3A_1239, %dma_wait3A_1240] : memref<100000x16x128xf16, #tpu.memory_space<hbm>> -> memref<1x16x128xf16, #tpu.memory_space<hbm>>
    %dma_wait3A_1242 = tpu.memref_squeeze %dma_wait3A_1241 : memref<1x16x128xf16, #tpu.memory_space<hbm>> -> memref<16x128xf16, #tpu.memory_space<hbm>>
    %dma_wait3A_1243 = arith.constant 0 : i32
    %dma_wait3A_1244 = arith.constant 0 : i32
    %dma_wait3A_1245 = tpu.memref_slice %arg12[%dma_wait3A_1234, %dma_wait3A_1243, %dma_wait3A_1244] : memref<64x16x128xf16, #tpu.memory_space<vmem>> -> memref<1x16x128xf16, #tpu.memory_space<vmem>>
    %dma_wait3A_1246 = tpu.memref_squeeze %dma_wait3A_1245 : memref<1x16x128xf16, #tpu.memory_space<vmem>> -> memref<16x128xf16, #tpu.memory_space<vmem>>
    %dma_wait3A_1247 = arith.constant 0 : i32
    %dma_wait3A_1248 = arith.constant 0 : i32
    %dma_wait3A_1249 = tpu.memref_slice %arg5[%squeeze3A, %dma_wait3A_1247, %dma_wait3A_1248] : memref<100000x16x128xf16, #tpu.memory_space<hbm>> -> memref<1x16x128xf16, #tpu.memory_space<hbm>>
    %dma_wait3A_1250 = tpu.memref_squeeze %dma_wait3A_1249 : memref<1x16x128xf16, #tpu.memory_space<hbm>> -> memref<16x128xf16, #tpu.memory_space<hbm>>
    tpu.wait_dma2 semaphore(%arg13 : memref<!tpu.dma_semaphore, #tpu.memory_space<semaphore_mem>>) src(%dma_wait3A_1250 : memref<16x128xf16, #tpu.memory_space<hbm>>) dst(%dma_wait3A_1246 : memref<16x128xf16, #tpu.memory_space<vmem>>)
    %dma_wait3A_1251 = arith.constant 1 : i32
    %dma_wait3A_1252 = arith.constant 0 : i32
    %dma_wait3A_1253 = arith.constant 0 : i32
    %dma_wait3A_1254 = tpu.memref_slice %arg12[%dma_wait3A_1251, %dma_wait3A_1252, %dma_wait3A_1253] : memref<64x16x128xf16, #tpu.memory_space<vmem>> -> memref<1x16x128xf16, #tpu.memory_space<vmem>>
    %dma_wait3A_1255 = tpu.memref_squeeze %dma_wait3A_1254 : memref<1x16x128xf16, #tpu.memory_space<vmem>> -> memref<16x128xf16, #tpu.memory_space<vmem>>
    %dma_wait3A_1256 = arith.constant 0 : i32
    %dma_wait3A_1257 = arith.constant 0 : i32
    %dma_wait3A_1258 = tpu.memref_slice %arg5[%squeeze3A_25, %dma_wait3A_1256, %dma_wait3A_1257] : memref<100000x16x128xf16, #tpu.memory_space<hbm>> -> memref<1x16x128xf16, #tpu.memory_space<hbm>>
    %dma_wait3A_1259 = tpu.memref_squeeze %dma_wait3A_1258 : memref<1x16x128xf16, #tpu.memory_space<hbm>> -> memref<16x128xf16, #tpu.memory_space<hbm>>
    %dma_wait3A_1260 = arith.constant 0 : i32
    %dma_wait3A_1261 = arith.constant 0 : i32
    %dma_wait3A_1262 = tpu.memref_slice %arg12[%dma_wait3A_1251, %dma_wait3A_1260, %dma_wait3A_1261] : memref<64x16x128xf16, #tpu.memory_space<vmem>> -> memref<1x16x128xf16, #tpu.memory_space<vmem>>
    %dma_wait3A_1263 = tpu.memref_squeeze %dma_wait3A_1262 : memref<1x16x128xf16, #tpu.memory_space<vmem>> -> memref<16x128xf16, #tpu.memory_space<vmem>>
    %dma_wait3A_1264 = arith.constant 0 : i32
    %dma_wait3A_1265 = arith.constant 0 : i32
    %dma_wait3A_1266 = tpu.memref_slice %arg5[%squeeze3A_25, %dma_wait3A_1264, %dma_wait3A_1265] : memref<100000x16x128xf16, #tpu.memory_space<hbm>> -> memref<1x16x128xf16, #tpu.memory_space<hbm>>
    %dma_wait3A_1267 = tpu.memref_squeeze %dma_wait3A_1266 : memref<1x16x128xf16, #tpu.memory_space<hbm>> -> memref<16x128xf16, #tpu.memory_space<hbm>>
    tpu.wait_dma2 semaphore(%arg13 : memref<!tpu.dma_semaphore, #tpu.memory_space<semaphore_mem>>) src(%dma_wait3A_1267 : memref<16x128xf16, #tpu.memory_space<hbm>>) dst(%dma_wait3A_1263 : memref<16x128xf16, #tpu.memory_space<vmem>>)
    %dma_wait3A_1268 = arith.constant 2 : i32
    %dma_wait3A_1269 = arith.constant 0 : i32
    %dma_wait3A_1270 = arith.constant 0 : i32
    %dma_wait3A_1271 = tpu.memref_slice %arg12[%dma_wait3A_1268, %dma_wait3A_1269, %dma_wait3A_1270] : memref<64x16x128xf16, #tpu.memory_space<vmem>> -> memref<1x16x128xf16, #tpu.memory_space<vmem>>
    %dma_wait3A_1272 = tpu.memref_squeeze %dma_wait3A_1271 : memref<1x16x128xf16, #tpu.memory_space<vmem>> -> memref<16x128xf16, #tpu.memory_space<vmem>>
    %dma_wait3A_1273 = arith.constant 0 : i32
    %dma_wait3A_1274 = arith.constant 0 : i32
    %dma_wait3A_1275 = tpu.memref_slice %arg5[%squeeze3A_44, %dma_wait3A_1273, %dma_wait3A_1274] : memref<100000x16x128xf16, #tpu.memory_space<hbm>> -> memref<1x16x128xf16, #tpu.memory_space<hbm>>
    %dma_wait3A_1276 = tpu.memref_squeeze %dma_wait3A_1275 : memref<1x16x128xf16, #tpu.memory_space<hbm>> -> memref<16x128xf16, #tpu.memory_space<hbm>>
    %dma_wait3A_1277 = arith.constant 0 : i32
    %dma_wait3A_1278 = arith.constant 0 : i32
    %dma_wait3A_1279 = tpu.memref_slice %arg12[%dma_wait3A_1268, %dma_wait3A_1277, %dma_wait3A_1278] : memref<64x16x128xf16, #tpu.memory_space<vmem>> -> memref<1x16x128xf16, #tpu.memory_space<vmem>>
    %dma_wait3A_1280 = tpu.memref_squeeze %dma_wait3A_1279 : memref<1x16x128xf16, #tpu.memory_space<vmem>> -> memref<16x128xf16, #tpu.memory_space<vmem>>
    %dma_wait3A_1281 = arith.constant 0 : i32
    %dma_wait3A_1282 = arith.constant 0 : i32
    %dma_wait3A_1283 = tpu.memref_slice %arg5[%squeeze3A_44, %dma_wait3A_1281, %dma_wait3A_1282] : memref<100000x16x128xf16, #tpu.memory_space<hbm>> -> memref<1x16x128xf16, #tpu.memory_space<hbm>>
    %dma_wait3A_1284 = tpu.memref_squeeze %dma_wait3A_1283 : memref<1x16x128xf16, #tpu.memory_space<hbm>> -> memref<16x128xf16, #tpu.memory_space<hbm>>
    tpu.wait_dma2 semaphore(%arg13 : memref<!tpu.dma_semaphore, #tpu.memory_space<semaphore_mem>>) src(%dma_wait3A_1284 : memref<16x128xf16, #tpu.memory_space<hbm>>) dst(%dma_wait3A_1280 : memref<16x128xf16, #tpu.memory_space<vmem>>)
    %dma_wait3A_1285 = arith.constant 3 : i32
    %dma_wait3A_1286 = arith.constant 0 : i32
    %dma_wait3A_1287 = arith.constant 0 : i32
    %dma_wait3A_1288 = tpu.memref_slice %arg12[%dma_wait3A_1285, %dma_wait3A_1286, %dma_wait3A_1287] : memref<64x16x128xf16, #tpu.memory_space<vmem>> -> memref<1x16x128xf16, #tpu.memory_space<vmem>>
    %dma_wait3A_1289 = tpu.memref_squeeze %dma_wait3A_1288 : memref<1x16x128xf16, #tpu.memory_space<vmem>> -> memref<16x128xf16, #tpu.memory_space<vmem>>
    %dma_wait3A_1290 = arith.constant 0 : i32
    %dma_wait3A_1291 = arith.constant 0 : i32
    %dma_wait3A_1292 = tpu.memref_slice %arg5[%squeeze3A_63, %dma_wait3A_1290, %dma_wait3A_1291] : memref<100000x16x128xf16, #tpu.memory_space<hbm>> -> memref<1x16x128xf16, #tpu.memory_space<hbm>>
    %dma_wait3A_1293 = tpu.memref_squeeze %dma_wait3A_1292 : memref<1x16x128xf16, #tpu.memory_space<hbm>> -> memref<16x128xf16, #tpu.memory_space<hbm>>
    %dma_wait3A_1294 = arith.constant 0 : i32
    %dma_wait3A_1295 = arith.constant 0 : i32
    %dma_wait3A_1296 = tpu.memref_slice %arg12[%dma_wait3A_1285, %dma_wait3A_1294, %dma_wait3A_1295] : memref<64x16x128xf16, #tpu.memory_space<vmem>> -> memref<1x16x128xf16, #tpu.memory_space<vmem>>
    %dma_wait3A_1297 = tpu.memref_squeeze %dma_wait3A_1296 : memref<1x16x128xf16, #tpu.memory_space<vmem>> -> memref<16x128xf16, #tpu.memory_space<vmem>>
    %dma_wait3A_1298 = arith.constant 0 : i32
    %dma_wait3A_1299 = arith.constant 0 : i32
    %dma_wait3A_1300 = tpu.memref_slice %arg5[%squeeze3A_63, %dma_wait3A_1298, %dma_wait3A_1299] : memref<100000x16x128xf16, #tpu.memory_space<hbm>> -> memref<1x16x128xf16, #tpu.memory_space<hbm>>
    %dma_wait3A_1301 = tpu.memref_squeeze %dma_wait3A_1300 : memref<1x16x128xf16, #tpu.memory_space<hbm>> -> memref<16x128xf16, #tpu.memory_space<hbm>>
    tpu.wait_dma2 semaphore(%arg13 : memref<!tpu.dma_semaphore, #tpu.memory_space<semaphore_mem>>) src(%dma_wait3A_1301 : memref<16x128xf16, #tpu.memory_space<hbm>>) dst(%dma_wait3A_1297 : memref<16x128xf16, #tpu.memory_space<vmem>>)
    %dma_wait3A_1302 = arith.constant 4 : i32
    %dma_wait3A_1303 = arith.constant 0 : i32
    %dma_wait3A_1304 = arith.constant 0 : i32
    %dma_wait3A_1305 = tpu.memref_slice %arg12[%dma_wait3A_1302, %dma_wait3A_1303, %dma_wait3A_1304] : memref<64x16x128xf16, #tpu.memory_space<vmem>> -> memref<1x16x128xf16, #tpu.memory_space<vmem>>
    %dma_wait3A_1306 = tpu.memref_squeeze %dma_wait3A_1305 : memref<1x16x128xf16, #tpu.memory_space<vmem>> -> memref<16x128xf16, #tpu.memory_space<vmem>>
    %dma_wait3A_1307 = arith.constant 0 : i32
    %dma_wait3A_1308 = arith.constant 0 : i32
    %dma_wait3A_1309 = tpu.memref_slice %arg5[%squeeze3A_82, %dma_wait3A_1307, %dma_wait3A_1308] : memref<100000x16x128xf16, #tpu.memory_space<hbm>> -> memref<1x16x128xf16, #tpu.memory_space<hbm>>
    %dma_wait3A_1310 = tpu.memref_squeeze %dma_wait3A_1309 : memref<1x16x128xf16, #tpu.memory_space<hbm>> -> memref<16x128xf16, #tpu.memory_space<hbm>>
    %dma_wait3A_1311 = arith.constant 0 : i32
    %dma_wait3A_1312 = arith.constant 0 : i32
    %dma_wait3A_1313 = tpu.memref_slice %arg12[%dma_wait3A_1302, %dma_wait3A_1311, %dma_wait3A_1312] : memref<64x16x128xf16, #tpu.memory_space<vmem>> -> memref<1x16x128xf16, #tpu.memory_space<vmem>>
    %dma_wait3A_1314 = tpu.memref_squeeze %dma_wait3A_1313 : memref<1x16x128xf16, #tpu.memory_space<vmem>> -> memref<16x128xf16, #tpu.memory_space<vmem>>
    %dma_wait3A_1315 = arith.constant 0 : i32
    %dma_wait3A_1316 = arith.constant 0 : i32
    %dma_wait3A_1317 = tpu.memref_slice %arg5[%squeeze3A_82, %dma_wait3A_1315, %dma_wait3A_1316] : memref<100000x16x128xf16, #tpu.memory_space<hbm>> -> memref<1x16x128xf16, #tpu.memory_space<hbm>>
    %dma_wait3A_1318 = tpu.memref_squeeze %dma_wait3A_1317 : memref<1x16x128xf16, #tpu.memory_space<hbm>> -> memref<16x128xf16, #tpu.memory_space<hbm>>
    tpu.wait_dma2 semaphore(%arg13 : memref<!tpu.dma_semaphore, #tpu.memory_space<semaphore_mem>>) src(%dma_wait3A_1318 : memref<16x128xf16, #tpu.memory_space<hbm>>) dst(%dma_wait3A_1314 : memref<16x128xf16, #tpu.memory_space<vmem>>)
    %dma_wait3A_1319 = arith.constant 5 : i32
    %dma_wait3A_1320 = arith.constant 0 : i32
    %dma_wait3A_1321 = arith.constant 0 : i32
    %dma_wait3A_1322 = tpu.memref_slice %arg12[%dma_wait3A_1319, %dma_wait3A_1320, %dma_wait3A_1321] : memref<64x16x128xf16, #tpu.memory_space<vmem>> -> memref<1x16x128xf16, #tpu.memory_space<vmem>>
    %dma_wait3A_1323 = tpu.memref_squeeze %dma_wait3A_1322 : memref<1x16x128xf16, #tpu.memory_space<vmem>> -> memref<16x128xf16, #tpu.memory_space<vmem>>
    %dma_wait3A_1324 = arith.constant 0 : i32
    %dma_wait3A_1325 = arith.constant 0 : i32
    %dma_wait3A_1326 = tpu.memref_slice %arg5[%squeeze3A_101, %dma_wait3A_1324, %dma_wait3A_1325] : memref<100000x16x128xf16, #tpu.memory_space<hbm>> -> memref<1x16x128xf16, #tpu.memory_space<hbm>>
    %dma_wait3A_1327 = tpu.memref_squeeze %dma_wait3A_1326 : memref<1x16x128xf16, #tpu.memory_space<hbm>> -> memref<16x128xf16, #tpu.memory_space<hbm>>
    %dma_wait3A_1328 = arith.constant 0 : i32
    %dma_wait3A_1329 = arith.constant 0 : i32
    %dma_wait3A_1330 = tpu.memref_slice %arg12[%dma_wait3A_1319, %dma_wait3A_1328, %dma_wait3A_1329] : memref<64x16x128xf16, #tpu.memory_space<vmem>> -> memref<1x16x128xf16, #tpu.memory_space<vmem>>
    %dma_wait3A_1331 = tpu.memref_squeeze %dma_wait3A_1330 : memref<1x16x128xf16, #tpu.memory_space<vmem>> -> memref<16x128xf16, #tpu.memory_space<vmem>>
    %dma_wait3A_1332 = arith.constant 0 : i32
    %dma_wait3A_1333 = arith.constant 0 : i32
    %dma_wait3A_1334 = tpu.memref_slice %arg5[%squeeze3A_101, %dma_wait3A_1332, %dma_wait3A_1333] : memref<100000x16x128xf16, #tpu.memory_space<hbm>> -> memref<1x16x128xf16, #tpu.memory_space<hbm>>
    %dma_wait3A_1335 = tpu.memref_squeeze %dma_wait3A_1334 : memref<1x16x128xf16, #tpu.memory_space<hbm>> -> memref<16x128xf16, #tpu.memory_space<hbm>>
    tpu.wait_dma2 semaphore(%arg13 : memref<!tpu.dma_semaphore, #tpu.memory_space<semaphore_mem>>) src(%dma_wait3A_1335 : memref<16x128xf16, #tpu.memory_space<hbm>>) dst(%dma_wait3A_1331 : memref<16x128xf16, #tpu.memory_space<vmem>>)
    %dma_wait3A_1336 = arith.constant 6 : i32
    %dma_wait3A_1337 = arith.constant 0 : i32
    %dma_wait3A_1338 = arith.constant 0 : i32
    %dma_wait3A_1339 = tpu.memref_slice %arg12[%dma_wait3A_1336, %dma_wait3A_1337, %dma_wait3A_1338] : memref<64x16x128xf16, #tpu.memory_space<vmem>> -> memref<1x16x128xf16, #tpu.memory_space<vmem>>
    %dma_wait3A_1340 = tpu.memref_squeeze %dma_wait3A_1339 : memref<1x16x128xf16, #tpu.memory_space<vmem>> -> memref<16x128xf16, #tpu.memory_space<vmem>>
    %dma_wait3A_1341 = arith.constant 0 : i32
    %dma_wait3A_1342 = arith.constant 0 : i32
    %dma_wait3A_1343 = tpu.memref_slice %arg5[%squeeze3A_120, %dma_wait3A_1341, %dma_wait3A_1342] : memref<100000x16x128xf16, #tpu.memory_space<hbm>> -> memref<1x16x128xf16, #tpu.memory_space<hbm>>
    %dma_wait3A_1344 = tpu.memref_squeeze %dma_wait3A_1343 : memref<1x16x128xf16, #tpu.memory_space<hbm>> -> memref<16x128xf16, #tpu.memory_space<hbm>>
    %dma_wait3A_1345 = arith.constant 0 : i32
    %dma_wait3A_1346 = arith.constant 0 : i32
    %dma_wait3A_1347 = tpu.memref_slice %arg12[%dma_wait3A_1336, %dma_wait3A_1345, %dma_wait3A_1346] : memref<64x16x128xf16, #tpu.memory_space<vmem>> -> memref<1x16x128xf16, #tpu.memory_space<vmem>>
    %dma_wait3A_1348 = tpu.memref_squeeze %dma_wait3A_1347 : memref<1x16x128xf16, #tpu.memory_space<vmem>> -> memref<16x128xf16, #tpu.memory_space<vmem>>
    %dma_wait3A_1349 = arith.constant 0 : i32
    %dma_wait3A_1350 = arith.constant 0 : i32
    %dma_wait3A_1351 = tpu.memref_slice %arg5[%squeeze3A_120, %dma_wait3A_1349, %dma_wait3A_1350] : memref<100000x16x128xf16, #tpu.memory_space<hbm>> -> memref<1x16x128xf16, #tpu.memory_space<hbm>>
    %dma_wait3A_1352 = tpu.memref_squeeze %dma_wait3A_1351 : memref<1x16x128xf16, #tpu.memory_space<hbm>> -> memref<16x128xf16, #tpu.memory_space<hbm>>
    tpu.wait_dma2 semaphore(%arg13 : memref<!tpu.dma_semaphore, #tpu.memory_space<semaphore_mem>>) src(%dma_wait3A_1352 : memref<16x128xf16, #tpu.memory_space<hbm>>) dst(%dma_wait3A_1348 : memref<16x128xf16, #tpu.memory_space<vmem>>)
    %dma_wait3A_1353 = arith.constant 7 : i32
    %dma_wait3A_1354 = arith.constant 0 : i32
    %dma_wait3A_1355 = arith.constant 0 : i32
    %dma_wait3A_1356 = tpu.memref_slice %arg12[%dma_wait3A_1353, %dma_wait3A_1354, %dma_wait3A_1355] : memref<64x16x128xf16, #tpu.memory_space<vmem>> -> memref<1x16x128xf16, #tpu.memory_space<vmem>>
    %dma_wait3A_1357 = tpu.memref_squeeze %dma_wait3A_1356 : memref<1x16x128xf16, #tpu.memory_space<vmem>> -> memref<16x128xf16, #tpu.memory_space<vmem>>
    %dma_wait3A_1358 = arith.constant 0 : i32
    %dma_wait3A_1359 = arith.constant 0 : i32
    %dma_wait3A_1360 = tpu.memref_slice %arg5[%squeeze3A_139, %dma_wait3A_1358, %dma_wait3A_1359] : memref<100000x16x128xf16, #tpu.memory_space<hbm>> -> memref<1x16x128xf16, #tpu.memory_space<hbm>>
    %dma_wait3A_1361 = tpu.memref_squeeze %dma_wait3A_1360 : memref<1x16x128xf16, #tpu.memory_space<hbm>> -> memref<16x128xf16, #tpu.memory_space<hbm>>
    %dma_wait3A_1362 = arith.constant 0 : i32
    %dma_wait3A_1363 = arith.constant 0 : i32
    %dma_wait3A_1364 = tpu.memref_slice %arg12[%dma_wait3A_1353, %dma_wait3A_1362, %dma_wait3A_1363] : memref<64x16x128xf16, #tpu.memory_space<vmem>> -> memref<1x16x128xf16, #tpu.memory_space<vmem>>
    %dma_wait3A_1365 = tpu.memref_squeeze %dma_wait3A_1364 : memref<1x16x128xf16, #tpu.memory_space<vmem>> -> memref<16x128xf16, #tpu.memory_space<vmem>>
    %dma_wait3A_1366 = arith.constant 0 : i32
    %dma_wait3A_1367 = arith.constant 0 : i32
    %dma_wait3A_1368 = tpu.memref_slice %arg5[%squeeze3A_139, %dma_wait3A_1366, %dma_wait3A_1367] : memref<100000x16x128xf16, #tpu.memory_space<hbm>> -> memref<1x16x128xf16, #tpu.memory_space<hbm>>
    %dma_wait3A_1369 = tpu.memref_squeeze %dma_wait3A_1368 : memref<1x16x128xf16, #tpu.memory_space<hbm>> -> memref<16x128xf16, #tpu.memory_space<hbm>>
    tpu.wait_dma2 semaphore(%arg13 : memref<!tpu.dma_semaphore, #tpu.memory_space<semaphore_mem>>) src(%dma_wait3A_1369 : memref<16x128xf16, #tpu.memory_space<hbm>>) dst(%dma_wait3A_1365 : memref<16x128xf16, #tpu.memory_space<vmem>>)
    %dma_wait3A_1370 = arith.constant 8 : i32
    %dma_wait3A_1371 = arith.constant 0 : i32
    %dma_wait3A_1372 = arith.constant 0 : i32
    %dma_wait3A_1373 = tpu.memref_slice %arg12[%dma_wait3A_1370, %dma_wait3A_1371, %dma_wait3A_1372] : memref<64x16x128xf16, #tpu.memory_space<vmem>> -> memref<1x16x128xf16, #tpu.memory_space<vmem>>
    %dma_wait3A_1374 = tpu.memref_squeeze %dma_wait3A_1373 : memref<1x16x128xf16, #tpu.memory_space<vmem>> -> memref<16x128xf16, #tpu.memory_space<vmem>>
    %dma_wait3A_1375 = arith.constant 0 : i32
    %dma_wait3A_1376 = arith.constant 0 : i32
    %dma_wait3A_1377 = tpu.memref_slice %arg5[%squeeze3A_158, %dma_wait3A_1375, %dma_wait3A_1376] : memref<100000x16x128xf16, #tpu.memory_space<hbm>> -> memref<1x16x128xf16, #tpu.memory_space<hbm>>
    %dma_wait3A_1378 = tpu.memref_squeeze %dma_wait3A_1377 : memref<1x16x128xf16, #tpu.memory_space<hbm>> -> memref<16x128xf16, #tpu.memory_space<hbm>>
    %dma_wait3A_1379 = arith.constant 0 : i32
    %dma_wait3A_1380 = arith.constant 0 : i32
    %dma_wait3A_1381 = tpu.memref_slice %arg12[%dma_wait3A_1370, %dma_wait3A_1379, %dma_wait3A_1380] : memref<64x16x128xf16, #tpu.memory_space<vmem>> -> memref<1x16x128xf16, #tpu.memory_space<vmem>>
    %dma_wait3A_1382 = tpu.memref_squeeze %dma_wait3A_1381 : memref<1x16x128xf16, #tpu.memory_space<vmem>> -> memref<16x128xf16, #tpu.memory_space<vmem>>
    %dma_wait3A_1383 = arith.constant 0 : i32
    %dma_wait3A_1384 = arith.constant 0 : i32
    %dma_wait3A_1385 = tpu.memref_slice %arg5[%squeeze3A_158, %dma_wait3A_1383, %dma_wait3A_1384] : memref<100000x16x128xf16, #tpu.memory_space<hbm>> -> memref<1x16x128xf16, #tpu.memory_space<hbm>>
    %dma_wait3A_1386 = tpu.memref_squeeze %dma_wait3A_1385 : memref<1x16x128xf16, #tpu.memory_space<hbm>> -> memref<16x128xf16, #tpu.memory_space<hbm>>
    tpu.wait_dma2 semaphore(%arg13 : memref<!tpu.dma_semaphore, #tpu.memory_space<semaphore_mem>>) src(%dma_wait3A_1386 : memref<16x128xf16, #tpu.memory_space<hbm>>) dst(%dma_wait3A_1382 : memref<16x128xf16, #tpu.memory_space<vmem>>)
    %dma_wait3A_1387 = arith.constant 9 : i32
    %dma_wait3A_1388 = arith.constant 0 : i32
    %dma_wait3A_1389 = arith.constant 0 : i32
    %dma_wait3A_1390 = tpu.memref_slice %arg12[%dma_wait3A_1387, %dma_wait3A_1388, %dma_wait3A_1389] : memref<64x16x128xf16, #tpu.memory_space<vmem>> -> memref<1x16x128xf16, #tpu.memory_space<vmem>>
    %dma_wait3A_1391 = tpu.memref_squeeze %dma_wait3A_1390 : memref<1x16x128xf16, #tpu.memory_space<vmem>> -> memref<16x128xf16, #tpu.memory_space<vmem>>
    %dma_wait3A_1392 = arith.constant 0 : i32
    %dma_wait3A_1393 = arith.constant 0 : i32
    %dma_wait3A_1394 = tpu.memref_slice %arg5[%squeeze3A_177, %dma_wait3A_1392, %dma_wait3A_1393] : memref<100000x16x128xf16, #tpu.memory_space<hbm>> -> memref<1x16x128xf16, #tpu.memory_space<hbm>>
    %dma_wait3A_1395 = tpu.memref_squeeze %dma_wait3A_1394 : memref<1x16x128xf16, #tpu.memory_space<hbm>> -> memref<16x128xf16, #tpu.memory_space<hbm>>
    %dma_wait3A_1396 = arith.constant 0 : i32
    %dma_wait3A_1397 = arith.constant 0 : i32
    %dma_wait3A_1398 = tpu.memref_slice %arg12[%dma_wait3A_1387, %dma_wait3A_1396, %dma_wait3A_1397] : memref<64x16x128xf16, #tpu.memory_space<vmem>> -> memref<1x16x128xf16, #tpu.memory_space<vmem>>
    %dma_wait3A_1399 = tpu.memref_squeeze %dma_wait3A_1398 : memref<1x16x128xf16, #tpu.memory_space<vmem>> -> memref<16x128xf16, #tpu.memory_space<vmem>>
    %dma_wait3A_1400 = arith.constant 0 : i32
    %dma_wait3A_1401 = arith.constant 0 : i32
    %dma_wait3A_1402 = tpu.memref_slice %arg5[%squeeze3A_177, %dma_wait3A_1400, %dma_wait3A_1401] : memref<100000x16x128xf16, #tpu.memory_space<hbm>> -> memref<1x16x128xf16, #tpu.memory_space<hbm>>
    %dma_wait3A_1403 = tpu.memref_squeeze %dma_wait3A_1402 : memref<1x16x128xf16, #tpu.memory_space<hbm>> -> memref<16x128xf16, #tpu.memory_space<hbm>>
    tpu.wait_dma2 semaphore(%arg13 : memref<!tpu.dma_semaphore, #tpu.memory_space<semaphore_mem>>) src(%dma_wait3A_1403 : memref<16x128xf16, #tpu.memory_space<hbm>>) dst(%dma_wait3A_1399 : memref<16x128xf16, #tpu.memory_space<vmem>>)
    %dma_wait3A_1404 = arith.constant 10 : i32
    %dma_wait3A_1405 = arith.constant 0 : i32
    %dma_wait3A_1406 = arith.constant 0 : i32
    %dma_wait3A_1407 = tpu.memref_slice %arg12[%dma_wait3A_1404, %dma_wait3A_1405, %dma_wait3A_1406] : memref<64x16x128xf16, #tpu.memory_space<vmem>> -> memref<1x16x128xf16, #tpu.memory_space<vmem>>
    %dma_wait3A_1408 = tpu.memref_squeeze %dma_wait3A_1407 : memref<1x16x128xf16, #tpu.memory_space<vmem>> -> memref<16x128xf16, #tpu.memory_space<vmem>>
    %dma_wait3A_1409 = arith.constant 0 : i32
    %dma_wait3A_1410 = arith.constant 0 : i32
    %dma_wait3A_1411 = tpu.memref_slice %arg5[%squeeze3A_196, %dma_wait3A_1409, %dma_wait3A_1410] : memref<100000x16x128xf16, #tpu.memory_space<hbm>> -> memref<1x16x128xf16, #tpu.memory_space<hbm>>
    %dma_wait3A_1412 = tpu.memref_squeeze %dma_wait3A_1411 : memref<1x16x128xf16, #tpu.memory_space<hbm>> -> memref<16x128xf16, #tpu.memory_space<hbm>>
    %dma_wait3A_1413 = arith.constant 0 : i32
    %dma_wait3A_1414 = arith.constant 0 : i32
    %dma_wait3A_1415 = tpu.memref_slice %arg12[%dma_wait3A_1404, %dma_wait3A_1413, %dma_wait3A_1414] : memref<64x16x128xf16, #tpu.memory_space<vmem>> -> memref<1x16x128xf16, #tpu.memory_space<vmem>>
    %dma_wait3A_1416 = tpu.memref_squeeze %dma_wait3A_1415 : memref<1x16x128xf16, #tpu.memory_space<vmem>> -> memref<16x128xf16, #tpu.memory_space<vmem>>
    %dma_wait3A_1417 = arith.constant 0 : i32
    %dma_wait3A_1418 = arith.constant 0 : i32
    %dma_wait3A_1419 = tpu.memref_slice %arg5[%squeeze3A_196, %dma_wait3A_1417, %dma_wait3A_1418] : memref<100000x16x128xf16, #tpu.memory_space<hbm>> -> memref<1x16x128xf16, #tpu.memory_space<hbm>>
    %dma_wait3A_1420 = tpu.memref_squeeze %dma_wait3A_1419 : memref<1x16x128xf16, #tpu.memory_space<hbm>> -> memref<16x128xf16, #tpu.memory_space<hbm>>
    tpu.wait_dma2 semaphore(%arg13 : memref<!tpu.dma_semaphore, #tpu.memory_space<semaphore_mem>>) src(%dma_wait3A_1420 : memref<16x128xf16, #tpu.memory_space<hbm>>) dst(%dma_wait3A_1416 : memref<16x128xf16, #tpu.memory_space<vmem>>)
    %dma_wait3A_1421 = arith.constant 11 : i32
    %dma_wait3A_1422 = arith.constant 0 : i32
    %dma_wait3A_1423 = arith.constant 0 : i32
    %dma_wait3A_1424 = tpu.memref_slice %arg12[%dma_wait3A_1421, %dma_wait3A_1422, %dma_wait3A_1423] : memref<64x16x128xf16, #tpu.memory_space<vmem>> -> memref<1x16x128xf16, #tpu.memory_space<vmem>>
    %dma_wait3A_1425 = tpu.memref_squeeze %dma_wait3A_1424 : memref<1x16x128xf16, #tpu.memory_space<vmem>> -> memref<16x128xf16, #tpu.memory_space<vmem>>
    %dma_wait3A_1426 = arith.constant 0 : i32
    %dma_wait3A_1427 = arith.constant 0 : i32
    %dma_wait3A_1428 = tpu.memref_slice %arg5[%squeeze3A_215, %dma_wait3A_1426, %dma_wait3A_1427] : memref<100000x16x128xf16, #tpu.memory_space<hbm>> -> memref<1x16x128xf16, #tpu.memory_space<hbm>>
    %dma_wait3A_1429 = tpu.memref_squeeze %dma_wait3A_1428 : memref<1x16x128xf16, #tpu.memory_space<hbm>> -> memref<16x128xf16, #tpu.memory_space<hbm>>
    %dma_wait3A_1430 = arith.constant 0 : i32
    %dma_wait3A_1431 = arith.constant 0 : i32
    %dma_wait3A_1432 = tpu.memref_slice %arg12[%dma_wait3A_1421, %dma_wait3A_1430, %dma_wait3A_1431] : memref<64x16x128xf16, #tpu.memory_space<vmem>> -> memref<1x16x128xf16, #tpu.memory_space<vmem>>
    %dma_wait3A_1433 = tpu.memref_squeeze %dma_wait3A_1432 : memref<1x16x128xf16, #tpu.memory_space<vmem>> -> memref<16x128xf16, #tpu.memory_space<vmem>>
    %dma_wait3A_1434 = arith.constant 0 : i32
    %dma_wait3A_1435 = arith.constant 0 : i32
    %dma_wait3A_1436 = tpu.memref_slice %arg5[%squeeze3A_215, %dma_wait3A_1434, %dma_wait3A_1435] : memref<100000x16x128xf16, #tpu.memory_space<hbm>> -> memref<1x16x128xf16, #tpu.memory_space<hbm>>
    %dma_wait3A_1437 = tpu.memref_squeeze %dma_wait3A_1436 : memref<1x16x128xf16, #tpu.memory_space<hbm>> -> memref<16x128xf16, #tpu.memory_space<hbm>>
    tpu.wait_dma2 semaphore(%arg13 : memref<!tpu.dma_semaphore, #tpu.memory_space<semaphore_mem>>) src(%dma_wait3A_1437 : memref<16x128xf16, #tpu.memory_space<hbm>>) dst(%dma_wait3A_1433 : memref<16x128xf16, #tpu.memory_space<vmem>>)
    %dma_wait3A_1438 = arith.constant 12 : i32
    %dma_wait3A_1439 = arith.constant 0 : i32
    %dma_wait3A_1440 = arith.constant 0 : i32
    %dma_wait3A_1441 = tpu.memref_slice %arg12[%dma_wait3A_1438, %dma_wait3A_1439, %dma_wait3A_1440] : memref<64x16x128xf16, #tpu.memory_space<vmem>> -> memref<1x16x128xf16, #tpu.memory_space<vmem>>
    %dma_wait3A_1442 = tpu.memref_squeeze %dma_wait3A_1441 : memref<1x16x128xf16, #tpu.memory_space<vmem>> -> memref<16x128xf16, #tpu.memory_space<vmem>>
    %dma_wait3A_1443 = arith.constant 0 : i32
    %dma_wait3A_1444 = arith.constant 0 : i32
    %dma_wait3A_1445 = tpu.memref_slice %arg5[%squeeze3A_234, %dma_wait3A_1443, %dma_wait3A_1444] : memref<100000x16x128xf16, #tpu.memory_space<hbm>> -> memref<1x16x128xf16, #tpu.memory_space<hbm>>
    %dma_wait3A_1446 = tpu.memref_squeeze %dma_wait3A_1445 : memref<1x16x128xf16, #tpu.memory_space<hbm>> -> memref<16x128xf16, #tpu.memory_space<hbm>>
    %dma_wait3A_1447 = arith.constant 0 : i32
    %dma_wait3A_1448 = arith.constant 0 : i32
    %dma_wait3A_1449 = tpu.memref_slice %arg12[%dma_wait3A_1438, %dma_wait3A_1447, %dma_wait3A_1448] : memref<64x16x128xf16, #tpu.memory_space<vmem>> -> memref<1x16x128xf16, #tpu.memory_space<vmem>>
    %dma_wait3A_1450 = tpu.memref_squeeze %dma_wait3A_1449 : memref<1x16x128xf16, #tpu.memory_space<vmem>> -> memref<16x128xf16, #tpu.memory_space<vmem>>
    %dma_wait3A_1451 = arith.constant 0 : i32
    %dma_wait3A_1452 = arith.constant 0 : i32
    %dma_wait3A_1453 = tpu.memref_slice %arg5[%squeeze3A_234, %dma_wait3A_1451, %dma_wait3A_1452] : memref<100000x16x128xf16, #tpu.memory_space<hbm>> -> memref<1x16x128xf16, #tpu.memory_space<hbm>>
    %dma_wait3A_1454 = tpu.memref_squeeze %dma_wait3A_1453 : memref<1x16x128xf16, #tpu.memory_space<hbm>> -> memref<16x128xf16, #tpu.memory_space<hbm>>
    tpu.wait_dma2 semaphore(%arg13 : memref<!tpu.dma_semaphore, #tpu.memory_space<semaphore_mem>>) src(%dma_wait3A_1454 : memref<16x128xf16, #tpu.memory_space<hbm>>) dst(%dma_wait3A_1450 : memref<16x128xf16, #tpu.memory_space<vmem>>)
    %dma_wait3A_1455 = arith.constant 13 : i32
    %dma_wait3A_1456 = arith.constant 0 : i32
    %dma_wait3A_1457 = arith.constant 0 : i32
    %dma_wait3A_1458 = tpu.memref_slice %arg12[%dma_wait3A_1455, %dma_wait3A_1456, %dma_wait3A_1457] : memref<64x16x128xf16, #tpu.memory_space<vmem>> -> memref<1x16x128xf16, #tpu.memory_space<vmem>>
    %dma_wait3A_1459 = tpu.memref_squeeze %dma_wait3A_1458 : memref<1x16x128xf16, #tpu.memory_space<vmem>> -> memref<16x128xf16, #tpu.memory_space<vmem>>
    %dma_wait3A_1460 = arith.constant 0 : i32
    %dma_wait3A_1461 = arith.constant 0 : i32
    %dma_wait3A_1462 = tpu.memref_slice %arg5[%squeeze3A_253, %dma_wait3A_1460, %dma_wait3A_1461] : memref<100000x16x128xf16, #tpu.memory_space<hbm>> -> memref<1x16x128xf16, #tpu.memory_space<hbm>>
    %dma_wait3A_1463 = tpu.memref_squeeze %dma_wait3A_1462 : memref<1x16x128xf16, #tpu.memory_space<hbm>> -> memref<16x128xf16, #tpu.memory_space<hbm>>
    %dma_wait3A_1464 = arith.constant 0 : i32
    %dma_wait3A_1465 = arith.constant 0 : i32
    %dma_wait3A_1466 = tpu.memref_slice %arg12[%dma_wait3A_1455, %dma_wait3A_1464, %dma_wait3A_1465] : memref<64x16x128xf16, #tpu.memory_space<vmem>> -> memref<1x16x128xf16, #tpu.memory_space<vmem>>
    %dma_wait3A_1467 = tpu.memref_squeeze %dma_wait3A_1466 : memref<1x16x128xf16, #tpu.memory_space<vmem>> -> memref<16x128xf16, #tpu.memory_space<vmem>>
    %dma_wait3A_1468 = arith.constant 0 : i32
    %dma_wait3A_1469 = arith.constant 0 : i32
    %dma_wait3A_1470 = tpu.memref_slice %arg5[%squeeze3A_253, %dma_wait3A_1468, %dma_wait3A_1469] : memref<100000x16x128xf16, #tpu.memory_space<hbm>> -> memref<1x16x128xf16, #tpu.memory_space<hbm>>
    %dma_wait3A_1471 = tpu.memref_squeeze %dma_wait3A_1470 : memref<1x16x128xf16, #tpu.memory_space<hbm>> -> memref<16x128xf16, #tpu.memory_space<hbm>>
    tpu.wait_dma2 semaphore(%arg13 : memref<!tpu.dma_semaphore, #tpu.memory_space<semaphore_mem>>) src(%dma_wait3A_1471 : memref<16x128xf16, #tpu.memory_space<hbm>>) dst(%dma_wait3A_1467 : memref<16x128xf16, #tpu.memory_space<vmem>>)
    %dma_wait3A_1472 = arith.constant 14 : i32
    %dma_wait3A_1473 = arith.constant 0 : i32
    %dma_wait3A_1474 = arith.constant 0 : i32
    %dma_wait3A_1475 = tpu.memref_slice %arg12[%dma_wait3A_1472, %dma_wait3A_1473, %dma_wait3A_1474] : memref<64x16x128xf16, #tpu.memory_space<vmem>> -> memref<1x16x128xf16, #tpu.memory_space<vmem>>
    %dma_wait3A_1476 = tpu.memref_squeeze %dma_wait3A_1475 : memref<1x16x128xf16, #tpu.memory_space<vmem>> -> memref<16x128xf16, #tpu.memory_space<vmem>>
    %dma_wait3A_1477 = arith.constant 0 : i32
    %dma_wait3A_1478 = arith.constant 0 : i32
    %dma_wait3A_1479 = tpu.memref_slice %arg5[%squeeze3A_272, %dma_wait3A_1477, %dma_wait3A_1478] : memref<100000x16x128xf16, #tpu.memory_space<hbm>> -> memref<1x16x128xf16, #tpu.memory_space<hbm>>
    %dma_wait3A_1480 = tpu.memref_squeeze %dma_wait3A_1479 : memref<1x16x128xf16, #tpu.memory_space<hbm>> -> memref<16x128xf16, #tpu.memory_space<hbm>>
    %dma_wait3A_1481 = arith.constant 0 : i32
    %dma_wait3A_1482 = arith.constant 0 : i32
    %dma_wait3A_1483 = tpu.memref_slice %arg12[%dma_wait3A_1472, %dma_wait3A_1481, %dma_wait3A_1482] : memref<64x16x128xf16, #tpu.memory_space<vmem>> -> memref<1x16x128xf16, #tpu.memory_space<vmem>>
    %dma_wait3A_1484 = tpu.memref_squeeze %dma_wait3A_1483 : memref<1x16x128xf16, #tpu.memory_space<vmem>> -> memref<16x128xf16, #tpu.memory_space<vmem>>
    %dma_wait3A_1485 = arith.constant 0 : i32
    %dma_wait3A_1486 = arith.constant 0 : i32
    %dma_wait3A_1487 = tpu.memref_slice %arg5[%squeeze3A_272, %dma_wait3A_1485, %dma_wait3A_1486] : memref<100000x16x128xf16, #tpu.memory_space<hbm>> -> memref<1x16x128xf16, #tpu.memory_space<hbm>>
    %dma_wait3A_1488 = tpu.memref_squeeze %dma_wait3A_1487 : memref<1x16x128xf16, #tpu.memory_space<hbm>> -> memref<16x128xf16, #tpu.memory_space<hbm>>
    tpu.wait_dma2 semaphore(%arg13 : memref<!tpu.dma_semaphore, #tpu.memory_space<semaphore_mem>>) src(%dma_wait3A_1488 : memref<16x128xf16, #tpu.memory_space<hbm>>) dst(%dma_wait3A_1484 : memref<16x128xf16, #tpu.memory_space<vmem>>)
    %dma_wait3A_1489 = arith.constant 15 : i32
    %dma_wait3A_1490 = arith.constant 0 : i32
    %dma_wait3A_1491 = arith.constant 0 : i32
    %dma_wait3A_1492 = tpu.memref_slice %arg12[%dma_wait3A_1489, %dma_wait3A_1490, %dma_wait3A_1491] : memref<64x16x128xf16, #tpu.memory_space<vmem>> -> memref<1x16x128xf16, #tpu.memory_space<vmem>>
    %dma_wait3A_1493 = tpu.memref_squeeze %dma_wait3A_1492 : memref<1x16x128xf16, #tpu.memory_space<vmem>> -> memref<16x128xf16, #tpu.memory_space<vmem>>
    %dma_wait3A_1494 = arith.constant 0 : i32
    %dma_wait3A_1495 = arith.constant 0 : i32
    %dma_wait3A_1496 = tpu.memref_slice %arg5[%squeeze3A_291, %dma_wait3A_1494, %dma_wait3A_1495] : memref<100000x16x128xf16, #tpu.memory_space<hbm>> -> memref<1x16x128xf16, #tpu.memory_space<hbm>>
    %dma_wait3A_1497 = tpu.memref_squeeze %dma_wait3A_1496 : memref<1x16x128xf16, #tpu.memory_space<hbm>> -> memref<16x128xf16, #tpu.memory_space<hbm>>
    %dma_wait3A_1498 = arith.constant 0 : i32
    %dma_wait3A_1499 = arith.constant 0 : i32
    %dma_wait3A_1500 = tpu.memref_slice %arg12[%dma_wait3A_1489, %dma_wait3A_1498, %dma_wait3A_1499] : memref<64x16x128xf16, #tpu.memory_space<vmem>> -> memref<1x16x128xf16, #tpu.memory_space<vmem>>
    %dma_wait3A_1501 = tpu.memref_squeeze %dma_wait3A_1500 : memref<1x16x128xf16, #tpu.memory_space<vmem>> -> memref<16x128xf16, #tpu.memory_space<vmem>>
    %dma_wait3A_1502 = arith.constant 0 : i32
    %dma_wait3A_1503 = arith.constant 0 : i32
    %dma_wait3A_1504 = tpu.memref_slice %arg5[%squeeze3A_291, %dma_wait3A_1502, %dma_wait3A_1503] : memref<100000x16x128xf16, #tpu.memory_space<hbm>> -> memref<1x16x128xf16, #tpu.memory_space<hbm>>
    %dma_wait3A_1505 = tpu.memref_squeeze %dma_wait3A_1504 : memref<1x16x128xf16, #tpu.memory_space<hbm>> -> memref<16x128xf16, #tpu.memory_space<hbm>>
    tpu.wait_dma2 semaphore(%arg13 : memref<!tpu.dma_semaphore, #tpu.memory_space<semaphore_mem>>) src(%dma_wait3A_1505 : memref<16x128xf16, #tpu.memory_space<hbm>>) dst(%dma_wait3A_1501 : memref<16x128xf16, #tpu.memory_space<vmem>>)
    %dma_wait3A_1506 = arith.constant 16 : i32
    %dma_wait3A_1507 = arith.constant 0 : i32
    %dma_wait3A_1508 = arith.constant 0 : i32
    %dma_wait3A_1509 = tpu.memref_slice %arg12[%dma_wait3A_1506, %dma_wait3A_1507, %dma_wait3A_1508] : memref<64x16x128xf16, #tpu.memory_space<vmem>> -> memref<1x16x128xf16, #tpu.memory_space<vmem>>
    %dma_wait3A_1510 = tpu.memref_squeeze %dma_wait3A_1509 : memref<1x16x128xf16, #tpu.memory_space<vmem>> -> memref<16x128xf16, #tpu.memory_space<vmem>>
    %dma_wait3A_1511 = arith.constant 0 : i32
    %dma_wait3A_1512 = arith.constant 0 : i32
    %dma_wait3A_1513 = tpu.memref_slice %arg5[%squeeze3A_312, %dma_wait3A_1511, %dma_wait3A_1512] : memref<100000x16x128xf16, #tpu.memory_space<hbm>> -> memref<1x16x128xf16, #tpu.memory_space<hbm>>
    %dma_wait3A_1514 = tpu.memref_squeeze %dma_wait3A_1513 : memref<1x16x128xf16, #tpu.memory_space<hbm>> -> memref<16x128xf16, #tpu.memory_space<hbm>>
    %dma_wait3A_1515 = arith.constant 0 : i32
    %dma_wait3A_1516 = arith.constant 0 : i32
    %dma_wait3A_1517 = tpu.memref_slice %arg12[%dma_wait3A_1506, %dma_wait3A_1515, %dma_wait3A_1516] : memref<64x16x128xf16, #tpu.memory_space<vmem>> -> memref<1x16x128xf16, #tpu.memory_space<vmem>>
    %dma_wait3A_1518 = tpu.memref_squeeze %dma_wait3A_1517 : memref<1x16x128xf16, #tpu.memory_space<vmem>> -> memref<16x128xf16, #tpu.memory_space<vmem>>
    %dma_wait3A_1519 = arith.constant 0 : i32
    %dma_wait3A_1520 = arith.constant 0 : i32
    %dma_wait3A_1521 = tpu.memref_slice %arg5[%squeeze3A_312, %dma_wait3A_1519, %dma_wait3A_1520] : memref<100000x16x128xf16, #tpu.memory_space<hbm>> -> memref<1x16x128xf16, #tpu.memory_space<hbm>>
    %dma_wait3A_1522 = tpu.memref_squeeze %dma_wait3A_1521 : memref<1x16x128xf16, #tpu.memory_space<hbm>> -> memref<16x128xf16, #tpu.memory_space<hbm>>
    tpu.wait_dma2 semaphore(%arg13 : memref<!tpu.dma_semaphore, #tpu.memory_space<semaphore_mem>>) src(%dma_wait3A_1522 : memref<16x128xf16, #tpu.memory_space<hbm>>) dst(%dma_wait3A_1518 : memref<16x128xf16, #tpu.memory_space<vmem>>)
    %dma_wait3A_1523 = arith.constant 17 : i32
    %dma_wait3A_1524 = arith.constant 0 : i32
    %dma_wait3A_1525 = arith.constant 0 : i32
    %dma_wait3A_1526 = tpu.memref_slice %arg12[%dma_wait3A_1523, %dma_wait3A_1524, %dma_wait3A_1525] : memref<64x16x128xf16, #tpu.memory_space<vmem>> -> memref<1x16x128xf16, #tpu.memory_space<vmem>>
    %dma_wait3A_1527 = tpu.memref_squeeze %dma_wait3A_1526 : memref<1x16x128xf16, #tpu.memory_space<vmem>> -> memref<16x128xf16, #tpu.memory_space<vmem>>
    %dma_wait3A_1528 = arith.constant 0 : i32
    %dma_wait3A_1529 = arith.constant 0 : i32
    %dma_wait3A_1530 = tpu.memref_slice %arg5[%squeeze3A_331, %dma_wait3A_1528, %dma_wait3A_1529] : memref<100000x16x128xf16, #tpu.memory_space<hbm>> -> memref<1x16x128xf16, #tpu.memory_space<hbm>>
    %dma_wait3A_1531 = tpu.memref_squeeze %dma_wait3A_1530 : memref<1x16x128xf16, #tpu.memory_space<hbm>> -> memref<16x128xf16, #tpu.memory_space<hbm>>
    %dma_wait3A_1532 = arith.constant 0 : i32
    %dma_wait3A_1533 = arith.constant 0 : i32
    %dma_wait3A_1534 = tpu.memref_slice %arg12[%dma_wait3A_1523, %dma_wait3A_1532, %dma_wait3A_1533] : memref<64x16x128xf16, #tpu.memory_space<vmem>> -> memref<1x16x128xf16, #tpu.memory_space<vmem>>
    %dma_wait3A_1535 = tpu.memref_squeeze %dma_wait3A_1534 : memref<1x16x128xf16, #tpu.memory_space<vmem>> -> memref<16x128xf16, #tpu.memory_space<vmem>>
    %dma_wait3A_1536 = arith.constant 0 : i32
    %dma_wait3A_1537 = arith.constant 0 : i32
    %dma_wait3A_1538 = tpu.memref_slice %arg5[%squeeze3A_331, %dma_wait3A_1536, %dma_wait3A_1537] : memref<100000x16x128xf16, #tpu.memory_space<hbm>> -> memref<1x16x128xf16, #tpu.memory_space<hbm>>
    %dma_wait3A_1539 = tpu.memref_squeeze %dma_wait3A_1538 : memref<1x16x128xf16, #tpu.memory_space<hbm>> -> memref<16x128xf16, #tpu.memory_space<hbm>>
    tpu.wait_dma2 semaphore(%arg13 : memref<!tpu.dma_semaphore, #tpu.memory_space<semaphore_mem>>) src(%dma_wait3A_1539 : memref<16x128xf16, #tpu.memory_space<hbm>>) dst(%dma_wait3A_1535 : memref<16x128xf16, #tpu.memory_space<vmem>>)
    %dma_wait3A_1540 = arith.constant 18 : i32
    %dma_wait3A_1541 = arith.constant 0 : i32
    %dma_wait3A_1542 = arith.constant 0 : i32
    %dma_wait3A_1543 = tpu.memref_slice %arg12[%dma_wait3A_1540, %dma_wait3A_1541, %dma_wait3A_1542] : memref<64x16x128xf16, #tpu.memory_space<vmem>> -> memref<1x16x128xf16, #tpu.memory_space<vmem>>
    %dma_wait3A_1544 = tpu.memref_squeeze %dma_wait3A_1543 : memref<1x16x128xf16, #tpu.memory_space<vmem>> -> memref<16x128xf16, #tpu.memory_space<vmem>>
    %dma_wait3A_1545 = arith.constant 0 : i32
    %dma_wait3A_1546 = arith.constant 0 : i32
    %dma_wait3A_1547 = tpu.memref_slice %arg5[%squeeze3A_350, %dma_wait3A_1545, %dma_wait3A_1546] : memref<100000x16x128xf16, #tpu.memory_space<hbm>> -> memref<1x16x128xf16, #tpu.memory_space<hbm>>
    %dma_wait3A_1548 = tpu.memref_squeeze %dma_wait3A_1547 : memref<1x16x128xf16, #tpu.memory_space<hbm>> -> memref<16x128xf16, #tpu.memory_space<hbm>>
    %dma_wait3A_1549 = arith.constant 0 : i32
    %dma_wait3A_1550 = arith.constant 0 : i32
    %dma_wait3A_1551 = tpu.memref_slice %arg12[%dma_wait3A_1540, %dma_wait3A_1549, %dma_wait3A_1550] : memref<64x16x128xf16, #tpu.memory_space<vmem>> -> memref<1x16x128xf16, #tpu.memory_space<vmem>>
    %dma_wait3A_1552 = tpu.memref_squeeze %dma_wait3A_1551 : memref<1x16x128xf16, #tpu.memory_space<vmem>> -> memref<16x128xf16, #tpu.memory_space<vmem>>
    %dma_wait3A_1553 = arith.constant 0 : i32
    %dma_wait3A_1554 = arith.constant 0 : i32
    %dma_wait3A_1555 = tpu.memref_slice %arg5[%squeeze3A_350, %dma_wait3A_1553, %dma_wait3A_1554] : memref<100000x16x128xf16, #tpu.memory_space<hbm>> -> memref<1x16x128xf16, #tpu.memory_space<hbm>>
    %dma_wait3A_1556 = tpu.memref_squeeze %dma_wait3A_1555 : memref<1x16x128xf16, #tpu.memory_space<hbm>> -> memref<16x128xf16, #tpu.memory_space<hbm>>
    tpu.wait_dma2 semaphore(%arg13 : memref<!tpu.dma_semaphore, #tpu.memory_space<semaphore_mem>>) src(%dma_wait3A_1556 : memref<16x128xf16, #tpu.memory_space<hbm>>) dst(%dma_wait3A_1552 : memref<16x128xf16, #tpu.memory_space<vmem>>)
    %dma_wait3A_1557 = arith.constant 19 : i32
    %dma_wait3A_1558 = arith.constant 0 : i32
    %dma_wait3A_1559 = arith.constant 0 : i32
    %dma_wait3A_1560 = tpu.memref_slice %arg12[%dma_wait3A_1557, %dma_wait3A_1558, %dma_wait3A_1559] : memref<64x16x128xf16, #tpu.memory_space<vmem>> -> memref<1x16x128xf16, #tpu.memory_space<vmem>>
    %dma_wait3A_1561 = tpu.memref_squeeze %dma_wait3A_1560 : memref<1x16x128xf16, #tpu.memory_space<vmem>> -> memref<16x128xf16, #tpu.memory_space<vmem>>
    %dma_wait3A_1562 = arith.constant 0 : i32
    %dma_wait3A_1563 = arith.constant 0 : i32
    %dma_wait3A_1564 = tpu.memref_slice %arg5[%squeeze3A_369, %dma_wait3A_1562, %dma_wait3A_1563] : memref<100000x16x128xf16, #tpu.memory_space<hbm>> -> memref<1x16x128xf16, #tpu.memory_space<hbm>>
    %dma_wait3A_1565 = tpu.memref_squeeze %dma_wait3A_1564 : memref<1x16x128xf16, #tpu.memory_space<hbm>> -> memref<16x128xf16, #tpu.memory_space<hbm>>
    %dma_wait3A_1566 = arith.constant 0 : i32
    %dma_wait3A_1567 = arith.constant 0 : i32
    %dma_wait3A_1568 = tpu.memref_slice %arg12[%dma_wait3A_1557, %dma_wait3A_1566, %dma_wait3A_1567] : memref<64x16x128xf16, #tpu.memory_space<vmem>> -> memref<1x16x128xf16, #tpu.memory_space<vmem>>
    %dma_wait3A_1569 = tpu.memref_squeeze %dma_wait3A_1568 : memref<1x16x128xf16, #tpu.memory_space<vmem>> -> memref<16x128xf16, #tpu.memory_space<vmem>>
    %dma_wait3A_1570 = arith.constant 0 : i32
    %dma_wait3A_1571 = arith.constant 0 : i32
    %dma_wait3A_1572 = tpu.memref_slice %arg5[%squeeze3A_369, %dma_wait3A_1570, %dma_wait3A_1571] : memref<100000x16x128xf16, #tpu.memory_space<hbm>> -> memref<1x16x128xf16, #tpu.memory_space<hbm>>
    %dma_wait3A_1573 = tpu.memref_squeeze %dma_wait3A_1572 : memref<1x16x128xf16, #tpu.memory_space<hbm>> -> memref<16x128xf16, #tpu.memory_space<hbm>>
    tpu.wait_dma2 semaphore(%arg13 : memref<!tpu.dma_semaphore, #tpu.memory_space<semaphore_mem>>) src(%dma_wait3A_1573 : memref<16x128xf16, #tpu.memory_space<hbm>>) dst(%dma_wait3A_1569 : memref<16x128xf16, #tpu.memory_space<vmem>>)
    %dma_wait3A_1574 = arith.constant 20 : i32
    %dma_wait3A_1575 = arith.constant 0 : i32
    %dma_wait3A_1576 = arith.constant 0 : i32
    %dma_wait3A_1577 = tpu.memref_slice %arg12[%dma_wait3A_1574, %dma_wait3A_1575, %dma_wait3A_1576] : memref<64x16x128xf16, #tpu.memory_space<vmem>> -> memref<1x16x128xf16, #tpu.memory_space<vmem>>
    %dma_wait3A_1578 = tpu.memref_squeeze %dma_wait3A_1577 : memref<1x16x128xf16, #tpu.memory_space<vmem>> -> memref<16x128xf16, #tpu.memory_space<vmem>>
    %dma_wait3A_1579 = arith.constant 0 : i32
    %dma_wait3A_1580 = arith.constant 0 : i32
    %dma_wait3A_1581 = tpu.memref_slice %arg5[%squeeze3A_388, %dma_wait3A_1579, %dma_wait3A_1580] : memref<100000x16x128xf16, #tpu.memory_space<hbm>> -> memref<1x16x128xf16, #tpu.memory_space<hbm>>
    %dma_wait3A_1582 = tpu.memref_squeeze %dma_wait3A_1581 : memref<1x16x128xf16, #tpu.memory_space<hbm>> -> memref<16x128xf16, #tpu.memory_space<hbm>>
    %dma_wait3A_1583 = arith.constant 0 : i32
    %dma_wait3A_1584 = arith.constant 0 : i32
    %dma_wait3A_1585 = tpu.memref_slice %arg12[%dma_wait3A_1574, %dma_wait3A_1583, %dma_wait3A_1584] : memref<64x16x128xf16, #tpu.memory_space<vmem>> -> memref<1x16x128xf16, #tpu.memory_space<vmem>>
    %dma_wait3A_1586 = tpu.memref_squeeze %dma_wait3A_1585 : memref<1x16x128xf16, #tpu.memory_space<vmem>> -> memref<16x128xf16, #tpu.memory_space<vmem>>
    %dma_wait3A_1587 = arith.constant 0 : i32
    %dma_wait3A_1588 = arith.constant 0 : i32
    %dma_wait3A_1589 = tpu.memref_slice %arg5[%squeeze3A_388, %dma_wait3A_1587, %dma_wait3A_1588] : memref<100000x16x128xf16, #tpu.memory_space<hbm>> -> memref<1x16x128xf16, #tpu.memory_space<hbm>>
    %dma_wait3A_1590 = tpu.memref_squeeze %dma_wait3A_1589 : memref<1x16x128xf16, #tpu.memory_space<hbm>> -> memref<16x128xf16, #tpu.memory_space<hbm>>
    tpu.wait_dma2 semaphore(%arg13 : memref<!tpu.dma_semaphore, #tpu.memory_space<semaphore_mem>>) src(%dma_wait3A_1590 : memref<16x128xf16, #tpu.memory_space<hbm>>) dst(%dma_wait3A_1586 : memref<16x128xf16, #tpu.memory_space<vmem>>)
    %dma_wait3A_1591 = arith.constant 21 : i32
    %dma_wait3A_1592 = arith.constant 0 : i32
    %dma_wait3A_1593 = arith.constant 0 : i32
    %dma_wait3A_1594 = tpu.memref_slice %arg12[%dma_wait3A_1591, %dma_wait3A_1592, %dma_wait3A_1593] : memref<64x16x128xf16, #tpu.memory_space<vmem>> -> memref<1x16x128xf16, #tpu.memory_space<vmem>>
    %dma_wait3A_1595 = tpu.memref_squeeze %dma_wait3A_1594 : memref<1x16x128xf16, #tpu.memory_space<vmem>> -> memref<16x128xf16, #tpu.memory_space<vmem>>
    %dma_wait3A_1596 = arith.constant 0 : i32
    %dma_wait3A_1597 = arith.constant 0 : i32
    %dma_wait3A_1598 = tpu.memref_slice %arg5[%squeeze3A_407, %dma_wait3A_1596, %dma_wait3A_1597] : memref<100000x16x128xf16, #tpu.memory_space<hbm>> -> memref<1x16x128xf16, #tpu.memory_space<hbm>>
    %dma_wait3A_1599 = tpu.memref_squeeze %dma_wait3A_1598 : memref<1x16x128xf16, #tpu.memory_space<hbm>> -> memref<16x128xf16, #tpu.memory_space<hbm>>
    %dma_wait3A_1600 = arith.constant 0 : i32
    %dma_wait3A_1601 = arith.constant 0 : i32
    %dma_wait3A_1602 = tpu.memref_slice %arg12[%dma_wait3A_1591, %dma_wait3A_1600, %dma_wait3A_1601] : memref<64x16x128xf16, #tpu.memory_space<vmem>> -> memref<1x16x128xf16, #tpu.memory_space<vmem>>
    %dma_wait3A_1603 = tpu.memref_squeeze %dma_wait3A_1602 : memref<1x16x128xf16, #tpu.memory_space<vmem>> -> memref<16x128xf16, #tpu.memory_space<vmem>>
    %dma_wait3A_1604 = arith.constant 0 : i32
    %dma_wait3A_1605 = arith.constant 0 : i32
    %dma_wait3A_1606 = tpu.memref_slice %arg5[%squeeze3A_407, %dma_wait3A_1604, %dma_wait3A_1605] : memref<100000x16x128xf16, #tpu.memory_space<hbm>> -> memref<1x16x128xf16, #tpu.memory_space<hbm>>
    %dma_wait3A_1607 = tpu.memref_squeeze %dma_wait3A_1606 : memref<1x16x128xf16, #tpu.memory_space<hbm>> -> memref<16x128xf16, #tpu.memory_space<hbm>>
    tpu.wait_dma2 semaphore(%arg13 : memref<!tpu.dma_semaphore, #tpu.memory_space<semaphore_mem>>) src(%dma_wait3A_1607 : memref<16x128xf16, #tpu.memory_space<hbm>>) dst(%dma_wait3A_1603 : memref<16x128xf16, #tpu.memory_space<vmem>>)
    %dma_wait3A_1608 = arith.constant 22 : i32
    %dma_wait3A_1609 = arith.constant 0 : i32
    %dma_wait3A_1610 = arith.constant 0 : i32
    %dma_wait3A_1611 = tpu.memref_slice %arg12[%dma_wait3A_1608, %dma_wait3A_1609, %dma_wait3A_1610] : memref<64x16x128xf16, #tpu.memory_space<vmem>> -> memref<1x16x128xf16, #tpu.memory_space<vmem>>
    %dma_wait3A_1612 = tpu.memref_squeeze %dma_wait3A_1611 : memref<1x16x128xf16, #tpu.memory_space<vmem>> -> memref<16x128xf16, #tpu.memory_space<vmem>>
    %dma_wait3A_1613 = arith.constant 0 : i32
    %dma_wait3A_1614 = arith.constant 0 : i32
    %dma_wait3A_1615 = tpu.memref_slice %arg5[%squeeze3A_426, %dma_wait3A_1613, %dma_wait3A_1614] : memref<100000x16x128xf16, #tpu.memory_space<hbm>> -> memref<1x16x128xf16, #tpu.memory_space<hbm>>
    %dma_wait3A_1616 = tpu.memref_squeeze %dma_wait3A_1615 : memref<1x16x128xf16, #tpu.memory_space<hbm>> -> memref<16x128xf16, #tpu.memory_space<hbm>>
    %dma_wait3A_1617 = arith.constant 0 : i32
    %dma_wait3A_1618 = arith.constant 0 : i32
    %dma_wait3A_1619 = tpu.memref_slice %arg12[%dma_wait3A_1608, %dma_wait3A_1617, %dma_wait3A_1618] : memref<64x16x128xf16, #tpu.memory_space<vmem>> -> memref<1x16x128xf16, #tpu.memory_space<vmem>>
    %dma_wait3A_1620 = tpu.memref_squeeze %dma_wait3A_1619 : memref<1x16x128xf16, #tpu.memory_space<vmem>> -> memref<16x128xf16, #tpu.memory_space<vmem>>
    %dma_wait3A_1621 = arith.constant 0 : i32
    %dma_wait3A_1622 = arith.constant 0 : i32
    %dma_wait3A_1623 = tpu.memref_slice %arg5[%squeeze3A_426, %dma_wait3A_1621, %dma_wait3A_1622] : memref<100000x16x128xf16, #tpu.memory_space<hbm>> -> memref<1x16x128xf16, #tpu.memory_space<hbm>>
    %dma_wait3A_1624 = tpu.memref_squeeze %dma_wait3A_1623 : memref<1x16x128xf16, #tpu.memory_space<hbm>> -> memref<16x128xf16, #tpu.memory_space<hbm>>
    tpu.wait_dma2 semaphore(%arg13 : memref<!tpu.dma_semaphore, #tpu.memory_space<semaphore_mem>>) src(%dma_wait3A_1624 : memref<16x128xf16, #tpu.memory_space<hbm>>) dst(%dma_wait3A_1620 : memref<16x128xf16, #tpu.memory_space<vmem>>)
    %dma_wait3A_1625 = arith.constant 23 : i32
    %dma_wait3A_1626 = arith.constant 0 : i32
    %dma_wait3A_1627 = arith.constant 0 : i32
    %dma_wait3A_1628 = tpu.memref_slice %arg12[%dma_wait3A_1625, %dma_wait3A_1626, %dma_wait3A_1627] : memref<64x16x128xf16, #tpu.memory_space<vmem>> -> memref<1x16x128xf16, #tpu.memory_space<vmem>>
    %dma_wait3A_1629 = tpu.memref_squeeze %dma_wait3A_1628 : memref<1x16x128xf16, #tpu.memory_space<vmem>> -> memref<16x128xf16, #tpu.memory_space<vmem>>
    %dma_wait3A_1630 = arith.constant 0 : i32
    %dma_wait3A_1631 = arith.constant 0 : i32
    %dma_wait3A_1632 = tpu.memref_slice %arg5[%squeeze3A_445, %dma_wait3A_1630, %dma_wait3A_1631] : memref<100000x16x128xf16, #tpu.memory_space<hbm>> -> memref<1x16x128xf16, #tpu.memory_space<hbm>>
    %dma_wait3A_1633 = tpu.memref_squeeze %dma_wait3A_1632 : memref<1x16x128xf16, #tpu.memory_space<hbm>> -> memref<16x128xf16, #tpu.memory_space<hbm>>
    %dma_wait3A_1634 = arith.constant 0 : i32
    %dma_wait3A_1635 = arith.constant 0 : i32
    %dma_wait3A_1636 = tpu.memref_slice %arg12[%dma_wait3A_1625, %dma_wait3A_1634, %dma_wait3A_1635] : memref<64x16x128xf16, #tpu.memory_space<vmem>> -> memref<1x16x128xf16, #tpu.memory_space<vmem>>
    %dma_wait3A_1637 = tpu.memref_squeeze %dma_wait3A_1636 : memref<1x16x128xf16, #tpu.memory_space<vmem>> -> memref<16x128xf16, #tpu.memory_space<vmem>>
    %dma_wait3A_1638 = arith.constant 0 : i32
    %dma_wait3A_1639 = arith.constant 0 : i32
    %dma_wait3A_1640 = tpu.memref_slice %arg5[%squeeze3A_445, %dma_wait3A_1638, %dma_wait3A_1639] : memref<100000x16x128xf16, #tpu.memory_space<hbm>> -> memref<1x16x128xf16, #tpu.memory_space<hbm>>
    %dma_wait3A_1641 = tpu.memref_squeeze %dma_wait3A_1640 : memref<1x16x128xf16, #tpu.memory_space<hbm>> -> memref<16x128xf16, #tpu.memory_space<hbm>>
    tpu.wait_dma2 semaphore(%arg13 : memref<!tpu.dma_semaphore, #tpu.memory_space<semaphore_mem>>) src(%dma_wait3A_1641 : memref<16x128xf16, #tpu.memory_space<hbm>>) dst(%dma_wait3A_1637 : memref<16x128xf16, #tpu.memory_space<vmem>>)
    %dma_wait3A_1642 = arith.constant 24 : i32
    %dma_wait3A_1643 = arith.constant 0 : i32
    %dma_wait3A_1644 = arith.constant 0 : i32
    %dma_wait3A_1645 = tpu.memref_slice %arg12[%dma_wait3A_1642, %dma_wait3A_1643, %dma_wait3A_1644] : memref<64x16x128xf16, #tpu.memory_space<vmem>> -> memref<1x16x128xf16, #tpu.memory_space<vmem>>
    %dma_wait3A_1646 = tpu.memref_squeeze %dma_wait3A_1645 : memref<1x16x128xf16, #tpu.memory_space<vmem>> -> memref<16x128xf16, #tpu.memory_space<vmem>>
    %dma_wait3A_1647 = arith.constant 0 : i32
    %dma_wait3A_1648 = arith.constant 0 : i32
    %dma_wait3A_1649 = tpu.memref_slice %arg5[%squeeze3A_464, %dma_wait3A_1647, %dma_wait3A_1648] : memref<100000x16x128xf16, #tpu.memory_space<hbm>> -> memref<1x16x128xf16, #tpu.memory_space<hbm>>
    %dma_wait3A_1650 = tpu.memref_squeeze %dma_wait3A_1649 : memref<1x16x128xf16, #tpu.memory_space<hbm>> -> memref<16x128xf16, #tpu.memory_space<hbm>>
    %dma_wait3A_1651 = arith.constant 0 : i32
    %dma_wait3A_1652 = arith.constant 0 : i32
    %dma_wait3A_1653 = tpu.memref_slice %arg12[%dma_wait3A_1642, %dma_wait3A_1651, %dma_wait3A_1652] : memref<64x16x128xf16, #tpu.memory_space<vmem>> -> memref<1x16x128xf16, #tpu.memory_space<vmem>>
    %dma_wait3A_1654 = tpu.memref_squeeze %dma_wait3A_1653 : memref<1x16x128xf16, #tpu.memory_space<vmem>> -> memref<16x128xf16, #tpu.memory_space<vmem>>
    %dma_wait3A_1655 = arith.constant 0 : i32
    %dma_wait3A_1656 = arith.constant 0 : i32
    %dma_wait3A_1657 = tpu.memref_slice %arg5[%squeeze3A_464, %dma_wait3A_1655, %dma_wait3A_1656] : memref<100000x16x128xf16, #tpu.memory_space<hbm>> -> memref<1x16x128xf16, #tpu.memory_space<hbm>>
    %dma_wait3A_1658 = tpu.memref_squeeze %dma_wait3A_1657 : memref<1x16x128xf16, #tpu.memory_space<hbm>> -> memref<16x128xf16, #tpu.memory_space<hbm>>
    tpu.wait_dma2 semaphore(%arg13 : memref<!tpu.dma_semaphore, #tpu.memory_space<semaphore_mem>>) src(%dma_wait3A_1658 : memref<16x128xf16, #tpu.memory_space<hbm>>) dst(%dma_wait3A_1654 : memref<16x128xf16, #tpu.memory_space<vmem>>)
    %dma_wait3A_1659 = arith.constant 25 : i32
    %dma_wait3A_1660 = arith.constant 0 : i32
    %dma_wait3A_1661 = arith.constant 0 : i32
    %dma_wait3A_1662 = tpu.memref_slice %arg12[%dma_wait3A_1659, %dma_wait3A_1660, %dma_wait3A_1661] : memref<64x16x128xf16, #tpu.memory_space<vmem>> -> memref<1x16x128xf16, #tpu.memory_space<vmem>>
    %dma_wait3A_1663 = tpu.memref_squeeze %dma_wait3A_1662 : memref<1x16x128xf16, #tpu.memory_space<vmem>> -> memref<16x128xf16, #tpu.memory_space<vmem>>
    %dma_wait3A_1664 = arith.constant 0 : i32
    %dma_wait3A_1665 = arith.constant 0 : i32
    %dma_wait3A_1666 = tpu.memref_slice %arg5[%squeeze3A_483, %dma_wait3A_1664, %dma_wait3A_1665] : memref<100000x16x128xf16, #tpu.memory_space<hbm>> -> memref<1x16x128xf16, #tpu.memory_space<hbm>>
    %dma_wait3A_1667 = tpu.memref_squeeze %dma_wait3A_1666 : memref<1x16x128xf16, #tpu.memory_space<hbm>> -> memref<16x128xf16, #tpu.memory_space<hbm>>
    %dma_wait3A_1668 = arith.constant 0 : i32
    %dma_wait3A_1669 = arith.constant 0 : i32
    %dma_wait3A_1670 = tpu.memref_slice %arg12[%dma_wait3A_1659, %dma_wait3A_1668, %dma_wait3A_1669] : memref<64x16x128xf16, #tpu.memory_space<vmem>> -> memref<1x16x128xf16, #tpu.memory_space<vmem>>
    %dma_wait3A_1671 = tpu.memref_squeeze %dma_wait3A_1670 : memref<1x16x128xf16, #tpu.memory_space<vmem>> -> memref<16x128xf16, #tpu.memory_space<vmem>>
    %dma_wait3A_1672 = arith.constant 0 : i32
    %dma_wait3A_1673 = arith.constant 0 : i32
    %dma_wait3A_1674 = tpu.memref_slice %arg5[%squeeze3A_483, %dma_wait3A_1672, %dma_wait3A_1673] : memref<100000x16x128xf16, #tpu.memory_space<hbm>> -> memref<1x16x128xf16, #tpu.memory_space<hbm>>
    %dma_wait3A_1675 = tpu.memref_squeeze %dma_wait3A_1674 : memref<1x16x128xf16, #tpu.memory_space<hbm>> -> memref<16x128xf16, #tpu.memory_space<hbm>>
    tpu.wait_dma2 semaphore(%arg13 : memref<!tpu.dma_semaphore, #tpu.memory_space<semaphore_mem>>) src(%dma_wait3A_1675 : memref<16x128xf16, #tpu.memory_space<hbm>>) dst(%dma_wait3A_1671 : memref<16x128xf16, #tpu.memory_space<vmem>>)
    %dma_wait3A_1676 = arith.constant 26 : i32
    %dma_wait3A_1677 = arith.constant 0 : i32
    %dma_wait3A_1678 = arith.constant 0 : i32
    %dma_wait3A_1679 = tpu.memref_slice %arg12[%dma_wait3A_1676, %dma_wait3A_1677, %dma_wait3A_1678] : memref<64x16x128xf16, #tpu.memory_space<vmem>> -> memref<1x16x128xf16, #tpu.memory_space<vmem>>
    %dma_wait3A_1680 = tpu.memref_squeeze %dma_wait3A_1679 : memref<1x16x128xf16, #tpu.memory_space<vmem>> -> memref<16x128xf16, #tpu.memory_space<vmem>>
    %dma_wait3A_1681 = arith.constant 0 : i32
    %dma_wait3A_1682 = arith.constant 0 : i32
    %dma_wait3A_1683 = tpu.memref_slice %arg5[%squeeze3A_502, %dma_wait3A_1681, %dma_wait3A_1682] : memref<100000x16x128xf16, #tpu.memory_space<hbm>> -> memref<1x16x128xf16, #tpu.memory_space<hbm>>
    %dma_wait3A_1684 = tpu.memref_squeeze %dma_wait3A_1683 : memref<1x16x128xf16, #tpu.memory_space<hbm>> -> memref<16x128xf16, #tpu.memory_space<hbm>>
    %dma_wait3A_1685 = arith.constant 0 : i32
    %dma_wait3A_1686 = arith.constant 0 : i32
    %dma_wait3A_1687 = tpu.memref_slice %arg12[%dma_wait3A_1676, %dma_wait3A_1685, %dma_wait3A_1686] : memref<64x16x128xf16, #tpu.memory_space<vmem>> -> memref<1x16x128xf16, #tpu.memory_space<vmem>>
    %dma_wait3A_1688 = tpu.memref_squeeze %dma_wait3A_1687 : memref<1x16x128xf16, #tpu.memory_space<vmem>> -> memref<16x128xf16, #tpu.memory_space<vmem>>
    %dma_wait3A_1689 = arith.constant 0 : i32
    %dma_wait3A_1690 = arith.constant 0 : i32
    %dma_wait3A_1691 = tpu.memref_slice %arg5[%squeeze3A_502, %dma_wait3A_1689, %dma_wait3A_1690] : memref<100000x16x128xf16, #tpu.memory_space<hbm>> -> memref<1x16x128xf16, #tpu.memory_space<hbm>>
    %dma_wait3A_1692 = tpu.memref_squeeze %dma_wait3A_1691 : memref<1x16x128xf16, #tpu.memory_space<hbm>> -> memref<16x128xf16, #tpu.memory_space<hbm>>
    tpu.wait_dma2 semaphore(%arg13 : memref<!tpu.dma_semaphore, #tpu.memory_space<semaphore_mem>>) src(%dma_wait3A_1692 : memref<16x128xf16, #tpu.memory_space<hbm>>) dst(%dma_wait3A_1688 : memref<16x128xf16, #tpu.memory_space<vmem>>)
    %dma_wait3A_1693 = arith.constant 27 : i32
    %dma_wait3A_1694 = arith.constant 0 : i32
    %dma_wait3A_1695 = arith.constant 0 : i32
    %dma_wait3A_1696 = tpu.memref_slice %arg12[%dma_wait3A_1693, %dma_wait3A_1694, %dma_wait3A_1695] : memref<64x16x128xf16, #tpu.memory_space<vmem>> -> memref<1x16x128xf16, #tpu.memory_space<vmem>>
    %dma_wait3A_1697 = tpu.memref_squeeze %dma_wait3A_1696 : memref<1x16x128xf16, #tpu.memory_space<vmem>> -> memref<16x128xf16, #tpu.memory_space<vmem>>
    %dma_wait3A_1698 = arith.constant 0 : i32
    %dma_wait3A_1699 = arith.constant 0 : i32
    %dma_wait3A_1700 = tpu.memref_slice %arg5[%squeeze3A_521, %dma_wait3A_1698, %dma_wait3A_1699] : memref<100000x16x128xf16, #tpu.memory_space<hbm>> -> memref<1x16x128xf16, #tpu.memory_space<hbm>>
    %dma_wait3A_1701 = tpu.memref_squeeze %dma_wait3A_1700 : memref<1x16x128xf16, #tpu.memory_space<hbm>> -> memref<16x128xf16, #tpu.memory_space<hbm>>
    %dma_wait3A_1702 = arith.constant 0 : i32
    %dma_wait3A_1703 = arith.constant 0 : i32
    %dma_wait3A_1704 = tpu.memref_slice %arg12[%dma_wait3A_1693, %dma_wait3A_1702, %dma_wait3A_1703] : memref<64x16x128xf16, #tpu.memory_space<vmem>> -> memref<1x16x128xf16, #tpu.memory_space<vmem>>
    %dma_wait3A_1705 = tpu.memref_squeeze %dma_wait3A_1704 : memref<1x16x128xf16, #tpu.memory_space<vmem>> -> memref<16x128xf16, #tpu.memory_space<vmem>>
    %dma_wait3A_1706 = arith.constant 0 : i32
    %dma_wait3A_1707 = arith.constant 0 : i32
    %dma_wait3A_1708 = tpu.memref_slice %arg5[%squeeze3A_521, %dma_wait3A_1706, %dma_wait3A_1707] : memref<100000x16x128xf16, #tpu.memory_space<hbm>> -> memref<1x16x128xf16, #tpu.memory_space<hbm>>
    %dma_wait3A_1709 = tpu.memref_squeeze %dma_wait3A_1708 : memref<1x16x128xf16, #tpu.memory_space<hbm>> -> memref<16x128xf16, #tpu.memory_space<hbm>>
    tpu.wait_dma2 semaphore(%arg13 : memref<!tpu.dma_semaphore, #tpu.memory_space<semaphore_mem>>) src(%dma_wait3A_1709 : memref<16x128xf16, #tpu.memory_space<hbm>>) dst(%dma_wait3A_1705 : memref<16x128xf16, #tpu.memory_space<vmem>>)
    %dma_wait3A_1710 = arith.constant 28 : i32
    %dma_wait3A_1711 = arith.constant 0 : i32
    %dma_wait3A_1712 = arith.constant 0 : i32
    %dma_wait3A_1713 = tpu.memref_slice %arg12[%dma_wait3A_1710, %dma_wait3A_1711, %dma_wait3A_1712] : memref<64x16x128xf16, #tpu.memory_space<vmem>> -> memref<1x16x128xf16, #tpu.memory_space<vmem>>
    %dma_wait3A_1714 = tpu.memref_squeeze %dma_wait3A_1713 : memref<1x16x128xf16, #tpu.memory_space<vmem>> -> memref<16x128xf16, #tpu.memory_space<vmem>>
    %dma_wait3A_1715 = arith.constant 0 : i32
    %dma_wait3A_1716 = arith.constant 0 : i32
    %dma_wait3A_1717 = tpu.memref_slice %arg5[%squeeze3A_540, %dma_wait3A_1715, %dma_wait3A_1716] : memref<100000x16x128xf16, #tpu.memory_space<hbm>> -> memref<1x16x128xf16, #tpu.memory_space<hbm>>
    %dma_wait3A_1718 = tpu.memref_squeeze %dma_wait3A_1717 : memref<1x16x128xf16, #tpu.memory_space<hbm>> -> memref<16x128xf16, #tpu.memory_space<hbm>>
    %dma_wait3A_1719 = arith.constant 0 : i32
    %dma_wait3A_1720 = arith.constant 0 : i32
    %dma_wait3A_1721 = tpu.memref_slice %arg12[%dma_wait3A_1710, %dma_wait3A_1719, %dma_wait3A_1720] : memref<64x16x128xf16, #tpu.memory_space<vmem>> -> memref<1x16x128xf16, #tpu.memory_space<vmem>>
    %dma_wait3A_1722 = tpu.memref_squeeze %dma_wait3A_1721 : memref<1x16x128xf16, #tpu.memory_space<vmem>> -> memref<16x128xf16, #tpu.memory_space<vmem>>
    %dma_wait3A_1723 = arith.constant 0 : i32
    %dma_wait3A_1724 = arith.constant 0 : i32
    %dma_wait3A_1725 = tpu.memref_slice %arg5[%squeeze3A_540, %dma_wait3A_1723, %dma_wait3A_1724] : memref<100000x16x128xf16, #tpu.memory_space<hbm>> -> memref<1x16x128xf16, #tpu.memory_space<hbm>>
    %dma_wait3A_1726 = tpu.memref_squeeze %dma_wait3A_1725 : memref<1x16x128xf16, #tpu.memory_space<hbm>> -> memref<16x128xf16, #tpu.memory_space<hbm>>
    tpu.wait_dma2 semaphore(%arg13 : memref<!tpu.dma_semaphore, #tpu.memory_space<semaphore_mem>>) src(%dma_wait3A_1726 : memref<16x128xf16, #tpu.memory_space<hbm>>) dst(%dma_wait3A_1722 : memref<16x128xf16, #tpu.memory_space<vmem>>)
    %dma_wait3A_1727 = arith.constant 29 : i32
    %dma_wait3A_1728 = arith.constant 0 : i32
    %dma_wait3A_1729 = arith.constant 0 : i32
    %dma_wait3A_1730 = tpu.memref_slice %arg12[%dma_wait3A_1727, %dma_wait3A_1728, %dma_wait3A_1729] : memref<64x16x128xf16, #tpu.memory_space<vmem>> -> memref<1x16x128xf16, #tpu.memory_space<vmem>>
    %dma_wait3A_1731 = tpu.memref_squeeze %dma_wait3A_1730 : memref<1x16x128xf16, #tpu.memory_space<vmem>> -> memref<16x128xf16, #tpu.memory_space<vmem>>
    %dma_wait3A_1732 = arith.constant 0 : i32
    %dma_wait3A_1733 = arith.constant 0 : i32
    %dma_wait3A_1734 = tpu.memref_slice %arg5[%squeeze3A_559, %dma_wait3A_1732, %dma_wait3A_1733] : memref<100000x16x128xf16, #tpu.memory_space<hbm>> -> memref<1x16x128xf16, #tpu.memory_space<hbm>>
    %dma_wait3A_1735 = tpu.memref_squeeze %dma_wait3A_1734 : memref<1x16x128xf16, #tpu.memory_space<hbm>> -> memref<16x128xf16, #tpu.memory_space<hbm>>
    %dma_wait3A_1736 = arith.constant 0 : i32
    %dma_wait3A_1737 = arith.constant 0 : i32
    %dma_wait3A_1738 = tpu.memref_slice %arg12[%dma_wait3A_1727, %dma_wait3A_1736, %dma_wait3A_1737] : memref<64x16x128xf16, #tpu.memory_space<vmem>> -> memref<1x16x128xf16, #tpu.memory_space<vmem>>
    %dma_wait3A_1739 = tpu.memref_squeeze %dma_wait3A_1738 : memref<1x16x128xf16, #tpu.memory_space<vmem>> -> memref<16x128xf16, #tpu.memory_space<vmem>>
    %dma_wait3A_1740 = arith.constant 0 : i32
    %dma_wait3A_1741 = arith.constant 0 : i32
    %dma_wait3A_1742 = tpu.memref_slice %arg5[%squeeze3A_559, %dma_wait3A_1740, %dma_wait3A_1741] : memref<100000x16x128xf16, #tpu.memory_space<hbm>> -> memref<1x16x128xf16, #tpu.memory_space<hbm>>
    %dma_wait3A_1743 = tpu.memref_squeeze %dma_wait3A_1742 : memref<1x16x128xf16, #tpu.memory_space<hbm>> -> memref<16x128xf16, #tpu.memory_space<hbm>>
    tpu.wait_dma2 semaphore(%arg13 : memref<!tpu.dma_semaphore, #tpu.memory_space<semaphore_mem>>) src(%dma_wait3A_1743 : memref<16x128xf16, #tpu.memory_space<hbm>>) dst(%dma_wait3A_1739 : memref<16x128xf16, #tpu.memory_space<vmem>>)
    %dma_wait3A_1744 = arith.constant 30 : i32
    %dma_wait3A_1745 = arith.constant 0 : i32
    %dma_wait3A_1746 = arith.constant 0 : i32
    %dma_wait3A_1747 = tpu.memref_slice %arg12[%dma_wait3A_1744, %dma_wait3A_1745, %dma_wait3A_1746] : memref<64x16x128xf16, #tpu.memory_space<vmem>> -> memref<1x16x128xf16, #tpu.memory_space<vmem>>
    %dma_wait3A_1748 = tpu.memref_squeeze %dma_wait3A_1747 : memref<1x16x128xf16, #tpu.memory_space<vmem>> -> memref<16x128xf16, #tpu.memory_space<vmem>>
    %dma_wait3A_1749 = arith.constant 0 : i32
    %dma_wait3A_1750 = arith.constant 0 : i32
    %dma_wait3A_1751 = tpu.memref_slice %arg5[%squeeze3A_578, %dma_wait3A_1749, %dma_wait3A_1750] : memref<100000x16x128xf16, #tpu.memory_space<hbm>> -> memref<1x16x128xf16, #tpu.memory_space<hbm>>
    %dma_wait3A_1752 = tpu.memref_squeeze %dma_wait3A_1751 : memref<1x16x128xf16, #tpu.memory_space<hbm>> -> memref<16x128xf16, #tpu.memory_space<hbm>>
    %dma_wait3A_1753 = arith.constant 0 : i32
    %dma_wait3A_1754 = arith.constant 0 : i32
    %dma_wait3A_1755 = tpu.memref_slice %arg12[%dma_wait3A_1744, %dma_wait3A_1753, %dma_wait3A_1754] : memref<64x16x128xf16, #tpu.memory_space<vmem>> -> memref<1x16x128xf16, #tpu.memory_space<vmem>>
    %dma_wait3A_1756 = tpu.memref_squeeze %dma_wait3A_1755 : memref<1x16x128xf16, #tpu.memory_space<vmem>> -> memref<16x128xf16, #tpu.memory_space<vmem>>
    %dma_wait3A_1757 = arith.constant 0 : i32
    %dma_wait3A_1758 = arith.constant 0 : i32
    %dma_wait3A_1759 = tpu.memref_slice %arg5[%squeeze3A_578, %dma_wait3A_1757, %dma_wait3A_1758] : memref<100000x16x128xf16, #tpu.memory_space<hbm>> -> memref<1x16x128xf16, #tpu.memory_space<hbm>>
    %dma_wait3A_1760 = tpu.memref_squeeze %dma_wait3A_1759 : memref<1x16x128xf16, #tpu.memory_space<hbm>> -> memref<16x128xf16, #tpu.memory_space<hbm>>
    tpu.wait_dma2 semaphore(%arg13 : memref<!tpu.dma_semaphore, #tpu.memory_space<semaphore_mem>>) src(%dma_wait3A_1760 : memref<16x128xf16, #tpu.memory_space<hbm>>) dst(%dma_wait3A_1756 : memref<16x128xf16, #tpu.memory_space<vmem>>)
    %dma_wait3A_1761 = arith.constant 31 : i32
    %dma_wait3A_1762 = arith.constant 0 : i32
    %dma_wait3A_1763 = arith.constant 0 : i32
    %dma_wait3A_1764 = tpu.memref_slice %arg12[%dma_wait3A_1761, %dma_wait3A_1762, %dma_wait3A_1763] : memref<64x16x128xf16, #tpu.memory_space<vmem>> -> memref<1x16x128xf16, #tpu.memory_space<vmem>>
    %dma_wait3A_1765 = tpu.memref_squeeze %dma_wait3A_1764 : memref<1x16x128xf16, #tpu.memory_space<vmem>> -> memref<16x128xf16, #tpu.memory_space<vmem>>
    %dma_wait3A_1766 = arith.constant 0 : i32
    %dma_wait3A_1767 = arith.constant 0 : i32
    %dma_wait3A_1768 = tpu.memref_slice %arg5[%squeeze3A_597, %dma_wait3A_1766, %dma_wait3A_1767] : memref<100000x16x128xf16, #tpu.memory_space<hbm>> -> memref<1x16x128xf16, #tpu.memory_space<hbm>>
    %dma_wait3A_1769 = tpu.memref_squeeze %dma_wait3A_1768 : memref<1x16x128xf16, #tpu.memory_space<hbm>> -> memref<16x128xf16, #tpu.memory_space<hbm>>
    %dma_wait3A_1770 = arith.constant 0 : i32
    %dma_wait3A_1771 = arith.constant 0 : i32
    %dma_wait3A_1772 = tpu.memref_slice %arg12[%dma_wait3A_1761, %dma_wait3A_1770, %dma_wait3A_1771] : memref<64x16x128xf16, #tpu.memory_space<vmem>> -> memref<1x16x128xf16, #tpu.memory_space<vmem>>
    %dma_wait3A_1773 = tpu.memref_squeeze %dma_wait3A_1772 : memref<1x16x128xf16, #tpu.memory_space<vmem>> -> memref<16x128xf16, #tpu.memory_space<vmem>>
    %dma_wait3A_1774 = arith.constant 0 : i32
    %dma_wait3A_1775 = arith.constant 0 : i32
    %dma_wait3A_1776 = tpu.memref_slice %arg5[%squeeze3A_597, %dma_wait3A_1774, %dma_wait3A_1775] : memref<100000x16x128xf16, #tpu.memory_space<hbm>> -> memref<1x16x128xf16, #tpu.memory_space<hbm>>
    %dma_wait3A_1777 = tpu.memref_squeeze %dma_wait3A_1776 : memref<1x16x128xf16, #tpu.memory_space<hbm>> -> memref<16x128xf16, #tpu.memory_space<hbm>>
    tpu.wait_dma2 semaphore(%arg13 : memref<!tpu.dma_semaphore, #tpu.memory_space<semaphore_mem>>) src(%dma_wait3A_1777 : memref<16x128xf16, #tpu.memory_space<hbm>>) dst(%dma_wait3A_1773 : memref<16x128xf16, #tpu.memory_space<vmem>>)
    %dma_wait3A_1778 = arith.constant 32 : i32
    %dma_wait3A_1779 = arith.constant 0 : i32
    %dma_wait3A_1780 = arith.constant 0 : i32
    %dma_wait3A_1781 = tpu.memref_slice %arg12[%dma_wait3A_1778, %dma_wait3A_1779, %dma_wait3A_1780] : memref<64x16x128xf16, #tpu.memory_space<vmem>> -> memref<1x16x128xf16, #tpu.memory_space<vmem>>
    %dma_wait3A_1782 = tpu.memref_squeeze %dma_wait3A_1781 : memref<1x16x128xf16, #tpu.memory_space<vmem>> -> memref<16x128xf16, #tpu.memory_space<vmem>>
    %dma_wait3A_1783 = arith.constant 0 : i32
    %dma_wait3A_1784 = arith.constant 0 : i32
    %dma_wait3A_1785 = tpu.memref_slice %arg5[%squeeze3A_618, %dma_wait3A_1783, %dma_wait3A_1784] : memref<100000x16x128xf16, #tpu.memory_space<hbm>> -> memref<1x16x128xf16, #tpu.memory_space<hbm>>
    %dma_wait3A_1786 = tpu.memref_squeeze %dma_wait3A_1785 : memref<1x16x128xf16, #tpu.memory_space<hbm>> -> memref<16x128xf16, #tpu.memory_space<hbm>>
    %dma_wait3A_1787 = arith.constant 0 : i32
    %dma_wait3A_1788 = arith.constant 0 : i32
    %dma_wait3A_1789 = tpu.memref_slice %arg12[%dma_wait3A_1778, %dma_wait3A_1787, %dma_wait3A_1788] : memref<64x16x128xf16, #tpu.memory_space<vmem>> -> memref<1x16x128xf16, #tpu.memory_space<vmem>>
    %dma_wait3A_1790 = tpu.memref_squeeze %dma_wait3A_1789 : memref<1x16x128xf16, #tpu.memory_space<vmem>> -> memref<16x128xf16, #tpu.memory_space<vmem>>
    %dma_wait3A_1791 = arith.constant 0 : i32
    %dma_wait3A_1792 = arith.constant 0 : i32
    %dma_wait3A_1793 = tpu.memref_slice %arg5[%squeeze3A_618, %dma_wait3A_1791, %dma_wait3A_1792] : memref<100000x16x128xf16, #tpu.memory_space<hbm>> -> memref<1x16x128xf16, #tpu.memory_space<hbm>>
    %dma_wait3A_1794 = tpu.memref_squeeze %dma_wait3A_1793 : memref<1x16x128xf16, #tpu.memory_space<hbm>> -> memref<16x128xf16, #tpu.memory_space<hbm>>
    tpu.wait_dma2 semaphore(%arg13 : memref<!tpu.dma_semaphore, #tpu.memory_space<semaphore_mem>>) src(%dma_wait3A_1794 : memref<16x128xf16, #tpu.memory_space<hbm>>) dst(%dma_wait3A_1790 : memref<16x128xf16, #tpu.memory_space<vmem>>)
    %dma_wait3A_1795 = arith.constant 33 : i32
    %dma_wait3A_1796 = arith.constant 0 : i32
    %dma_wait3A_1797 = arith.constant 0 : i32
    %dma_wait3A_1798 = tpu.memref_slice %arg12[%dma_wait3A_1795, %dma_wait3A_1796, %dma_wait3A_1797] : memref<64x16x128xf16, #tpu.memory_space<vmem>> -> memref<1x16x128xf16, #tpu.memory_space<vmem>>
    %dma_wait3A_1799 = tpu.memref_squeeze %dma_wait3A_1798 : memref<1x16x128xf16, #tpu.memory_space<vmem>> -> memref<16x128xf16, #tpu.memory_space<vmem>>
    %dma_wait3A_1800 = arith.constant 0 : i32
    %dma_wait3A_1801 = arith.constant 0 : i32
    %dma_wait3A_1802 = tpu.memref_slice %arg5[%squeeze3A_637, %dma_wait3A_1800, %dma_wait3A_1801] : memref<100000x16x128xf16, #tpu.memory_space<hbm>> -> memref<1x16x128xf16, #tpu.memory_space<hbm>>
    %dma_wait3A_1803 = tpu.memref_squeeze %dma_wait3A_1802 : memref<1x16x128xf16, #tpu.memory_space<hbm>> -> memref<16x128xf16, #tpu.memory_space<hbm>>
    %dma_wait3A_1804 = arith.constant 0 : i32
    %dma_wait3A_1805 = arith.constant 0 : i32
    %dma_wait3A_1806 = tpu.memref_slice %arg12[%dma_wait3A_1795, %dma_wait3A_1804, %dma_wait3A_1805] : memref<64x16x128xf16, #tpu.memory_space<vmem>> -> memref<1x16x128xf16, #tpu.memory_space<vmem>>
    %dma_wait3A_1807 = tpu.memref_squeeze %dma_wait3A_1806 : memref<1x16x128xf16, #tpu.memory_space<vmem>> -> memref<16x128xf16, #tpu.memory_space<vmem>>
    %dma_wait3A_1808 = arith.constant 0 : i32
    %dma_wait3A_1809 = arith.constant 0 : i32
    %dma_wait3A_1810 = tpu.memref_slice %arg5[%squeeze3A_637, %dma_wait3A_1808, %dma_wait3A_1809] : memref<100000x16x128xf16, #tpu.memory_space<hbm>> -> memref<1x16x128xf16, #tpu.memory_space<hbm>>
    %dma_wait3A_1811 = tpu.memref_squeeze %dma_wait3A_1810 : memref<1x16x128xf16, #tpu.memory_space<hbm>> -> memref<16x128xf16, #tpu.memory_space<hbm>>
    tpu.wait_dma2 semaphore(%arg13 : memref<!tpu.dma_semaphore, #tpu.memory_space<semaphore_mem>>) src(%dma_wait3A_1811 : memref<16x128xf16, #tpu.memory_space<hbm>>) dst(%dma_wait3A_1807 : memref<16x128xf16, #tpu.memory_space<vmem>>)
    %dma_wait3A_1812 = arith.constant 34 : i32
    %dma_wait3A_1813 = arith.constant 0 : i32
    %dma_wait3A_1814 = arith.constant 0 : i32
    %dma_wait3A_1815 = tpu.memref_slice %arg12[%dma_wait3A_1812, %dma_wait3A_1813, %dma_wait3A_1814] : memref<64x16x128xf16, #tpu.memory_space<vmem>> -> memref<1x16x128xf16, #tpu.memory_space<vmem>>
    %dma_wait3A_1816 = tpu.memref_squeeze %dma_wait3A_1815 : memref<1x16x128xf16, #tpu.memory_space<vmem>> -> memref<16x128xf16, #tpu.memory_space<vmem>>
    %dma_wait3A_1817 = arith.constant 0 : i32
    %dma_wait3A_1818 = arith.constant 0 : i32
    %dma_wait3A_1819 = tpu.memref_slice %arg5[%squeeze3A_656, %dma_wait3A_1817, %dma_wait3A_1818] : memref<100000x16x128xf16, #tpu.memory_space<hbm>> -> memref<1x16x128xf16, #tpu.memory_space<hbm>>
    %dma_wait3A_1820 = tpu.memref_squeeze %dma_wait3A_1819 : memref<1x16x128xf16, #tpu.memory_space<hbm>> -> memref<16x128xf16, #tpu.memory_space<hbm>>
    %dma_wait3A_1821 = arith.constant 0 : i32
    %dma_wait3A_1822 = arith.constant 0 : i32
    %dma_wait3A_1823 = tpu.memref_slice %arg12[%dma_wait3A_1812, %dma_wait3A_1821, %dma_wait3A_1822] : memref<64x16x128xf16, #tpu.memory_space<vmem>> -> memref<1x16x128xf16, #tpu.memory_space<vmem>>
    %dma_wait3A_1824 = tpu.memref_squeeze %dma_wait3A_1823 : memref<1x16x128xf16, #tpu.memory_space<vmem>> -> memref<16x128xf16, #tpu.memory_space<vmem>>
    %dma_wait3A_1825 = arith.constant 0 : i32
    %dma_wait3A_1826 = arith.constant 0 : i32
    %dma_wait3A_1827 = tpu.memref_slice %arg5[%squeeze3A_656, %dma_wait3A_1825, %dma_wait3A_1826] : memref<100000x16x128xf16, #tpu.memory_space<hbm>> -> memref<1x16x128xf16, #tpu.memory_space<hbm>>
    %dma_wait3A_1828 = tpu.memref_squeeze %dma_wait3A_1827 : memref<1x16x128xf16, #tpu.memory_space<hbm>> -> memref<16x128xf16, #tpu.memory_space<hbm>>
    tpu.wait_dma2 semaphore(%arg13 : memref<!tpu.dma_semaphore, #tpu.memory_space<semaphore_mem>>) src(%dma_wait3A_1828 : memref<16x128xf16, #tpu.memory_space<hbm>>) dst(%dma_wait3A_1824 : memref<16x128xf16, #tpu.memory_space<vmem>>)
    %dma_wait3A_1829 = arith.constant 35 : i32
    %dma_wait3A_1830 = arith.constant 0 : i32
    %dma_wait3A_1831 = arith.constant 0 : i32
    %dma_wait3A_1832 = tpu.memref_slice %arg12[%dma_wait3A_1829, %dma_wait3A_1830, %dma_wait3A_1831] : memref<64x16x128xf16, #tpu.memory_space<vmem>> -> memref<1x16x128xf16, #tpu.memory_space<vmem>>
    %dma_wait3A_1833 = tpu.memref_squeeze %dma_wait3A_1832 : memref<1x16x128xf16, #tpu.memory_space<vmem>> -> memref<16x128xf16, #tpu.memory_space<vmem>>
    %dma_wait3A_1834 = arith.constant 0 : i32
    %dma_wait3A_1835 = arith.constant 0 : i32
    %dma_wait3A_1836 = tpu.memref_slice %arg5[%squeeze3A_675, %dma_wait3A_1834, %dma_wait3A_1835] : memref<100000x16x128xf16, #tpu.memory_space<hbm>> -> memref<1x16x128xf16, #tpu.memory_space<hbm>>
    %dma_wait3A_1837 = tpu.memref_squeeze %dma_wait3A_1836 : memref<1x16x128xf16, #tpu.memory_space<hbm>> -> memref<16x128xf16, #tpu.memory_space<hbm>>
    %dma_wait3A_1838 = arith.constant 0 : i32
    %dma_wait3A_1839 = arith.constant 0 : i32
    %dma_wait3A_1840 = tpu.memref_slice %arg12[%dma_wait3A_1829, %dma_wait3A_1838, %dma_wait3A_1839] : memref<64x16x128xf16, #tpu.memory_space<vmem>> -> memref<1x16x128xf16, #tpu.memory_space<vmem>>
    %dma_wait3A_1841 = tpu.memref_squeeze %dma_wait3A_1840 : memref<1x16x128xf16, #tpu.memory_space<vmem>> -> memref<16x128xf16, #tpu.memory_space<vmem>>
    %dma_wait3A_1842 = arith.constant 0 : i32
    %dma_wait3A_1843 = arith.constant 0 : i32
    %dma_wait3A_1844 = tpu.memref_slice %arg5[%squeeze3A_675, %dma_wait3A_1842, %dma_wait3A_1843] : memref<100000x16x128xf16, #tpu.memory_space<hbm>> -> memref<1x16x128xf16, #tpu.memory_space<hbm>>
    %dma_wait3A_1845 = tpu.memref_squeeze %dma_wait3A_1844 : memref<1x16x128xf16, #tpu.memory_space<hbm>> -> memref<16x128xf16, #tpu.memory_space<hbm>>
    tpu.wait_dma2 semaphore(%arg13 : memref<!tpu.dma_semaphore, #tpu.memory_space<semaphore_mem>>) src(%dma_wait3A_1845 : memref<16x128xf16, #tpu.memory_space<hbm>>) dst(%dma_wait3A_1841 : memref<16x128xf16, #tpu.memory_space<vmem>>)
    %dma_wait3A_1846 = arith.constant 36 : i32
    %dma_wait3A_1847 = arith.constant 0 : i32
    %dma_wait3A_1848 = arith.constant 0 : i32
    %dma_wait3A_1849 = tpu.memref_slice %arg12[%dma_wait3A_1846, %dma_wait3A_1847, %dma_wait3A_1848] : memref<64x16x128xf16, #tpu.memory_space<vmem>> -> memref<1x16x128xf16, #tpu.memory_space<vmem>>
    %dma_wait3A_1850 = tpu.memref_squeeze %dma_wait3A_1849 : memref<1x16x128xf16, #tpu.memory_space<vmem>> -> memref<16x128xf16, #tpu.memory_space<vmem>>
    %dma_wait3A_1851 = arith.constant 0 : i32
    %dma_wait3A_1852 = arith.constant 0 : i32
    %dma_wait3A_1853 = tpu.memref_slice %arg5[%squeeze3A_694, %dma_wait3A_1851, %dma_wait3A_1852] : memref<100000x16x128xf16, #tpu.memory_space<hbm>> -> memref<1x16x128xf16, #tpu.memory_space<hbm>>
    %dma_wait3A_1854 = tpu.memref_squeeze %dma_wait3A_1853 : memref<1x16x128xf16, #tpu.memory_space<hbm>> -> memref<16x128xf16, #tpu.memory_space<hbm>>
    %dma_wait3A_1855 = arith.constant 0 : i32
    %dma_wait3A_1856 = arith.constant 0 : i32
    %dma_wait3A_1857 = tpu.memref_slice %arg12[%dma_wait3A_1846, %dma_wait3A_1855, %dma_wait3A_1856] : memref<64x16x128xf16, #tpu.memory_space<vmem>> -> memref<1x16x128xf16, #tpu.memory_space<vmem>>
    %dma_wait3A_1858 = tpu.memref_squeeze %dma_wait3A_1857 : memref<1x16x128xf16, #tpu.memory_space<vmem>> -> memref<16x128xf16, #tpu.memory_space<vmem>>
    %dma_wait3A_1859 = arith.constant 0 : i32
    %dma_wait3A_1860 = arith.constant 0 : i32
    %dma_wait3A_1861 = tpu.memref_slice %arg5[%squeeze3A_694, %dma_wait3A_1859, %dma_wait3A_1860] : memref<100000x16x128xf16, #tpu.memory_space<hbm>> -> memref<1x16x128xf16, #tpu.memory_space<hbm>>
    %dma_wait3A_1862 = tpu.memref_squeeze %dma_wait3A_1861 : memref<1x16x128xf16, #tpu.memory_space<hbm>> -> memref<16x128xf16, #tpu.memory_space<hbm>>
    tpu.wait_dma2 semaphore(%arg13 : memref<!tpu.dma_semaphore, #tpu.memory_space<semaphore_mem>>) src(%dma_wait3A_1862 : memref<16x128xf16, #tpu.memory_space<hbm>>) dst(%dma_wait3A_1858 : memref<16x128xf16, #tpu.memory_space<vmem>>)
    %dma_wait3A_1863 = arith.constant 37 : i32
    %dma_wait3A_1864 = arith.constant 0 : i32
    %dma_wait3A_1865 = arith.constant 0 : i32
    %dma_wait3A_1866 = tpu.memref_slice %arg12[%dma_wait3A_1863, %dma_wait3A_1864, %dma_wait3A_1865] : memref<64x16x128xf16, #tpu.memory_space<vmem>> -> memref<1x16x128xf16, #tpu.memory_space<vmem>>
    %dma_wait3A_1867 = tpu.memref_squeeze %dma_wait3A_1866 : memref<1x16x128xf16, #tpu.memory_space<vmem>> -> memref<16x128xf16, #tpu.memory_space<vmem>>
    %dma_wait3A_1868 = arith.constant 0 : i32
    %dma_wait3A_1869 = arith.constant 0 : i32
    %dma_wait3A_1870 = tpu.memref_slice %arg5[%squeeze3A_713, %dma_wait3A_1868, %dma_wait3A_1869] : memref<100000x16x128xf16, #tpu.memory_space<hbm>> -> memref<1x16x128xf16, #tpu.memory_space<hbm>>
    %dma_wait3A_1871 = tpu.memref_squeeze %dma_wait3A_1870 : memref<1x16x128xf16, #tpu.memory_space<hbm>> -> memref<16x128xf16, #tpu.memory_space<hbm>>
    %dma_wait3A_1872 = arith.constant 0 : i32
    %dma_wait3A_1873 = arith.constant 0 : i32
    %dma_wait3A_1874 = tpu.memref_slice %arg12[%dma_wait3A_1863, %dma_wait3A_1872, %dma_wait3A_1873] : memref<64x16x128xf16, #tpu.memory_space<vmem>> -> memref<1x16x128xf16, #tpu.memory_space<vmem>>
    %dma_wait3A_1875 = tpu.memref_squeeze %dma_wait3A_1874 : memref<1x16x128xf16, #tpu.memory_space<vmem>> -> memref<16x128xf16, #tpu.memory_space<vmem>>
    %dma_wait3A_1876 = arith.constant 0 : i32
    %dma_wait3A_1877 = arith.constant 0 : i32
    %dma_wait3A_1878 = tpu.memref_slice %arg5[%squeeze3A_713, %dma_wait3A_1876, %dma_wait3A_1877] : memref<100000x16x128xf16, #tpu.memory_space<hbm>> -> memref<1x16x128xf16, #tpu.memory_space<hbm>>
    %dma_wait3A_1879 = tpu.memref_squeeze %dma_wait3A_1878 : memref<1x16x128xf16, #tpu.memory_space<hbm>> -> memref<16x128xf16, #tpu.memory_space<hbm>>
    tpu.wait_dma2 semaphore(%arg13 : memref<!tpu.dma_semaphore, #tpu.memory_space<semaphore_mem>>) src(%dma_wait3A_1879 : memref<16x128xf16, #tpu.memory_space<hbm>>) dst(%dma_wait3A_1875 : memref<16x128xf16, #tpu.memory_space<vmem>>)
    %dma_wait3A_1880 = arith.constant 38 : i32
    %dma_wait3A_1881 = arith.constant 0 : i32
    %dma_wait3A_1882 = arith.constant 0 : i32
    %dma_wait3A_1883 = tpu.memref_slice %arg12[%dma_wait3A_1880, %dma_wait3A_1881, %dma_wait3A_1882] : memref<64x16x128xf16, #tpu.memory_space<vmem>> -> memref<1x16x128xf16, #tpu.memory_space<vmem>>
    %dma_wait3A_1884 = tpu.memref_squeeze %dma_wait3A_1883 : memref<1x16x128xf16, #tpu.memory_space<vmem>> -> memref<16x128xf16, #tpu.memory_space<vmem>>
    %dma_wait3A_1885 = arith.constant 0 : i32
    %dma_wait3A_1886 = arith.constant 0 : i32
    %dma_wait3A_1887 = tpu.memref_slice %arg5[%squeeze3A_732, %dma_wait3A_1885, %dma_wait3A_1886] : memref<100000x16x128xf16, #tpu.memory_space<hbm>> -> memref<1x16x128xf16, #tpu.memory_space<hbm>>
    %dma_wait3A_1888 = tpu.memref_squeeze %dma_wait3A_1887 : memref<1x16x128xf16, #tpu.memory_space<hbm>> -> memref<16x128xf16, #tpu.memory_space<hbm>>
    %dma_wait3A_1889 = arith.constant 0 : i32
    %dma_wait3A_1890 = arith.constant 0 : i32
    %dma_wait3A_1891 = tpu.memref_slice %arg12[%dma_wait3A_1880, %dma_wait3A_1889, %dma_wait3A_1890] : memref<64x16x128xf16, #tpu.memory_space<vmem>> -> memref<1x16x128xf16, #tpu.memory_space<vmem>>
    %dma_wait3A_1892 = tpu.memref_squeeze %dma_wait3A_1891 : memref<1x16x128xf16, #tpu.memory_space<vmem>> -> memref<16x128xf16, #tpu.memory_space<vmem>>
    %dma_wait3A_1893 = arith.constant 0 : i32
    %dma_wait3A_1894 = arith.constant 0 : i32
    %dma_wait3A_1895 = tpu.memref_slice %arg5[%squeeze3A_732, %dma_wait3A_1893, %dma_wait3A_1894] : memref<100000x16x128xf16, #tpu.memory_space<hbm>> -> memref<1x16x128xf16, #tpu.memory_space<hbm>>
    %dma_wait3A_1896 = tpu.memref_squeeze %dma_wait3A_1895 : memref<1x16x128xf16, #tpu.memory_space<hbm>> -> memref<16x128xf16, #tpu.memory_space<hbm>>
    tpu.wait_dma2 semaphore(%arg13 : memref<!tpu.dma_semaphore, #tpu.memory_space<semaphore_mem>>) src(%dma_wait3A_1896 : memref<16x128xf16, #tpu.memory_space<hbm>>) dst(%dma_wait3A_1892 : memref<16x128xf16, #tpu.memory_space<vmem>>)
    %dma_wait3A_1897 = arith.constant 39 : i32
    %dma_wait3A_1898 = arith.constant 0 : i32
    %dma_wait3A_1899 = arith.constant 0 : i32
    %dma_wait3A_1900 = tpu.memref_slice %arg12[%dma_wait3A_1897, %dma_wait3A_1898, %dma_wait3A_1899] : memref<64x16x128xf16, #tpu.memory_space<vmem>> -> memref<1x16x128xf16, #tpu.memory_space<vmem>>
    %dma_wait3A_1901 = tpu.memref_squeeze %dma_wait3A_1900 : memref<1x16x128xf16, #tpu.memory_space<vmem>> -> memref<16x128xf16, #tpu.memory_space<vmem>>
    %dma_wait3A_1902 = arith.constant 0 : i32
    %dma_wait3A_1903 = arith.constant 0 : i32
    %dma_wait3A_1904 = tpu.memref_slice %arg5[%squeeze3A_751, %dma_wait3A_1902, %dma_wait3A_1903] : memref<100000x16x128xf16, #tpu.memory_space<hbm>> -> memref<1x16x128xf16, #tpu.memory_space<hbm>>
    %dma_wait3A_1905 = tpu.memref_squeeze %dma_wait3A_1904 : memref<1x16x128xf16, #tpu.memory_space<hbm>> -> memref<16x128xf16, #tpu.memory_space<hbm>>
    %dma_wait3A_1906 = arith.constant 0 : i32
    %dma_wait3A_1907 = arith.constant 0 : i32
    %dma_wait3A_1908 = tpu.memref_slice %arg12[%dma_wait3A_1897, %dma_wait3A_1906, %dma_wait3A_1907] : memref<64x16x128xf16, #tpu.memory_space<vmem>> -> memref<1x16x128xf16, #tpu.memory_space<vmem>>
    %dma_wait3A_1909 = tpu.memref_squeeze %dma_wait3A_1908 : memref<1x16x128xf16, #tpu.memory_space<vmem>> -> memref<16x128xf16, #tpu.memory_space<vmem>>
    %dma_wait3A_1910 = arith.constant 0 : i32
    %dma_wait3A_1911 = arith.constant 0 : i32
    %dma_wait3A_1912 = tpu.memref_slice %arg5[%squeeze3A_751, %dma_wait3A_1910, %dma_wait3A_1911] : memref<100000x16x128xf16, #tpu.memory_space<hbm>> -> memref<1x16x128xf16, #tpu.memory_space<hbm>>
    %dma_wait3A_1913 = tpu.memref_squeeze %dma_wait3A_1912 : memref<1x16x128xf16, #tpu.memory_space<hbm>> -> memref<16x128xf16, #tpu.memory_space<hbm>>
    tpu.wait_dma2 semaphore(%arg13 : memref<!tpu.dma_semaphore, #tpu.memory_space<semaphore_mem>>) src(%dma_wait3A_1913 : memref<16x128xf16, #tpu.memory_space<hbm>>) dst(%dma_wait3A_1909 : memref<16x128xf16, #tpu.memory_space<vmem>>)
    %dma_wait3A_1914 = arith.constant 40 : i32
    %dma_wait3A_1915 = arith.constant 0 : i32
    %dma_wait3A_1916 = arith.constant 0 : i32
    %dma_wait3A_1917 = tpu.memref_slice %arg12[%dma_wait3A_1914, %dma_wait3A_1915, %dma_wait3A_1916] : memref<64x16x128xf16, #tpu.memory_space<vmem>> -> memref<1x16x128xf16, #tpu.memory_space<vmem>>
    %dma_wait3A_1918 = tpu.memref_squeeze %dma_wait3A_1917 : memref<1x16x128xf16, #tpu.memory_space<vmem>> -> memref<16x128xf16, #tpu.memory_space<vmem>>
    %dma_wait3A_1919 = arith.constant 0 : i32
    %dma_wait3A_1920 = arith.constant 0 : i32
    %dma_wait3A_1921 = tpu.memref_slice %arg5[%squeeze3A_770, %dma_wait3A_1919, %dma_wait3A_1920] : memref<100000x16x128xf16, #tpu.memory_space<hbm>> -> memref<1x16x128xf16, #tpu.memory_space<hbm>>
    %dma_wait3A_1922 = tpu.memref_squeeze %dma_wait3A_1921 : memref<1x16x128xf16, #tpu.memory_space<hbm>> -> memref<16x128xf16, #tpu.memory_space<hbm>>
    %dma_wait3A_1923 = arith.constant 0 : i32
    %dma_wait3A_1924 = arith.constant 0 : i32
    %dma_wait3A_1925 = tpu.memref_slice %arg12[%dma_wait3A_1914, %dma_wait3A_1923, %dma_wait3A_1924] : memref<64x16x128xf16, #tpu.memory_space<vmem>> -> memref<1x16x128xf16, #tpu.memory_space<vmem>>
    %dma_wait3A_1926 = tpu.memref_squeeze %dma_wait3A_1925 : memref<1x16x128xf16, #tpu.memory_space<vmem>> -> memref<16x128xf16, #tpu.memory_space<vmem>>
    %dma_wait3A_1927 = arith.constant 0 : i32
    %dma_wait3A_1928 = arith.constant 0 : i32
    %dma_wait3A_1929 = tpu.memref_slice %arg5[%squeeze3A_770, %dma_wait3A_1927, %dma_wait3A_1928] : memref<100000x16x128xf16, #tpu.memory_space<hbm>> -> memref<1x16x128xf16, #tpu.memory_space<hbm>>
    %dma_wait3A_1930 = tpu.memref_squeeze %dma_wait3A_1929 : memref<1x16x128xf16, #tpu.memory_space<hbm>> -> memref<16x128xf16, #tpu.memory_space<hbm>>
    tpu.wait_dma2 semaphore(%arg13 : memref<!tpu.dma_semaphore, #tpu.memory_space<semaphore_mem>>) src(%dma_wait3A_1930 : memref<16x128xf16, #tpu.memory_space<hbm>>) dst(%dma_wait3A_1926 : memref<16x128xf16, #tpu.memory_space<vmem>>)
    %dma_wait3A_1931 = arith.constant 41 : i32
    %dma_wait3A_1932 = arith.constant 0 : i32
    %dma_wait3A_1933 = arith.constant 0 : i32
    %dma_wait3A_1934 = tpu.memref_slice %arg12[%dma_wait3A_1931, %dma_wait3A_1932, %dma_wait3A_1933] : memref<64x16x128xf16, #tpu.memory_space<vmem>> -> memref<1x16x128xf16, #tpu.memory_space<vmem>>
    %dma_wait3A_1935 = tpu.memref_squeeze %dma_wait3A_1934 : memref<1x16x128xf16, #tpu.memory_space<vmem>> -> memref<16x128xf16, #tpu.memory_space<vmem>>
    %dma_wait3A_1936 = arith.constant 0 : i32
    %dma_wait3A_1937 = arith.constant 0 : i32
    %dma_wait3A_1938 = tpu.memref_slice %arg5[%squeeze3A_789, %dma_wait3A_1936, %dma_wait3A_1937] : memref<100000x16x128xf16, #tpu.memory_space<hbm>> -> memref<1x16x128xf16, #tpu.memory_space<hbm>>
    %dma_wait3A_1939 = tpu.memref_squeeze %dma_wait3A_1938 : memref<1x16x128xf16, #tpu.memory_space<hbm>> -> memref<16x128xf16, #tpu.memory_space<hbm>>
    %dma_wait3A_1940 = arith.constant 0 : i32
    %dma_wait3A_1941 = arith.constant 0 : i32
    %dma_wait3A_1942 = tpu.memref_slice %arg12[%dma_wait3A_1931, %dma_wait3A_1940, %dma_wait3A_1941] : memref<64x16x128xf16, #tpu.memory_space<vmem>> -> memref<1x16x128xf16, #tpu.memory_space<vmem>>
    %dma_wait3A_1943 = tpu.memref_squeeze %dma_wait3A_1942 : memref<1x16x128xf16, #tpu.memory_space<vmem>> -> memref<16x128xf16, #tpu.memory_space<vmem>>
    %dma_wait3A_1944 = arith.constant 0 : i32
    %dma_wait3A_1945 = arith.constant 0 : i32
    %dma_wait3A_1946 = tpu.memref_slice %arg5[%squeeze3A_789, %dma_wait3A_1944, %dma_wait3A_1945] : memref<100000x16x128xf16, #tpu.memory_space<hbm>> -> memref<1x16x128xf16, #tpu.memory_space<hbm>>
    %dma_wait3A_1947 = tpu.memref_squeeze %dma_wait3A_1946 : memref<1x16x128xf16, #tpu.memory_space<hbm>> -> memref<16x128xf16, #tpu.memory_space<hbm>>
    tpu.wait_dma2 semaphore(%arg13 : memref<!tpu.dma_semaphore, #tpu.memory_space<semaphore_mem>>) src(%dma_wait3A_1947 : memref<16x128xf16, #tpu.memory_space<hbm>>) dst(%dma_wait3A_1943 : memref<16x128xf16, #tpu.memory_space<vmem>>)
    %dma_wait3A_1948 = arith.constant 42 : i32
    %dma_wait3A_1949 = arith.constant 0 : i32
    %dma_wait3A_1950 = arith.constant 0 : i32
    %dma_wait3A_1951 = tpu.memref_slice %arg12[%dma_wait3A_1948, %dma_wait3A_1949, %dma_wait3A_1950] : memref<64x16x128xf16, #tpu.memory_space<vmem>> -> memref<1x16x128xf16, #tpu.memory_space<vmem>>
    %dma_wait3A_1952 = tpu.memref_squeeze %dma_wait3A_1951 : memref<1x16x128xf16, #tpu.memory_space<vmem>> -> memref<16x128xf16, #tpu.memory_space<vmem>>
    %dma_wait3A_1953 = arith.constant 0 : i32
    %dma_wait3A_1954 = arith.constant 0 : i32
    %dma_wait3A_1955 = tpu.memref_slice %arg5[%squeeze3A_808, %dma_wait3A_1953, %dma_wait3A_1954] : memref<100000x16x128xf16, #tpu.memory_space<hbm>> -> memref<1x16x128xf16, #tpu.memory_space<hbm>>
    %dma_wait3A_1956 = tpu.memref_squeeze %dma_wait3A_1955 : memref<1x16x128xf16, #tpu.memory_space<hbm>> -> memref<16x128xf16, #tpu.memory_space<hbm>>
    %dma_wait3A_1957 = arith.constant 0 : i32
    %dma_wait3A_1958 = arith.constant 0 : i32
    %dma_wait3A_1959 = tpu.memref_slice %arg12[%dma_wait3A_1948, %dma_wait3A_1957, %dma_wait3A_1958] : memref<64x16x128xf16, #tpu.memory_space<vmem>> -> memref<1x16x128xf16, #tpu.memory_space<vmem>>
    %dma_wait3A_1960 = tpu.memref_squeeze %dma_wait3A_1959 : memref<1x16x128xf16, #tpu.memory_space<vmem>> -> memref<16x128xf16, #tpu.memory_space<vmem>>
    %dma_wait3A_1961 = arith.constant 0 : i32
    %dma_wait3A_1962 = arith.constant 0 : i32
    %dma_wait3A_1963 = tpu.memref_slice %arg5[%squeeze3A_808, %dma_wait3A_1961, %dma_wait3A_1962] : memref<100000x16x128xf16, #tpu.memory_space<hbm>> -> memref<1x16x128xf16, #tpu.memory_space<hbm>>
    %dma_wait3A_1964 = tpu.memref_squeeze %dma_wait3A_1963 : memref<1x16x128xf16, #tpu.memory_space<hbm>> -> memref<16x128xf16, #tpu.memory_space<hbm>>
    tpu.wait_dma2 semaphore(%arg13 : memref<!tpu.dma_semaphore, #tpu.memory_space<semaphore_mem>>) src(%dma_wait3A_1964 : memref<16x128xf16, #tpu.memory_space<hbm>>) dst(%dma_wait3A_1960 : memref<16x128xf16, #tpu.memory_space<vmem>>)
    %dma_wait3A_1965 = arith.constant 43 : i32
    %dma_wait3A_1966 = arith.constant 0 : i32
    %dma_wait3A_1967 = arith.constant 0 : i32
    %dma_wait3A_1968 = tpu.memref_slice %arg12[%dma_wait3A_1965, %dma_wait3A_1966, %dma_wait3A_1967] : memref<64x16x128xf16, #tpu.memory_space<vmem>> -> memref<1x16x128xf16, #tpu.memory_space<vmem>>
    %dma_wait3A_1969 = tpu.memref_squeeze %dma_wait3A_1968 : memref<1x16x128xf16, #tpu.memory_space<vmem>> -> memref<16x128xf16, #tpu.memory_space<vmem>>
    %dma_wait3A_1970 = arith.constant 0 : i32
    %dma_wait3A_1971 = arith.constant 0 : i32
    %dma_wait3A_1972 = tpu.memref_slice %arg5[%squeeze3A_827, %dma_wait3A_1970, %dma_wait3A_1971] : memref<100000x16x128xf16, #tpu.memory_space<hbm>> -> memref<1x16x128xf16, #tpu.memory_space<hbm>>
    %dma_wait3A_1973 = tpu.memref_squeeze %dma_wait3A_1972 : memref<1x16x128xf16, #tpu.memory_space<hbm>> -> memref<16x128xf16, #tpu.memory_space<hbm>>
    %dma_wait3A_1974 = arith.constant 0 : i32
    %dma_wait3A_1975 = arith.constant 0 : i32
    %dma_wait3A_1976 = tpu.memref_slice %arg12[%dma_wait3A_1965, %dma_wait3A_1974, %dma_wait3A_1975] : memref<64x16x128xf16, #tpu.memory_space<vmem>> -> memref<1x16x128xf16, #tpu.memory_space<vmem>>
    %dma_wait3A_1977 = tpu.memref_squeeze %dma_wait3A_1976 : memref<1x16x128xf16, #tpu.memory_space<vmem>> -> memref<16x128xf16, #tpu.memory_space<vmem>>
    %dma_wait3A_1978 = arith.constant 0 : i32
    %dma_wait3A_1979 = arith.constant 0 : i32
    %dma_wait3A_1980 = tpu.memref_slice %arg5[%squeeze3A_827, %dma_wait3A_1978, %dma_wait3A_1979] : memref<100000x16x128xf16, #tpu.memory_space<hbm>> -> memref<1x16x128xf16, #tpu.memory_space<hbm>>
    %dma_wait3A_1981 = tpu.memref_squeeze %dma_wait3A_1980 : memref<1x16x128xf16, #tpu.memory_space<hbm>> -> memref<16x128xf16, #tpu.memory_space<hbm>>
    tpu.wait_dma2 semaphore(%arg13 : memref<!tpu.dma_semaphore, #tpu.memory_space<semaphore_mem>>) src(%dma_wait3A_1981 : memref<16x128xf16, #tpu.memory_space<hbm>>) dst(%dma_wait3A_1977 : memref<16x128xf16, #tpu.memory_space<vmem>>)
    %dma_wait3A_1982 = arith.constant 44 : i32
    %dma_wait3A_1983 = arith.constant 0 : i32
    %dma_wait3A_1984 = arith.constant 0 : i32
    %dma_wait3A_1985 = tpu.memref_slice %arg12[%dma_wait3A_1982, %dma_wait3A_1983, %dma_wait3A_1984] : memref<64x16x128xf16, #tpu.memory_space<vmem>> -> memref<1x16x128xf16, #tpu.memory_space<vmem>>
    %dma_wait3A_1986 = tpu.memref_squeeze %dma_wait3A_1985 : memref<1x16x128xf16, #tpu.memory_space<vmem>> -> memref<16x128xf16, #tpu.memory_space<vmem>>
    %dma_wait3A_1987 = arith.constant 0 : i32
    %dma_wait3A_1988 = arith.constant 0 : i32
    %dma_wait3A_1989 = tpu.memref_slice %arg5[%squeeze3A_846, %dma_wait3A_1987, %dma_wait3A_1988] : memref<100000x16x128xf16, #tpu.memory_space<hbm>> -> memref<1x16x128xf16, #tpu.memory_space<hbm>>
    %dma_wait3A_1990 = tpu.memref_squeeze %dma_wait3A_1989 : memref<1x16x128xf16, #tpu.memory_space<hbm>> -> memref<16x128xf16, #tpu.memory_space<hbm>>
    %dma_wait3A_1991 = arith.constant 0 : i32
    %dma_wait3A_1992 = arith.constant 0 : i32
    %dma_wait3A_1993 = tpu.memref_slice %arg12[%dma_wait3A_1982, %dma_wait3A_1991, %dma_wait3A_1992] : memref<64x16x128xf16, #tpu.memory_space<vmem>> -> memref<1x16x128xf16, #tpu.memory_space<vmem>>
    %dma_wait3A_1994 = tpu.memref_squeeze %dma_wait3A_1993 : memref<1x16x128xf16, #tpu.memory_space<vmem>> -> memref<16x128xf16, #tpu.memory_space<vmem>>
    %dma_wait3A_1995 = arith.constant 0 : i32
    %dma_wait3A_1996 = arith.constant 0 : i32
    %dma_wait3A_1997 = tpu.memref_slice %arg5[%squeeze3A_846, %dma_wait3A_1995, %dma_wait3A_1996] : memref<100000x16x128xf16, #tpu.memory_space<hbm>> -> memref<1x16x128xf16, #tpu.memory_space<hbm>>
    %dma_wait3A_1998 = tpu.memref_squeeze %dma_wait3A_1997 : memref<1x16x128xf16, #tpu.memory_space<hbm>> -> memref<16x128xf16, #tpu.memory_space<hbm>>
    tpu.wait_dma2 semaphore(%arg13 : memref<!tpu.dma_semaphore, #tpu.memory_space<semaphore_mem>>) src(%dma_wait3A_1998 : memref<16x128xf16, #tpu.memory_space<hbm>>) dst(%dma_wait3A_1994 : memref<16x128xf16, #tpu.memory_space<vmem>>)
    %dma_wait3A_1999 = arith.constant 45 : i32
    %dma_wait3A_2000 = arith.constant 0 : i32
    %dma_wait3A_2001 = arith.constant 0 : i32
    %dma_wait3A_2002 = tpu.memref_slice %arg12[%dma_wait3A_1999, %dma_wait3A_2000, %dma_wait3A_2001] : memref<64x16x128xf16, #tpu.memory_space<vmem>> -> memref<1x16x128xf16, #tpu.memory_space<vmem>>
    %dma_wait3A_2003 = tpu.memref_squeeze %dma_wait3A_2002 : memref<1x16x128xf16, #tpu.memory_space<vmem>> -> memref<16x128xf16, #tpu.memory_space<vmem>>
    %dma_wait3A_2004 = arith.constant 0 : i32
    %dma_wait3A_2005 = arith.constant 0 : i32
    %dma_wait3A_2006 = tpu.memref_slice %arg5[%squeeze3A_865, %dma_wait3A_2004, %dma_wait3A_2005] : memref<100000x16x128xf16, #tpu.memory_space<hbm>> -> memref<1x16x128xf16, #tpu.memory_space<hbm>>
    %dma_wait3A_2007 = tpu.memref_squeeze %dma_wait3A_2006 : memref<1x16x128xf16, #tpu.memory_space<hbm>> -> memref<16x128xf16, #tpu.memory_space<hbm>>
    %dma_wait3A_2008 = arith.constant 0 : i32
    %dma_wait3A_2009 = arith.constant 0 : i32
    %dma_wait3A_2010 = tpu.memref_slice %arg12[%dma_wait3A_1999, %dma_wait3A_2008, %dma_wait3A_2009] : memref<64x16x128xf16, #tpu.memory_space<vmem>> -> memref<1x16x128xf16, #tpu.memory_space<vmem>>
    %dma_wait3A_2011 = tpu.memref_squeeze %dma_wait3A_2010 : memref<1x16x128xf16, #tpu.memory_space<vmem>> -> memref<16x128xf16, #tpu.memory_space<vmem>>
    %dma_wait3A_2012 = arith.constant 0 : i32
    %dma_wait3A_2013 = arith.constant 0 : i32
    %dma_wait3A_2014 = tpu.memref_slice %arg5[%squeeze3A_865, %dma_wait3A_2012, %dma_wait3A_2013] : memref<100000x16x128xf16, #tpu.memory_space<hbm>> -> memref<1x16x128xf16, #tpu.memory_space<hbm>>
    %dma_wait3A_2015 = tpu.memref_squeeze %dma_wait3A_2014 : memref<1x16x128xf16, #tpu.memory_space<hbm>> -> memref<16x128xf16, #tpu.memory_space<hbm>>
    tpu.wait_dma2 semaphore(%arg13 : memref<!tpu.dma_semaphore, #tpu.memory_space<semaphore_mem>>) src(%dma_wait3A_2015 : memref<16x128xf16, #tpu.memory_space<hbm>>) dst(%dma_wait3A_2011 : memref<16x128xf16, #tpu.memory_space<vmem>>)
    %dma_wait3A_2016 = arith.constant 46 : i32
    %dma_wait3A_2017 = arith.constant 0 : i32
    %dma_wait3A_2018 = arith.constant 0 : i32
    %dma_wait3A_2019 = tpu.memref_slice %arg12[%dma_wait3A_2016, %dma_wait3A_2017, %dma_wait3A_2018] : memref<64x16x128xf16, #tpu.memory_space<vmem>> -> memref<1x16x128xf16, #tpu.memory_space<vmem>>
    %dma_wait3A_2020 = tpu.memref_squeeze %dma_wait3A_2019 : memref<1x16x128xf16, #tpu.memory_space<vmem>> -> memref<16x128xf16, #tpu.memory_space<vmem>>
    %dma_wait3A_2021 = arith.constant 0 : i32
    %dma_wait3A_2022 = arith.constant 0 : i32
    %dma_wait3A_2023 = tpu.memref_slice %arg5[%squeeze3A_884, %dma_wait3A_2021, %dma_wait3A_2022] : memref<100000x16x128xf16, #tpu.memory_space<hbm>> -> memref<1x16x128xf16, #tpu.memory_space<hbm>>
    %dma_wait3A_2024 = tpu.memref_squeeze %dma_wait3A_2023 : memref<1x16x128xf16, #tpu.memory_space<hbm>> -> memref<16x128xf16, #tpu.memory_space<hbm>>
    %dma_wait3A_2025 = arith.constant 0 : i32
    %dma_wait3A_2026 = arith.constant 0 : i32
    %dma_wait3A_2027 = tpu.memref_slice %arg12[%dma_wait3A_2016, %dma_wait3A_2025, %dma_wait3A_2026] : memref<64x16x128xf16, #tpu.memory_space<vmem>> -> memref<1x16x128xf16, #tpu.memory_space<vmem>>
    %dma_wait3A_2028 = tpu.memref_squeeze %dma_wait3A_2027 : memref<1x16x128xf16, #tpu.memory_space<vmem>> -> memref<16x128xf16, #tpu.memory_space<vmem>>
    %dma_wait3A_2029 = arith.constant 0 : i32
    %dma_wait3A_2030 = arith.constant 0 : i32
    %dma_wait3A_2031 = tpu.memref_slice %arg5[%squeeze3A_884, %dma_wait3A_2029, %dma_wait3A_2030] : memref<100000x16x128xf16, #tpu.memory_space<hbm>> -> memref<1x16x128xf16, #tpu.memory_space<hbm>>
    %dma_wait3A_2032 = tpu.memref_squeeze %dma_wait3A_2031 : memref<1x16x128xf16, #tpu.memory_space<hbm>> -> memref<16x128xf16, #tpu.memory_space<hbm>>
    tpu.wait_dma2 semaphore(%arg13 : memref<!tpu.dma_semaphore, #tpu.memory_space<semaphore_mem>>) src(%dma_wait3A_2032 : memref<16x128xf16, #tpu.memory_space<hbm>>) dst(%dma_wait3A_2028 : memref<16x128xf16, #tpu.memory_space<vmem>>)
    %dma_wait3A_2033 = arith.constant 47 : i32
    %dma_wait3A_2034 = arith.constant 0 : i32
    %dma_wait3A_2035 = arith.constant 0 : i32
    %dma_wait3A_2036 = tpu.memref_slice %arg12[%dma_wait3A_2033, %dma_wait3A_2034, %dma_wait3A_2035] : memref<64x16x128xf16, #tpu.memory_space<vmem>> -> memref<1x16x128xf16, #tpu.memory_space<vmem>>
    %dma_wait3A_2037 = tpu.memref_squeeze %dma_wait3A_2036 : memref<1x16x128xf16, #tpu.memory_space<vmem>> -> memref<16x128xf16, #tpu.memory_space<vmem>>
    %dma_wait3A_2038 = arith.constant 0 : i32
    %dma_wait3A_2039 = arith.constant 0 : i32
    %dma_wait3A_2040 = tpu.memref_slice %arg5[%squeeze3A_903, %dma_wait3A_2038, %dma_wait3A_2039] : memref<100000x16x128xf16, #tpu.memory_space<hbm>> -> memref<1x16x128xf16, #tpu.memory_space<hbm>>
    %dma_wait3A_2041 = tpu.memref_squeeze %dma_wait3A_2040 : memref<1x16x128xf16, #tpu.memory_space<hbm>> -> memref<16x128xf16, #tpu.memory_space<hbm>>
    %dma_wait3A_2042 = arith.constant 0 : i32
    %dma_wait3A_2043 = arith.constant 0 : i32
    %dma_wait3A_2044 = tpu.memref_slice %arg12[%dma_wait3A_2033, %dma_wait3A_2042, %dma_wait3A_2043] : memref<64x16x128xf16, #tpu.memory_space<vmem>> -> memref<1x16x128xf16, #tpu.memory_space<vmem>>
    %dma_wait3A_2045 = tpu.memref_squeeze %dma_wait3A_2044 : memref<1x16x128xf16, #tpu.memory_space<vmem>> -> memref<16x128xf16, #tpu.memory_space<vmem>>
    %dma_wait3A_2046 = arith.constant 0 : i32
    %dma_wait3A_2047 = arith.constant 0 : i32
    %dma_wait3A_2048 = tpu.memref_slice %arg5[%squeeze3A_903, %dma_wait3A_2046, %dma_wait3A_2047] : memref<100000x16x128xf16, #tpu.memory_space<hbm>> -> memref<1x16x128xf16, #tpu.memory_space<hbm>>
    %dma_wait3A_2049 = tpu.memref_squeeze %dma_wait3A_2048 : memref<1x16x128xf16, #tpu.memory_space<hbm>> -> memref<16x128xf16, #tpu.memory_space<hbm>>
    tpu.wait_dma2 semaphore(%arg13 : memref<!tpu.dma_semaphore, #tpu.memory_space<semaphore_mem>>) src(%dma_wait3A_2049 : memref<16x128xf16, #tpu.memory_space<hbm>>) dst(%dma_wait3A_2045 : memref<16x128xf16, #tpu.memory_space<vmem>>)
    %dma_wait3A_2050 = arith.constant 48 : i32
    %dma_wait3A_2051 = arith.constant 0 : i32
    %dma_wait3A_2052 = arith.constant 0 : i32
    %dma_wait3A_2053 = tpu.memref_slice %arg12[%dma_wait3A_2050, %dma_wait3A_2051, %dma_wait3A_2052] : memref<64x16x128xf16, #tpu.memory_space<vmem>> -> memref<1x16x128xf16, #tpu.memory_space<vmem>>
    %dma_wait3A_2054 = tpu.memref_squeeze %dma_wait3A_2053 : memref<1x16x128xf16, #tpu.memory_space<vmem>> -> memref<16x128xf16, #tpu.memory_space<vmem>>
    %dma_wait3A_2055 = arith.constant 0 : i32
    %dma_wait3A_2056 = arith.constant 0 : i32
    %dma_wait3A_2057 = tpu.memref_slice %arg5[%squeeze3A_924, %dma_wait3A_2055, %dma_wait3A_2056] : memref<100000x16x128xf16, #tpu.memory_space<hbm>> -> memref<1x16x128xf16, #tpu.memory_space<hbm>>
    %dma_wait3A_2058 = tpu.memref_squeeze %dma_wait3A_2057 : memref<1x16x128xf16, #tpu.memory_space<hbm>> -> memref<16x128xf16, #tpu.memory_space<hbm>>
    %dma_wait3A_2059 = arith.constant 0 : i32
    %dma_wait3A_2060 = arith.constant 0 : i32
    %dma_wait3A_2061 = tpu.memref_slice %arg12[%dma_wait3A_2050, %dma_wait3A_2059, %dma_wait3A_2060] : memref<64x16x128xf16, #tpu.memory_space<vmem>> -> memref<1x16x128xf16, #tpu.memory_space<vmem>>
    %dma_wait3A_2062 = tpu.memref_squeeze %dma_wait3A_2061 : memref<1x16x128xf16, #tpu.memory_space<vmem>> -> memref<16x128xf16, #tpu.memory_space<vmem>>
    %dma_wait3A_2063 = arith.constant 0 : i32
    %dma_wait3A_2064 = arith.constant 0 : i32
    %dma_wait3A_2065 = tpu.memref_slice %arg5[%squeeze3A_924, %dma_wait3A_2063, %dma_wait3A_2064] : memref<100000x16x128xf16, #tpu.memory_space<hbm>> -> memref<1x16x128xf16, #tpu.memory_space<hbm>>
    %dma_wait3A_2066 = tpu.memref_squeeze %dma_wait3A_2065 : memref<1x16x128xf16, #tpu.memory_space<hbm>> -> memref<16x128xf16, #tpu.memory_space<hbm>>
    tpu.wait_dma2 semaphore(%arg13 : memref<!tpu.dma_semaphore, #tpu.memory_space<semaphore_mem>>) src(%dma_wait3A_2066 : memref<16x128xf16, #tpu.memory_space<hbm>>) dst(%dma_wait3A_2062 : memref<16x128xf16, #tpu.memory_space<vmem>>)
    %dma_wait3A_2067 = arith.constant 49 : i32
    %dma_wait3A_2068 = arith.constant 0 : i32
    %dma_wait3A_2069 = arith.constant 0 : i32
    %dma_wait3A_2070 = tpu.memref_slice %arg12[%dma_wait3A_2067, %dma_wait3A_2068, %dma_wait3A_2069] : memref<64x16x128xf16, #tpu.memory_space<vmem>> -> memref<1x16x128xf16, #tpu.memory_space<vmem>>
    %dma_wait3A_2071 = tpu.memref_squeeze %dma_wait3A_2070 : memref<1x16x128xf16, #tpu.memory_space<vmem>> -> memref<16x128xf16, #tpu.memory_space<vmem>>
    %dma_wait3A_2072 = arith.constant 0 : i32
    %dma_wait3A_2073 = arith.constant 0 : i32
    %dma_wait3A_2074 = tpu.memref_slice %arg5[%squeeze3A_943, %dma_wait3A_2072, %dma_wait3A_2073] : memref<100000x16x128xf16, #tpu.memory_space<hbm>> -> memref<1x16x128xf16, #tpu.memory_space<hbm>>
    %dma_wait3A_2075 = tpu.memref_squeeze %dma_wait3A_2074 : memref<1x16x128xf16, #tpu.memory_space<hbm>> -> memref<16x128xf16, #tpu.memory_space<hbm>>
    %dma_wait3A_2076 = arith.constant 0 : i32
    %dma_wait3A_2077 = arith.constant 0 : i32
    %dma_wait3A_2078 = tpu.memref_slice %arg12[%dma_wait3A_2067, %dma_wait3A_2076, %dma_wait3A_2077] : memref<64x16x128xf16, #tpu.memory_space<vmem>> -> memref<1x16x128xf16, #tpu.memory_space<vmem>>
    %dma_wait3A_2079 = tpu.memref_squeeze %dma_wait3A_2078 : memref<1x16x128xf16, #tpu.memory_space<vmem>> -> memref<16x128xf16, #tpu.memory_space<vmem>>
    %dma_wait3A_2080 = arith.constant 0 : i32
    %dma_wait3A_2081 = arith.constant 0 : i32
    %dma_wait3A_2082 = tpu.memref_slice %arg5[%squeeze3A_943, %dma_wait3A_2080, %dma_wait3A_2081] : memref<100000x16x128xf16, #tpu.memory_space<hbm>> -> memref<1x16x128xf16, #tpu.memory_space<hbm>>
    %dma_wait3A_2083 = tpu.memref_squeeze %dma_wait3A_2082 : memref<1x16x128xf16, #tpu.memory_space<hbm>> -> memref<16x128xf16, #tpu.memory_space<hbm>>
    tpu.wait_dma2 semaphore(%arg13 : memref<!tpu.dma_semaphore, #tpu.memory_space<semaphore_mem>>) src(%dma_wait3A_2083 : memref<16x128xf16, #tpu.memory_space<hbm>>) dst(%dma_wait3A_2079 : memref<16x128xf16, #tpu.memory_space<vmem>>)
    %dma_wait3A_2084 = arith.constant 50 : i32
    %dma_wait3A_2085 = arith.constant 0 : i32
    %dma_wait3A_2086 = arith.constant 0 : i32
    %dma_wait3A_2087 = tpu.memref_slice %arg12[%dma_wait3A_2084, %dma_wait3A_2085, %dma_wait3A_2086] : memref<64x16x128xf16, #tpu.memory_space<vmem>> -> memref<1x16x128xf16, #tpu.memory_space<vmem>>
    %dma_wait3A_2088 = tpu.memref_squeeze %dma_wait3A_2087 : memref<1x16x128xf16, #tpu.memory_space<vmem>> -> memref<16x128xf16, #tpu.memory_space<vmem>>
    %dma_wait3A_2089 = arith.constant 0 : i32
    %dma_wait3A_2090 = arith.constant 0 : i32
    %dma_wait3A_2091 = tpu.memref_slice %arg5[%squeeze3A_962, %dma_wait3A_2089, %dma_wait3A_2090] : memref<100000x16x128xf16, #tpu.memory_space<hbm>> -> memref<1x16x128xf16, #tpu.memory_space<hbm>>
    %dma_wait3A_2092 = tpu.memref_squeeze %dma_wait3A_2091 : memref<1x16x128xf16, #tpu.memory_space<hbm>> -> memref<16x128xf16, #tpu.memory_space<hbm>>
    %dma_wait3A_2093 = arith.constant 0 : i32
    %dma_wait3A_2094 = arith.constant 0 : i32
    %dma_wait3A_2095 = tpu.memref_slice %arg12[%dma_wait3A_2084, %dma_wait3A_2093, %dma_wait3A_2094] : memref<64x16x128xf16, #tpu.memory_space<vmem>> -> memref<1x16x128xf16, #tpu.memory_space<vmem>>
    %dma_wait3A_2096 = tpu.memref_squeeze %dma_wait3A_2095 : memref<1x16x128xf16, #tpu.memory_space<vmem>> -> memref<16x128xf16, #tpu.memory_space<vmem>>
    %dma_wait3A_2097 = arith.constant 0 : i32
    %dma_wait3A_2098 = arith.constant 0 : i32
    %dma_wait3A_2099 = tpu.memref_slice %arg5[%squeeze3A_962, %dma_wait3A_2097, %dma_wait3A_2098] : memref<100000x16x128xf16, #tpu.memory_space<hbm>> -> memref<1x16x128xf16, #tpu.memory_space<hbm>>
    %dma_wait3A_2100 = tpu.memref_squeeze %dma_wait3A_2099 : memref<1x16x128xf16, #tpu.memory_space<hbm>> -> memref<16x128xf16, #tpu.memory_space<hbm>>
    tpu.wait_dma2 semaphore(%arg13 : memref<!tpu.dma_semaphore, #tpu.memory_space<semaphore_mem>>) src(%dma_wait3A_2100 : memref<16x128xf16, #tpu.memory_space<hbm>>) dst(%dma_wait3A_2096 : memref<16x128xf16, #tpu.memory_space<vmem>>)
    %dma_wait3A_2101 = arith.constant 51 : i32
    %dma_wait3A_2102 = arith.constant 0 : i32
    %dma_wait3A_2103 = arith.constant 0 : i32
    %dma_wait3A_2104 = tpu.memref_slice %arg12[%dma_wait3A_2101, %dma_wait3A_2102, %dma_wait3A_2103] : memref<64x16x128xf16, #tpu.memory_space<vmem>> -> memref<1x16x128xf16, #tpu.memory_space<vmem>>
    %dma_wait3A_2105 = tpu.memref_squeeze %dma_wait3A_2104 : memref<1x16x128xf16, #tpu.memory_space<vmem>> -> memref<16x128xf16, #tpu.memory_space<vmem>>
    %dma_wait3A_2106 = arith.constant 0 : i32
    %dma_wait3A_2107 = arith.constant 0 : i32
    %dma_wait3A_2108 = tpu.memref_slice %arg5[%squeeze3A_981, %dma_wait3A_2106, %dma_wait3A_2107] : memref<100000x16x128xf16, #tpu.memory_space<hbm>> -> memref<1x16x128xf16, #tpu.memory_space<hbm>>
    %dma_wait3A_2109 = tpu.memref_squeeze %dma_wait3A_2108 : memref<1x16x128xf16, #tpu.memory_space<hbm>> -> memref<16x128xf16, #tpu.memory_space<hbm>>
    %dma_wait3A_2110 = arith.constant 0 : i32
    %dma_wait3A_2111 = arith.constant 0 : i32
    %dma_wait3A_2112 = tpu.memref_slice %arg12[%dma_wait3A_2101, %dma_wait3A_2110, %dma_wait3A_2111] : memref<64x16x128xf16, #tpu.memory_space<vmem>> -> memref<1x16x128xf16, #tpu.memory_space<vmem>>
    %dma_wait3A_2113 = tpu.memref_squeeze %dma_wait3A_2112 : memref<1x16x128xf16, #tpu.memory_space<vmem>> -> memref<16x128xf16, #tpu.memory_space<vmem>>
    %dma_wait3A_2114 = arith.constant 0 : i32
    %dma_wait3A_2115 = arith.constant 0 : i32
    %dma_wait3A_2116 = tpu.memref_slice %arg5[%squeeze3A_981, %dma_wait3A_2114, %dma_wait3A_2115] : memref<100000x16x128xf16, #tpu.memory_space<hbm>> -> memref<1x16x128xf16, #tpu.memory_space<hbm>>
    %dma_wait3A_2117 = tpu.memref_squeeze %dma_wait3A_2116 : memref<1x16x128xf16, #tpu.memory_space<hbm>> -> memref<16x128xf16, #tpu.memory_space<hbm>>
    tpu.wait_dma2 semaphore(%arg13 : memref<!tpu.dma_semaphore, #tpu.memory_space<semaphore_mem>>) src(%dma_wait3A_2117 : memref<16x128xf16, #tpu.memory_space<hbm>>) dst(%dma_wait3A_2113 : memref<16x128xf16, #tpu.memory_space<vmem>>)
    %dma_wait3A_2118 = arith.constant 52 : i32
    %dma_wait3A_2119 = arith.constant 0 : i32
    %dma_wait3A_2120 = arith.constant 0 : i32
    %dma_wait3A_2121 = tpu.memref_slice %arg12[%dma_wait3A_2118, %dma_wait3A_2119, %dma_wait3A_2120] : memref<64x16x128xf16, #tpu.memory_space<vmem>> -> memref<1x16x128xf16, #tpu.memory_space<vmem>>
    %dma_wait3A_2122 = tpu.memref_squeeze %dma_wait3A_2121 : memref<1x16x128xf16, #tpu.memory_space<vmem>> -> memref<16x128xf16, #tpu.memory_space<vmem>>
    %dma_wait3A_2123 = arith.constant 0 : i32
    %dma_wait3A_2124 = arith.constant 0 : i32
    %dma_wait3A_2125 = tpu.memref_slice %arg5[%squeeze3A_1000, %dma_wait3A_2123, %dma_wait3A_2124] : memref<100000x16x128xf16, #tpu.memory_space<hbm>> -> memref<1x16x128xf16, #tpu.memory_space<hbm>>
    %dma_wait3A_2126 = tpu.memref_squeeze %dma_wait3A_2125 : memref<1x16x128xf16, #tpu.memory_space<hbm>> -> memref<16x128xf16, #tpu.memory_space<hbm>>
    %dma_wait3A_2127 = arith.constant 0 : i32
    %dma_wait3A_2128 = arith.constant 0 : i32
    %dma_wait3A_2129 = tpu.memref_slice %arg12[%dma_wait3A_2118, %dma_wait3A_2127, %dma_wait3A_2128] : memref<64x16x128xf16, #tpu.memory_space<vmem>> -> memref<1x16x128xf16, #tpu.memory_space<vmem>>
    %dma_wait3A_2130 = tpu.memref_squeeze %dma_wait3A_2129 : memref<1x16x128xf16, #tpu.memory_space<vmem>> -> memref<16x128xf16, #tpu.memory_space<vmem>>
    %dma_wait3A_2131 = arith.constant 0 : i32
    %dma_wait3A_2132 = arith.constant 0 : i32
    %dma_wait3A_2133 = tpu.memref_slice %arg5[%squeeze3A_1000, %dma_wait3A_2131, %dma_wait3A_2132] : memref<100000x16x128xf16, #tpu.memory_space<hbm>> -> memref<1x16x128xf16, #tpu.memory_space<hbm>>
    %dma_wait3A_2134 = tpu.memref_squeeze %dma_wait3A_2133 : memref<1x16x128xf16, #tpu.memory_space<hbm>> -> memref<16x128xf16, #tpu.memory_space<hbm>>
    tpu.wait_dma2 semaphore(%arg13 : memref<!tpu.dma_semaphore, #tpu.memory_space<semaphore_mem>>) src(%dma_wait3A_2134 : memref<16x128xf16, #tpu.memory_space<hbm>>) dst(%dma_wait3A_2130 : memref<16x128xf16, #tpu.memory_space<vmem>>)
    %dma_wait3A_2135 = arith.constant 53 : i32
    %dma_wait3A_2136 = arith.constant 0 : i32
    %dma_wait3A_2137 = arith.constant 0 : i32
    %dma_wait3A_2138 = tpu.memref_slice %arg12[%dma_wait3A_2135, %dma_wait3A_2136, %dma_wait3A_2137] : memref<64x16x128xf16, #tpu.memory_space<vmem>> -> memref<1x16x128xf16, #tpu.memory_space<vmem>>
    %dma_wait3A_2139 = tpu.memref_squeeze %dma_wait3A_2138 : memref<1x16x128xf16, #tpu.memory_space<vmem>> -> memref<16x128xf16, #tpu.memory_space<vmem>>
    %dma_wait3A_2140 = arith.constant 0 : i32
    %dma_wait3A_2141 = arith.constant 0 : i32
    %dma_wait3A_2142 = tpu.memref_slice %arg5[%squeeze3A_1019, %dma_wait3A_2140, %dma_wait3A_2141] : memref<100000x16x128xf16, #tpu.memory_space<hbm>> -> memref<1x16x128xf16, #tpu.memory_space<hbm>>
    %dma_wait3A_2143 = tpu.memref_squeeze %dma_wait3A_2142 : memref<1x16x128xf16, #tpu.memory_space<hbm>> -> memref<16x128xf16, #tpu.memory_space<hbm>>
    %dma_wait3A_2144 = arith.constant 0 : i32
    %dma_wait3A_2145 = arith.constant 0 : i32
    %dma_wait3A_2146 = tpu.memref_slice %arg12[%dma_wait3A_2135, %dma_wait3A_2144, %dma_wait3A_2145] : memref<64x16x128xf16, #tpu.memory_space<vmem>> -> memref<1x16x128xf16, #tpu.memory_space<vmem>>
    %dma_wait3A_2147 = tpu.memref_squeeze %dma_wait3A_2146 : memref<1x16x128xf16, #tpu.memory_space<vmem>> -> memref<16x128xf16, #tpu.memory_space<vmem>>
    %dma_wait3A_2148 = arith.constant 0 : i32
    %dma_wait3A_2149 = arith.constant 0 : i32
    %dma_wait3A_2150 = tpu.memref_slice %arg5[%squeeze3A_1019, %dma_wait3A_2148, %dma_wait3A_2149] : memref<100000x16x128xf16, #tpu.memory_space<hbm>> -> memref<1x16x128xf16, #tpu.memory_space<hbm>>
    %dma_wait3A_2151 = tpu.memref_squeeze %dma_wait3A_2150 : memref<1x16x128xf16, #tpu.memory_space<hbm>> -> memref<16x128xf16, #tpu.memory_space<hbm>>
    tpu.wait_dma2 semaphore(%arg13 : memref<!tpu.dma_semaphore, #tpu.memory_space<semaphore_mem>>) src(%dma_wait3A_2151 : memref<16x128xf16, #tpu.memory_space<hbm>>) dst(%dma_wait3A_2147 : memref<16x128xf16, #tpu.memory_space<vmem>>)
    %dma_wait3A_2152 = arith.constant 54 : i32
    %dma_wait3A_2153 = arith.constant 0 : i32
    %dma_wait3A_2154 = arith.constant 0 : i32
    %dma_wait3A_2155 = tpu.memref_slice %arg12[%dma_wait3A_2152, %dma_wait3A_2153, %dma_wait3A_2154] : memref<64x16x128xf16, #tpu.memory_space<vmem>> -> memref<1x16x128xf16, #tpu.memory_space<vmem>>
    %dma_wait3A_2156 = tpu.memref_squeeze %dma_wait3A_2155 : memref<1x16x128xf16, #tpu.memory_space<vmem>> -> memref<16x128xf16, #tpu.memory_space<vmem>>
    %dma_wait3A_2157 = arith.constant 0 : i32
    %dma_wait3A_2158 = arith.constant 0 : i32
    %dma_wait3A_2159 = tpu.memref_slice %arg5[%squeeze3A_1038, %dma_wait3A_2157, %dma_wait3A_2158] : memref<100000x16x128xf16, #tpu.memory_space<hbm>> -> memref<1x16x128xf16, #tpu.memory_space<hbm>>
    %dma_wait3A_2160 = tpu.memref_squeeze %dma_wait3A_2159 : memref<1x16x128xf16, #tpu.memory_space<hbm>> -> memref<16x128xf16, #tpu.memory_space<hbm>>
    %dma_wait3A_2161 = arith.constant 0 : i32
    %dma_wait3A_2162 = arith.constant 0 : i32
    %dma_wait3A_2163 = tpu.memref_slice %arg12[%dma_wait3A_2152, %dma_wait3A_2161, %dma_wait3A_2162] : memref<64x16x128xf16, #tpu.memory_space<vmem>> -> memref<1x16x128xf16, #tpu.memory_space<vmem>>
    %dma_wait3A_2164 = tpu.memref_squeeze %dma_wait3A_2163 : memref<1x16x128xf16, #tpu.memory_space<vmem>> -> memref<16x128xf16, #tpu.memory_space<vmem>>
    %dma_wait3A_2165 = arith.constant 0 : i32
    %dma_wait3A_2166 = arith.constant 0 : i32
    %dma_wait3A_2167 = tpu.memref_slice %arg5[%squeeze3A_1038, %dma_wait3A_2165, %dma_wait3A_2166] : memref<100000x16x128xf16, #tpu.memory_space<hbm>> -> memref<1x16x128xf16, #tpu.memory_space<hbm>>
    %dma_wait3A_2168 = tpu.memref_squeeze %dma_wait3A_2167 : memref<1x16x128xf16, #tpu.memory_space<hbm>> -> memref<16x128xf16, #tpu.memory_space<hbm>>
    tpu.wait_dma2 semaphore(%arg13 : memref<!tpu.dma_semaphore, #tpu.memory_space<semaphore_mem>>) src(%dma_wait3A_2168 : memref<16x128xf16, #tpu.memory_space<hbm>>) dst(%dma_wait3A_2164 : memref<16x128xf16, #tpu.memory_space<vmem>>)
    %dma_wait3A_2169 = arith.constant 55 : i32
    %dma_wait3A_2170 = arith.constant 0 : i32
    %dma_wait3A_2171 = arith.constant 0 : i32
    %dma_wait3A_2172 = tpu.memref_slice %arg12[%dma_wait3A_2169, %dma_wait3A_2170, %dma_wait3A_2171] : memref<64x16x128xf16, #tpu.memory_space<vmem>> -> memref<1x16x128xf16, #tpu.memory_space<vmem>>
    %dma_wait3A_2173 = tpu.memref_squeeze %dma_wait3A_2172 : memref<1x16x128xf16, #tpu.memory_space<vmem>> -> memref<16x128xf16, #tpu.memory_space<vmem>>
    %dma_wait3A_2174 = arith.constant 0 : i32
    %dma_wait3A_2175 = arith.constant 0 : i32
    %dma_wait3A_2176 = tpu.memref_slice %arg5[%squeeze3A_1057, %dma_wait3A_2174, %dma_wait3A_2175] : memref<100000x16x128xf16, #tpu.memory_space<hbm>> -> memref<1x16x128xf16, #tpu.memory_space<hbm>>
    %dma_wait3A_2177 = tpu.memref_squeeze %dma_wait3A_2176 : memref<1x16x128xf16, #tpu.memory_space<hbm>> -> memref<16x128xf16, #tpu.memory_space<hbm>>
    %dma_wait3A_2178 = arith.constant 0 : i32
    %dma_wait3A_2179 = arith.constant 0 : i32
    %dma_wait3A_2180 = tpu.memref_slice %arg12[%dma_wait3A_2169, %dma_wait3A_2178, %dma_wait3A_2179] : memref<64x16x128xf16, #tpu.memory_space<vmem>> -> memref<1x16x128xf16, #tpu.memory_space<vmem>>
    %dma_wait3A_2181 = tpu.memref_squeeze %dma_wait3A_2180 : memref<1x16x128xf16, #tpu.memory_space<vmem>> -> memref<16x128xf16, #tpu.memory_space<vmem>>
    %dma_wait3A_2182 = arith.constant 0 : i32
    %dma_wait3A_2183 = arith.constant 0 : i32
    %dma_wait3A_2184 = tpu.memref_slice %arg5[%squeeze3A_1057, %dma_wait3A_2182, %dma_wait3A_2183] : memref<100000x16x128xf16, #tpu.memory_space<hbm>> -> memref<1x16x128xf16, #tpu.memory_space<hbm>>
    %dma_wait3A_2185 = tpu.memref_squeeze %dma_wait3A_2184 : memref<1x16x128xf16, #tpu.memory_space<hbm>> -> memref<16x128xf16, #tpu.memory_space<hbm>>
    tpu.wait_dma2 semaphore(%arg13 : memref<!tpu.dma_semaphore, #tpu.memory_space<semaphore_mem>>) src(%dma_wait3A_2185 : memref<16x128xf16, #tpu.memory_space<hbm>>) dst(%dma_wait3A_2181 : memref<16x128xf16, #tpu.memory_space<vmem>>)
    %dma_wait3A_2186 = arith.constant 56 : i32
    %dma_wait3A_2187 = arith.constant 0 : i32
    %dma_wait3A_2188 = arith.constant 0 : i32
    %dma_wait3A_2189 = tpu.memref_slice %arg12[%dma_wait3A_2186, %dma_wait3A_2187, %dma_wait3A_2188] : memref<64x16x128xf16, #tpu.memory_space<vmem>> -> memref<1x16x128xf16, #tpu.memory_space<vmem>>
    %dma_wait3A_2190 = tpu.memref_squeeze %dma_wait3A_2189 : memref<1x16x128xf16, #tpu.memory_space<vmem>> -> memref<16x128xf16, #tpu.memory_space<vmem>>
    %dma_wait3A_2191 = arith.constant 0 : i32
    %dma_wait3A_2192 = arith.constant 0 : i32
    %dma_wait3A_2193 = tpu.memref_slice %arg5[%squeeze3A_1076, %dma_wait3A_2191, %dma_wait3A_2192] : memref<100000x16x128xf16, #tpu.memory_space<hbm>> -> memref<1x16x128xf16, #tpu.memory_space<hbm>>
    %dma_wait3A_2194 = tpu.memref_squeeze %dma_wait3A_2193 : memref<1x16x128xf16, #tpu.memory_space<hbm>> -> memref<16x128xf16, #tpu.memory_space<hbm>>
    %dma_wait3A_2195 = arith.constant 0 : i32
    %dma_wait3A_2196 = arith.constant 0 : i32
    %dma_wait3A_2197 = tpu.memref_slice %arg12[%dma_wait3A_2186, %dma_wait3A_2195, %dma_wait3A_2196] : memref<64x16x128xf16, #tpu.memory_space<vmem>> -> memref<1x16x128xf16, #tpu.memory_space<vmem>>
    %dma_wait3A_2198 = tpu.memref_squeeze %dma_wait3A_2197 : memref<1x16x128xf16, #tpu.memory_space<vmem>> -> memref<16x128xf16, #tpu.memory_space<vmem>>
    %dma_wait3A_2199 = arith.constant 0 : i32
    %dma_wait3A_2200 = arith.constant 0 : i32
    %dma_wait3A_2201 = tpu.memref_slice %arg5[%squeeze3A_1076, %dma_wait3A_2199, %dma_wait3A_2200] : memref<100000x16x128xf16, #tpu.memory_space<hbm>> -> memref<1x16x128xf16, #tpu.memory_space<hbm>>
    %dma_wait3A_2202 = tpu.memref_squeeze %dma_wait3A_2201 : memref<1x16x128xf16, #tpu.memory_space<hbm>> -> memref<16x128xf16, #tpu.memory_space<hbm>>
    tpu.wait_dma2 semaphore(%arg13 : memref<!tpu.dma_semaphore, #tpu.memory_space<semaphore_mem>>) src(%dma_wait3A_2202 : memref<16x128xf16, #tpu.memory_space<hbm>>) dst(%dma_wait3A_2198 : memref<16x128xf16, #tpu.memory_space<vmem>>)
    %dma_wait3A_2203 = arith.constant 57 : i32
    %dma_wait3A_2204 = arith.constant 0 : i32
    %dma_wait3A_2205 = arith.constant 0 : i32
    %dma_wait3A_2206 = tpu.memref_slice %arg12[%dma_wait3A_2203, %dma_wait3A_2204, %dma_wait3A_2205] : memref<64x16x128xf16, #tpu.memory_space<vmem>> -> memref<1x16x128xf16, #tpu.memory_space<vmem>>
    %dma_wait3A_2207 = tpu.memref_squeeze %dma_wait3A_2206 : memref<1x16x128xf16, #tpu.memory_space<vmem>> -> memref<16x128xf16, #tpu.memory_space<vmem>>
    %dma_wait3A_2208 = arith.constant 0 : i32
    %dma_wait3A_2209 = arith.constant 0 : i32
    %dma_wait3A_2210 = tpu.memref_slice %arg5[%squeeze3A_1095, %dma_wait3A_2208, %dma_wait3A_2209] : memref<100000x16x128xf16, #tpu.memory_space<hbm>> -> memref<1x16x128xf16, #tpu.memory_space<hbm>>
    %dma_wait3A_2211 = tpu.memref_squeeze %dma_wait3A_2210 : memref<1x16x128xf16, #tpu.memory_space<hbm>> -> memref<16x128xf16, #tpu.memory_space<hbm>>
    %dma_wait3A_2212 = arith.constant 0 : i32
    %dma_wait3A_2213 = arith.constant 0 : i32
    %dma_wait3A_2214 = tpu.memref_slice %arg12[%dma_wait3A_2203, %dma_wait3A_2212, %dma_wait3A_2213] : memref<64x16x128xf16, #tpu.memory_space<vmem>> -> memref<1x16x128xf16, #tpu.memory_space<vmem>>
    %dma_wait3A_2215 = tpu.memref_squeeze %dma_wait3A_2214 : memref<1x16x128xf16, #tpu.memory_space<vmem>> -> memref<16x128xf16, #tpu.memory_space<vmem>>
    %dma_wait3A_2216 = arith.constant 0 : i32
    %dma_wait3A_2217 = arith.constant 0 : i32
    %dma_wait3A_2218 = tpu.memref_slice %arg5[%squeeze3A_1095, %dma_wait3A_2216, %dma_wait3A_2217] : memref<100000x16x128xf16, #tpu.memory_space<hbm>> -> memref<1x16x128xf16, #tpu.memory_space<hbm>>
    %dma_wait3A_2219 = tpu.memref_squeeze %dma_wait3A_2218 : memref<1x16x128xf16, #tpu.memory_space<hbm>> -> memref<16x128xf16, #tpu.memory_space<hbm>>
    tpu.wait_dma2 semaphore(%arg13 : memref<!tpu.dma_semaphore, #tpu.memory_space<semaphore_mem>>) src(%dma_wait3A_2219 : memref<16x128xf16, #tpu.memory_space<hbm>>) dst(%dma_wait3A_2215 : memref<16x128xf16, #tpu.memory_space<vmem>>)
    %dma_wait3A_2220 = arith.constant 58 : i32
    %dma_wait3A_2221 = arith.constant 0 : i32
    %dma_wait3A_2222 = arith.constant 0 : i32
    %dma_wait3A_2223 = tpu.memref_slice %arg12[%dma_wait3A_2220, %dma_wait3A_2221, %dma_wait3A_2222] : memref<64x16x128xf16, #tpu.memory_space<vmem>> -> memref<1x16x128xf16, #tpu.memory_space<vmem>>
    %dma_wait3A_2224 = tpu.memref_squeeze %dma_wait3A_2223 : memref<1x16x128xf16, #tpu.memory_space<vmem>> -> memref<16x128xf16, #tpu.memory_space<vmem>>
    %dma_wait3A_2225 = arith.constant 0 : i32
    %dma_wait3A_2226 = arith.constant 0 : i32
    %dma_wait3A_2227 = tpu.memref_slice %arg5[%squeeze3A_1114, %dma_wait3A_2225, %dma_wait3A_2226] : memref<100000x16x128xf16, #tpu.memory_space<hbm>> -> memref<1x16x128xf16, #tpu.memory_space<hbm>>
    %dma_wait3A_2228 = tpu.memref_squeeze %dma_wait3A_2227 : memref<1x16x128xf16, #tpu.memory_space<hbm>> -> memref<16x128xf16, #tpu.memory_space<hbm>>
    %dma_wait3A_2229 = arith.constant 0 : i32
    %dma_wait3A_2230 = arith.constant 0 : i32
    %dma_wait3A_2231 = tpu.memref_slice %arg12[%dma_wait3A_2220, %dma_wait3A_2229, %dma_wait3A_2230] : memref<64x16x128xf16, #tpu.memory_space<vmem>> -> memref<1x16x128xf16, #tpu.memory_space<vmem>>
    %dma_wait3A_2232 = tpu.memref_squeeze %dma_wait3A_2231 : memref<1x16x128xf16, #tpu.memory_space<vmem>> -> memref<16x128xf16, #tpu.memory_space<vmem>>
    %dma_wait3A_2233 = arith.constant 0 : i32
    %dma_wait3A_2234 = arith.constant 0 : i32
    %dma_wait3A_2235 = tpu.memref_slice %arg5[%squeeze3A_1114, %dma_wait3A_2233, %dma_wait3A_2234] : memref<100000x16x128xf16, #tpu.memory_space<hbm>> -> memref<1x16x128xf16, #tpu.memory_space<hbm>>
    %dma_wait3A_2236 = tpu.memref_squeeze %dma_wait3A_2235 : memref<1x16x128xf16, #tpu.memory_space<hbm>> -> memref<16x128xf16, #tpu.memory_space<hbm>>
    tpu.wait_dma2 semaphore(%arg13 : memref<!tpu.dma_semaphore, #tpu.memory_space<semaphore_mem>>) src(%dma_wait3A_2236 : memref<16x128xf16, #tpu.memory_space<hbm>>) dst(%dma_wait3A_2232 : memref<16x128xf16, #tpu.memory_space<vmem>>)
    %dma_wait3A_2237 = arith.constant 59 : i32
    %dma_wait3A_2238 = arith.constant 0 : i32
    %dma_wait3A_2239 = arith.constant 0 : i32
    %dma_wait3A_2240 = tpu.memref_slice %arg12[%dma_wait3A_2237, %dma_wait3A_2238, %dma_wait3A_2239] : memref<64x16x128xf16, #tpu.memory_space<vmem>> -> memref<1x16x128xf16, #tpu.memory_space<vmem>>
    %dma_wait3A_2241 = tpu.memref_squeeze %dma_wait3A_2240 : memref<1x16x128xf16, #tpu.memory_space<vmem>> -> memref<16x128xf16, #tpu.memory_space<vmem>>
    %dma_wait3A_2242 = arith.constant 0 : i32
    %dma_wait3A_2243 = arith.constant 0 : i32
    %dma_wait3A_2244 = tpu.memref_slice %arg5[%squeeze3A_1133, %dma_wait3A_2242, %dma_wait3A_2243] : memref<100000x16x128xf16, #tpu.memory_space<hbm>> -> memref<1x16x128xf16, #tpu.memory_space<hbm>>
    %dma_wait3A_2245 = tpu.memref_squeeze %dma_wait3A_2244 : memref<1x16x128xf16, #tpu.memory_space<hbm>> -> memref<16x128xf16, #tpu.memory_space<hbm>>
    %dma_wait3A_2246 = arith.constant 0 : i32
    %dma_wait3A_2247 = arith.constant 0 : i32
    %dma_wait3A_2248 = tpu.memref_slice %arg12[%dma_wait3A_2237, %dma_wait3A_2246, %dma_wait3A_2247] : memref<64x16x128xf16, #tpu.memory_space<vmem>> -> memref<1x16x128xf16, #tpu.memory_space<vmem>>
    %dma_wait3A_2249 = tpu.memref_squeeze %dma_wait3A_2248 : memref<1x16x128xf16, #tpu.memory_space<vmem>> -> memref<16x128xf16, #tpu.memory_space<vmem>>
    %dma_wait3A_2250 = arith.constant 0 : i32
    %dma_wait3A_2251 = arith.constant 0 : i32
    %dma_wait3A_2252 = tpu.memref_slice %arg5[%squeeze3A_1133, %dma_wait3A_2250, %dma_wait3A_2251] : memref<100000x16x128xf16, #tpu.memory_space<hbm>> -> memref<1x16x128xf16, #tpu.memory_space<hbm>>
    %dma_wait3A_2253 = tpu.memref_squeeze %dma_wait3A_2252 : memref<1x16x128xf16, #tpu.memory_space<hbm>> -> memref<16x128xf16, #tpu.memory_space<hbm>>
    tpu.wait_dma2 semaphore(%arg13 : memref<!tpu.dma_semaphore, #tpu.memory_space<semaphore_mem>>) src(%dma_wait3A_2253 : memref<16x128xf16, #tpu.memory_space<hbm>>) dst(%dma_wait3A_2249 : memref<16x128xf16, #tpu.memory_space<vmem>>)
    %dma_wait3A_2254 = arith.constant 60 : i32
    %dma_wait3A_2255 = arith.constant 0 : i32
    %dma_wait3A_2256 = arith.constant 0 : i32
    %dma_wait3A_2257 = tpu.memref_slice %arg12[%dma_wait3A_2254, %dma_wait3A_2255, %dma_wait3A_2256] : memref<64x16x128xf16, #tpu.memory_space<vmem>> -> memref<1x16x128xf16, #tpu.memory_space<vmem>>
    %dma_wait3A_2258 = tpu.memref_squeeze %dma_wait3A_2257 : memref<1x16x128xf16, #tpu.memory_space<vmem>> -> memref<16x128xf16, #tpu.memory_space<vmem>>
    %dma_wait3A_2259 = arith.constant 0 : i32
    %dma_wait3A_2260 = arith.constant 0 : i32
    %dma_wait3A_2261 = tpu.memref_slice %arg5[%squeeze3A_1152, %dma_wait3A_2259, %dma_wait3A_2260] : memref<100000x16x128xf16, #tpu.memory_space<hbm>> -> memref<1x16x128xf16, #tpu.memory_space<hbm>>
    %dma_wait3A_2262 = tpu.memref_squeeze %dma_wait3A_2261 : memref<1x16x128xf16, #tpu.memory_space<hbm>> -> memref<16x128xf16, #tpu.memory_space<hbm>>
    %dma_wait3A_2263 = arith.constant 0 : i32
    %dma_wait3A_2264 = arith.constant 0 : i32
    %dma_wait3A_2265 = tpu.memref_slice %arg12[%dma_wait3A_2254, %dma_wait3A_2263, %dma_wait3A_2264] : memref<64x16x128xf16, #tpu.memory_space<vmem>> -> memref<1x16x128xf16, #tpu.memory_space<vmem>>
    %dma_wait3A_2266 = tpu.memref_squeeze %dma_wait3A_2265 : memref<1x16x128xf16, #tpu.memory_space<vmem>> -> memref<16x128xf16, #tpu.memory_space<vmem>>
    %dma_wait3A_2267 = arith.constant 0 : i32
    %dma_wait3A_2268 = arith.constant 0 : i32
    %dma_wait3A_2269 = tpu.memref_slice %arg5[%squeeze3A_1152, %dma_wait3A_2267, %dma_wait3A_2268] : memref<100000x16x128xf16, #tpu.memory_space<hbm>> -> memref<1x16x128xf16, #tpu.memory_space<hbm>>
    %dma_wait3A_2270 = tpu.memref_squeeze %dma_wait3A_2269 : memref<1x16x128xf16, #tpu.memory_space<hbm>> -> memref<16x128xf16, #tpu.memory_space<hbm>>
    tpu.wait_dma2 semaphore(%arg13 : memref<!tpu.dma_semaphore, #tpu.memory_space<semaphore_mem>>) src(%dma_wait3A_2270 : memref<16x128xf16, #tpu.memory_space<hbm>>) dst(%dma_wait3A_2266 : memref<16x128xf16, #tpu.memory_space<vmem>>)
    %dma_wait3A_2271 = arith.constant 61 : i32
    %dma_wait3A_2272 = arith.constant 0 : i32
    %dma_wait3A_2273 = arith.constant 0 : i32
    %dma_wait3A_2274 = tpu.memref_slice %arg12[%dma_wait3A_2271, %dma_wait3A_2272, %dma_wait3A_2273] : memref<64x16x128xf16, #tpu.memory_space<vmem>> -> memref<1x16x128xf16, #tpu.memory_space<vmem>>
    %dma_wait3A_2275 = tpu.memref_squeeze %dma_wait3A_2274 : memref<1x16x128xf16, #tpu.memory_space<vmem>> -> memref<16x128xf16, #tpu.memory_space<vmem>>
    %dma_wait3A_2276 = arith.constant 0 : i32
    %dma_wait3A_2277 = arith.constant 0 : i32
    %dma_wait3A_2278 = tpu.memref_slice %arg5[%squeeze3A_1171, %dma_wait3A_2276, %dma_wait3A_2277] : memref<100000x16x128xf16, #tpu.memory_space<hbm>> -> memref<1x16x128xf16, #tpu.memory_space<hbm>>
    %dma_wait3A_2279 = tpu.memref_squeeze %dma_wait3A_2278 : memref<1x16x128xf16, #tpu.memory_space<hbm>> -> memref<16x128xf16, #tpu.memory_space<hbm>>
    %dma_wait3A_2280 = arith.constant 0 : i32
    %dma_wait3A_2281 = arith.constant 0 : i32
    %dma_wait3A_2282 = tpu.memref_slice %arg12[%dma_wait3A_2271, %dma_wait3A_2280, %dma_wait3A_2281] : memref<64x16x128xf16, #tpu.memory_space<vmem>> -> memref<1x16x128xf16, #tpu.memory_space<vmem>>
    %dma_wait3A_2283 = tpu.memref_squeeze %dma_wait3A_2282 : memref<1x16x128xf16, #tpu.memory_space<vmem>> -> memref<16x128xf16, #tpu.memory_space<vmem>>
    %dma_wait3A_2284 = arith.constant 0 : i32
    %dma_wait3A_2285 = arith.constant 0 : i32
    %dma_wait3A_2286 = tpu.memref_slice %arg5[%squeeze3A_1171, %dma_wait3A_2284, %dma_wait3A_2285] : memref<100000x16x128xf16, #tpu.memory_space<hbm>> -> memref<1x16x128xf16, #tpu.memory_space<hbm>>
    %dma_wait3A_2287 = tpu.memref_squeeze %dma_wait3A_2286 : memref<1x16x128xf16, #tpu.memory_space<hbm>> -> memref<16x128xf16, #tpu.memory_space<hbm>>
    tpu.wait_dma2 semaphore(%arg13 : memref<!tpu.dma_semaphore, #tpu.memory_space<semaphore_mem>>) src(%dma_wait3A_2287 : memref<16x128xf16, #tpu.memory_space<hbm>>) dst(%dma_wait3A_2283 : memref<16x128xf16, #tpu.memory_space<vmem>>)
    %dma_wait3A_2288 = arith.constant 62 : i32
    %dma_wait3A_2289 = arith.constant 0 : i32
    %dma_wait3A_2290 = arith.constant 0 : i32
    %dma_wait3A_2291 = tpu.memref_slice %arg12[%dma_wait3A_2288, %dma_wait3A_2289, %dma_wait3A_2290] : memref<64x16x128xf16, #tpu.memory_space<vmem>> -> memref<1x16x128xf16, #tpu.memory_space<vmem>>
    %dma_wait3A_2292 = tpu.memref_squeeze %dma_wait3A_2291 : memref<1x16x128xf16, #tpu.memory_space<vmem>> -> memref<16x128xf16, #tpu.memory_space<vmem>>
    %dma_wait3A_2293 = arith.constant 0 : i32
    %dma_wait3A_2294 = arith.constant 0 : i32
    %dma_wait3A_2295 = tpu.memref_slice %arg5[%squeeze3A_1190, %dma_wait3A_2293, %dma_wait3A_2294] : memref<100000x16x128xf16, #tpu.memory_space<hbm>> -> memref<1x16x128xf16, #tpu.memory_space<hbm>>
    %dma_wait3A_2296 = tpu.memref_squeeze %dma_wait3A_2295 : memref<1x16x128xf16, #tpu.memory_space<hbm>> -> memref<16x128xf16, #tpu.memory_space<hbm>>
    %dma_wait3A_2297 = arith.constant 0 : i32
    %dma_wait3A_2298 = arith.constant 0 : i32
    %dma_wait3A_2299 = tpu.memref_slice %arg12[%dma_wait3A_2288, %dma_wait3A_2297, %dma_wait3A_2298] : memref<64x16x128xf16, #tpu.memory_space<vmem>> -> memref<1x16x128xf16, #tpu.memory_space<vmem>>
    %dma_wait3A_2300 = tpu.memref_squeeze %dma_wait3A_2299 : memref<1x16x128xf16, #tpu.memory_space<vmem>> -> memref<16x128xf16, #tpu.memory_space<vmem>>
    %dma_wait3A_2301 = arith.constant 0 : i32
    %dma_wait3A_2302 = arith.constant 0 : i32
    %dma_wait3A_2303 = tpu.memref_slice %arg5[%squeeze3A_1190, %dma_wait3A_2301, %dma_wait3A_2302] : memref<100000x16x128xf16, #tpu.memory_space<hbm>> -> memref<1x16x128xf16, #tpu.memory_space<hbm>>
    %dma_wait3A_2304 = tpu.memref_squeeze %dma_wait3A_2303 : memref<1x16x128xf16, #tpu.memory_space<hbm>> -> memref<16x128xf16, #tpu.memory_space<hbm>>
    tpu.wait_dma2 semaphore(%arg13 : memref<!tpu.dma_semaphore, #tpu.memory_space<semaphore_mem>>) src(%dma_wait3A_2304 : memref<16x128xf16, #tpu.memory_space<hbm>>) dst(%dma_wait3A_2300 : memref<16x128xf16, #tpu.memory_space<vmem>>)
    %dma_wait3A_2305 = arith.constant 63 : i32
    %dma_wait3A_2306 = arith.constant 0 : i32
    %dma_wait3A_2307 = arith.constant 0 : i32
    %dma_wait3A_2308 = tpu.memref_slice %arg12[%dma_wait3A_2305, %dma_wait3A_2306, %dma_wait3A_2307] : memref<64x16x128xf16, #tpu.memory_space<vmem>> -> memref<1x16x128xf16, #tpu.memory_space<vmem>>
    %dma_wait3A_2309 = tpu.memref_squeeze %dma_wait3A_2308 : memref<1x16x128xf16, #tpu.memory_space<vmem>> -> memref<16x128xf16, #tpu.memory_space<vmem>>
    %dma_wait3A_2310 = arith.constant 0 : i32
    %dma_wait3A_2311 = arith.constant 0 : i32
    %dma_wait3A_2312 = tpu.memref_slice %arg5[%squeeze3A_1209, %dma_wait3A_2310, %dma_wait3A_2311] : memref<100000x16x128xf16, #tpu.memory_space<hbm>> -> memref<1x16x128xf16, #tpu.memory_space<hbm>>
    %dma_wait3A_2313 = tpu.memref_squeeze %dma_wait3A_2312 : memref<1x16x128xf16, #tpu.memory_space<hbm>> -> memref<16x128xf16, #tpu.memory_space<hbm>>
    %dma_wait3A_2314 = arith.constant 0 : i32
    %dma_wait3A_2315 = arith.constant 0 : i32
    %dma_wait3A_2316 = tpu.memref_slice %arg12[%dma_wait3A_2305, %dma_wait3A_2314, %dma_wait3A_2315] : memref<64x16x128xf16, #tpu.memory_space<vmem>> -> memref<1x16x128xf16, #tpu.memory_space<vmem>>
    %dma_wait3A_2317 = tpu.memref_squeeze %dma_wait3A_2316 : memref<1x16x128xf16, #tpu.memory_space<vmem>> -> memref<16x128xf16, #tpu.memory_space<vmem>>
    %dma_wait3A_2318 = arith.constant 0 : i32
    %dma_wait3A_2319 = arith.constant 0 : i32
    %dma_wait3A_2320 = tpu.memref_slice %arg5[%squeeze3A_1209, %dma_wait3A_2318, %dma_wait3A_2319] : memref<100000x16x128xf16, #tpu.memory_space<hbm>> -> memref<1x16x128xf16, #tpu.memory_space<hbm>>
    %dma_wait3A_2321 = tpu.memref_squeeze %dma_wait3A_2320 : memref<1x16x128xf16, #tpu.memory_space<hbm>> -> memref<16x128xf16, #tpu.memory_space<hbm>>
    tpu.wait_dma2 semaphore(%arg13 : memref<!tpu.dma_semaphore, #tpu.memory_space<semaphore_mem>>) src(%dma_wait3A_2321 : memref<16x128xf16, #tpu.memory_space<hbm>>) dst(%dma_wait3A_2317 : memref<16x128xf16, #tpu.memory_space<vmem>>)
    "tpu.region"() ({
      %run_scoped3A = tpu.sem_alloc : memref<!tpu.dma_semaphore, #tpu.memory_space<semaphore_mem>>
      %dma_start3A_2326 = arith.constant 0 : i32
      %dma_start3A_2327 = arith.constant 0 : i32
      %dma_start3A_2328 = tpu.memref_slice %arg6[%mul3A_2, %dma_start3A_2326, %dma_start3A_2327] : memref<2048x16x128xf16, #tpu.memory_space<hbm>> -> memref<64x16x128xf16, #tpu.memory_space<hbm>>
      %dma_start3A_2329 = arith.constant 0 : i32
      %dma_start3A_2330 = arith.constant 0 : i32
      %dma_start3A_2331 = tpu.memref_slice %arg6[%mul3A_2, %dma_start3A_2329, %dma_start3A_2330] : memref<2048x16x128xf16, #tpu.memory_space<hbm>> -> memref<64x16x128xf16, #tpu.memory_space<hbm>>
      tpu.enqueue_dma source(%arg12 : memref<64x16x128xf16, #tpu.memory_space<vmem>>) target(%dma_start3A_2331 : memref<64x16x128xf16, #tpu.memory_space<hbm>>) target_semaphore(%run_scoped3A : memref<!tpu.dma_semaphore, #tpu.memory_space<semaphore_mem>>)
      %dma_wait3A_2332 = arith.constant 0 : i32
      %dma_wait3A_2333 = arith.constant 0 : i32
      %dma_wait3A_2334 = tpu.memref_slice %arg6[%mul3A_2, %dma_wait3A_2332, %dma_wait3A_2333] : memref<2048x16x128xf16, #tpu.memory_space<hbm>> -> memref<64x16x128xf16, #tpu.memory_space<hbm>>
      %dma_wait3A_2335 = arith.constant 0 : i32
      %dma_wait3A_2336 = arith.constant 0 : i32
      %dma_wait3A_2337 = tpu.memref_slice %arg6[%mul3A_2, %dma_wait3A_2335, %dma_wait3A_2336] : memref<2048x16x128xf16, #tpu.memory_space<hbm>> -> memref<64x16x128xf16, #tpu.memory_space<hbm>>
      tpu.wait_dma2 semaphore(%run_scoped3A : memref<!tpu.dma_semaphore, #tpu.memory_space<semaphore_mem>>) src(%arg12 : memref<64x16x128xf16, #tpu.memory_space<vmem>>) dst(%dma_wait3A_2337 : memref<64x16x128xf16, #tpu.memory_space<hbm>>)
      tpu.yield
    }) : () -> ()
    %dma_wait3A_2322 = tpu.memref_slice %arg7[%mul3A_2] : memref<2048xf32, #tpu.memory_space<hbm>> -> memref<64xf32, #tpu.memory_space<hbm>>
    %dma_wait3A_2323 = tpu.memref_slice %arg7[%mul3A_2] : memref<2048xf32, #tpu.memory_space<hbm>> -> memref<64xf32, #tpu.memory_space<hbm>>
    tpu.wait_dma2 semaphore(%arg14 : memref<!tpu.dma_semaphore, #tpu.memory_space<semaphore_mem>>) src(%arg10 : memref<64xf32, #tpu.memory_space<vmem>>) dst(%dma_wait3A_2323 : memref<64xf32, #tpu.memory_space<hbm>>)
    %dma_wait3A_2324 = tpu.memref_slice %arg8[%mul3A_2] : memref<2048xf32, #tpu.memory_space<hbm>> -> memref<64xf32, #tpu.memory_space<hbm>>
    %dma_wait3A_2325 = tpu.memref_slice %arg8[%mul3A_2] : memref<2048xf32, #tpu.memory_space<hbm>> -> memref<64xf32, #tpu.memory_space<hbm>>
    tpu.wait_dma2 semaphore(%arg14 : memref<!tpu.dma_semaphore, #tpu.memory_space<semaphore_mem>>) src(%arg11 : memref<64xf32, #tpu.memory_space<vmem>>) dst(%dma_wait3A_2325 : memref<64xf32, #tpu.memory_space<hbm>>)
    return
  }
}

</mosaic_0001>

<sc_bundles>
// kernel: _embed_call.3.cloned.1.call-start
scs
__scs_entry_jumppad:
0x0: {  	(pc) =	sbr.rel $0x88, $3  }
0x1: {  	(tag) =	ssettag $0x0;
	lr =	simm.s32 $0x1  }
0x2: {  	[smem:$0x3F9D] =	sst lr;
	_ =	strace $0xD0000000  }
0x3: {  	_ = 	snop  }
0x4: {  	_ = 	snop  }
0x5: {  	_ = 	snop  }
0x6: {  	_ = 	snop  }
0x7: {  	_ = 	snop  }
__scs_overlays_trampoline_lowered:
0x8: {  	[smem:$0x3FAC] =	sst s0  }
0x9: {  	[smem:$0x3FAD] =	sst s1  }
0xa: {  	[smem:$0x3FAE] =	sst s2  }
0xb: {  	[smem:$0x3FAF] =	sst s3  }
0xc: {  	[smem:$0x3FB0] =	sst s4  }
0xd: {  	[smem:$0x3FB1] =	sst s5  }
0xe: {  	[smem:$0x3FB2] =	sst s6  }
0xf: {  	[smem:$0x3FB3] =	sst s7  }
0x10: {  	[smem:$0x3FB4] =	sst s8  }
0x11: {  	[smem:$0x3FB5] =	sst s9;
	s0 =	simm.s32 @!p0 $0x0  }
0x12: {  	s1 =	sld [smem:$0x3F9B];
	s0 =	simm.s32 @p0 $0x1  }
0x13: {  	[smem:$0x3FB6] =	sst s0;
	s0 =	simm.s32 @!p1 $0x0  }
0x14: {  	s2 =	sld [smem:$0x3F9A];
	s0 =	simm.s32 @p1 $0x1  }
0x15: {  	[smem:$0x3FB7] =	sst s0;
	s0 =	simm.s32 @!p2 $0x0  }
0x16: {  	s3 =	sld [smem:$0x3FDB];
	s0 =	simm.s32 @p2 $0x1  }
0x17: {  	s4 =	simm.s32 $0x1BF5;
	[smem:$0x3FB9] =	sst s0  }
0x18: {  	s0 =	sld [smem:$0x3F9C];
	_ =	swait.ge [sflag:s4], $0x0  }
0x19: {  	s7 =	sld [smem:$0x3F9D]  }
0x1a: {  	s8 =	sadd.s32 $0xFFFFE003, lr  }
0x1b: {  	s9 =	sadd.s32 $0xFFFFFEF7, lr;
	s5 =	simm.s32 $0xFFFFFFFF;
	p2 =	slt.u32 s8, $0xFFFFF086  }
0x1c: {  	p1 =	slt.u32 s9, $0xF7A;
	s5 =	simm.s32 @!p2 $0x0  }
0x1d: {  	s5 =	simm.s32 @p1 $0x1;
	p0 =	seq.s32 s7, s2  }
0x1e: {  	s7 =	smul.u32 @!p0 $0xF7A, s2;
	p2 =	seq.s32 @!p0 s5, $0x0  }
0x1f: {  	s9 =	smul.u32 $0xF7A, s1;
	s8 =	simm.s32 @!p0 $0x1BF5;
	p2 =	por !p2, p0  }
0x20: {  	[sflag:s8] =	ssyncset.s32 @!p0 $0xFFFFF086;
	s6 =	sadd.s32 @!p0 s3, s7;
	s7 =	simm.s32 @!p0 $0x108  }
0x21: {  	s3 =	sadd.s32 s3, s9;
	s6 =	sadd.s32 @!p0 $0x88, s6;
	s7 =	simm.s32 @p2 $0x1082  }
0x22: {  	[simem:s7], [sflag:s8] =	dma.local @!p0 [hbm:s6], $0xF7A  }
0x23: {  	s9 =	sor.u32 $0xD0000000, s2;
	s6 =	simm.s32 $0x108;
	_ =	swait.ge @!p0 [sflag:s8], $0x0  }
0x24: {  	s3 =	sadd.s32 $0x88, s3;
	s6 =	simm.s32 @!p1 $0x1082;
	[sflag:s4] =	ssyncset.s32 $0xFFFFF086  }
0x25: {  	[simem:s6], [sflag:s4] =	dma.local [hbm:s3], $0xF7A  }
0x26: {  	[smem:$0x3F9D] =	sst s1;
	(tag) =	ssettag s2;
	_ =	strace s9  }
0x27: {  	s1 =	sld [smem:$0x3FAD]  }
0x28: {  	s2 =	sld [smem:$0x3FAE]  }
0x29: {  	s4 =	sld [smem:$0x3FB0]  }
0x2a: {  	p0 =	seq.s32 s5, $0x0;
	s5 =	sld [smem:$0x3FB1]  }
0x2b: {  	s6 =	sld [smem:$0x3FB2]  }
0x2c: {  	s7 =	sld [smem:$0x3FB3]  }
0x2d: {  	s3 =	simm.s32 $0x108;
	s8 =	sld [smem:$0x3FB4]  }
0x2e: {  	s3 =	simm.s32 @!p0 $0x1082;
	s9 =	sld [smem:$0x3FB5]  }
0x2f: {  	lr =	sadd.s32 s0, s3;
	s0 =	sld [smem:$0x3FAC]  }
0x30: {  	s3 =	sld [smem:$0x3FAF]  }
0x31: {  	[smem:$0x3FB8] =	sst s10  }
0x32: {  	s10 =	sld [smem:$0x3FB6];
	_ =	sdelay $0x3  }
0x33: {  	p0 =	seq.s32 s10, $0x1;
	s10 =	sld [smem:$0x3FB8];
	_ =	sdelay $0x3  }
0x34: {  	[smem:$0x3FB8] =	sst s10  }
0x35: {  	s10 =	sld [smem:$0x3FB7];
	_ =	sdelay $0x3  }
0x36: {  	p1 =	seq.s32 s10, $0x1;
	s10 =	sld [smem:$0x3FB8];
	_ =	sdelay $0x3  }
0x37: {  	[smem:$0x3FB8] =	sst s10  }
0x38: {  	s10 =	sld [smem:$0x3FB9]  }
0x39: {  	_ = 	snop;
	(pc) =	sbr.ind lr, $3  }
0x3a: {  	_ = 	snop  }
0x3b: {  	_ = 	snop  }
0x3c: {  	p2 =	seq.s32 s10, $0x1;
	s10 =	sld [smem:$0x3FB8]  }
0x3d: {  	_ =	shalt  }
0x3e: {  	_ =	shalt  }
0x3f: {  	_ =	shalt  }
0x40: {  	_ =	shalt  }
0x41: {  	_ =	shalt  }
0x42: {  	_ =	shalt  }
0x43: {  	_ =	shalt  }
0x44: {  	_ =	shalt  }
0x45: {  	_ =	shalt  }
0x46: {  	_ =	shalt  }
0x47: {  	_ =	shalt  }
0x48: {  	_ =	shalt  }
0x49: {  	_ =	shalt  }
0x4a: {  	_ =	shalt  }
0x4b: {  	_ =	shalt  }
0x4c: {  	_ =	shalt  }
0x4d: {  	_ =	shalt  }
0x4e: {  	_ =	shalt  }
0x4f: {  	_ =	shalt  }
0x50: {  	_ =	shalt  }
0x51: {  	_ =	shalt  }
0x52: {  	_ =	shalt  }
0x53: {  	_ =	shalt  }
0x54: {  	_ =	shalt  }
0x55: {  	_ =	shalt  }
0x56: {  	_ =	shalt  }
0x57: {  	_ =	shalt  }
0x58: {  	_ =	shalt  }
0x59: {  	_ =	shalt  }
0x5a: {  	_ =	shalt  }
0x5b: {  	_ =	shalt  }
0x5c: {  	_ =	shalt  }
0x5d: {  	_ =	shalt  }
0x5e: {  	_ =	shalt  }
0x5f: {  	_ =	shalt  }
0x60: {  	_ =	shalt  }
0x61: {  	_ =	shalt  }
0x62: {  	_ =	shalt  }
0x63: {  	_ =	shalt  }
0x64: {  	_ =	shalt  }
0x65: {  	_ =	shalt  }
0x66: {  	_ =	shalt  }
0x67: {  	_ =	shalt  }
0x68: {  	_ =	shalt  }
0x69: {  	_ =	shalt  }
0x6a: {  	_ =	shalt  }
0x6b: {  	_ =	shalt  }
0x6c: {  	_ =	shalt  }
0x6d: {  	_ =	shalt  }
0x6e: {  	_ =	shalt  }
0x6f: {  	_ =	shalt  }
0x70: {  	_ =	shalt  }
0x71: {  	_ =	shalt  }
0x72: {  	_ =	shalt  }
0x73: {  	_ =	shalt  }
0x74: {  	_ =	shalt  }
0x75: {  	_ =	shalt  }
0x76: {  	_ =	shalt  }
0x77: {  	_ =	shalt  }
0x78: {  	_ =	shalt  }
0x79: {  	_ =	shalt  }
0x7a: {  	_ =	shalt  }
0x7b: {  	_ =	shalt  }
0x7c: {  	_ =	shalt  }
0x7d: {  	_ =	shalt  }
0x7e: {  	_ =	shalt  }
0x7f: {  	_ =	shalt  }
0x80: {  	_ =	shalt  }
0x81: {  	_ =	shalt  }
0x82: {  	_ =	shalt  }
0x83: {  	_ =	shalt  }
0x84: {  	_ =	shalt  }
0x85: {  	_ =	shalt  }
0x86: {  	_ =	shalt  }
0x87: {  	_ =	shalt  }
.Lfunc_end0:
.L_simem_size_0:
called_computation_lowered:
.L_overlay_start_0:
0x88: {  	s2 =	sld [smem:$0x3FD9]  }
0x89: {  	s3 =	sld [smem:$0x3FFE];
	_ =	sdelay $0x1  }
0x8a: {  	s1 =	srdreg.scid  }
0x8b: {  	s0 =	sand.u32 $0x1, s1  }
0x8c: {  	s17 =	sshll.u32 s0, $0xA;
	s2 =	sadd.s32 s3, s2  }
0x8d: {  	s2 =	sadd.s32 s2, s17  }
0x8e: {  	[smem:$0x3FC4] =	sst s2  }
0x8f: {  	_ = 	snop  }
0x90: {  	s2 =	sld [smem:$0x3FC9]  }
0x91: {  	s18 =	sld [smem:$0x3FC8]  }
0x92: {  	s4 =	sld [smem:$0x3FC7]  }
0x93: {  	s5 =	sld [smem:$0x3FC6]  }
0x94: {  	s6 =	sld [smem:$0x3FD0];
	(tm) =	ssettm $0x1  }
0x95: {  	s7 =	sld [smem:$0x3FFB];
	_ =	sdelay $0x3  }
0x96: {  	_ =	strace s7  }
0x97: {  	s7 =	sld [smem:$0x3FFC];
	_ =	sdelay $0x3  }
0x98: {  	_ =	strace s7  }
0x99: {  	s7 =	sld [smem:$0x3FFD];
	_ =	sdelay $0x3  }
0x9a: {  	_ =	strace s7  }
0x9b: {  	_ =	strace $0x8FFFFFFF  }
0x9c: {  	s19 =	sld [smem:$0x3FDB];
	_ =	sdelay $0x1  }
0x9d: {  	s8 =	simm.s32 $_scs_section_size  }
0x9e: {  	s9 =	simm.s32 $_size__tile_overlayer_lowered;
	s10 =	simm.s32 $_tile_overlayer_lowered  }
0x9f: {  	s22 =	simm.s32 $0x1BFF;
	s21 =	sshll.u32 s10, $0x1;
	s7 =	sadd.s32 s8, s19  }
0xa0: {  	s11 =	simm.s32 $0x0;
	s20 =	sshll.u32 s9, $0x1;
	s9 =	sadd.s32 s21, s7  }
0xa1: {  	[timem:s11], [sflag:s22] =	dma.local [hbm:s9], s20  }
0xa2: {  	_ =	swait.ge [sflag:s22], s20  }
0xa3: {  	s8 =	ssub.s32 $0x0, s20;
	[sflag:s22] =	ssyncset.done $0x0  }
0xa4: {  	[sflag:s22] =	ssyncadd.s32 s8;
	_ =	sdelay $0x1  }
0xa5: {  	s23 =	simm.s32 $0x1B8B  }
0xa6: {  	_ =	swait.ge [sflag:s23], $0x1  }
0xa7: {  	[sflag:s23] =	ssyncset.done $0x0  }
0xa8: {  	s25 =	simm.s32 $0x1B8E;
	s24 =	sld [smem:$0x3FFE];
	[sflag:s23] =	ssyncadd.s32 $0xFFFFFFFF  }
0xa9: {  	s26 =	simm.s32 $execute0_lowered;
	[smem:$0x3FD2] =	sst s25  }
0xaa: {  	s9 =	sshll.u32 s26, $0x1;
	_ =	strace $0x80000046;
	[dreg:$0x1] =	wrdreg $0xFFFFFFFF  }
0xab: {  	s28 =	simm.s32 $_size_execute0_lowered;
	s7 =	sadd.s32 s7, s9;
	[dreg:$0x0] =	wrdreg $0x0  }
0xac: {  	s9 =	sshll.u32 s28, $0x1;
	[dreg:$0x2] =	wrdreg s7  }
0xad: {  	[dreg:$0x3] =	wrdreg s9  }
0xae: {  	[dreg:$0x4] =	wrdreg $0xC0  }
0xaf: {  	_ =	task [dreg:s11], $0x5FFFF  }
0xb0: {  	[dreg:$0x1] =	wrdreg $0xFFFFFFFF  }
0xb1: {  	[dreg:$0x0] =	wrdreg $0x60  }
0xb2: {  	[dreg:$0x2] =	wrdreg s2  }
0xb3: {  	[dreg:$0x3] =	wrdreg s4  }
0xb4: {  	[dreg:$0x4] =	wrdreg s5  }
0xb5: {  	[dreg:$0x5] =	wrdreg s18  }
0xb6: {  	[dreg:$0x6] =	wrdreg s6  }
0xb7: {  	[dreg:$0x7] =	wrdreg s24  }
0xb8: {  	[dreg:$0x8] =	wrdreg $0x9  }
0xb9: {  	_ =	task.clear_ibuf [dreg:s11], $0x9FFFF;
	_ =	strace $0x90000046  }
0xba: {  	s29 =	simm.s32 $0x9;
	_ =	strace $0x80000048  }
0xbb: {  	_ =	swait.ge [sflag:s29], $0x1  }
0xbc: {  	[sflag:s29] =	ssyncadd.s32 $0xFFFFFFFF  }
0xbd: {  	_ =	strace $0x90000048  }
0xbe: {  	_ =	sfence  }
0xbf: {  	s30 =	sld [smem:$0x0];
	_ =	sdelay $0x2  }
0xc0: {  	s31 =	sshll.u32 s1, $0xD;
	s1 =	sshrl.u32 s1, $0x2  }
0xc1: {  	s3 =	sand.u32 $0x4000, s31;
	s1 =	sadd.s32 s1, s30  }
0xc2: {  	s0 =	sor.u32 s3, s0;
	s1 =	sshll.u32 s1, $0x11  }
0xc3: {  	s0 =	sor.u32 s1, s0  }
0xc4: {  	s0 =	sadd.s32 $0x8F2B, s0  }
0xc5: {  	[sflag:s0] =	ssyncadd.remote.s32 $0x1  }
0xc6: {  	_ =	sfence.sel $0xFFFF  }
0xc7: {  	[dreg:$0x0] =	wrdreg $0xFFFFFFFF;
	(pc) =	sbr.abs _section_cstart, $3  }
0xc8: {  	[dreg:$0x1] =	wrdreg $0xFFFFFFFF  }
0xc9: {  	_ =	task.clear_ibuf [dreg:s11], $0x2FFFF;
	_ =	strace $0x9FFFFFFF  }
0xca: {  	(tm) =	ssettm $0x7FFFFFFF  }
0xcb: {  	_ =	shalt  }
tec
execute0_lowered:
.L_overlay_start_1:
0x0: {  	(tag) =	ssettag $0x1  }
0x1: {  	s4 =	rddreg [dreg:$0x0]  }
0x2: {  	s0 =	rddreg [dreg:$0x1]  }
0x3: {  	s12 =	rddreg [dreg:$0x2]  }
0x4: {  	s7 =	rddreg [dreg:$0x3]  }
0x5: {  	s5 =	rddreg [dreg:$0x4]  }
0x6: {  	s6 =	rddreg [dreg:$0x5]  }
0x7: {  	[dreg:$0x7] =	wrdreg s0  }
0x8: {  	s1 =	srdreg.scid;
	[dreg:$0x8] =	wrdreg s12  }
0x9: {  	s2 =	simm.s32 $0x0;
	s3 =	sand.u32 $0x1, s1;
	s1 =	rddreg [dreg:$0x6]  }
0xa: {  	s17 =	simm.s32 $0x580;
	[smem:$0x7FF] =	sst s2  }
0xb: {  	s18 =	simm.s32 $0x980;
	_ =	strace $0x80000047;
	[dreg:$0xd] =	wrdreg s17  }
0xc: {  	s19 =	simm.s32 $0xD80;
	[dreg:$0xe] =	wrdreg s18  }
0xd: {  	s20 =	simm.s32 $0x1180;
	[dreg:$0xf] =	wrdreg s19  }
0xe: {  	s21 =	simm.s32 $0x1580;
	[dreg:$0x10] =	wrdreg s20  }
0xf: {  	s22 =	simm.s32 $0x1980;
	[dreg:$0x11] =	wrdreg s21  }
0x10: {  	s23 =	simm.s32 $0x1D80;
	[dreg:$0x12] =	wrdreg s22  }
0x11: {  	s24 =	simm.s32 $0x2180;
	[dreg:$0x13] =	wrdreg s23  }
0x12: {  	s25 =	simm.s32 $0x2580;
	[dreg:$0x14] =	wrdreg s24  }
0x13: {  	s26 =	simm.s32 $0x2980;
	[dreg:$0x15] =	wrdreg s25  }
0x14: {  	s28 =	simm.s32 $0x2D80;
	[dreg:$0x16] =	wrdreg s26  }
0x15: {  	s29 =	simm.s32 $0x3180;
	[dreg:$0x17] =	wrdreg s28  }
0x16: {  	s30 =	simm.s32 $0x3580;
	[dreg:$0x18] =	wrdreg s29  }
0x17: {  	s31 =	simm.s32 $0x3980;
	[dreg:$0x19] =	wrdreg s30  }
0x18: {  	s10 =	simm.s32 $0x4D80;
	[dreg:$0x1a] =	wrdreg s31  }
0x19: {  	s11 =	simm.s32 $0x5180;
	[dreg:$0x1f] =	wrdreg s10  }
0x1a: {  	s12 =	simm.s32 $0x5580;
	[smem:$0x7D2] =	sst s11  }
0x1b: {  	[smem:$0x7D3] =	sst s12;
	s17 =	simm.s32 $0x6980  }
0x1c: {  	s18 =	simm.s32 $0x6D80;
	[smem:$0x7D8] =	sst s17  }
0x1d: {  	s19 =	simm.s32 $0x7180;
	[smem:$0x7D9] =	sst s18  }
0x1e: {  	s20 =	simm.s32 $0x7580;
	[smem:$0x7DA] =	sst s19  }
0x1f: {  	s21 =	simm.s32 $0x7980;
	[smem:$0x7DB] =	sst s20  }
0x20: {  	s22 =	simm.s32 $0x7D80;
	[smem:$0x7DC] =	sst s21  }
0x21: {  	s23 =	simm.s32 $0x8180;
	[smem:$0x7DD] =	sst s22  }
0x22: {  	s24 =	simm.s32 $0x8580;
	[smem:$0x7DE] =	sst s23  }
0x23: {  	s25 =	simm.s32 $0x8980;
	[smem:$0x7DF] =	sst s24  }
0x24: {  	s26 =	simm.s32 $0x8D80;
	[smem:$0x7E0] =	sst s25  }
0x25: {  	s28 =	simm.s32 $0x9180;
	[smem:$0x7E1] =	sst s26  }
0x26: {  	s29 =	simm.s32 $0x9580;
	[smem:$0x7E2] =	sst s28  }
0x27: {  	s30 =	simm.s32 $0x9980;
	[smem:$0x7E3] =	sst s29  }
0x28: {  	s31 =	simm.s32 $0x9D80;
	[smem:$0x7E4] =	sst s30  }
0x29: {  	s10 =	simm.s32 $0xB180;
	[smem:$0x7E5] =	sst s31  }
0x2a: {  	s11 =	simm.s32 $0xB580;
	[smem:$0x7EA] =	sst s10  }
0x2b: {  	s12 =	simm.s32 $0xB980;
	[smem:$0x7EB] =	sst s11  }
0x2c: {  	[smem:$0x7EC] =	sst s12;
	s17 =	simm.s32 $0xCD80  }
0x2d: {  	s18 =	simm.s32 $0xD180;
	[smem:$0x7F1] =	sst s17  }
0x2e: {  	s19 =	simm.s32 $0xD580;
	[smem:$0x7F2] =	sst s18  }
0x2f: {  	s20 =	simm.s32 $0xD980;
	[smem:$0x7F3] =	sst s19  }
0x30: {  	s21 =	simm.s32 $0xDD80;
	[smem:$0x7F4] =	sst s20  }
0x31: {  	s22 =	simm.s32 $0xE180;
	[smem:$0x7F5] =	sst s21  }
0x32: {  	s23 =	simm.s32 $0xE580;
	[smem:$0x7F6] =	sst s22  }
0x33: {  	s25 =	simm.s32 $0xE980;
	[smem:$0x7F7] =	sst s23  }
0x34: {  	s0 =	stileid.u32;
	s26 =	simm.s32 $0xED80;
	[smem:$0x7F8] =	sst s25  }
0x35: {  	s8 =	sshll.u32 s0, $0x7;
	s28 =	simm.s32 $0xF180;
	[smem:$0x7F9] =	sst s26  }
0x36: {  	s9 =	sshll.u32 s3, $0x6;
	s29 =	simm.s32 $0xF580;
	[smem:$0x7FA] =	sst s28  }
0x37: {  	s8 =	sor.u32 s9, s8;
	s30 =	simm.s32 $0xF980;
	[smem:$0x7FB] =	sst s29  }
0x38: {  	s31 =	simm.s32 $0xFD80;
	s9 =	sshrl.u32 s8, $0x3;
	[smem:$0x7FC] =	sst s30  }
0x39: {  	s15 =	sshll.u32 s8, $0x7;
	s8 =	simm.s32 $0x4580;
	[smem:$0x7FD] =	sst s31  }
0x3a: {  	s4 =	sadd.s32 s4, s9;
	[dreg:$0x1d] =	wrdreg s8  }
0x3b: {  	s16 =	sadd.s32 s5, s15;
	[dreg:$0x9] =	wrdreg s4  }
0x3c: {  	s5 =	simm.s32 $0x3D80;
	[dreg:$0xc] =	wrdreg s16  }
0x3d: {  	s6 =	sadd.s32 s9, s6;
	s9 =	simm.s32 $0x4980;
	[dreg:$0x1b] =	wrdreg s5  }
0x3e: {  	s15 =	simm.s32 $0x6180;
	[dreg:$0x1e] =	wrdreg s9  }
0x3f: {  	s8 =	simm.s32 $0xA980;
	[smem:$0x7D6] =	sst s15  }
0x40: {  	s13 =	sadd.s32 $0xC00, s6;
	[smem:$0x7E8] =	sst s8  }
0x41: {  	s14 =	sadd.s32 $0xE00, s6;
	[dreg:$0xa] =	wrdreg s13  }
0x42: {  	p0 =	por $0x0, $0x0;
	s6 =	simm.s32 $0x4180;
	[dreg:$0xb] =	wrdreg s14  }
0x43: {  	s3 =	ssub.s32 $0x2, s3;
	s16 =	simm.s32 $0x6580;
	[dreg:$0x1c] =	wrdreg s6  }
0x44: {  	s24 =	sshrl.u32 s3, $0x1;
	s5 =	simm.s32 $0xA180;
	[smem:$0x7D7] =	sst s16  }
0x45: {  	s10 =	simm.s32 $0x40;
	s9 =	simm.s32 $0xAD80;
	[smem:$0x7E6] =	sst s5  }
0x46: {  	s3 =	ssub.s32 s3, s24;
	s15 =	simm.s32 $0xC580;
	[smem:$0x7E9] =	sst s9  }
0x47: {  	s11 =	smax.u32 s3, $0x1;
	s3 =	simm.s32 $0x3;
	[smem:$0x7EF] =	sst s15  }
0x48: {  	s8 =	simm.s32 $0x80;
	s13 =	simm.s32 $0x5980;
	s12 =	rddreg [dreg:$0x9]  }
0x49: {  	p1 =	sne.s32 s11, $0x1;
	s14 =	simm.s32 $0x5D80;
	[smem:$0x7D4] =	sst s13  }
.Ltmp0:
0x4a: {  	s6 =	simm.s32 $0xA580;
	[smem:$0x7D5] =	sst s14;
	(pc) =	sbr.rel @!p1 .LBB2_3-.Ltmp0, $4  }
0x4b: {  	s4 =	simm.s32 $0x2;
	s16 =	simm.s32 $0xC980;
	[smem:$0x7E7] =	sst s6  }
0x4c: {  	s11 =	sadd.s32 $0xFFFFFFFF, s11;
	s13 =	simm.s32 $0xBD80;
	[smem:$0x7F0] =	sst s16  }
0x4d: {  	s9 =	simm.s32 $0x100;
	s14 =	simm.s32 $0xC180;
	[smem:$0x7ED] =	sst s13  }
0x4e: {  	s5 =	simm.s32 $0x180;
	s6 =	simm.s32 $0x1;
	[smem:$0x7EE] =	sst s14  }
0x4f: {  	[tilespmem:s2], [sflag:$0x3] =	stream.linear.gather [hbm4b:s12+s2], $0x40, $0x38;
	[tilespmem:$0x10180] =	vst v63  }
0x50: {  	_ =	swait.ge [sflag:s3], $0x40  }
0x51: {  	[sflag:s3] =	ssyncset.done $0x0  }
0x52: {  	s20 =	rddreg [dreg:$0x7];
	[sflag:s3] =	ssyncadd.s32 $0xFFFFFFC0  }
0x53: {  	[tilespmem:s8], [sflag:$0x2] =	stream.indirect.gather [hbm4b:s20+s10], $0x1, s2, s10, $0xb8;
	[tilespmem:$0x10180] =	vst v63  }
0x54: {  	s13 =	rddreg [dreg:$0x8]  }
0x55: {  	[tilespmem:s9], [sflag:$0x2] =	stream.indirect.gather [hbm4b:s13+s10], $0x1, s2, s10, $0xb8;
	[tilespmem:$0x10180] =	vst v63  }
0x56: {  	v0 =	vld [tilespmem:$0x0];
	_ =	sdelay $0x4  }
0x57: {  	v0 =	vshll.u32 v0, $0x7  }
0x58: {  	(v2sf) =	vpush v0, $0x0;
	_ =	sdelay $0x1  }
0x59: {  	(v2sf) =	vpush v0, $0x1;
	_ =	sdelay $0x1  }
0x5a: {  	(v2sf) =	vpush v0, $0x2;
	_ =	sdelay $0x2  }
0x5b: {  	(v2sf) =	vpush v0, $0x3;
	_ =	sdelay $0x7  }
0x5c: {  	s21 =	spop (v2sf);
	(v2sf) =	vpush v0, $0x4;
	_ =	sdelay $0x1  }
0x5d: {  	s23 =	spop (v2sf);
	(v2sf) =	vpush v0, $0x5;
	_ =	sdelay $0x1  }
0x5e: {  	s25 =	spop (v2sf);
	(v2sf) =	vpush v0, $0x6;
	_ =	sdelay $0x2  }
0x5f: {  	s12 =	sand.u32 $0xFFFFF80, s21;
	s28 =	spop (v2sf);
	(v2sf) =	vpush v0, $0x7  }
0x60: {  	s12 =	sadd.s32 s7, s12;
	s13 =	sand.u32 $0xFFFFF80, s23  }
0x61: {  	[tilespmem:s5], [sflag:$0x1] =	stream.linear.gather [hbm4b:s12+s2], $0x400, $0x38;
	[tilespmem:$0x10180] =	vst v63  }
0x62: {  	s22 =	rddreg [dreg:$0xd];
	s13 =	sadd.s32 s7, s13  }
0x63: {  	[tilespmem:s22], [sflag:$0x1] =	stream.linear.gather [hbm4b:s13+s2], $0x400, $0x38;
	[tilespmem:$0x10180] =	vst v63  }
0x64: {  	s13 =	sand.u32 $0xFFFFF80, s25  }
0x65: {  	s24 =	rddreg [dreg:$0xe];
	s13 =	sadd.s32 s7, s13  }
0x66: {  	[tilespmem:s24], [sflag:$0x1] =	stream.linear.gather [hbm4b:s13+s2], $0x400, $0x38;
	[tilespmem:$0x10180] =	vst v63  }
0x67: {  	s30 =	spop (v2sf);
	(v2sf) =	vpush v0, $0x8  }
0x68: {  	s13 =	sand.u32 $0xFFFFF80, s28  }
0x69: {  	s26 =	rddreg [dreg:$0xf];
	s13 =	sadd.s32 s7, s13;
	s14 =	spop (v2sf);
	(v2sf) =	vpush v0, $0x9  }
0x6a: {  	[tilespmem:s26], [sflag:$0x1] =	stream.linear.gather [hbm4b:s13+s2], $0x400, $0x38;
	[tilespmem:$0x10180] =	vst v63  }
0x6b: {  	s13 =	sand.u32 $0xFFFFF80, s30;
	s16 =	spop (v2sf);
	(v2sf) =	vpush v0, $0xA  }
0x6c: {  	s29 =	rddreg [dreg:$0x10];
	s13 =	sadd.s32 s7, s13  }
0x6d: {  	[tilespmem:s29], [sflag:$0x1] =	stream.linear.gather [hbm4b:s13+s2], $0x400, $0x38;
	[tilespmem:$0x10180] =	vst v63  }
0x6e: {  	s18 =	spop (v2sf);
	(v2sf) =	vpush v0, $0xB  }
0x6f: {  	s13 =	sand.u32 $0xFFFFF80, s14  }
0x70: {  	s31 =	rddreg [dreg:$0x11];
	s13 =	sadd.s32 s7, s13  }
0x71: {  	[tilespmem:s31], [sflag:$0x1] =	stream.linear.gather [hbm4b:s13+s2], $0x400, $0x38;
	[tilespmem:$0x10180] =	vst v63  }
0x72: {  	s13 =	sand.u32 $0xFFFFF80, s16  }
0x73: {  	s15 =	rddreg [dreg:$0x12];
	s13 =	sadd.s32 s7, s13  }
0x74: {  	[tilespmem:s15], [sflag:$0x1] =	stream.linear.gather [hbm4b:s13+s2], $0x400, $0x38;
	[tilespmem:$0x10180] =	vst v63  }
0x75: {  	s13 =	sand.u32 $0xFFFFF80, s18  }
0x76: {  	s17 =	rddreg [dreg:$0x13];
	s13 =	sadd.s32 s7, s13;
	s20 =	spop (v2sf);
	(v2sf) =	vpush v0, $0xC  }
0x77: {  	[tilespmem:s17], [sflag:$0x1] =	stream.linear.gather [hbm4b:s13+s2], $0x400, $0x38;
	[tilespmem:$0x10180] =	vst v63  }
0x78: {  	s22 =	spop (v2sf);
	(v2sf) =	vpush v0, $0xD  }
0x79: {  	s13 =	sand.u32 $0xFFFFF80, s20  }
0x7a: {  	s19 =	rddreg [dreg:$0x14];
	s13 =	sadd.s32 s7, s13;
	s24 =	spop (v2sf)  }
0x7b: {  	(v2sf) =	vpush v0, $0xE;
	[tilespmem:s19], [sflag:$0x1] =	stream.linear.gather [hbm4b:s13+s2], $0x400, $0x38;
	[tilespmem:$0x10180] =	vst v63  }
0x7c: {  	s13 =	sand.u32 $0xFFFFF80, s22  }
0x7d: {  	s21 =	rddreg [dreg:$0x15];
	s26 =	spop (v2sf);
	(v2sf) =	vpush v0, $0xF;
	s13 =	sadd.s32 s7, s13  }
0x7e: {  	[tilespmem:s21], [sflag:$0x1] =	stream.linear.gather [hbm4b:s13+s2], $0x400, $0x38;
	[tilespmem:$0x10180] =	vst v63  }
0x7f: {  	s13 =	sand.u32 $0xFFFFF80, s24  }
0x80: {  	s23 =	rddreg [dreg:$0x16];
	s13 =	sadd.s32 s7, s13  }
0x81: {  	[tilespmem:s23], [sflag:$0x1] =	stream.linear.gather [hbm4b:s13+s2], $0x400, $0x38;
	[tilespmem:$0x10180] =	vst v63  }
0x82: {  	s13 =	sand.u32 $0xFFFFF80, s26  }
0x83: {  	s25 =	rddreg [dreg:$0x17];
	s13 =	sadd.s32 s7, s13  }
0x84: {  	[tilespmem:s25], [sflag:$0x1] =	stream.linear.gather [hbm4b:s13+s2], $0x400, $0x38;
	[tilespmem:$0x10180] =	vst v63  }
0x85: {  	s29 =	spop (v2sf)  }
0x86: {  	s13 =	sand.u32 $0xFFFFF80, s29  }
0x87: {  	s28 =	rddreg [dreg:$0x18];
	s31 =	spop (v2sf);
	s13 =	sadd.s32 s7, s13  }
0x88: {  	[tilespmem:s28], [sflag:$0x1] =	stream.linear.gather [hbm4b:s13+s2], $0x400, $0x38;
	[tilespmem:$0x10180] =	vst v63  }
0x89: {  	s13 =	sand.u32 $0xFFFFF80, s31  }
0x8a: {  	s30 =	rddreg [dreg:$0x19];
	s15 =	spop (v2sf);
	s13 =	sadd.s32 s7, s13  }
0x8b: {  	[tilespmem:s30], [sflag:$0x1] =	stream.linear.gather [hbm4b:s13+s2], $0x400, $0x38;
	[tilespmem:$0x10180] =	vst v63  }
0x8c: {  	s16 =	spop (v2sf);
	s13 =	sand.u32 $0xFFFFF80, s15  }
0x8d: {  	s14 =	rddreg [dreg:$0x1a];
	s12 =	sand.u32 $0xFFFFF80, s16;
	s13 =	sadd.s32 s7, s13  }
0x8e: {  	[tilespmem:s14], [sflag:$0x1] =	stream.linear.gather [hbm4b:s13+s2], $0x400, $0x38;
	[tilespmem:$0x10180] =	vst v63  }
0x8f: {  	s17 =	rddreg [dreg:$0x1b];
	s12 =	sadd.s32 s7, s12  }
0x90: {  	[tilespmem:s17], [sflag:$0x1] =	stream.linear.gather [hbm4b:s12+s2], $0x400, $0x38;
	[tilespmem:$0x10180] =	vst v63  }
0x91: {  	v61 =	vld [tilespmem:$0x10];
	_ =	sdelay $0x4  }
0x92: {  	v0 =	vshll.u32 v61, $0x7  }
0x93: {  	(v2sf) =	vpush v0, $0x0;
	_ =	sdelay $0x1  }
0x94: {  	(v2sf) =	vpush v0, $0x1;
	_ =	sdelay $0x1  }
0x95: {  	(v2sf) =	vpush v0, $0x2;
	_ =	sdelay $0x4  }
0x96: {  	(v2sf) =	vpush v0, $0x3;
	_ =	sdelay $0x5  }
0x97: {  	s19 =	spop (v2sf);
	(v2sf) =	vpush v0, $0x4;
	_ =	sdelay $0x1  }
0x98: {  	s21 =	spop (v2sf);
	(v2sf) =	vpush v0, $0x5;
	_ =	sdelay $0x1  }
0x99: {  	s23 =	spop (v2sf);
	(v2sf) =	vpush v0, $0x6;
	_ =	sdelay $0x1  }
0x9a: {  	s13 =	sand.u32 $0xFFFFF80, s19  }
0x9b: {  	s18 =	rddreg [dreg:$0x1c];
	s13 =	sadd.s32 s7, s13  }
0x9c: {  	[tilespmem:s18], [sflag:$0x1] =	stream.linear.gather [hbm4b:s13+s2], $0x400, $0x38;
	[tilespmem:$0x10180] =	vst v63  }
0x9d: {  	s13 =	sand.u32 $0xFFFFF80, s21;
	s25 =	spop (v2sf);
	(v2sf) =	vpush v0, $0x7  }
0x9e: {  	s20 =	rddreg [dreg:$0x1d];
	s13 =	sadd.s32 s7, s13  }
0x9f: {  	[tilespmem:s20], [sflag:$0x1] =	stream.linear.gather [hbm4b:s13+s2], $0x400, $0x38;
	[tilespmem:$0x10180] =	vst v63  }
0xa0: {  	s13 =	sand.u32 $0xFFFFF80, s23  }
0xa1: {  	s22 =	rddreg [dreg:$0x1e];
	s13 =	sadd.s32 s7, s13  }
0xa2: {  	[tilespmem:s22], [sflag:$0x1] =	stream.linear.gather [hbm4b:s13+s2], $0x400, $0x38;
	[tilespmem:$0x10180] =	vst v63  }
0xa3: {  	s28 =	spop (v2sf);
	(v2sf) =	vpush v0, $0x8  }
0xa4: {  	s13 =	sand.u32 $0xFFFFF80, s25  }
0xa5: {  	s24 =	rddreg [dreg:$0x1f];
	s13 =	sadd.s32 s7, s13;
	s30 =	spop (v2sf);
	(v2sf) =	vpush v0, $0x9  }
0xa6: {  	[tilespmem:s24], [sflag:$0x1] =	stream.linear.gather [hbm4b:s13+s2], $0x400, $0x38;
	[tilespmem:$0x10180] =	vst v63  }
0xa7: {  	s26 =	sld [smem:$0x7D2];
	s14 =	spop (v2sf);
	(v2sf) =	vpush v0, $0xA  }
0xa8: {  	s13 =	sand.u32 $0xFFFFF80, s28  }
0xa9: {  	s29 =	sld [smem:$0x7D3];
	s13 =	sadd.s32 s7, s13  }
0xaa: {  	[tilespmem:s26], [sflag:$0x1] =	stream.linear.gather [hbm4b:s13+s2], $0x400, $0x38;
	[tilespmem:$0x10180] =	vst v63  }
0xab: {  	s13 =	sand.u32 $0xFFFFF80, s30  }
0xac: {  	s31 =	sld [smem:$0x7D4];
	s16 =	spop (v2sf);
	s13 =	sadd.s32 s7, s13  }
0xad: {  	(v2sf) =	vpush v0, $0xB;
	[tilespmem:s29], [sflag:$0x1] =	stream.linear.gather [hbm4b:s13+s2], $0x400, $0x38;
	[tilespmem:$0x10180] =	vst v63  }
0xae: {  	s13 =	sand.u32 $0xFFFFF80, s14  }
0xaf: {  	s15 =	sld [smem:$0x7D5];
	s13 =	sadd.s32 s7, s13  }
0xb0: {  	[tilespmem:s31], [sflag:$0x1] =	stream.linear.gather [hbm4b:s13+s2], $0x400, $0x38;
	[tilespmem:$0x10180] =	vst v63  }
0xb1: {  	s13 =	sand.u32 $0xFFFFF80, s16  }
0xb2: {  	s13 =	sadd.s32 s7, s13;
	s18 =	spop (v2sf);
	(v2sf) =	vpush v0, $0xC  }
0xb3: {  	[tilespmem:s15], [sflag:$0x1] =	stream.linear.gather [hbm4b:s13+s2], $0x400, $0x38;
	[tilespmem:$0x10180] =	vst v63  }
0xb4: {  	s17 =	sld [smem:$0x7D6];
	s20 =	spop (v2sf);
	(v2sf) =	vpush v0, $0xD  }
0xb5: {  	s13 =	sand.u32 $0xFFFFF80, s18  }
0xb6: {  	s19 =	sld [smem:$0x7D7];
	s13 =	sadd.s32 s7, s13;
	s22 =	spop (v2sf)  }
0xb7: {  	(v2sf) =	vpush v0, $0xE;
	[tilespmem:s17], [sflag:$0x1] =	stream.linear.gather [hbm4b:s13+s2], $0x400, $0x38;
	[tilespmem:$0x10180] =	vst v63  }
0xb8: {  	s13 =	sand.u32 $0xFFFFF80, s20  }
0xb9: {  	s21 =	sld [smem:$0x7D8];
	s13 =	sadd.s32 s7, s13  }
0xba: {  	[tilespmem:s19], [sflag:$0x1] =	stream.linear.gather [hbm4b:s13+s2], $0x400, $0x38;
	[tilespmem:$0x10180] =	vst v63  }
0xbb: {  	s13 =	sand.u32 $0xFFFFF80, s22  }
0xbc: {  	s23 =	sld [smem:$0x7D9];
	s24 =	spop (v2sf);
	(v2sf) =	vpush v0, $0xF;
	s13 =	sadd.s32 s7, s13  }
0xbd: {  	[tilespmem:s21], [sflag:$0x1] =	stream.linear.gather [hbm4b:s13+s2], $0x400, $0x38;
	[tilespmem:$0x10180] =	vst v63  }
0xbe: {  	s13 =	sand.u32 $0xFFFFF80, s24  }
0xbf: {  	s13 =	sadd.s32 s7, s13  }
0xc0: {  	[tilespmem:s23], [sflag:$0x1] =	stream.linear.gather [hbm4b:s13+s2], $0x400, $0x38;
	[tilespmem:$0x10180] =	vst v63  }
0xc1: {  	s25 =	sld [smem:$0x7DA];
	s26 =	spop (v2sf)  }
0xc2: {  	s13 =	sand.u32 $0xFFFFF80, s26  }
0xc3: {  	s28 =	sld [smem:$0x7DB];
	s29 =	spop (v2sf);
	s13 =	sadd.s32 s7, s13  }
0xc4: {  	[tilespmem:s25], [sflag:$0x1] =	stream.linear.gather [hbm4b:s13+s2], $0x400, $0x38;
	[tilespmem:$0x10180] =	vst v63  }
0xc5: {  	s13 =	sand.u32 $0xFFFFF80, s29  }
0xc6: {  	s30 =	sld [smem:$0x7DC];
	s31 =	spop (v2sf);
	s13 =	sadd.s32 s7, s13  }
0xc7: {  	[tilespmem:s28], [sflag:$0x1] =	stream.linear.gather [hbm4b:s13+s2], $0x400, $0x38;
	[tilespmem:$0x10180] =	vst v63  }
0xc8: {  	s13 =	sand.u32 $0xFFFFF80, s31  }
0xc9: {  	s13 =	sadd.s32 s7, s13  }
0xca: {  	[tilespmem:s30], [sflag:$0x1] =	stream.linear.gather [hbm4b:s13+s2], $0x400, $0x38;
	[tilespmem:$0x10180] =	vst v63  }
0xcb: {  	s14 =	sld [smem:$0x7DD];
	s13 =	spop (v2sf)  }
0xcc: {  	s12 =	sand.u32 $0xFFFFF80, s13  }
0xcd: {  	s12 =	sadd.s32 s7, s12  }
0xce: {  	[tilespmem:s14], [sflag:$0x1] =	stream.linear.gather [hbm4b:s12+s2], $0x400, $0x38;
	[tilespmem:$0x10180] =	vst v63  }
0xcf: {  	v62 =	vld [tilespmem:$0x20];
	_ =	sdelay $0x4  }
0xd0: {  	v0 =	vshll.u32 v62, $0x7  }
0xd1: {  	(v2sf) =	vpush v0, $0x0;
	_ =	sdelay $0x1  }
0xd2: {  	(v2sf) =	vpush v0, $0x1;
	_ =	sdelay $0x1  }
0xd3: {  	(v2sf) =	vpush v0, $0x2;
	_ =	sdelay $0x2  }
0xd4: {  	(v2sf) =	vpush v0, $0x3;
	_ =	sdelay $0x7  }
0xd5: {  	s16 =	spop (v2sf);
	(v2sf) =	vpush v0, $0x4;
	_ =	sdelay $0x1  }
0xd6: {  	s18 =	spop (v2sf);
	(v2sf) =	vpush v0, $0x5;
	_ =	sdelay $0x1  }
0xd7: {  	s20 =	spop (v2sf);
	(v2sf) =	vpush v0, $0x6  }
0xd8: {  	s15 =	sld [smem:$0x7DE]  }
0xd9: {  	s13 =	sand.u32 $0xFFFFF80, s16  }
0xda: {  	s17 =	sld [smem:$0x7DF];
	s13 =	sadd.s32 s7, s13;
	s22 =	spop (v2sf);
	(v2sf) =	vpush v0, $0x7  }
0xdb: {  	[tilespmem:s15], [sflag:$0x1] =	stream.linear.gather [hbm4b:s13+s2], $0x400, $0x38;
	[tilespmem:$0x10180] =	vst v63  }
0xdc: {  	s13 =	sand.u32 $0xFFFFF80, s18  }
0xdd: {  	s19 =	sld [smem:$0x7E0];
	s13 =	sadd.s32 s7, s13  }
0xde: {  	[tilespmem:s17], [sflag:$0x1] =	stream.linear.gather [hbm4b:s13+s2], $0x400, $0x38;
	[tilespmem:$0x10180] =	vst v63  }
0xdf: {  	s13 =	sand.u32 $0xFFFFF80, s20  }
0xe0: {  	s13 =	sadd.s32 s7, s13  }
0xe1: {  	[tilespmem:s19], [sflag:$0x1] =	stream.linear.gather [hbm4b:s13+s2], $0x400, $0x38;
	[tilespmem:$0x10180] =	vst v63  }
0xe2: {  	s21 =	sld [smem:$0x7E1];
	s24 =	spop (v2sf);
	(v2sf) =	vpush v0, $0x8  }
0xe3: {  	s13 =	sand.u32 $0xFFFFF80, s22  }
0xe4: {  	s23 =	sld [smem:$0x7E2];
	s13 =	sadd.s32 s7, s13;
	s26 =	spop (v2sf);
	(v2sf) =	vpush v0, $0x9  }
0xe5: {  	[tilespmem:s21], [sflag:$0x1] =	stream.linear.gather [hbm4b:s13+s2], $0x400, $0x38;
	[tilespmem:$0x10180] =	vst v63  }
0xe6: {  	s13 =	sand.u32 $0xFFFFF80, s24;
	s29 =	spop (v2sf);
	(v2sf) =	vpush v0, $0xA  }
0xe7: {  	s13 =	sadd.s32 s7, s13  }
0xe8: {  	[tilespmem:s23], [sflag:$0x1] =	stream.linear.gather [hbm4b:s13+s2], $0x400, $0x38;
	[tilespmem:$0x10180] =	vst v63  }
0xe9: {  	s25 =	sld [smem:$0x7E3];
	s31 =	spop (v2sf);
	(v2sf) =	vpush v0, $0xB  }
0xea: {  	s13 =	sand.u32 $0xFFFFF80, s26  }
0xeb: {  	s28 =	sld [smem:$0x7E4];
	s13 =	sadd.s32 s7, s13  }
0xec: {  	[tilespmem:s25], [sflag:$0x1] =	stream.linear.gather [hbm4b:s13+s2], $0x400, $0x38;
	[tilespmem:$0x10180] =	vst v63  }
0xed: {  	s13 =	sand.u32 $0xFFFFF80, s29  }
0xee: {  	s30 =	sld [smem:$0x7E5];
	s13 =	sadd.s32 s7, s13  }
0xef: {  	[tilespmem:s28], [sflag:$0x1] =	stream.linear.gather [hbm4b:s13+s2], $0x400, $0x38;
	[tilespmem:$0x10180] =	vst v63  }
0xf0: {  	s13 =	sand.u32 $0xFFFFF80, s31  }
0xf1: {  	s13 =	sadd.s32 s7, s13;
	s15 =	spop (v2sf);
	(v2sf) =	vpush v0, $0xC  }
0xf2: {  	[tilespmem:s30], [sflag:$0x1] =	stream.linear.gather [hbm4b:s13+s2], $0x400, $0x38;
	[tilespmem:$0x10180] =	vst v63  }
0xf3: {  	s14 =	sld [smem:$0x7E6];
	s17 =	spop (v2sf);
	(v2sf) =	vpush v0, $0xD  }
0xf4: {  	s13 =	sand.u32 $0xFFFFF80, s15  }
0xf5: {  	s16 =	sld [smem:$0x7E7];
	s13 =	sadd.s32 s7, s13;
	s19 =	spop (v2sf)  }
0xf6: {  	(v2sf) =	vpush v0, $0xE;
	[tilespmem:s14], [sflag:$0x1] =	stream.linear.gather [hbm4b:s13+s2], $0x400, $0x38;
	[tilespmem:$0x10180] =	vst v63  }
0xf7: {  	s13 =	sand.u32 $0xFFFFF80, s17  }
0xf8: {  	s18 =	sld [smem:$0x7E8];
	s21 =	spop (v2sf);
	(v2sf) =	vpush v0, $0xF;
	s13 =	sadd.s32 s7, s13  }
0xf9: {  	[tilespmem:s16], [sflag:$0x1] =	stream.linear.gather [hbm4b:s13+s2], $0x400, $0x38;
	[tilespmem:$0x10180] =	vst v63  }
0xfa: {  	s13 =	sand.u32 $0xFFFFF80, s19  }
0xfb: {  	s20 =	sld [smem:$0x7E9];
	s13 =	sadd.s32 s7, s13  }
0xfc: {  	[tilespmem:s18], [sflag:$0x1] =	stream.linear.gather [hbm4b:s13+s2], $0x400, $0x38;
	[tilespmem:$0x10180] =	vst v63  }
0xfd: {  	s13 =	sand.u32 $0xFFFFF80, s21  }
0xfe: {  	s13 =	sadd.s32 s7, s13  }
0xff: {  	[tilespmem:s20], [sflag:$0x1] =	stream.linear.gather [hbm4b:s13+s2], $0x400, $0x38;
	[tilespmem:$0x10180] =	vst v63  }
0x100: {  	s22 =	sld [smem:$0x7EA];
	s23 =	spop (v2sf)  }
0x101: {  	s13 =	sand.u32 $0xFFFFF80, s23  }
0x102: {  	s24 =	sld [smem:$0x7EB];
	s25 =	spop (v2sf);
	s13 =	sadd.s32 s7, s13  }
0x103: {  	[tilespmem:s22], [sflag:$0x1] =	stream.linear.gather [hbm4b:s13+s2], $0x400, $0x38;
	[tilespmem:$0x10180] =	vst v63  }
0x104: {  	s13 =	sand.u32 $0xFFFFF80, s25  }
0x105: {  	s26 =	sld [smem:$0x7EC];
	s28 =	spop (v2sf);
	s13 =	sadd.s32 s7, s13  }
0x106: {  	[tilespmem:s24], [sflag:$0x1] =	stream.linear.gather [hbm4b:s13+s2], $0x400, $0x38;
	[tilespmem:$0x10180] =	vst v63  }
0x107: {  	s29 =	spop (v2sf);
	s13 =	sand.u32 $0xFFFFF80, s28  }
0x108: {  	s30 =	sld [smem:$0x7ED];
	s12 =	sand.u32 $0xFFFFF80, s29;
	s13 =	sadd.s32 s7, s13  }
0x109: {  	[tilespmem:s26], [sflag:$0x1] =	stream.linear.gather [hbm4b:s13+s2], $0x400, $0x38;
	[tilespmem:$0x10180] =	vst v63  }
0x10a: {  	s12 =	sadd.s32 s7, s12  }
0x10b: {  	[tilespmem:s30], [sflag:$0x1] =	stream.linear.gather [hbm4b:s12+s2], $0x400, $0x38;
	[tilespmem:$0x10180] =	vst v63  }
0x10c: {  	v63 =	vld [tilespmem:$0x30];
	_ =	sdelay $0x4  }
0x10d: {  	v0 =	vshll.u32 v63, $0x7  }
0x10e: {  	(v2sf) =	vpush v0, $0x0;
	_ =	sdelay $0x1  }
0x10f: {  	(v2sf) =	vpush v0, $0x1;
	_ =	sdelay $0x1  }
0x110: {  	(v2sf) =	vpush v0, $0x2;
	_ =	sdelay $0x2  }
0x111: {  	(v2sf) =	vpush v0, $0x3;
	_ =	sdelay $0x7  }
0x112: {  	s14 =	spop (v2sf);
	(v2sf) =	vpush v0, $0x4;
	_ =	sdelay $0x1  }
0x113: {  	s16 =	spop (v2sf);
	(v2sf) =	vpush v0, $0x5;
	_ =	sdelay $0x1  }
0x114: {  	s18 =	spop (v2sf);
	(v2sf) =	vpush v0, $0x6  }
0x115: {  	s31 =	sld [smem:$0x7EE]  }
0x116: {  	s13 =	sand.u32 $0xFFFFF80, s14  }
0x117: {  	s15 =	sld [smem:$0x7EF];
	s13 =	sadd.s32 s7, s13;
	s20 =	spop (v2sf);
	(v2sf) =	vpush v0, $0x7  }
0x118: {  	[tilespmem:s31], [sflag:$0x1] =	stream.linear.gather [hbm4b:s13+s2], $0x400, $0x38;
	[tilespmem:$0x10180] =	vst v63  }
0x119: {  	s13 =	sand.u32 $0xFFFFF80, s16  }
0x11a: {  	s17 =	sld [smem:$0x7F0];
	s13 =	sadd.s32 s7, s13  }
0x11b: {  	[tilespmem:s15], [sflag:$0x1] =	stream.linear.gather [hbm4b:s13+s2], $0x400, $0x38;
	[tilespmem:$0x10180] =	vst v63  }
0x11c: {  	s13 =	sand.u32 $0xFFFFF80, s18  }
0x11d: {  	s13 =	sadd.s32 s7, s13  }
0x11e: {  	[tilespmem:s17], [sflag:$0x1] =	stream.linear.gather [hbm4b:s13+s2], $0x400, $0x38;
	[tilespmem:$0x10180] =	vst v63  }
0x11f: {  	s19 =	sld [smem:$0x7F1];
	s22 =	spop (v2sf);
	(v2sf) =	vpush v0, $0x8  }
0x120: {  	s13 =	sand.u32 $0xFFFFF80, s20  }
0x121: {  	s21 =	sld [smem:$0x7F2];
	s13 =	sadd.s32 s7, s13;
	s24 =	spop (v2sf);
	(v2sf) =	vpush v0, $0x9  }
0x122: {  	[tilespmem:s19], [sflag:$0x1] =	stream.linear.gather [hbm4b:s13+s2], $0x400, $0x38;
	[tilespmem:$0x10180] =	vst v63  }
0x123: {  	s13 =	sand.u32 $0xFFFFF80, s22;
	s26 =	spop (v2sf);
	(v2sf) =	vpush v0, $0xA  }
0x124: {  	s13 =	sadd.s32 s7, s13  }
0x125: {  	[tilespmem:s21], [sflag:$0x1] =	stream.linear.gather [hbm4b:s13+s2], $0x400, $0x38;
	[tilespmem:$0x10180] =	vst v63  }
0x126: {  	s23 =	sld [smem:$0x7F3];
	s29 =	spop (v2sf);
	(v2sf) =	vpush v0, $0xB  }
0x127: {  	s13 =	sand.u32 $0xFFFFF80, s24  }
0x128: {  	s25 =	sld [smem:$0x7F4];
	s13 =	sadd.s32 s7, s13  }
0x129: {  	[tilespmem:s23], [sflag:$0x1] =	stream.linear.gather [hbm4b:s13+s2], $0x400, $0x38;
	[tilespmem:$0x10180] =	vst v63  }
0x12a: {  	s13 =	sand.u32 $0xFFFFF80, s26  }
0x12b: {  	s28 =	sld [smem:$0x7F5];
	s13 =	sadd.s32 s7, s13  }
0x12c: {  	[tilespmem:s25], [sflag:$0x1] =	stream.linear.gather [hbm4b:s13+s2], $0x400, $0x38;
	[tilespmem:$0x10180] =	vst v63  }
0x12d: {  	s13 =	sand.u32 $0xFFFFF80, s29  }
0x12e: {  	s13 =	sadd.s32 s7, s13;
	s31 =	spop (v2sf);
	(v2sf) =	vpush v0, $0xC  }
0x12f: {  	[tilespmem:s28], [sflag:$0x1] =	stream.linear.gather [hbm4b:s13+s2], $0x400, $0x38;
	[tilespmem:$0x10180] =	vst v63  }
0x130: {  	s30 =	sld [smem:$0x7F6];
	s15 =	spop (v2sf);
	(v2sf) =	vpush v0, $0xD  }
0x131: {  	s13 =	sand.u32 $0xFFFFF80, s31  }
0x132: {  	s14 =	sld [smem:$0x7F7];
	s13 =	sadd.s32 s7, s13;
	s17 =	spop (v2sf)  }
0x133: {  	(v2sf) =	vpush v0, $0xE;
	[tilespmem:s30], [sflag:$0x1] =	stream.linear.gather [hbm4b:s13+s2], $0x400, $0x38;
	[tilespmem:$0x10180] =	vst v63  }
0x134: {  	s13 =	sand.u32 $0xFFFFF80, s15  }
0x135: {  	s16 =	sld [smem:$0x7F8];
	s19 =	spop (v2sf);
	(v2sf) =	vpush v0, $0xF;
	s13 =	sadd.s32 s7, s13  }
0x136: {  	[tilespmem:s14], [sflag:$0x1] =	stream.linear.gather [hbm4b:s13+s2], $0x400, $0x38;
	[tilespmem:$0x10180] =	vst v63  }
0x137: {  	s13 =	sand.u32 $0xFFFFF80, s17  }
0x138: {  	s18 =	sld [smem:$0x7F9];
	s13 =	sadd.s32 s7, s13  }
0x139: {  	[tilespmem:s16], [sflag:$0x1] =	stream.linear.gather [hbm4b:s13+s2], $0x400, $0x38;
	[tilespmem:$0x10180] =	vst v63  }
0x13a: {  	s13 =	sand.u32 $0xFFFFF80, s19  }
0x13b: {  	s13 =	sadd.s32 s7, s13  }
0x13c: {  	[tilespmem:s18], [sflag:$0x1] =	stream.linear.gather [hbm4b:s13+s2], $0x400, $0x38;
	[tilespmem:$0x10180] =	vst v63  }
0x13d: {  	s20 =	sld [smem:$0x7FA];
	s21 =	spop (v2sf)  }
0x13e: {  	s13 =	sand.u32 $0xFFFFF80, s21  }
0x13f: {  	s22 =	sld [smem:$0x7FB];
	s23 =	spop (v2sf);
	s13 =	sadd.s32 s7, s13  }
0x140: {  	[tilespmem:s20], [sflag:$0x1] =	stream.linear.gather [hbm4b:s13+s2], $0x400, $0x38;
	[tilespmem:$0x10180] =	vst v63  }
0x141: {  	s13 =	sand.u32 $0xFFFFF80, s23  }
0x142: {  	s24 =	sld [smem:$0x7FC];
	s25 =	spop (v2sf);
	s13 =	sadd.s32 s7, s13  }
0x143: {  	[tilespmem:s22], [sflag:$0x1] =	stream.linear.gather [hbm4b:s13+s2], $0x400, $0x38;
	[tilespmem:$0x10180] =	vst v63  }
0x144: {  	s26 =	spop (v2sf);
	s13 =	sand.u32 $0xFFFFF80, s25  }
0x145: {  	s28 =	sld [smem:$0x7FD];
	s12 =	sand.u32 $0xFFFFF80, s26;
	s13 =	sadd.s32 s7, s13  }
0x146: {  	[tilespmem:s24], [sflag:$0x1] =	stream.linear.gather [hbm4b:s13+s2], $0x400, $0x38;
	[tilespmem:$0x10180] =	vst v63  }
0x147: {  	s12 =	sadd.s32 s7, s12  }
0x148: {  	[tilespmem:s28], [sflag:$0x1] =	stream.linear.gather [hbm4b:s12+s2], $0x400, $0x38;
	[tilespmem:$0x10180] =	vst v63  }
0x149: {  	_ =	swait.ge [sflag:s4], $0x40  }
0x14a: {  	[sflag:s4] =	ssyncset.done $0x0  }
0x14b: {  	[sflag:s4] =	ssyncadd.s32 $0xFFFFFFC0  }
0x14c: {  	_ =	swait.ge [sflag:s4], $0x40  }
0x14d: {  	[sflag:s4] =	ssyncset.done $0x0  }
0x14e: {  	s29 =	rddreg [dreg:$0xa];
	[sflag:s4] =	ssyncadd.s32 $0xFFFFFFC0  }
0x14f: {  	[hbm4b:s29+s2] =	stream.linear.scatter [tilespmem:s8], [sflag:$0x2], $0x40, $0x38;
	[tilespmem:$0x10180] =	vst v63  }
0x150: {  	s30 =	rddreg [dreg:$0xb]  }
0x151: {  	[hbm4b:s30+s2] =	stream.linear.scatter [tilespmem:s9], [sflag:$0x2], $0x40, $0x38;
	[tilespmem:$0x10180] =	vst v63  }
0x152: {  	_ =	swait.ge [sflag:s6], $0x400  }
0x153: {  	[sflag:s6] =	ssyncset.done $0x0  }
0x154: {  	[sflag:s6] =	ssyncadd.s32 $0xFFFFFC00  }
0x155: {  	_ =	swait.ge [sflag:s6], $0x400  }
0x156: {  	[sflag:s6] =	ssyncset.done $0x0  }
0x157: {  	[sflag:s6] =	ssyncadd.s32 $0xFFFFFC00  }
0x158: {  	_ =	swait.ge [sflag:s6], $0x400  }
0x159: {  	[sflag:s6] =	ssyncset.done $0x0  }
0x15a: {  	[sflag:s6] =	ssyncadd.s32 $0xFFFFFC00  }
0x15b: {  	_ =	swait.ge [sflag:s6], $0x400  }
0x15c: {  	[sflag:s6] =	ssyncset.done $0x0  }
0x15d: {  	[sflag:s6] =	ssyncadd.s32 $0xFFFFFC00  }
0x15e: {  	_ =	swait.ge [sflag:s6], $0x400  }
0x15f: {  	[sflag:s6] =	ssyncset.done $0x0  }
0x160: {  	[sflag:s6] =	ssyncadd.s32 $0xFFFFFC00  }
0x161: {  	_ =	swait.ge [sflag:s6], $0x400  }
0x162: {  	[sflag:s6] =	ssyncset.done $0x0  }
0x163: {  	[sflag:s6] =	ssyncadd.s32 $0xFFFFFC00  }
0x164: {  	_ =	swait.ge [sflag:s6], $0x400  }
0x165: {  	[sflag:s6] =	ssyncset.done $0x0  }
0x166: {  	[sflag:s6] =	ssyncadd.s32 $0xFFFFFC00  }
0x167: {  	_ =	swait.ge [sflag:s6], $0x400  }
0x168: {  	[sflag:s6] =	ssyncset.done $0x0  }
0x169: {  	[sflag:s6] =	ssyncadd.s32 $0xFFFFFC00  }
0x16a: {  	_ =	swait.ge [sflag:s6], $0x400  }
0x16b: {  	[sflag:s6] =	ssyncset.done $0x0  }
0x16c: {  	[sflag:s6] =	ssyncadd.s32 $0xFFFFFC00  }
0x16d: {  	_ =	swait.ge [sflag:s6], $0x400  }
0x16e: {  	[sflag:s6] =	ssyncset.done $0x0  }
0x16f: {  	[sflag:s6] =	ssyncadd.s32 $0xFFFFFC00  }
0x170: {  	_ =	swait.ge [sflag:s6], $0x400  }
0x171: {  	[sflag:s6] =	ssyncset.done $0x0  }
0x172: {  	[sflag:s6] =	ssyncadd.s32 $0xFFFFFC00  }
0x173: {  	_ =	swait.ge [sflag:s6], $0x400  }
0x174: {  	[sflag:s6] =	ssyncset.done $0x0  }
0x175: {  	[sflag:s6] =	ssyncadd.s32 $0xFFFFFC00  }
0x176: {  	_ =	swait.ge [sflag:s6], $0x400  }
0x177: {  	[sflag:s6] =	ssyncset.done $0x0  }
0x178: {  	[sflag:s6] =	ssyncadd.s32 $0xFFFFFC00  }
0x179: {  	_ =	swait.ge [sflag:s6], $0x400  }
0x17a: {  	[sflag:s6] =	ssyncset.done $0x0  }
0x17b: {  	[sflag:s6] =	ssyncadd.s32 $0xFFFFFC00  }
0x17c: {  	_ =	swait.ge [sflag:s6], $0x400  }
0x17d: {  	[sflag:s6] =	ssyncset.done $0x0  }
0x17e: {  	[sflag:s6] =	ssyncadd.s32 $0xFFFFFC00  }
0x17f: {  	_ =	swait.ge [sflag:s6], $0x400  }
0x180: {  	[sflag:s6] =	ssyncset.done $0x0  }
0x181: {  	[sflag:s6] =	ssyncadd.s32 $0xFFFFFC00  }
0x182: {  	_ =	swait.ge [sflag:s6], $0x400  }
0x183: {  	[sflag:s6] =	ssyncset.done $0x0  }
0x184: {  	[sflag:s6] =	ssyncadd.s32 $0xFFFFFC00  }
0x185: {  	_ =	swait.ge [sflag:s6], $0x400  }
0x186: {  	[sflag:s6] =	ssyncset.done $0x0  }
0x187: {  	[sflag:s6] =	ssyncadd.s32 $0xFFFFFC00  }
0x188: {  	_ =	swait.ge [sflag:s6], $0x400  }
0x189: {  	[sflag:s6] =	ssyncset.done $0x0  }
0x18a: {  	[sflag:s6] =	ssyncadd.s32 $0xFFFFFC00  }
0x18b: {  	_ =	swait.ge [sflag:s6], $0x400  }
0x18c: {  	[sflag:s6] =	ssyncset.done $0x0  }
0x18d: {  	[sflag:s6] =	ssyncadd.s32 $0xFFFFFC00  }
0x18e: {  	_ =	swait.ge [sflag:s6], $0x400  }
0x18f: {  	[sflag:s6] =	ssyncset.done $0x0  }
0x190: {  	[sflag:s6] =	ssyncadd.s32 $0xFFFFFC00  }
0x191: {  	_ =	swait.ge [sflag:s6], $0x400  }
0x192: {  	[sflag:s6] =	ssyncset.done $0x0  }
0x193: {  	[sflag:s6] =	ssyncadd.s32 $0xFFFFFC00  }
0x194: {  	_ =	swait.ge [sflag:s6], $0x400  }
0x195: {  	[sflag:s6] =	ssyncset.done $0x0  }
0x196: {  	[sflag:s6] =	ssyncadd.s32 $0xFFFFFC00  }
0x197: {  	_ =	swait.ge [sflag:s6], $0x400  }
0x198: {  	[sflag:s6] =	ssyncset.done $0x0  }
0x199: {  	[sflag:s6] =	ssyncadd.s32 $0xFFFFFC00  }
0x19a: {  	_ =	swait.ge [sflag:s6], $0x400  }
0x19b: {  	[sflag:s6] =	ssyncset.done $0x0  }
0x19c: {  	[sflag:s6] =	ssyncadd.s32 $0xFFFFFC00  }
0x19d: {  	_ =	swait.ge [sflag:s6], $0x400  }
0x19e: {  	[sflag:s6] =	ssyncset.done $0x0  }
0x19f: {  	[sflag:s6] =	ssyncadd.s32 $0xFFFFFC00  }
0x1a0: {  	_ =	swait.ge [sflag:s6], $0x400  }
0x1a1: {  	[sflag:s6] =	ssyncset.done $0x0  }
0x1a2: {  	[sflag:s6] =	ssyncadd.s32 $0xFFFFFC00  }
0x1a3: {  	_ =	swait.ge [sflag:s6], $0x400  }
0x1a4: {  	[sflag:s6] =	ssyncset.done $0x0  }
0x1a5: {  	[sflag:s6] =	ssyncadd.s32 $0xFFFFFC00  }
0x1a6: {  	_ =	swait.ge [sflag:s6], $0x400  }
0x1a7: {  	[sflag:s6] =	ssyncset.done $0x0  }
0x1a8: {  	[sflag:s6] =	ssyncadd.s32 $0xFFFFFC00  }
0x1a9: {  	_ =	swait.ge [sflag:s6], $0x400  }
0x1aa: {  	[sflag:s6] =	ssyncset.done $0x0  }
0x1ab: {  	[sflag:s6] =	ssyncadd.s32 $0xFFFFFC00  }
0x1ac: {  	_ =	swait.ge [sflag:s6], $0x400  }
0x1ad: {  	[sflag:s6] =	ssyncset.done $0x0  }
0x1ae: {  	[sflag:s6] =	ssyncadd.s32 $0xFFFFFC00  }
0x1af: {  	_ =	swait.ge [sflag:s6], $0x400  }
0x1b0: {  	[sflag:s6] =	ssyncset.done $0x0  }
0x1b1: {  	[sflag:s6] =	ssyncadd.s32 $0xFFFFFC00  }
0x1b2: {  	_ =	swait.ge [sflag:s6], $0x400  }
0x1b3: {  	[sflag:s6] =	ssyncset.done $0x0  }
0x1b4: {  	[sflag:s6] =	ssyncadd.s32 $0xFFFFFC00  }
0x1b5: {  	_ =	swait.ge [sflag:s6], $0x400  }
0x1b6: {  	[sflag:s6] =	ssyncset.done $0x0  }
0x1b7: {  	[sflag:s6] =	ssyncadd.s32 $0xFFFFFC00  }
0x1b8: {  	_ =	swait.ge [sflag:s6], $0x400  }
0x1b9: {  	[sflag:s6] =	ssyncset.done $0x0  }
0x1ba: {  	[sflag:s6] =	ssyncadd.s32 $0xFFFFFC00  }
0x1bb: {  	_ =	swait.ge [sflag:s6], $0x400  }
0x1bc: {  	[sflag:s6] =	ssyncset.done $0x0  }
0x1bd: {  	[sflag:s6] =	ssyncadd.s32 $0xFFFFFC00  }
0x1be: {  	_ =	swait.ge [sflag:s6], $0x400  }
0x1bf: {  	[sflag:s6] =	ssyncset.done $0x0  }
0x1c0: {  	[sflag:s6] =	ssyncadd.s32 $0xFFFFFC00  }
0x1c1: {  	_ =	swait.ge [sflag:s6], $0x400  }
0x1c2: {  	[sflag:s6] =	ssyncset.done $0x0  }
0x1c3: {  	[sflag:s6] =	ssyncadd.s32 $0xFFFFFC00  }
0x1c4: {  	_ =	swait.ge [sflag:s6], $0x400  }
0x1c5: {  	[sflag:s6] =	ssyncset.done $0x0  }
0x1c6: {  	[sflag:s6] =	ssyncadd.s32 $0xFFFFFC00  }
0x1c7: {  	_ =	swait.ge [sflag:s6], $0x400  }
0x1c8: {  	[sflag:s6] =	ssyncset.done $0x0  }
0x1c9: {  	[sflag:s6] =	ssyncadd.s32 $0xFFFFFC00  }
0x1ca: {  	_ =	swait.ge [sflag:s6], $0x400  }
0x1cb: {  	[sflag:s6] =	ssyncset.done $0x0  }
0x1cc: {  	[sflag:s6] =	ssyncadd.s32 $0xFFFFFC00  }
0x1cd: {  	_ =	swait.ge [sflag:s6], $0x400  }
0x1ce: {  	[sflag:s6] =	ssyncset.done $0x0  }
0x1cf: {  	[sflag:s6] =	ssyncadd.s32 $0xFFFFFC00  }
0x1d0: {  	_ =	swait.ge [sflag:s6], $0x400  }
0x1d1: {  	[sflag:s6] =	ssyncset.done $0x0  }
0x1d2: {  	[sflag:s6] =	ssyncadd.s32 $0xFFFFFC00  }
0x1d3: {  	_ =	swait.ge [sflag:s6], $0x400  }
0x1d4: {  	[sflag:s6] =	ssyncset.done $0x0  }
0x1d5: {  	[sflag:s6] =	ssyncadd.s32 $0xFFFFFC00  }
0x1d6: {  	_ =	swait.ge [sflag:s6], $0x400  }
0x1d7: {  	[sflag:s6] =	ssyncset.done $0x0  }
0x1d8: {  	[sflag:s6] =	ssyncadd.s32 $0xFFFFFC00  }
0x1d9: {  	_ =	swait.ge [sflag:s6], $0x400  }
0x1da: {  	[sflag:s6] =	ssyncset.done $0x0  }
0x1db: {  	[sflag:s6] =	ssyncadd.s32 $0xFFFFFC00  }
0x1dc: {  	_ =	swait.ge [sflag:s6], $0x400  }
0x1dd: {  	[sflag:s6] =	ssyncset.done $0x0  }
0x1de: {  	[sflag:s6] =	ssyncadd.s32 $0xFFFFFC00  }
0x1df: {  	_ =	swait.ge [sflag:s6], $0x400  }
0x1e0: {  	[sflag:s6] =	ssyncset.done $0x0  }
0x1e1: {  	[sflag:s6] =	ssyncadd.s32 $0xFFFFFC00  }
0x1e2: {  	_ =	swait.ge [sflag:s6], $0x400  }
0x1e3: {  	[sflag:s6] =	ssyncset.done $0x0  }
0x1e4: {  	[sflag:s6] =	ssyncadd.s32 $0xFFFFFC00  }
0x1e5: {  	_ =	swait.ge [sflag:s6], $0x400  }
0x1e6: {  	[sflag:s6] =	ssyncset.done $0x0  }
0x1e7: {  	[sflag:s6] =	ssyncadd.s32 $0xFFFFFC00  }
0x1e8: {  	_ =	swait.ge [sflag:s6], $0x400  }
0x1e9: {  	[sflag:s6] =	ssyncset.done $0x0  }
0x1ea: {  	[sflag:s6] =	ssyncadd.s32 $0xFFFFFC00  }
0x1eb: {  	_ =	swait.ge [sflag:s6], $0x400  }
0x1ec: {  	[sflag:s6] =	ssyncset.done $0x0  }
0x1ed: {  	[sflag:s6] =	ssyncadd.s32 $0xFFFFFC00  }
0x1ee: {  	_ =	swait.ge [sflag:s6], $0x400  }
0x1ef: {  	[sflag:s6] =	ssyncset.done $0x0  }
0x1f0: {  	[sflag:s6] =	ssyncadd.s32 $0xFFFFFC00  }
0x1f1: {  	_ =	swait.ge [sflag:s6], $0x400  }
0x1f2: {  	[sflag:s6] =	ssyncset.done $0x0  }
0x1f3: {  	[sflag:s6] =	ssyncadd.s32 $0xFFFFFC00  }
0x1f4: {  	_ =	swait.ge [sflag:s6], $0x400  }
0x1f5: {  	[sflag:s6] =	ssyncset.done $0x0  }
0x1f6: {  	[sflag:s6] =	ssyncadd.s32 $0xFFFFFC00  }
0x1f7: {  	_ =	swait.ge [sflag:s6], $0x400  }
0x1f8: {  	[sflag:s6] =	ssyncset.done $0x0  }
0x1f9: {  	[sflag:s6] =	ssyncadd.s32 $0xFFFFFC00  }
0x1fa: {  	_ =	swait.ge [sflag:s6], $0x400  }
0x1fb: {  	[sflag:s6] =	ssyncset.done $0x0  }
0x1fc: {  	[sflag:s6] =	ssyncadd.s32 $0xFFFFFC00  }
0x1fd: {  	_ =	swait.ge [sflag:s6], $0x400  }
0x1fe: {  	[sflag:s6] =	ssyncset.done $0x0  }
0x1ff: {  	[sflag:s6] =	ssyncadd.s32 $0xFFFFFC00  }
0x200: {  	_ =	swait.ge [sflag:s6], $0x400  }
0x201: {  	[sflag:s6] =	ssyncset.done $0x0  }
0x202: {  	[sflag:s6] =	ssyncadd.s32 $0xFFFFFC00  }
0x203: {  	_ =	swait.ge [sflag:s6], $0x400  }
0x204: {  	[sflag:s6] =	ssyncset.done $0x0  }
0x205: {  	[sflag:s6] =	ssyncadd.s32 $0xFFFFFC00  }
0x206: {  	_ =	swait.ge [sflag:s6], $0x400  }
0x207: {  	[sflag:s6] =	ssyncset.done $0x0  }
0x208: {  	[sflag:s6] =	ssyncadd.s32 $0xFFFFFC00  }
0x209: {  	_ =	swait.ge [sflag:s6], $0x400  }
0x20a: {  	[sflag:s6] =	ssyncset.done $0x0  }
0x20b: {  	[sflag:s6] =	ssyncadd.s32 $0xFFFFFC00  }
0x20c: {  	_ =	swait.ge [sflag:s6], $0x400  }
0x20d: {  	[sflag:s6] =	ssyncset.done $0x0  }
0x20e: {  	[sflag:s6] =	ssyncadd.s32 $0xFFFFFC00  }
0x20f: {  	_ =	swait.ge [sflag:s6], $0x400  }
0x210: {  	[sflag:s6] =	ssyncset.done $0x0  }
0x211: {  	s31 =	rddreg [dreg:$0xc];
	[sflag:s6] =	ssyncadd.s32 $0xFFFFFC00  }
0x212: {  	[hbm4b:s31+s2] =	stream.linear.scatter [tilespmem:s5], [sflag:$0x3], $0x10000, $0x38;
	[tilespmem:$0x10180] =	vst v63  }
0x213: {  	_ =	swait.ge [sflag:s3], $0x10000  }
0x214: {  	[sflag:s3] =	ssyncset.done $0x0  }
0x215: {  	p1 =	sne.s32 s11, $0x1;
	[sflag:s3] =	ssyncadd.s32 $0xFFFF0000  }
.Ltmp1:
0x216: {  	_ =	swait.ge [sflag:s4], $0x40;
	(pc) =	sbr.rel @!p1 .LBB2_3-.Ltmp1, $4  }
0x217: {  	[sflag:s4] =	ssyncset.done $0x0  }
0x218: {  	[sflag:s4] =	ssyncadd.s32 $0xFFFFFFC0  }
0x219: {  	s11 =	sadd.s32 $0xFFFFFFFF, s11;
	_ =	swait.ge [sflag:s4], $0x40  }
0x21a: {  	p0 =	por $0x1, $0x1;
	s12 =	rddreg [dreg:$0x9];
	[sflag:s4] =	ssyncset.done $0x0  }
.LBB2_2:
0x21b: {  	[sflag:s4] =	ssyncadd.s32 $0xFFFFFFC0  }
0x21c: {  	[tilespmem:s2], [sflag:$0x3] =	stream.linear.gather [hbm4b:s12+s2], $0x40, $0x38;
	[tilespmem:$0x10180] =	vst v63  }
0x21d: {  	_ =	swait.ge [sflag:s3], $0x40  }
0x21e: {  	[sflag:s3] =	ssyncset.done $0x0  }
0x21f: {  	s29 =	rddreg [dreg:$0x7];
	[sflag:s3] =	ssyncadd.s32 $0xFFFFFFC0  }
0x220: {  	[tilespmem:s8], [sflag:$0x2] =	stream.indirect.gather [hbm4b:s29+s10], $0x1, s2, s10, $0xb8;
	[tilespmem:$0x10180] =	vst v63  }
0x221: {  	s13 =	rddreg [dreg:$0x8]  }
0x222: {  	[tilespmem:s9], [sflag:$0x2] =	stream.indirect.gather [hbm4b:s13+s10], $0x1, s2, s10, $0xb8;
	[tilespmem:$0x10180] =	vst v63  }
0x223: {  	v0 =	vld [tilespmem:$0x0];
	_ =	sdelay $0x4  }
0x224: {  	v0 =	vshll.u32 v0, $0x7  }
0x225: {  	(v2sf) =	vpush v0, $0x0  }
0x226: {  	(v2sf) =	vpush v0, $0x1  }
0x227: {  	(v2sf) =	vpush v0, $0x2;
	_ =	sdelay $0x1  }
0x228: {  	s14 =	rddreg [dreg:$0x18];
	(v2sf) =	vpush v0, $0x3  }
0x229: {  	s15 =	rddreg [dreg:$0x17]  }
0x22a: {  	s16 =	rddreg [dreg:$0x16];
	(v2sf) =	vpush v0, $0x4  }
0x22b: {  	s17 =	rddreg [dreg:$0x15]  }
0x22c: {  	s18 =	rddreg [dreg:$0x14];
	(v2sf) =	vpush v0, $0x5  }
0x22d: {  	s19 =	rddreg [dreg:$0x13]  }
0x22e: {  	s20 =	rddreg [dreg:$0x12];
	(v2sf) =	vpush v0, $0x6  }
0x22f: {  	s21 =	rddreg [dreg:$0x11]  }
0x230: {  	s22 =	rddreg [dreg:$0x10];
	(v2sf) =	vpush v0, $0x7  }
0x231: {  	s23 =	rddreg [dreg:$0xf]  }
0x232: {  	s24 =	rddreg [dreg:$0xe];
	(v2sf) =	vpush v0, $0x8  }
0x233: {  	s26 =	rddreg [dreg:$0xd];
	s25 =	spop (v2sf)  }
0x234: {  	s13 =	rddreg [dreg:$0x19];
	s25 =	sand.u32 $0xFFFFF80, s25;
	s28 =	spop (v2sf);
	(v2sf) =	vpush v0, $0x9  }
0x235: {  	s25 =	sadd.s32 s7, s25;
	s28 =	sand.u32 $0xFFFFF80, s28;
	s29 =	spop (v2sf)  }
0x236: {  	(v2sf) =	vpush v0, $0xA;
	[tilespmem:s5], [sflag:$0x1] =	stream.linear.gather [hbm4b:s25+s2], $0x400, $0x38;
	[tilespmem:$0x10180] =	vst v63  }
0x237: {  	s25 =	sadd.s32 s7, s28;
	s30 =	sand.u32 $0xFFFFF80, s29;
	s31 =	spop (v2sf)  }
0x238: {  	(v2sf) =	vpush v0, $0xB;
	[tilespmem:s26], [sflag:$0x1] =	stream.linear.gather [hbm4b:s25+s2], $0x400, $0x38;
	[tilespmem:$0x10180] =	vst v63  }
0x239: {  	s26 =	sadd.s32 s7, s30;
	s30 =	sand.u32 $0xFFFFF80, s31;
	s31 =	spop (v2sf)  }
0x23a: {  	(v2sf) =	vpush v0, $0xC;
	[tilespmem:s24], [sflag:$0x1] =	stream.linear.gather [hbm4b:s26+s2], $0x400, $0x38;
	[tilespmem:$0x10180] =	vst v63  }
0x23b: {  	s29 =	sadd.s32 s7, s30;
	s30 =	sand.u32 $0xFFFFF80, s31;
	s31 =	spop (v2sf)  }
0x23c: {  	(v2sf) =	vpush v0, $0xD;
	[tilespmem:s23], [sflag:$0x1] =	stream.linear.gather [hbm4b:s29+s2], $0x400, $0x38;
	[tilespmem:$0x10180] =	vst v63  }
0x23d: {  	s25 =	sadd.s32 s7, s30;
	s26 =	sand.u32 $0xFFFFF80, s31;
	s28 =	spop (v2sf)  }
0x23e: {  	(v2sf) =	vpush v0, $0xE;
	[tilespmem:s22], [sflag:$0x1] =	stream.linear.gather [hbm4b:s25+s2], $0x400, $0x38;
	[tilespmem:$0x10180] =	vst v63  }
0x23f: {  	s30 =	sand.u32 $0xFFFFF80, s28;
	s31 =	spop (v2sf);
	s29 =	sadd.s32 s7, s26  }
0x240: {  	(v2sf) =	vpush v0, $0xF;
	[tilespmem:s21], [sflag:$0x1] =	stream.linear.gather [hbm4b:s29+s2], $0x400, $0x38;
	[tilespmem:$0x10180] =	vst v63  }
0x241: {  	s23 =	sand.u32 $0xFFFFF80, s31;
	s24 =	spop (v2sf);
	s22 =	sadd.s32 s7, s30  }
0x242: {  	[tilespmem:s20], [sflag:$0x1] =	stream.linear.gather [hbm4b:s22+s2], $0x400, $0x38;
	[tilespmem:$0x10180] =	vst v63  }
0x243: {  	s26 =	sand.u32 $0xFFFFF80, s24;
	s25 =	sadd.s32 s7, s23;
	s28 =	spop (v2sf)  }
0x244: {  	[tilespmem:s19], [sflag:$0x1] =	stream.linear.gather [hbm4b:s25+s2], $0x400, $0x38;
	[tilespmem:$0x10180] =	vst v63  }
0x245: {  	s29 =	sadd.s32 s7, s26;
	s30 =	sand.u32 $0xFFFFF80, s28;
	s31 =	spop (v2sf)  }
0x246: {  	[tilespmem:s18], [sflag:$0x1] =	stream.linear.gather [hbm4b:s29+s2], $0x400, $0x38;
	[tilespmem:$0x10180] =	vst v63  }
0x247: {  	s22 =	sadd.s32 s7, s30;
	s23 =	sand.u32 $0xFFFFF80, s31;
	s24 =	spop (v2sf)  }
0x248: {  	[tilespmem:s17], [sflag:$0x1] =	stream.linear.gather [hbm4b:s22+s2], $0x400, $0x38;
	[tilespmem:$0x10180] =	vst v63  }
0x249: {  	s25 =	sadd.s32 s7, s23;
	s26 =	sand.u32 $0xFFFFF80, s24;
	s28 =	spop (v2sf)  }
0x24a: {  	[tilespmem:s16], [sflag:$0x1] =	stream.linear.gather [hbm4b:s25+s2], $0x400, $0x38;
	[tilespmem:$0x10180] =	vst v63  }
0x24b: {  	s29 =	sadd.s32 s7, s26;
	s30 =	sand.u32 $0xFFFFF80, s28;
	s31 =	spop (v2sf)  }
0x24c: {  	[tilespmem:s15], [sflag:$0x1] =	stream.linear.gather [hbm4b:s29+s2], $0x400, $0x38;
	[tilespmem:$0x10180] =	vst v63  }
0x24d: {  	s19 =	sadd.s32 s7, s30;
	s20 =	sand.u32 $0xFFFFF80, s31;
	s21 =	spop (v2sf)  }
0x24e: {  	[tilespmem:s14], [sflag:$0x1] =	stream.linear.gather [hbm4b:s19+s2], $0x400, $0x38;
	[tilespmem:$0x10180] =	vst v63  }
0x24f: {  	s22 =	sadd.s32 s7, s20;
	s23 =	sand.u32 $0xFFFFF80, s21;
	s24 =	spop (v2sf)  }
0x250: {  	[tilespmem:s13], [sflag:$0x1] =	stream.linear.gather [hbm4b:s22+s2], $0x400, $0x38;
	[tilespmem:$0x10180] =	vst v63  }
0x251: {  	s12 =	rddreg [dreg:$0x1a];
	s25 =	sadd.s32 s7, s23;
	s26 =	sand.u32 $0xFFFFF80, s24  }
0x252: {  	[tilespmem:s12], [sflag:$0x1] =	stream.linear.gather [hbm4b:s25+s2], $0x400, $0x38;
	[tilespmem:$0x10180] =	vst v63  }
0x253: {  	s28 =	rddreg [dreg:$0x1b];
	s29 =	sadd.s32 s7, s26  }
0x254: {  	[tilespmem:s28], [sflag:$0x1] =	stream.linear.gather [hbm4b:s29+s2], $0x400, $0x38;
	[tilespmem:$0x10180] =	vst v63  }
0x255: {  	v61 =	vld [tilespmem:$0x10];
	_ =	sdelay $0x4  }
0x256: {  	v0 =	vshll.u32 v61, $0x7  }
0x257: {  	(v2sf) =	vpush v0, $0x0  }
0x258: {  	(v2sf) =	vpush v0, $0x1  }
0x259: {  	s18 =	sld [smem:$0x7D6];
	(v2sf) =	vpush v0, $0x2  }
0x25a: {  	s17 =	sld [smem:$0x7D7]  }
0x25b: {  	s16 =	sld [smem:$0x7D8];
	(v2sf) =	vpush v0, $0x3  }
0x25c: {  	s20 =	sld [smem:$0x7D4]  }
0x25d: {  	s21 =	sld [smem:$0x7D3];
	(v2sf) =	vpush v0, $0x4  }
0x25e: {  	s23 =	rddreg [dreg:$0x1f]  }
0x25f: {  	s24 =	rddreg [dreg:$0x1e];
	(v2sf) =	vpush v0, $0x5  }
0x260: {  	s15 =	sld [smem:$0x7D9]  }
0x261: {  	s14 =	sld [smem:$0x7DA];
	(v2sf) =	vpush v0, $0x6  }
0x262: {  	s19 =	sld [smem:$0x7D5]  }
0x263: {  	s13 =	sld [smem:$0x7DB];
	(v2sf) =	vpush v0, $0x7  }
0x264: {  	s22 =	sld [smem:$0x7D2]  }
0x265: {  	s12 =	sld [smem:$0x7DC];
	(v2sf) =	vpush v0, $0x8  }
0x266: {  	s25 =	rddreg [dreg:$0x1c];
	s30 =	spop (v2sf)  }
0x267: {  	s28 =	rddreg [dreg:$0x1d];
	s26 =	sand.u32 $0xFFFFF80, s30;
	s31 =	spop (v2sf);
	(v2sf) =	vpush v0, $0x9  }
0x268: {  	s26 =	sadd.s32 s7, s26;
	s29 =	sand.u32 $0xFFFFF80, s31;
	s30 =	spop (v2sf)  }
0x269: {  	(v2sf) =	vpush v0, $0xA;
	[tilespmem:s25], [sflag:$0x1] =	stream.linear.gather [hbm4b:s26+s2], $0x400, $0x38;
	[tilespmem:$0x10180] =	vst v63  }
0x26a: {  	s26 =	sadd.s32 s7, s29;
	s30 =	sand.u32 $0xFFFFF80, s30;
	s31 =	spop (v2sf)  }
0x26b: {  	(v2sf) =	vpush v0, $0xB;
	[tilespmem:s28], [sflag:$0x1] =	stream.linear.gather [hbm4b:s26+s2], $0x400, $0x38;
	[tilespmem:$0x10180] =	vst v63  }
0x26c: {  	s26 =	sadd.s32 s7, s30;
	s30 =	sand.u32 $0xFFFFF80, s31;
	s31 =	spop (v2sf)  }
0x26d: {  	(v2sf) =	vpush v0, $0xC;
	[tilespmem:s24], [sflag:$0x1] =	stream.linear.gather [hbm4b:s26+s2], $0x400, $0x38;
	[tilespmem:$0x10180] =	vst v63  }
0x26e: {  	s29 =	sadd.s32 s7, s30;
	s30 =	sand.u32 $0xFFFFF80, s31;
	s31 =	spop (v2sf)  }
0x26f: {  	(v2sf) =	vpush v0, $0xD;
	[tilespmem:s23], [sflag:$0x1] =	stream.linear.gather [hbm4b:s29+s2], $0x400, $0x38;
	[tilespmem:$0x10180] =	vst v63  }
0x270: {  	s25 =	sadd.s32 s7, s30;
	s26 =	sand.u32 $0xFFFFF80, s31;
	s28 =	spop (v2sf)  }
0x271: {  	(v2sf) =	vpush v0, $0xE;
	[tilespmem:s22], [sflag:$0x1] =	stream.linear.gather [hbm4b:s25+s2], $0x400, $0x38;
	[tilespmem:$0x10180] =	vst v63  }
0x272: {  	s30 =	sand.u32 $0xFFFFF80, s28;
	s31 =	spop (v2sf);
	s29 =	sadd.s32 s7, s26  }
0x273: {  	(v2sf) =	vpush v0, $0xF;
	[tilespmem:s21], [sflag:$0x1] =	stream.linear.gather [hbm4b:s29+s2], $0x400, $0x38;
	[tilespmem:$0x10180] =	vst v63  }
0x274: {  	s23 =	sand.u32 $0xFFFFF80, s31;
	s24 =	spop (v2sf);
	s22 =	sadd.s32 s7, s30  }
0x275: {  	[tilespmem:s20], [sflag:$0x1] =	stream.linear.gather [hbm4b:s22+s2], $0x400, $0x38;
	[tilespmem:$0x10180] =	vst v63  }
0x276: {  	s26 =	sand.u32 $0xFFFFF80, s24;
	s25 =	sadd.s32 s7, s23;
	s28 =	spop (v2sf)  }
0x277: {  	[tilespmem:s19], [sflag:$0x1] =	stream.linear.gather [hbm4b:s25+s2], $0x400, $0x38;
	[tilespmem:$0x10180] =	vst v63  }
0x278: {  	s29 =	sadd.s32 s7, s26;
	s30 =	sand.u32 $0xFFFFF80, s28;
	s31 =	spop (v2sf)  }
0x279: {  	[tilespmem:s18], [sflag:$0x1] =	stream.linear.gather [hbm4b:s29+s2], $0x400, $0x38;
	[tilespmem:$0x10180] =	vst v63  }
0x27a: {  	s22 =	sadd.s32 s7, s30;
	s23 =	sand.u32 $0xFFFFF80, s31;
	s24 =	spop (v2sf)  }
0x27b: {  	[tilespmem:s17], [sflag:$0x1] =	stream.linear.gather [hbm4b:s22+s2], $0x400, $0x38;
	[tilespmem:$0x10180] =	vst v63  }
0x27c: {  	s25 =	sadd.s32 s7, s23;
	s26 =	sand.u32 $0xFFFFF80, s24;
	s28 =	spop (v2sf)  }
0x27d: {  	[tilespmem:s16], [sflag:$0x1] =	stream.linear.gather [hbm4b:s25+s2], $0x400, $0x38;
	[tilespmem:$0x10180] =	vst v63  }
0x27e: {  	s29 =	sadd.s32 s7, s26;
	s30 =	sand.u32 $0xFFFFF80, s28;
	s31 =	spop (v2sf)  }
0x27f: {  	[tilespmem:s15], [sflag:$0x1] =	stream.linear.gather [hbm4b:s29+s2], $0x400, $0x38;
	[tilespmem:$0x10180] =	vst v63  }
0x280: {  	s17 =	sadd.s32 s7, s30;
	s19 =	sand.u32 $0xFFFFF80, s31;
	s20 =	spop (v2sf)  }
0x281: {  	[tilespmem:s14], [sflag:$0x1] =	stream.linear.gather [hbm4b:s17+s2], $0x400, $0x38;
	[tilespmem:$0x10180] =	vst v63  }
0x282: {  	s21 =	sadd.s32 s7, s19;
	s22 =	sand.u32 $0xFFFFF80, s20;
	s23 =	spop (v2sf)  }
0x283: {  	[tilespmem:s13], [sflag:$0x1] =	stream.linear.gather [hbm4b:s21+s2], $0x400, $0x38;
	[tilespmem:$0x10180] =	vst v63  }
0x284: {  	s26 =	sld [smem:$0x7DD];
	s24 =	sadd.s32 s7, s22;
	s25 =	sand.u32 $0xFFFFF80, s23  }
0x285: {  	[tilespmem:s12], [sflag:$0x1] =	stream.linear.gather [hbm4b:s24+s2], $0x400, $0x38;
	[tilespmem:$0x10180] =	vst v63  }
0x286: {  	s28 =	sadd.s32 s7, s25  }
0x287: {  	[tilespmem:s26], [sflag:$0x1] =	stream.linear.gather [hbm4b:s28+s2], $0x400, $0x38;
	[tilespmem:$0x10180] =	vst v63  }
0x288: {  	v62 =	vld [tilespmem:$0x20];
	_ =	sdelay $0x4  }
0x289: {  	v0 =	vshll.u32 v62, $0x7  }
0x28a: {  	(v2sf) =	vpush v0, $0x0  }
0x28b: {  	(v2sf) =	vpush v0, $0x1  }
0x28c: {  	s18 =	sld [smem:$0x7E6];
	(v2sf) =	vpush v0, $0x2  }
0x28d: {  	s16 =	sld [smem:$0x7E8]  }
0x28e: {  	s19 =	sld [smem:$0x7E5];
	(v2sf) =	vpush v0, $0x3  }
0x28f: {  	s20 =	sld [smem:$0x7E4]  }
0x290: {  	s22 =	sld [smem:$0x7E2];
	(v2sf) =	vpush v0, $0x4  }
0x291: {  	s23 =	sld [smem:$0x7E1]  }
0x292: {  	s15 =	sld [smem:$0x7E9];
	(v2sf) =	vpush v0, $0x5  }
0x293: {  	s25 =	sld [smem:$0x7DE]  }
0x294: {  	s14 =	sld [smem:$0x7EA];
	(v2sf) =	vpush v0, $0x6  }
0x295: {  	s17 =	sld [smem:$0x7E7]  }
0x296: {  	s13 =	sld [smem:$0x7EB];
	(v2sf) =	vpush v0, $0x7  }
0x297: {  	s21 =	sld [smem:$0x7E3]  }
0x298: {  	s12 =	sld [smem:$0x7EC];
	(v2sf) =	vpush v0, $0x8  }
0x299: {  	s24 =	sld [smem:$0x7E0];
	s29 =	spop (v2sf)  }
0x29a: {  	s28 =	sld [smem:$0x7DF];
	s26 =	sand.u32 $0xFFFFF80, s29;
	s30 =	spop (v2sf);
	(v2sf) =	vpush v0, $0x9  }
0x29b: {  	s26 =	sadd.s32 s7, s26;
	s29 =	sand.u32 $0xFFFFF80, s30;
	s31 =	spop (v2sf)  }
0x29c: {  	(v2sf) =	vpush v0, $0xA;
	[tilespmem:s25], [sflag:$0x1] =	stream.linear.gather [hbm4b:s26+s2], $0x400, $0x38;
	[tilespmem:$0x10180] =	vst v63  }
0x29d: {  	s26 =	sadd.s32 s7, s29;
	s30 =	sand.u32 $0xFFFFF80, s31;
	s31 =	spop (v2sf)  }
0x29e: {  	(v2sf) =	vpush v0, $0xB;
	[tilespmem:s28], [sflag:$0x1] =	stream.linear.gather [hbm4b:s26+s2], $0x400, $0x38;
	[tilespmem:$0x10180] =	vst v63  }
0x29f: {  	s26 =	sadd.s32 s7, s30;
	s30 =	sand.u32 $0xFFFFF80, s31;
	s31 =	spop (v2sf)  }
0x2a0: {  	(v2sf) =	vpush v0, $0xC;
	[tilespmem:s24], [sflag:$0x1] =	stream.linear.gather [hbm4b:s26+s2], $0x400, $0x38;
	[tilespmem:$0x10180] =	vst v63  }
0x2a1: {  	s29 =	sadd.s32 s7, s30;
	s30 =	sand.u32 $0xFFFFF80, s31;
	s31 =	spop (v2sf)  }
0x2a2: {  	(v2sf) =	vpush v0, $0xD;
	[tilespmem:s23], [sflag:$0x1] =	stream.linear.gather [hbm4b:s29+s2], $0x400, $0x38;
	[tilespmem:$0x10180] =	vst v63  }
0x2a3: {  	s25 =	sadd.s32 s7, s30;
	s26 =	sand.u32 $0xFFFFF80, s31;
	s28 =	spop (v2sf)  }
0x2a4: {  	(v2sf) =	vpush v0, $0xE;
	[tilespmem:s22], [sflag:$0x1] =	stream.linear.gather [hbm4b:s25+s2], $0x400, $0x38;
	[tilespmem:$0x10180] =	vst v63  }
0x2a5: {  	s30 =	sand.u32 $0xFFFFF80, s28;
	s31 =	spop (v2sf);
	s29 =	sadd.s32 s7, s26  }
0x2a6: {  	(v2sf) =	vpush v0, $0xF;
	[tilespmem:s21], [sflag:$0x1] =	stream.linear.gather [hbm4b:s29+s2], $0x400, $0x38;
	[tilespmem:$0x10180] =	vst v63  }
0x2a7: {  	s23 =	sand.u32 $0xFFFFF80, s31;
	s24 =	spop (v2sf);
	s22 =	sadd.s32 s7, s30  }
0x2a8: {  	[tilespmem:s20], [sflag:$0x1] =	stream.linear.gather [hbm4b:s22+s2], $0x400, $0x38;
	[tilespmem:$0x10180] =	vst v63  }
0x2a9: {  	s26 =	sand.u32 $0xFFFFF80, s24;
	s25 =	sadd.s32 s7, s23;
	s28 =	spop (v2sf)  }
0x2aa: {  	[tilespmem:s19], [sflag:$0x1] =	stream.linear.gather [hbm4b:s25+s2], $0x400, $0x38;
	[tilespmem:$0x10180] =	vst v63  }
0x2ab: {  	s29 =	sadd.s32 s7, s26;
	s30 =	sand.u32 $0xFFFFF80, s28;
	s31 =	spop (v2sf)  }
0x2ac: {  	[tilespmem:s18], [sflag:$0x1] =	stream.linear.gather [hbm4b:s29+s2], $0x400, $0x38;
	[tilespmem:$0x10180] =	vst v63  }
0x2ad: {  	s22 =	sadd.s32 s7, s30;
	s23 =	sand.u32 $0xFFFFF80, s31;
	s24 =	spop (v2sf)  }
0x2ae: {  	[tilespmem:s17], [sflag:$0x1] =	stream.linear.gather [hbm4b:s22+s2], $0x400, $0x38;
	[tilespmem:$0x10180] =	vst v63  }
0x2af: {  	s25 =	sadd.s32 s7, s23;
	s26 =	sand.u32 $0xFFFFF80, s24;
	s28 =	spop (v2sf)  }
0x2b0: {  	[tilespmem:s16], [sflag:$0x1] =	stream.linear.gather [hbm4b:s25+s2], $0x400, $0x38;
	[tilespmem:$0x10180] =	vst v63  }
0x2b1: {  	s29 =	sadd.s32 s7, s26;
	s30 =	sand.u32 $0xFFFFF80, s28;
	s31 =	spop (v2sf)  }
0x2b2: {  	[tilespmem:s15], [sflag:$0x1] =	stream.linear.gather [hbm4b:s29+s2], $0x400, $0x38;
	[tilespmem:$0x10180] =	vst v63  }
0x2b3: {  	s17 =	sadd.s32 s7, s30;
	s19 =	sand.u32 $0xFFFFF80, s31;
	s20 =	spop (v2sf)  }
0x2b4: {  	[tilespmem:s14], [sflag:$0x1] =	stream.linear.gather [hbm4b:s17+s2], $0x400, $0x38;
	[tilespmem:$0x10180] =	vst v63  }
0x2b5: {  	s21 =	sadd.s32 s7, s19;
	s22 =	sand.u32 $0xFFFFF80, s20;
	s23 =	spop (v2sf)  }
0x2b6: {  	[tilespmem:s13], [sflag:$0x1] =	stream.linear.gather [hbm4b:s21+s2], $0x400, $0x38;
	[tilespmem:$0x10180] =	vst v63  }
0x2b7: {  	s26 =	sld [smem:$0x7ED];
	s24 =	sadd.s32 s7, s22;
	s25 =	sand.u32 $0xFFFFF80, s23  }
0x2b8: {  	[tilespmem:s12], [sflag:$0x1] =	stream.linear.gather [hbm4b:s24+s2], $0x400, $0x38;
	[tilespmem:$0x10180] =	vst v63  }
0x2b9: {  	s28 =	sadd.s32 s7, s25  }
0x2ba: {  	[tilespmem:s26], [sflag:$0x1] =	stream.linear.gather [hbm4b:s28+s2], $0x400, $0x38;
	[tilespmem:$0x10180] =	vst v63  }
0x2bb: {  	v63 =	vld [tilespmem:$0x30];
	_ =	sdelay $0x4  }
0x2bc: {  	v0 =	vshll.u32 v63, $0x7  }
0x2bd: {  	(v2sf) =	vpush v0, $0x0  }
0x2be: {  	(v2sf) =	vpush v0, $0x1  }
0x2bf: {  	s18 =	sld [smem:$0x7F6];
	(v2sf) =	vpush v0, $0x2  }
0x2c0: {  	s16 =	sld [smem:$0x7F8]  }
0x2c1: {  	s19 =	sld [smem:$0x7F5];
	(v2sf) =	vpush v0, $0x3  }
0x2c2: {  	s20 =	sld [smem:$0x7F4]  }
0x2c3: {  	s22 =	sld [smem:$0x7F2];
	(v2sf) =	vpush v0, $0x4  }
0x2c4: {  	s23 =	sld [smem:$0x7F1]  }
0x2c5: {  	s15 =	sld [smem:$0x7F9];
	(v2sf) =	vpush v0, $0x5  }
0x2c6: {  	s25 =	sld [smem:$0x7EE]  }
0x2c7: {  	s14 =	sld [smem:$0x7FA];
	(v2sf) =	vpush v0, $0x6  }
0x2c8: {  	s17 =	sld [smem:$0x7F7]  }
0x2c9: {  	s13 =	sld [smem:$0x7FB];
	(v2sf) =	vpush v0, $0x7  }
0x2ca: {  	s21 =	sld [smem:$0x7F3]  }
0x2cb: {  	s12 =	sld [smem:$0x7FC];
	(v2sf) =	vpush v0, $0x8  }
0x2cc: {  	s24 =	sld [smem:$0x7F0];
	s29 =	spop (v2sf)  }
0x2cd: {  	s28 =	sld [smem:$0x7EF];
	s26 =	sand.u32 $0xFFFFF80, s29;
	s30 =	spop (v2sf);
	(v2sf) =	vpush v0, $0x9  }
0x2ce: {  	s26 =	sadd.s32 s7, s26;
	s29 =	sand.u32 $0xFFFFF80, s30;
	s31 =	spop (v2sf)  }
0x2cf: {  	(v2sf) =	vpush v0, $0xA;
	[tilespmem:s25], [sflag:$0x1] =	stream.linear.gather [hbm4b:s26+s2], $0x400, $0x38;
	[tilespmem:$0x10180] =	vst v63  }
0x2d0: {  	s26 =	sadd.s32 s7, s29;
	s30 =	sand.u32 $0xFFFFF80, s31;
	s31 =	spop (v2sf)  }
0x2d1: {  	(v2sf) =	vpush v0, $0xB;
	[tilespmem:s28], [sflag:$0x1] =	stream.linear.gather [hbm4b:s26+s2], $0x400, $0x38;
	[tilespmem:$0x10180] =	vst v63  }
0x2d2: {  	s26 =	sadd.s32 s7, s30;
	s30 =	sand.u32 $0xFFFFF80, s31;
	s31 =	spop (v2sf)  }
0x2d3: {  	(v2sf) =	vpush v0, $0xC;
	[tilespmem:s24], [sflag:$0x1] =	stream.linear.gather [hbm4b:s26+s2], $0x400, $0x38;
	[tilespmem:$0x10180] =	vst v63  }
0x2d4: {  	s29 =	sadd.s32 s7, s30;
	s30 =	sand.u32 $0xFFFFF80, s31;
	s31 =	spop (v2sf)  }
0x2d5: {  	(v2sf) =	vpush v0, $0xD;
	[tilespmem:s23], [sflag:$0x1] =	stream.linear.gather [hbm4b:s29+s2], $0x400, $0x38;
	[tilespmem:$0x10180] =	vst v63  }
0x2d6: {  	s25 =	sadd.s32 s7, s30;
	s26 =	sand.u32 $0xFFFFF80, s31;
	s28 =	spop (v2sf)  }
0x2d7: {  	(v2sf) =	vpush v0, $0xE;
	[tilespmem:s22], [sflag:$0x1] =	stream.linear.gather [hbm4b:s25+s2], $0x400, $0x38;
	[tilespmem:$0x10180] =	vst v63  }
0x2d8: {  	s30 =	sand.u32 $0xFFFFF80, s28;
	s31 =	spop (v2sf);
	s29 =	sadd.s32 s7, s26  }
0x2d9: {  	(v2sf) =	vpush v0, $0xF;
	[tilespmem:s21], [sflag:$0x1] =	stream.linear.gather [hbm4b:s29+s2], $0x400, $0x38;
	[tilespmem:$0x10180] =	vst v63  }
0x2da: {  	s23 =	sand.u32 $0xFFFFF80, s31;
	s24 =	spop (v2sf);
	s22 =	sadd.s32 s7, s30  }
0x2db: {  	[tilespmem:s20], [sflag:$0x1] =	stream.linear.gather [hbm4b:s22+s2], $0x400, $0x38;
	[tilespmem:$0x10180] =	vst v63  }
0x2dc: {  	s26 =	sand.u32 $0xFFFFF80, s24;
	s25 =	sadd.s32 s7, s23;
	s28 =	spop (v2sf)  }
0x2dd: {  	[tilespmem:s19], [sflag:$0x1] =	stream.linear.gather [hbm4b:s25+s2], $0x400, $0x38;
	[tilespmem:$0x10180] =	vst v63  }
0x2de: {  	s29 =	sadd.s32 s7, s26;
	s30 =	sand.u32 $0xFFFFF80, s28;
	s31 =	spop (v2sf)  }
0x2df: {  	[tilespmem:s18], [sflag:$0x1] =	stream.linear.gather [hbm4b:s29+s2], $0x400, $0x38;
	[tilespmem:$0x10180] =	vst v63  }
0x2e0: {  	s22 =	sadd.s32 s7, s30;
	s23 =	sand.u32 $0xFFFFF80, s31;
	s24 =	spop (v2sf)  }
0x2e1: {  	[tilespmem:s17], [sflag:$0x1] =	stream.linear.gather [hbm4b:s22+s2], $0x400, $0x38;
	[tilespmem:$0x10180] =	vst v63  }
0x2e2: {  	s25 =	sadd.s32 s7, s23;
	s26 =	sand.u32 $0xFFFFF80, s24;
	s28 =	spop (v2sf)  }
0x2e3: {  	[tilespmem:s16], [sflag:$0x1] =	stream.linear.gather [hbm4b:s25+s2], $0x400, $0x38;
	[tilespmem:$0x10180] =	vst v63  }
0x2e4: {  	s29 =	sadd.s32 s7, s26;
	s30 =	sand.u32 $0xFFFFF80, s28;
	s31 =	spop (v2sf)  }
0x2e5: {  	[tilespmem:s15], [sflag:$0x1] =	stream.linear.gather [hbm4b:s29+s2], $0x400, $0x38;
	[tilespmem:$0x10180] =	vst v63  }
0x2e6: {  	s17 =	sadd.s32 s7, s30;
	s19 =	sand.u32 $0xFFFFF80, s31;
	s20 =	spop (v2sf)  }
0x2e7: {  	[tilespmem:s14], [sflag:$0x1] =	stream.linear.gather [hbm4b:s17+s2], $0x400, $0x38;
	[tilespmem:$0x10180] =	vst v63  }
0x2e8: {  	s21 =	sadd.s32 s7, s19;
	s22 =	sand.u32 $0xFFFFF80, s20;
	s23 =	spop (v2sf)  }
0x2e9: {  	[tilespmem:s13], [sflag:$0x1] =	stream.linear.gather [hbm4b:s21+s2], $0x400, $0x38;
	[tilespmem:$0x10180] =	vst v63  }
0x2ea: {  	s26 =	sld [smem:$0x7FD];
	s24 =	sadd.s32 s7, s22;
	s25 =	sand.u32 $0xFFFFF80, s23  }
0x2eb: {  	[tilespmem:s12], [sflag:$0x1] =	stream.linear.gather [hbm4b:s24+s2], $0x400, $0x38;
	[tilespmem:$0x10180] =	vst v63  }
0x2ec: {  	s28 =	sadd.s32 s7, s25  }
0x2ed: {  	[tilespmem:s26], [sflag:$0x1] =	stream.linear.gather [hbm4b:s28+s2], $0x400, $0x38;
	[tilespmem:$0x10180] =	vst v63  }
0x2ee: {  	_ =	swait.ge [sflag:s4], $0x40  }
0x2ef: {  	[sflag:s4] =	ssyncset.done $0x0  }
0x2f0: {  	[sflag:s4] =	ssyncadd.s32 $0xFFFFFFC0  }
0x2f1: {  	_ =	swait.ge [sflag:s4], $0x40  }
0x2f2: {  	[sflag:s4] =	ssyncset.done $0x0  }
0x2f3: {  	s29 =	rddreg [dreg:$0xa];
	[sflag:s4] =	ssyncadd.s32 $0xFFFFFFC0  }
0x2f4: {  	[hbm4b:s29+s2] =	stream.linear.scatter [tilespmem:s8], [sflag:$0x2], $0x40, $0x38;
	[tilespmem:$0x10180] =	vst v63  }
0x2f5: {  	s30 =	rddreg [dreg:$0xb]  }
0x2f6: {  	[hbm4b:s30+s2] =	stream.linear.scatter [tilespmem:s9], [sflag:$0x2], $0x40, $0x38;
	[tilespmem:$0x10180] =	vst v63  }
0x2f7: {  	_ =	swait.ge [sflag:s6], $0x400  }
0x2f8: {  	[sflag:s6] =	ssyncset.done $0x0  }
0x2f9: {  	[sflag:s6] =	ssyncadd.s32 $0xFFFFFC00  }
0x2fa: {  	_ =	swait.ge [sflag:s6], $0x400  }
0x2fb: {  	[sflag:s6] =	ssyncset.done $0x0  }
0x2fc: {  	[sflag:s6] =	ssyncadd.s32 $0xFFFFFC00  }
0x2fd: {  	_ =	swait.ge [sflag:s6], $0x400  }
0x2fe: {  	[sflag:s6] =	ssyncset.done $0x0  }
0x2ff: {  	[sflag:s6] =	ssyncadd.s32 $0xFFFFFC00  }
0x300: {  	_ =	swait.ge [sflag:s6], $0x400  }
0x301: {  	[sflag:s6] =	ssyncset.done $0x0  }
0x302: {  	[sflag:s6] =	ssyncadd.s32 $0xFFFFFC00  }
0x303: {  	_ =	swait.ge [sflag:s6], $0x400  }
0x304: {  	[sflag:s6] =	ssyncset.done $0x0  }
0x305: {  	[sflag:s6] =	ssyncadd.s32 $0xFFFFFC00  }
0x306: {  	_ =	swait.ge [sflag:s6], $0x400  }
0x307: {  	[sflag:s6] =	ssyncset.done $0x0  }
0x308: {  	[sflag:s6] =	ssyncadd.s32 $0xFFFFFC00  }
0x309: {  	_ =	swait.ge [sflag:s6], $0x400  }
0x30a: {  	[sflag:s6] =	ssyncset.done $0x0  }
0x30b: {  	[sflag:s6] =	ssyncadd.s32 $0xFFFFFC00  }
0x30c: {  	_ =	swait.ge [sflag:s6], $0x400  }
0x30d: {  	[sflag:s6] =	ssyncset.done $0x0  }
0x30e: {  	[sflag:s6] =	ssyncadd.s32 $0xFFFFFC00  }
0x30f: {  	_ =	swait.ge [sflag:s6], $0x400  }
0x310: {  	[sflag:s6] =	ssyncset.done $0x0  }
0x311: {  	[sflag:s6] =	ssyncadd.s32 $0xFFFFFC00  }
0x312: {  	_ =	swait.ge [sflag:s6], $0x400  }
0x313: {  	[sflag:s6] =	ssyncset.done $0x0  }
0x314: {  	[sflag:s6] =	ssyncadd.s32 $0xFFFFFC00  }
0x315: {  	_ =	swait.ge [sflag:s6], $0x400  }
0x316: {  	[sflag:s6] =	ssyncset.done $0x0  }
0x317: {  	[sflag:s6] =	ssyncadd.s32 $0xFFFFFC00  }
0x318: {  	_ =	swait.ge [sflag:s6], $0x400  }
0x319: {  	[sflag:s6] =	ssyncset.done $0x0  }
0x31a: {  	[sflag:s6] =	ssyncadd.s32 $0xFFFFFC00  }
0x31b: {  	_ =	swait.ge [sflag:s6], $0x400  }
0x31c: {  	[sflag:s6] =	ssyncset.done $0x0  }
0x31d: {  	[sflag:s6] =	ssyncadd.s32 $0xFFFFFC00  }
0x31e: {  	_ =	swait.ge [sflag:s6], $0x400  }
0x31f: {  	[sflag:s6] =	ssyncset.done $0x0  }
0x320: {  	[sflag:s6] =	ssyncadd.s32 $0xFFFFFC00  }
0x321: {  	_ =	swait.ge [sflag:s6], $0x400  }
0x322: {  	[sflag:s6] =	ssyncset.done $0x0  }
0x323: {  	[sflag:s6] =	ssyncadd.s32 $0xFFFFFC00  }
0x324: {  	_ =	swait.ge [sflag:s6], $0x400  }
0x325: {  	[sflag:s6] =	ssyncset.done $0x0  }
0x326: {  	[sflag:s6] =	ssyncadd.s32 $0xFFFFFC00  }
0x327: {  	_ =	swait.ge [sflag:s6], $0x400  }
0x328: {  	[sflag:s6] =	ssyncset.done $0x0  }
0x329: {  	[sflag:s6] =	ssyncadd.s32 $0xFFFFFC00  }
0x32a: {  	_ =	swait.ge [sflag:s6], $0x400  }
0x32b: {  	[sflag:s6] =	ssyncset.done $0x0  }
0x32c: {  	[sflag:s6] =	ssyncadd.s32 $0xFFFFFC00  }
0x32d: {  	_ =	swait.ge [sflag:s6], $0x400  }
0x32e: {  	[sflag:s6] =	ssyncset.done $0x0  }
0x32f: {  	[sflag:s6] =	ssyncadd.s32 $0xFFFFFC00  }
0x330: {  	_ =	swait.ge [sflag:s6], $0x400  }
0x331: {  	[sflag:s6] =	ssyncset.done $0x0  }
0x332: {  	[sflag:s6] =	ssyncadd.s32 $0xFFFFFC00  }
0x333: {  	_ =	swait.ge [sflag:s6], $0x400  }
0x334: {  	[sflag:s6] =	ssyncset.done $0x0  }
0x335: {  	[sflag:s6] =	ssyncadd.s32 $0xFFFFFC00  }
0x336: {  	_ =	swait.ge [sflag:s6], $0x400  }
0x337: {  	[sflag:s6] =	ssyncset.done $0x0  }
0x338: {  	[sflag:s6] =	ssyncadd.s32 $0xFFFFFC00  }
0x339: {  	_ =	swait.ge [sflag:s6], $0x400  }
0x33a: {  	[sflag:s6] =	ssyncset.done $0x0  }
0x33b: {  	[sflag:s6] =	ssyncadd.s32 $0xFFFFFC00  }
0x33c: {  	_ =	swait.ge [sflag:s6], $0x400  }
0x33d: {  	[sflag:s6] =	ssyncset.done $0x0  }
0x33e: {  	[sflag:s6] =	ssyncadd.s32 $0xFFFFFC00  }
0x33f: {  	_ =	swait.ge [sflag:s6], $0x400  }
0x340: {  	[sflag:s6] =	ssyncset.done $0x0  }
0x341: {  	[sflag:s6] =	ssyncadd.s32 $0xFFFFFC00  }
0x342: {  	_ =	swait.ge [sflag:s6], $0x400  }
0x343: {  	[sflag:s6] =	ssyncset.done $0x0  }
0x344: {  	[sflag:s6] =	ssyncadd.s32 $0xFFFFFC00  }
0x345: {  	_ =	swait.ge [sflag:s6], $0x400  }
0x346: {  	[sflag:s6] =	ssyncset.done $0x0  }
0x347: {  	[sflag:s6] =	ssyncadd.s32 $0xFFFFFC00  }
0x348: {  	_ =	swait.ge [sflag:s6], $0x400  }
0x349: {  	[sflag:s6] =	ssyncset.done $0x0  }
0x34a: {  	[sflag:s6] =	ssyncadd.s32 $0xFFFFFC00  }
0x34b: {  	_ =	swait.ge [sflag:s6], $0x400  }
0x34c: {  	[sflag:s6] =	ssyncset.done $0x0  }
0x34d: {  	[sflag:s6] =	ssyncadd.s32 $0xFFFFFC00  }
0x34e: {  	_ =	swait.ge [sflag:s6], $0x400  }
0x34f: {  	[sflag:s6] =	ssyncset.done $0x0  }
0x350: {  	[sflag:s6] =	ssyncadd.s32 $0xFFFFFC00  }
0x351: {  	_ =	swait.ge [sflag:s6], $0x400  }
0x352: {  	[sflag:s6] =	ssyncset.done $0x0  }
0x353: {  	[sflag:s6] =	ssyncadd.s32 $0xFFFFFC00  }
0x354: {  	_ =	swait.ge [sflag:s6], $0x400  }
0x355: {  	[sflag:s6] =	ssyncset.done $0x0  }
0x356: {  	[sflag:s6] =	ssyncadd.s32 $0xFFFFFC00  }
0x357: {  	_ =	swait.ge [sflag:s6], $0x400  }
0x358: {  	[sflag:s6] =	ssyncset.done $0x0  }
0x359: {  	[sflag:s6] =	ssyncadd.s32 $0xFFFFFC00  }
0x35a: {  	_ =	swait.ge [sflag:s6], $0x400  }
0x35b: {  	[sflag:s6] =	ssyncset.done $0x0  }
0x35c: {  	[sflag:s6] =	ssyncadd.s32 $0xFFFFFC00  }
0x35d: {  	_ =	swait.ge [sflag:s6], $0x400  }
0x35e: {  	[sflag:s6] =	ssyncset.done $0x0  }
0x35f: {  	[sflag:s6] =	ssyncadd.s32 $0xFFFFFC00  }
0x360: {  	_ =	swait.ge [sflag:s6], $0x400  }
0x361: {  	[sflag:s6] =	ssyncset.done $0x0  }
0x362: {  	[sflag:s6] =	ssyncadd.s32 $0xFFFFFC00  }
0x363: {  	_ =	swait.ge [sflag:s6], $0x400  }
0x364: {  	[sflag:s6] =	ssyncset.done $0x0  }
0x365: {  	[sflag:s6] =	ssyncadd.s32 $0xFFFFFC00  }
0x366: {  	_ =	swait.ge [sflag:s6], $0x400  }
0x367: {  	[sflag:s6] =	ssyncset.done $0x0  }
0x368: {  	[sflag:s6] =	ssyncadd.s32 $0xFFFFFC00  }
0x369: {  	_ =	swait.ge [sflag:s6], $0x400  }
0x36a: {  	[sflag:s6] =	ssyncset.done $0x0  }
0x36b: {  	[sflag:s6] =	ssyncadd.s32 $0xFFFFFC00  }
0x36c: {  	_ =	swait.ge [sflag:s6], $0x400  }
0x36d: {  	[sflag:s6] =	ssyncset.done $0x0  }
0x36e: {  	[sflag:s6] =	ssyncadd.s32 $0xFFFFFC00  }
0x36f: {  	_ =	swait.ge [sflag:s6], $0x400  }
0x370: {  	[sflag:s6] =	ssyncset.done $0x0  }
0x371: {  	[sflag:s6] =	ssyncadd.s32 $0xFFFFFC00  }
0x372: {  	_ =	swait.ge [sflag:s6], $0x400  }
0x373: {  	[sflag:s6] =	ssyncset.done $0x0  }
0x374: {  	[sflag:s6] =	ssyncadd.s32 $0xFFFFFC00  }
0x375: {  	_ =	swait.ge [sflag:s6], $0x400  }
0x376: {  	[sflag:s6] =	ssyncset.done $0x0  }
0x377: {  	[sflag:s6] =	ssyncadd.s32 $0xFFFFFC00  }
0x378: {  	_ =	swait.ge [sflag:s6], $0x400  }
0x379: {  	[sflag:s6] =	ssyncset.done $0x0  }
0x37a: {  	[sflag:s6] =	ssyncadd.s32 $0xFFFFFC00  }
0x37b: {  	_ =	swait.ge [sflag:s6], $0x400  }
0x37c: {  	[sflag:s6] =	ssyncset.done $0x0  }
0x37d: {  	[sflag:s6] =	ssyncadd.s32 $0xFFFFFC00  }
0x37e: {  	_ =	swait.ge [sflag:s6], $0x400  }
0x37f: {  	[sflag:s6] =	ssyncset.done $0x0  }
0x380: {  	[sflag:s6] =	ssyncadd.s32 $0xFFFFFC00  }
0x381: {  	_ =	swait.ge [sflag:s6], $0x400  }
0x382: {  	[sflag:s6] =	ssyncset.done $0x0  }
0x383: {  	[sflag:s6] =	ssyncadd.s32 $0xFFFFFC00  }
0x384: {  	_ =	swait.ge [sflag:s6], $0x400  }
0x385: {  	[sflag:s6] =	ssyncset.done $0x0  }
0x386: {  	[sflag:s6] =	ssyncadd.s32 $0xFFFFFC00  }
0x387: {  	_ =	swait.ge [sflag:s6], $0x400  }
0x388: {  	[sflag:s6] =	ssyncset.done $0x0  }
0x389: {  	[sflag:s6] =	ssyncadd.s32 $0xFFFFFC00  }
0x38a: {  	_ =	swait.ge [sflag:s6], $0x400  }
0x38b: {  	[sflag:s6] =	ssyncset.done $0x0  }
0x38c: {  	[sflag:s6] =	ssyncadd.s32 $0xFFFFFC00  }
0x38d: {  	_ =	swait.ge [sflag:s6], $0x400  }
0x38e: {  	[sflag:s6] =	ssyncset.done $0x0  }
0x38f: {  	[sflag:s6] =	ssyncadd.s32 $0xFFFFFC00  }
0x390: {  	_ =	swait.ge [sflag:s6], $0x400  }
0x391: {  	[sflag:s6] =	ssyncset.done $0x0  }
0x392: {  	[sflag:s6] =	ssyncadd.s32 $0xFFFFFC00  }
0x393: {  	_ =	swait.ge [sflag:s6], $0x400  }
0x394: {  	[sflag:s6] =	ssyncset.done $0x0  }
0x395: {  	[sflag:s6] =	ssyncadd.s32 $0xFFFFFC00  }
0x396: {  	_ =	swait.ge [sflag:s6], $0x400  }
0x397: {  	[sflag:s6] =	ssyncset.done $0x0  }
0x398: {  	[sflag:s6] =	ssyncadd.s32 $0xFFFFFC00  }
0x399: {  	_ =	swait.ge [sflag:s6], $0x400  }
0x39a: {  	[sflag:s6] =	ssyncset.done $0x0  }
0x39b: {  	[sflag:s6] =	ssyncadd.s32 $0xFFFFFC00  }
0x39c: {  	_ =	swait.ge [sflag:s6], $0x400  }
0x39d: {  	[sflag:s6] =	ssyncset.done $0x0  }
0x39e: {  	[sflag:s6] =	ssyncadd.s32 $0xFFFFFC00  }
0x39f: {  	_ =	swait.ge [sflag:s6], $0x400  }
0x3a0: {  	[sflag:s6] =	ssyncset.done $0x0  }
0x3a1: {  	[sflag:s6] =	ssyncadd.s32 $0xFFFFFC00  }
0x3a2: {  	_ =	swait.ge [sflag:s6], $0x400  }
0x3a3: {  	[sflag:s6] =	ssyncset.done $0x0  }
0x3a4: {  	[sflag:s6] =	ssyncadd.s32 $0xFFFFFC00  }
0x3a5: {  	_ =	swait.ge [sflag:s6], $0x400  }
0x3a6: {  	[sflag:s6] =	ssyncset.done $0x0  }
0x3a7: {  	[sflag:s6] =	ssyncadd.s32 $0xFFFFFC00  }
0x3a8: {  	_ =	swait.ge [sflag:s6], $0x400  }
0x3a9: {  	[sflag:s6] =	ssyncset.done $0x0  }
0x3aa: {  	[sflag:s6] =	ssyncadd.s32 $0xFFFFFC00  }
0x3ab: {  	_ =	swait.ge [sflag:s6], $0x400  }
0x3ac: {  	[sflag:s6] =	ssyncset.done $0x0  }
0x3ad: {  	[sflag:s6] =	ssyncadd.s32 $0xFFFFFC00  }
0x3ae: {  	_ =	swait.ge [sflag:s6], $0x400  }
0x3af: {  	[sflag:s6] =	ssyncset.done $0x0  }
0x3b0: {  	[sflag:s6] =	ssyncadd.s32 $0xFFFFFC00  }
0x3b1: {  	_ =	swait.ge [sflag:s6], $0x400  }
0x3b2: {  	[sflag:s6] =	ssyncset.done $0x0  }
0x3b3: {  	[sflag:s6] =	ssyncadd.s32 $0xFFFFFC00  }
0x3b4: {  	_ =	swait.ge [sflag:s6], $0x400  }
0x3b5: {  	[sflag:s6] =	ssyncset.done $0x0  }
0x3b6: {  	s31 =	rddreg [dreg:$0xc];
	[sflag:s6] =	ssyncadd.s32 $0xFFFFFC00  }
0x3b7: {  	[hbm4b:s31+s2] =	stream.linear.scatter [tilespmem:s5], [sflag:$0x3], $0x10000, $0x38;
	[tilespmem:$0x10180] =	vst v63  }
0x3b8: {  	_ =	swait.ge [sflag:s3], $0x10000  }
0x3b9: {  	[sflag:s3] =	ssyncset.done $0x0  }
0x3ba: {  	p1 =	sne.s32 s11, $0x1;
	[sflag:s3] =	ssyncadd.s32 $0xFFFF0000  }
.Ltmp2:
0x3bb: {  	_ =	swait.ge [sflag:s4], $0x40;
	(pc) =	sbr.rel @p1 .LBB2_2-.Ltmp2, $4  }
0x3bc: {  	[sflag:s4] =	ssyncset.done $0x0  }
0x3bd: {  	[sflag:s4] =	ssyncadd.s32 $0xFFFFFFC0  }
0x3be: {  	_ =	swait.ge [sflag:s4], $0x40  }
0x3bf: {  	s11 =	sadd.s32 $0xFFFFFFFF, s11;
	s12 =	rddreg [dreg:$0x9];
	[sflag:s4] =	ssyncset.done $0x0  }
.LBB2_3:
0x3c0: {  	[sflag:s4] =	ssyncadd.s32 @p0 $0xFFFFFFC0  }
0x3c1: {  	[tilespmem:s2], [sflag:$0x3] =	stream.linear.gather [hbm4b:s12+s2], $0x40, $0x38;
	[tilespmem:$0x10180] =	vst v63  }
0x3c2: {  	_ =	swait.ge [sflag:s3], $0x40  }
0x3c3: {  	[sflag:s3] =	ssyncset.done $0x0  }
0x3c4: {  	s11 =	rddreg [dreg:$0x7];
	[sflag:s3] =	ssyncadd.s32 $0xFFFFFFC0  }
0x3c5: {  	[tilespmem:s8], [sflag:$0x2] =	stream.indirect.gather [hbm4b:s11+s10], $0x1, s2, s10, $0xb8;
	[tilespmem:$0x10180] =	vst v63  }
0x3c6: {  	s13 =	rddreg [dreg:$0x8]  }
0x3c7: {  	[tilespmem:s9], [sflag:$0x2] =	stream.indirect.gather [hbm4b:s13+s10], $0x1, s2, s10, $0xb8;
	[tilespmem:$0x10180] =	vst v63  }
0x3c8: {  	v0 =	vld [tilespmem:$0x0];
	_ =	sdelay $0x4  }
0x3c9: {  	v0 =	vshll.u32 v0, $0x7  }
0x3ca: {  	(v2sf) =	vpush v0, $0x0;
	_ =	sdelay $0x1  }
0x3cb: {  	(v2sf) =	vpush v0, $0x1;
	_ =	sdelay $0x1  }
0x3cc: {  	(v2sf) =	vpush v0, $0x2;
	_ =	sdelay $0x2  }
0x3cd: {  	(v2sf) =	vpush v0, $0x3;
	_ =	sdelay $0x7  }
0x3ce: {  	s14 =	spop (v2sf);
	(v2sf) =	vpush v0, $0x4;
	_ =	sdelay $0x1  }
0x3cf: {  	s16 =	spop (v2sf);
	(v2sf) =	vpush v0, $0x5;
	_ =	sdelay $0x1  }
0x3d0: {  	s18 =	spop (v2sf);
	(v2sf) =	vpush v0, $0x6;
	_ =	sdelay $0x2  }
0x3d1: {  	s10 =	sand.u32 $0xFFFFF80, s14;
	s20 =	spop (v2sf);
	(v2sf) =	vpush v0, $0x7  }
0x3d2: {  	s10 =	sadd.s32 s7, s10;
	s11 =	sand.u32 $0xFFFFF80, s16  }
0x3d3: {  	[tilespmem:s5], [sflag:$0x1] =	stream.linear.gather [hbm4b:s10+s2], $0x400, $0x38;
	[tilespmem:$0x10180] =	vst v63  }
0x3d4: {  	s15 =	rddreg [dreg:$0xd];
	s11 =	sadd.s32 s7, s11  }
0x3d5: {  	[tilespmem:s15], [sflag:$0x1] =	stream.linear.gather [hbm4b:s11+s2], $0x400, $0x38;
	[tilespmem:$0x10180] =	vst v63  }
0x3d6: {  	s11 =	sand.u32 $0xFFFFF80, s18  }
0x3d7: {  	s17 =	rddreg [dreg:$0xe];
	s11 =	sadd.s32 s7, s11  }
0x3d8: {  	[tilespmem:s17], [sflag:$0x1] =	stream.linear.gather [hbm4b:s11+s2], $0x400, $0x38;
	[tilespmem:$0x10180] =	vst v63  }
0x3d9: {  	s22 =	spop (v2sf);
	(v2sf) =	vpush v0, $0x8  }
0x3da: {  	s11 =	sand.u32 $0xFFFFF80, s20  }
0x3db: {  	s19 =	rddreg [dreg:$0xf];
	s11 =	sadd.s32 s7, s11;
	s24 =	spop (v2sf);
	(v2sf) =	vpush v0, $0x9  }
0x3dc: {  	[tilespmem:s19], [sflag:$0x1] =	stream.linear.gather [hbm4b:s11+s2], $0x400, $0x38;
	[tilespmem:$0x10180] =	vst v63  }
0x3dd: {  	s11 =	sand.u32 $0xFFFFF80, s22;
	s26 =	spop (v2sf);
	(v2sf) =	vpush v0, $0xA  }
0x3de: {  	s21 =	rddreg [dreg:$0x10];
	s11 =	sadd.s32 s7, s11  }
0x3df: {  	[tilespmem:s21], [sflag:$0x1] =	stream.linear.gather [hbm4b:s11+s2], $0x400, $0x38;
	[tilespmem:$0x10180] =	vst v63  }
0x3e0: {  	s29 =	spop (v2sf);
	(v2sf) =	vpush v0, $0xB  }
0x3e1: {  	s11 =	sand.u32 $0xFFFFF80, s24  }
0x3e2: {  	s23 =	rddreg [dreg:$0x11];
	s11 =	sadd.s32 s7, s11  }
0x3e3: {  	[tilespmem:s23], [sflag:$0x1] =	stream.linear.gather [hbm4b:s11+s2], $0x400, $0x38;
	[tilespmem:$0x10180] =	vst v63  }
0x3e4: {  	s11 =	sand.u32 $0xFFFFF80, s26  }
0x3e5: {  	s25 =	rddreg [dreg:$0x12];
	s11 =	sadd.s32 s7, s11  }
0x3e6: {  	[tilespmem:s25], [sflag:$0x1] =	stream.linear.gather [hbm4b:s11+s2], $0x400, $0x38;
	[tilespmem:$0x10180] =	vst v63  }
0x3e7: {  	s11 =	sand.u32 $0xFFFFF80, s29  }
0x3e8: {  	s28 =	rddreg [dreg:$0x13];
	s11 =	sadd.s32 s7, s11;
	s31 =	spop (v2sf);
	(v2sf) =	vpush v0, $0xC  }
0x3e9: {  	[tilespmem:s28], [sflag:$0x1] =	stream.linear.gather [hbm4b:s11+s2], $0x400, $0x38;
	[tilespmem:$0x10180] =	vst v63  }
0x3ea: {  	s13 =	spop (v2sf);
	(v2sf) =	vpush v0, $0xD  }
0x3eb: {  	s11 =	sand.u32 $0xFFFFF80, s31  }
0x3ec: {  	s30 =	rddreg [dreg:$0x14];
	s11 =	sadd.s32 s7, s11;
	s15 =	spop (v2sf)  }
0x3ed: {  	(v2sf) =	vpush v0, $0xE;
	[tilespmem:s30], [sflag:$0x1] =	stream.linear.gather [hbm4b:s11+s2], $0x400, $0x38;
	[tilespmem:$0x10180] =	vst v63  }
0x3ee: {  	s11 =	sand.u32 $0xFFFFF80, s13  }
0x3ef: {  	s12 =	rddreg [dreg:$0x15];
	s17 =	spop (v2sf);
	(v2sf) =	vpush v0, $0xF;
	s11 =	sadd.s32 s7, s11  }
0x3f0: {  	[tilespmem:s12], [sflag:$0x1] =	stream.linear.gather [hbm4b:s11+s2], $0x400, $0x38;
	[tilespmem:$0x10180] =	vst v63  }
0x3f1: {  	s11 =	sand.u32 $0xFFFFF80, s15  }
0x3f2: {  	s14 =	rddreg [dreg:$0x16];
	s11 =	sadd.s32 s7, s11  }
0x3f3: {  	[tilespmem:s14], [sflag:$0x1] =	stream.linear.gather [hbm4b:s11+s2], $0x400, $0x38;
	[tilespmem:$0x10180] =	vst v63  }
0x3f4: {  	s11 =	sand.u32 $0xFFFFF80, s17  }
0x3f5: {  	s16 =	rddreg [dreg:$0x17];
	s11 =	sadd.s32 s7, s11  }
0x3f6: {  	[tilespmem:s16], [sflag:$0x1] =	stream.linear.gather [hbm4b:s11+s2], $0x400, $0x38;
	[tilespmem:$0x10180] =	vst v63  }
0x3f7: {  	s19 =	spop (v2sf)  }
0x3f8: {  	s11 =	sand.u32 $0xFFFFF80, s19  }
0x3f9: {  	s18 =	rddreg [dreg:$0x18];
	s21 =	spop (v2sf);
	s11 =	sadd.s32 s7, s11  }
0x3fa: {  	[tilespmem:s18], [sflag:$0x1] =	stream.linear.gather [hbm4b:s11+s2], $0x400, $0x38;
	[tilespmem:$0x10180] =	vst v63  }
0x3fb: {  	s11 =	sand.u32 $0xFFFFF80, s21  }
0x3fc: {  	s20 =	rddreg [dreg:$0x19];
	s23 =	spop (v2sf);
	s11 =	sadd.s32 s7, s11  }
0x3fd: {  	[tilespmem:s20], [sflag:$0x1] =	stream.linear.gather [hbm4b:s11+s2], $0x400, $0x38;
	[tilespmem:$0x10180] =	vst v63  }
0x3fe: {  	s24 =	spop (v2sf);
	s11 =	sand.u32 $0xFFFFF80, s23  }
0x3ff: {  	s22 =	rddreg [dreg:$0x1a];
	s10 =	sand.u32 $0xFFFFF80, s24;
	s11 =	sadd.s32 s7, s11  }
0x400: {  	[tilespmem:s22], [sflag:$0x1] =	stream.linear.gather [hbm4b:s11+s2], $0x400, $0x38;
	[tilespmem:$0x10180] =	vst v63  }
0x401: {  	s25 =	rddreg [dreg:$0x1b];
	s10 =	sadd.s32 s7, s10  }
0x402: {  	[tilespmem:s25], [sflag:$0x1] =	stream.linear.gather [hbm4b:s10+s2], $0x400, $0x38;
	[tilespmem:$0x10180] =	vst v63  }
0x403: {  	v61 =	vld [tilespmem:$0x10];
	_ =	sdelay $0x4  }
0x404: {  	v0 =	vshll.u32 v61, $0x7  }
0x405: {  	(v2sf) =	vpush v0, $0x0;
	_ =	sdelay $0x1  }
0x406: {  	(v2sf) =	vpush v0, $0x1;
	_ =	sdelay $0x1  }
0x407: {  	(v2sf) =	vpush v0, $0x2;
	_ =	sdelay $0x2  }
0x408: {  	(v2sf) =	vpush v0, $0x3;
	_ =	sdelay $0x7  }
0x409: {  	s28 =	spop (v2sf);
	(v2sf) =	vpush v0, $0x4;
	_ =	sdelay $0x1  }
0x40a: {  	s30 =	spop (v2sf);
	(v2sf) =	vpush v0, $0x5;
	_ =	sdelay $0x1  }
0x40b: {  	s12 =	spop (v2sf);
	(v2sf) =	vpush v0, $0x6;
	_ =	sdelay $0x1  }
0x40c: {  	s11 =	sand.u32 $0xFFFFF80, s28  }
0x40d: {  	s26 =	rddreg [dreg:$0x1c];
	s11 =	sadd.s32 s7, s11;
	s14 =	spop (v2sf);
	(v2sf) =	vpush v0, $0x7  }
0x40e: {  	[tilespmem:s26], [sflag:$0x1] =	stream.linear.gather [hbm4b:s11+s2], $0x400, $0x38;
	[tilespmem:$0x10180] =	vst v63  }
0x40f: {  	s11 =	sand.u32 $0xFFFFF80, s30  }
0x410: {  	s29 =	rddreg [dreg:$0x1d];
	s11 =	sadd.s32 s7, s11  }
0x411: {  	[tilespmem:s29], [sflag:$0x1] =	stream.linear.gather [hbm4b:s11+s2], $0x400, $0x38;
	[tilespmem:$0x10180] =	vst v63  }
0x412: {  	s11 =	sand.u32 $0xFFFFF80, s12  }
0x413: {  	s31 =	rddreg [dreg:$0x1e];
	s11 =	sadd.s32 s7, s11  }
0x414: {  	[tilespmem:s31], [sflag:$0x1] =	stream.linear.gather [hbm4b:s11+s2], $0x400, $0x38;
	[tilespmem:$0x10180] =	vst v63  }
0x415: {  	s16 =	spop (v2sf);
	(v2sf) =	vpush v0, $0x8  }
0x416: {  	s13 =	rddreg [dreg:$0x1f];
	s11 =	sand.u32 $0xFFFFF80, s14  }
0x417: {  	s15 =	sld [smem:$0x7D2];
	s11 =	sadd.s32 s7, s11;
	s18 =	spop (v2sf);
	(v2sf) =	vpush v0, $0x9  }
0x418: {  	[tilespmem:s13], [sflag:$0x1] =	stream.linear.gather [hbm4b:s11+s2], $0x400, $0x38;
	[tilespmem:$0x10180] =	vst v63  }
0x419: {  	s11 =	sand.u32 $0xFFFFF80, s16;
	s20 =	spop (v2sf);
	(v2sf) =	vpush v0, $0xA  }
0x41a: {  	s11 =	sadd.s32 s7, s11  }
0x41b: {  	[tilespmem:s15], [sflag:$0x1] =	stream.linear.gather [hbm4b:s11+s2], $0x400, $0x38;
	[tilespmem:$0x10180] =	vst v63  }
0x41c: {  	s17 =	sld [smem:$0x7D3];
	s22 =	spop (v2sf);
	(v2sf) =	vpush v0, $0xB  }
0x41d: {  	s11 =	sand.u32 $0xFFFFF80, s18  }
0x41e: {  	s19 =	sld [smem:$0x7D4];
	s11 =	sadd.s32 s7, s11  }
0x41f: {  	[tilespmem:s17], [sflag:$0x1] =	stream.linear.gather [hbm4b:s11+s2], $0x400, $0x38;
	[tilespmem:$0x10180] =	vst v63  }
0x420: {  	s11 =	sand.u32 $0xFFFFF80, s20  }
0x421: {  	s21 =	sld [smem:$0x7D5];
	s11 =	sadd.s32 s7, s11  }
0x422: {  	[tilespmem:s19], [sflag:$0x1] =	stream.linear.gather [hbm4b:s11+s2], $0x400, $0x38;
	[tilespmem:$0x10180] =	vst v63  }
0x423: {  	s11 =	sand.u32 $0xFFFFF80, s22  }
0x424: {  	s11 =	sadd.s32 s7, s11;
	s24 =	spop (v2sf);
	(v2sf) =	vpush v0, $0xC  }
0x425: {  	[tilespmem:s21], [sflag:$0x1] =	stream.linear.gather [hbm4b:s11+s2], $0x400, $0x38;
	[tilespmem:$0x10180] =	vst v63  }
0x426: {  	s23 =	sld [smem:$0x7D6];
	s26 =	spop (v2sf);
	(v2sf) =	vpush v0, $0xD  }
0x427: {  	s11 =	sand.u32 $0xFFFFF80, s24  }
0x428: {  	s25 =	sld [smem:$0x7D7];
	s11 =	sadd.s32 s7, s11;
	s29 =	spop (v2sf)  }
0x429: {  	(v2sf) =	vpush v0, $0xE;
	[tilespmem:s23], [sflag:$0x1] =	stream.linear.gather [hbm4b:s11+s2], $0x400, $0x38;
	[tilespmem:$0x10180] =	vst v63  }
0x42a: {  	s11 =	sand.u32 $0xFFFFF80, s26  }
0x42b: {  	s28 =	sld [smem:$0x7D8];
	s31 =	spop (v2sf);
	(v2sf) =	vpush v0, $0xF;
	s11 =	sadd.s32 s7, s11  }
0x42c: {  	[tilespmem:s25], [sflag:$0x1] =	stream.linear.gather [hbm4b:s11+s2], $0x400, $0x38;
	[tilespmem:$0x10180] =	vst v63  }
0x42d: {  	s11 =	sand.u32 $0xFFFFF80, s29  }
0x42e: {  	s30 =	sld [smem:$0x7D9];
	s11 =	sadd.s32 s7, s11  }
0x42f: {  	[tilespmem:s28], [sflag:$0x1] =	stream.linear.gather [hbm4b:s11+s2], $0x400, $0x38;
	[tilespmem:$0x10180] =	vst v63  }
0x430: {  	s11 =	sand.u32 $0xFFFFF80, s31  }
0x431: {  	s11 =	sadd.s32 s7, s11  }
0x432: {  	[tilespmem:s30], [sflag:$0x1] =	stream.linear.gather [hbm4b:s11+s2], $0x400, $0x38;
	[tilespmem:$0x10180] =	vst v63  }
0x433: {  	s12 =	sld [smem:$0x7DA];
	s13 =	spop (v2sf)  }
0x434: {  	s11 =	sand.u32 $0xFFFFF80, s13  }
0x435: {  	s14 =	sld [smem:$0x7DB];
	s15 =	spop (v2sf);
	s11 =	sadd.s32 s7, s11  }
0x436: {  	[tilespmem:s12], [sflag:$0x1] =	stream.linear.gather [hbm4b:s11+s2], $0x400, $0x38;
	[tilespmem:$0x10180] =	vst v63  }
0x437: {  	s11 =	sand.u32 $0xFFFFF80, s15  }
0x438: {  	s16 =	sld [smem:$0x7DC];
	s17 =	spop (v2sf);
	s11 =	sadd.s32 s7, s11  }
0x439: {  	[tilespmem:s14], [sflag:$0x1] =	stream.linear.gather [hbm4b:s11+s2], $0x400, $0x38;
	[tilespmem:$0x10180] =	vst v63  }
0x43a: {  	s18 =	spop (v2sf);
	s11 =	sand.u32 $0xFFFFF80, s17  }
0x43b: {  	s19 =	sld [smem:$0x7DD];
	s10 =	sand.u32 $0xFFFFF80, s18;
	s11 =	sadd.s32 s7, s11  }
0x43c: {  	[tilespmem:s16], [sflag:$0x1] =	stream.linear.gather [hbm4b:s11+s2], $0x400, $0x38;
	[tilespmem:$0x10180] =	vst v63  }
0x43d: {  	s10 =	sadd.s32 s7, s10  }
0x43e: {  	[tilespmem:s19], [sflag:$0x1] =	stream.linear.gather [hbm4b:s10+s2], $0x400, $0x38;
	[tilespmem:$0x10180] =	vst v63  }
0x43f: {  	v62 =	vld [tilespmem:$0x20];
	_ =	sdelay $0x4  }
0x440: {  	v0 =	vshll.u32 v62, $0x7  }
0x441: {  	(v2sf) =	vpush v0, $0x0;
	_ =	sdelay $0x1  }
0x442: {  	(v2sf) =	vpush v0, $0x1;
	_ =	sdelay $0x1  }
0x443: {  	(v2sf) =	vpush v0, $0x2;
	_ =	sdelay $0x2  }
0x444: {  	(v2sf) =	vpush v0, $0x3;
	_ =	sdelay $0x7  }
0x445: {  	s21 =	spop (v2sf);
	(v2sf) =	vpush v0, $0x4;
	_ =	sdelay $0x1  }
0x446: {  	s23 =	spop (v2sf);
	(v2sf) =	vpush v0, $0x5;
	_ =	sdelay $0x1  }
0x447: {  	s25 =	spop (v2sf);
	(v2sf) =	vpush v0, $0x6  }
0x448: {  	s20 =	sld [smem:$0x7DE]  }
0x449: {  	s11 =	sand.u32 $0xFFFFF80, s21  }
0x44a: {  	s22 =	sld [smem:$0x7DF];
	s11 =	sadd.s32 s7, s11;
	s28 =	spop (v2sf);
	(v2sf) =	vpush v0, $0x7  }
0x44b: {  	[tilespmem:s20], [sflag:$0x1] =	stream.linear.gather [hbm4b:s11+s2], $0x400, $0x38;
	[tilespmem:$0x10180] =	vst v63  }
0x44c: {  	s11 =	sand.u32 $0xFFFFF80, s23  }
0x44d: {  	s24 =	sld [smem:$0x7E0];
	s11 =	sadd.s32 s7, s11  }
0x44e: {  	[tilespmem:s22], [sflag:$0x1] =	stream.linear.gather [hbm4b:s11+s2], $0x400, $0x38;
	[tilespmem:$0x10180] =	vst v63  }
0x44f: {  	s11 =	sand.u32 $0xFFFFF80, s25  }
0x450: {  	s11 =	sadd.s32 s7, s11  }
0x451: {  	[tilespmem:s24], [sflag:$0x1] =	stream.linear.gather [hbm4b:s11+s2], $0x400, $0x38;
	[tilespmem:$0x10180] =	vst v63  }
0x452: {  	s26 =	sld [smem:$0x7E1];
	s30 =	spop (v2sf);
	(v2sf) =	vpush v0, $0x8  }
0x453: {  	s11 =	sand.u32 $0xFFFFF80, s28  }
0x454: {  	s29 =	sld [smem:$0x7E2];
	s11 =	sadd.s32 s7, s11;
	s12 =	spop (v2sf);
	(v2sf) =	vpush v0, $0x9  }
0x455: {  	[tilespmem:s26], [sflag:$0x1] =	stream.linear.gather [hbm4b:s11+s2], $0x400, $0x38;
	[tilespmem:$0x10180] =	vst v63  }
0x456: {  	s11 =	sand.u32 $0xFFFFF80, s30;
	s14 =	spop (v2sf);
	(v2sf) =	vpush v0, $0xA  }
0x457: {  	s11 =	sadd.s32 s7, s11  }
0x458: {  	[tilespmem:s29], [sflag:$0x1] =	stream.linear.gather [hbm4b:s11+s2], $0x400, $0x38;
	[tilespmem:$0x10180] =	vst v63  }
0x459: {  	s31 =	sld [smem:$0x7E3];
	s16 =	spop (v2sf);
	(v2sf) =	vpush v0, $0xB  }
0x45a: {  	s11 =	sand.u32 $0xFFFFF80, s12  }
0x45b: {  	s13 =	sld [smem:$0x7E4];
	s11 =	sadd.s32 s7, s11  }
0x45c: {  	[tilespmem:s31], [sflag:$0x1] =	stream.linear.gather [hbm4b:s11+s2], $0x400, $0x38;
	[tilespmem:$0x10180] =	vst v63  }
0x45d: {  	s11 =	sand.u32 $0xFFFFF80, s14  }
0x45e: {  	s15 =	sld [smem:$0x7E5];
	s11 =	sadd.s32 s7, s11  }
0x45f: {  	[tilespmem:s13], [sflag:$0x1] =	stream.linear.gather [hbm4b:s11+s2], $0x400, $0x38;
	[tilespmem:$0x10180] =	vst v63  }
0x460: {  	s11 =	sand.u32 $0xFFFFF80, s16  }
0x461: {  	s11 =	sadd.s32 s7, s11;
	s18 =	spop (v2sf);
	(v2sf) =	vpush v0, $0xC  }
0x462: {  	[tilespmem:s15], [sflag:$0x1] =	stream.linear.gather [hbm4b:s11+s2], $0x400, $0x38;
	[tilespmem:$0x10180] =	vst v63  }
0x463: {  	s17 =	sld [smem:$0x7E6];
	s20 =	spop (v2sf);
	(v2sf) =	vpush v0, $0xD  }
0x464: {  	s11 =	sand.u32 $0xFFFFF80, s18  }
0x465: {  	s19 =	sld [smem:$0x7E7];
	s11 =	sadd.s32 s7, s11;
	s22 =	spop (v2sf)  }
0x466: {  	(v2sf) =	vpush v0, $0xE;
	[tilespmem:s17], [sflag:$0x1] =	stream.linear.gather [hbm4b:s11+s2], $0x400, $0x38;
	[tilespmem:$0x10180] =	vst v63  }
0x467: {  	s11 =	sand.u32 $0xFFFFF80, s20  }
0x468: {  	s21 =	sld [smem:$0x7E8];
	s24 =	spop (v2sf);
	(v2sf) =	vpush v0, $0xF;
	s11 =	sadd.s32 s7, s11  }
0x469: {  	[tilespmem:s19], [sflag:$0x1] =	stream.linear.gather [hbm4b:s11+s2], $0x400, $0x38;
	[tilespmem:$0x10180] =	vst v63  }
0x46a: {  	s11 =	sand.u32 $0xFFFFF80, s22  }
0x46b: {  	s23 =	sld [smem:$0x7E9];
	s11 =	sadd.s32 s7, s11  }
0x46c: {  	[tilespmem:s21], [sflag:$0x1] =	stream.linear.gather [hbm4b:s11+s2], $0x400, $0x38;
	[tilespmem:$0x10180] =	vst v63  }
0x46d: {  	s11 =	sand.u32 $0xFFFFF80, s24  }
0x46e: {  	s11 =	sadd.s32 s7, s11  }
0x46f: {  	[tilespmem:s23], [sflag:$0x1] =	stream.linear.gather [hbm4b:s11+s2], $0x400, $0x38;
	[tilespmem:$0x10180] =	vst v63  }
0x470: {  	s25 =	sld [smem:$0x7EA];
	s26 =	spop (v2sf)  }
0x471: {  	s11 =	sand.u32 $0xFFFFF80, s26  }
0x472: {  	s28 =	sld [smem:$0x7EB];
	s29 =	spop (v2sf);
	s11 =	sadd.s32 s7, s11  }
0x473: {  	[tilespmem:s25], [sflag:$0x1] =	stream.linear.gather [hbm4b:s11+s2], $0x400, $0x38;
	[tilespmem:$0x10180] =	vst v63  }
0x474: {  	s11 =	sand.u32 $0xFFFFF80, s29  }
0x475: {  	s30 =	sld [smem:$0x7EC];
	s31 =	spop (v2sf);
	s11 =	sadd.s32 s7, s11  }
0x476: {  	[tilespmem:s28], [sflag:$0x1] =	stream.linear.gather [hbm4b:s11+s2], $0x400, $0x38;
	[tilespmem:$0x10180] =	vst v63  }
0x477: {  	s12 =	spop (v2sf);
	s11 =	sand.u32 $0xFFFFF80, s31  }
0x478: {  	s13 =	sld [smem:$0x7ED];
	s10 =	sand.u32 $0xFFFFF80, s12;
	s11 =	sadd.s32 s7, s11  }
0x479: {  	[tilespmem:s30], [sflag:$0x1] =	stream.linear.gather [hbm4b:s11+s2], $0x400, $0x38;
	[tilespmem:$0x10180] =	vst v63  }
0x47a: {  	s10 =	sadd.s32 s7, s10  }
0x47b: {  	[tilespmem:s13], [sflag:$0x1] =	stream.linear.gather [hbm4b:s10+s2], $0x400, $0x38;
	[tilespmem:$0x10180] =	vst v63  }
0x47c: {  	v63 =	vld [tilespmem:$0x30];
	_ =	sdelay $0x4  }
0x47d: {  	v0 =	vshll.u32 v63, $0x7  }
0x47e: {  	(v2sf) =	vpush v0, $0x0;
	_ =	sdelay $0x1  }
0x47f: {  	(v2sf) =	vpush v0, $0x1;
	_ =	sdelay $0x1  }
0x480: {  	(v2sf) =	vpush v0, $0x2;
	_ =	sdelay $0x2  }
0x481: {  	(v2sf) =	vpush v0, $0x3;
	_ =	sdelay $0x7  }
0x482: {  	s15 =	spop (v2sf);
	(v2sf) =	vpush v0, $0x4;
	_ =	sdelay $0x1  }
0x483: {  	s17 =	spop (v2sf);
	(v2sf) =	vpush v0, $0x5;
	_ =	sdelay $0x1  }
0x484: {  	s19 =	spop (v2sf);
	(v2sf) =	vpush v0, $0x6  }
0x485: {  	s14 =	sld [smem:$0x7EE]  }
0x486: {  	s11 =	sand.u32 $0xFFFFF80, s15  }
0x487: {  	s16 =	sld [smem:$0x7EF];
	s11 =	sadd.s32 s7, s11;
	s21 =	spop (v2sf);
	(v2sf) =	vpush v0, $0x7  }
0x488: {  	[tilespmem:s14], [sflag:$0x1] =	stream.linear.gather [hbm4b:s11+s2], $0x400, $0x38;
	[tilespmem:$0x10180] =	vst v63  }
0x489: {  	s11 =	sand.u32 $0xFFFFF80, s17  }
0x48a: {  	s18 =	sld [smem:$0x7F0];
	s11 =	sadd.s32 s7, s11  }
0x48b: {  	[tilespmem:s16], [sflag:$0x1] =	stream.linear.gather [hbm4b:s11+s2], $0x400, $0x38;
	[tilespmem:$0x10180] =	vst v63  }
0x48c: {  	s11 =	sand.u32 $0xFFFFF80, s19  }
0x48d: {  	s11 =	sadd.s32 s7, s11  }
0x48e: {  	[tilespmem:s18], [sflag:$0x1] =	stream.linear.gather [hbm4b:s11+s2], $0x400, $0x38;
	[tilespmem:$0x10180] =	vst v63  }
0x48f: {  	s20 =	sld [smem:$0x7F1];
	s23 =	spop (v2sf);
	(v2sf) =	vpush v0, $0x8  }
0x490: {  	s11 =	sand.u32 $0xFFFFF80, s21  }
0x491: {  	s22 =	sld [smem:$0x7F2];
	s11 =	sadd.s32 s7, s11;
	s25 =	spop (v2sf);
	(v2sf) =	vpush v0, $0x9  }
0x492: {  	[tilespmem:s20], [sflag:$0x1] =	stream.linear.gather [hbm4b:s11+s2], $0x400, $0x38;
	[tilespmem:$0x10180] =	vst v63  }
0x493: {  	s11 =	sand.u32 $0xFFFFF80, s23;
	s28 =	spop (v2sf);
	(v2sf) =	vpush v0, $0xA  }
0x494: {  	s11 =	sadd.s32 s7, s11  }
0x495: {  	[tilespmem:s22], [sflag:$0x1] =	stream.linear.gather [hbm4b:s11+s2], $0x400, $0x38;
	[tilespmem:$0x10180] =	vst v63  }
0x496: {  	s24 =	sld [smem:$0x7F3];
	s30 =	spop (v2sf);
	(v2sf) =	vpush v0, $0xB  }
0x497: {  	s11 =	sand.u32 $0xFFFFF80, s25  }
0x498: {  	s26 =	sld [smem:$0x7F4];
	s11 =	sadd.s32 s7, s11  }
0x499: {  	[tilespmem:s24], [sflag:$0x1] =	stream.linear.gather [hbm4b:s11+s2], $0x400, $0x38;
	[tilespmem:$0x10180] =	vst v63  }
0x49a: {  	s11 =	sand.u32 $0xFFFFF80, s28  }
0x49b: {  	s29 =	sld [smem:$0x7F5];
	s11 =	sadd.s32 s7, s11  }
0x49c: {  	[tilespmem:s26], [sflag:$0x1] =	stream.linear.gather [hbm4b:s11+s2], $0x400, $0x38;
	[tilespmem:$0x10180] =	vst v63  }
0x49d: {  	s11 =	sand.u32 $0xFFFFF80, s30  }
0x49e: {  	s11 =	sadd.s32 s7, s11;
	s12 =	spop (v2sf);
	(v2sf) =	vpush v0, $0xC  }
0x49f: {  	[tilespmem:s29], [sflag:$0x1] =	stream.linear.gather [hbm4b:s11+s2], $0x400, $0x38;
	[tilespmem:$0x10180] =	vst v63  }
0x4a0: {  	s31 =	sld [smem:$0x7F6];
	s14 =	spop (v2sf);
	(v2sf) =	vpush v0, $0xD  }
0x4a1: {  	s11 =	sand.u32 $0xFFFFF80, s12  }
0x4a2: {  	s13 =	sld [smem:$0x7F7];
	s11 =	sadd.s32 s7, s11;
	s16 =	spop (v2sf)  }
0x4a3: {  	(v2sf) =	vpush v0, $0xE;
	[tilespmem:s31], [sflag:$0x1] =	stream.linear.gather [hbm4b:s11+s2], $0x400, $0x38;
	[tilespmem:$0x10180] =	vst v63  }
0x4a4: {  	s11 =	sand.u32 $0xFFFFF80, s14  }
0x4a5: {  	s15 =	sld [smem:$0x7F8];
	s18 =	spop (v2sf);
	(v2sf) =	vpush v0, $0xF;
	s11 =	sadd.s32 s7, s11  }
0x4a6: {  	[tilespmem:s13], [sflag:$0x1] =	stream.linear.gather [hbm4b:s11+s2], $0x400, $0x38;
	[tilespmem:$0x10180] =	vst v63  }
0x4a7: {  	s11 =	sand.u32 $0xFFFFF80, s16  }
0x4a8: {  	s17 =	sld [smem:$0x7F9];
	s11 =	sadd.s32 s7, s11  }
0x4a9: {  	[tilespmem:s15], [sflag:$0x1] =	stream.linear.gather [hbm4b:s11+s2], $0x400, $0x38;
	[tilespmem:$0x10180] =	vst v63  }
0x4aa: {  	s11 =	sand.u32 $0xFFFFF80, s18  }
0x4ab: {  	s11 =	sadd.s32 s7, s11  }
0x4ac: {  	[tilespmem:s17], [sflag:$0x1] =	stream.linear.gather [hbm4b:s11+s2], $0x400, $0x38;
	[tilespmem:$0x10180] =	vst v63  }
0x4ad: {  	s19 =	sld [smem:$0x7FA];
	s20 =	spop (v2sf)  }
0x4ae: {  	s11 =	sand.u32 $0xFFFFF80, s20  }
0x4af: {  	s21 =	sld [smem:$0x7FB];
	s22 =	spop (v2sf);
	s11 =	sadd.s32 s7, s11  }
0x4b0: {  	[tilespmem:s19], [sflag:$0x1] =	stream.linear.gather [hbm4b:s11+s2], $0x400, $0x38;
	[tilespmem:$0x10180] =	vst v63  }
0x4b1: {  	s11 =	sand.u32 $0xFFFFF80, s22  }
0x4b2: {  	s23 =	sld [smem:$0x7FC];
	s24 =	spop (v2sf);
	s11 =	sadd.s32 s7, s11  }
0x4b3: {  	[tilespmem:s21], [sflag:$0x1] =	stream.linear.gather [hbm4b:s11+s2], $0x400, $0x38;
	[tilespmem:$0x10180] =	vst v63  }
0x4b4: {  	s25 =	spop (v2sf);
	s11 =	sand.u32 $0xFFFFF80, s24  }
0x4b5: {  	s26 =	sld [smem:$0x7FD];
	s10 =	sand.u32 $0xFFFFF80, s25;
	s11 =	sadd.s32 s7, s11  }
0x4b6: {  	[tilespmem:s23], [sflag:$0x1] =	stream.linear.gather [hbm4b:s11+s2], $0x400, $0x38;
	[tilespmem:$0x10180] =	vst v63  }
0x4b7: {  	s28 =	sadd.s32 s7, s10  }
0x4b8: {  	[tilespmem:s26], [sflag:$0x1] =	stream.linear.gather [hbm4b:s28+s2], $0x400, $0x38;
	[tilespmem:$0x10180] =	vst v63  }
0x4b9: {  	_ =	swait.ge [sflag:s4], $0x40  }
0x4ba: {  	[sflag:s4] =	ssyncset.done $0x0  }
0x4bb: {  	[sflag:s4] =	ssyncadd.s32 $0xFFFFFFC0  }
0x4bc: {  	_ =	swait.ge [sflag:s4], $0x40  }
0x4bd: {  	[sflag:s4] =	ssyncset.done $0x0  }
0x4be: {  	s29 =	rddreg [dreg:$0xa];
	[sflag:s4] =	ssyncadd.s32 $0xFFFFFFC0  }
0x4bf: {  	[hbm4b:s29+s2] =	stream.linear.scatter [tilespmem:s8], [sflag:$0x2], $0x40, $0x38;
	[tilespmem:$0x10180] =	vst v63  }
0x4c0: {  	s30 =	rddreg [dreg:$0xb]  }
0x4c1: {  	[hbm4b:s30+s2] =	stream.linear.scatter [tilespmem:s9], [sflag:$0x2], $0x40, $0x38;
	[tilespmem:$0x10180] =	vst v63  }
0x4c2: {  	_ =	swait.ge [sflag:s6], $0x400  }
0x4c3: {  	[sflag:s6] =	ssyncset.done $0x0  }
0x4c4: {  	[sflag:s6] =	ssyncadd.s32 $0xFFFFFC00  }
0x4c5: {  	_ =	swait.ge [sflag:s6], $0x400  }
0x4c6: {  	[sflag:s6] =	ssyncset.done $0x0  }
0x4c7: {  	[sflag:s6] =	ssyncadd.s32 $0xFFFFFC00  }
0x4c8: {  	_ =	swait.ge [sflag:s6], $0x400  }
0x4c9: {  	[sflag:s6] =	ssyncset.done $0x0  }
0x4ca: {  	[sflag:s6] =	ssyncadd.s32 $0xFFFFFC00  }
0x4cb: {  	_ =	swait.ge [sflag:s6], $0x400  }
0x4cc: {  	[sflag:s6] =	ssyncset.done $0x0  }
0x4cd: {  	[sflag:s6] =	ssyncadd.s32 $0xFFFFFC00  }
0x4ce: {  	_ =	swait.ge [sflag:s6], $0x400  }
0x4cf: {  	[sflag:s6] =	ssyncset.done $0x0  }
0x4d0: {  	[sflag:s6] =	ssyncadd.s32 $0xFFFFFC00  }
0x4d1: {  	_ =	swait.ge [sflag:s6], $0x400  }
0x4d2: {  	[sflag:s6] =	ssyncset.done $0x0  }
0x4d3: {  	[sflag:s6] =	ssyncadd.s32 $0xFFFFFC00  }
0x4d4: {  	_ =	swait.ge [sflag:s6], $0x400  }
0x4d5: {  	[sflag:s6] =	ssyncset.done $0x0  }
0x4d6: {  	[sflag:s6] =	ssyncadd.s32 $0xFFFFFC00  }
0x4d7: {  	_ =	swait.ge [sflag:s6], $0x400  }
0x4d8: {  	[sflag:s6] =	ssyncset.done $0x0  }
0x4d9: {  	[sflag:s6] =	ssyncadd.s32 $0xFFFFFC00  }
0x4da: {  	_ =	swait.ge [sflag:s6], $0x400  }
0x4db: {  	[sflag:s6] =	ssyncset.done $0x0  }
0x4dc: {  	[sflag:s6] =	ssyncadd.s32 $0xFFFFFC00  }
0x4dd: {  	_ =	swait.ge [sflag:s6], $0x400  }
0x4de: {  	[sflag:s6] =	ssyncset.done $0x0  }
0x4df: {  	[sflag:s6] =	ssyncadd.s32 $0xFFFFFC00  }
0x4e0: {  	_ =	swait.ge [sflag:s6], $0x400  }
0x4e1: {  	[sflag:s6] =	ssyncset.done $0x0  }
0x4e2: {  	[sflag:s6] =	ssyncadd.s32 $0xFFFFFC00  }
0x4e3: {  	_ =	swait.ge [sflag:s6], $0x400  }
0x4e4: {  	[sflag:s6] =	ssyncset.done $0x0  }
0x4e5: {  	[sflag:s6] =	ssyncadd.s32 $0xFFFFFC00  }
0x4e6: {  	_ =	swait.ge [sflag:s6], $0x400  }
0x4e7: {  	[sflag:s6] =	ssyncset.done $0x0  }
0x4e8: {  	[sflag:s6] =	ssyncadd.s32 $0xFFFFFC00  }
0x4e9: {  	_ =	swait.ge [sflag:s6], $0x400  }
0x4ea: {  	[sflag:s6] =	ssyncset.done $0x0  }
0x4eb: {  	[sflag:s6] =	ssyncadd.s32 $0xFFFFFC00  }
0x4ec: {  	_ =	swait.ge [sflag:s6], $0x400  }
0x4ed: {  	[sflag:s6] =	ssyncset.done $0x0  }
0x4ee: {  	[sflag:s6] =	ssyncadd.s32 $0xFFFFFC00  }
0x4ef: {  	_ =	swait.ge [sflag:s6], $0x400  }
0x4f0: {  	[sflag:s6] =	ssyncset.done $0x0  }
0x4f1: {  	[sflag:s6] =	ssyncadd.s32 $0xFFFFFC00  }
0x4f2: {  	_ =	swait.ge [sflag:s6], $0x400  }
0x4f3: {  	[sflag:s6] =	ssyncset.done $0x0  }
0x4f4: {  	[sflag:s6] =	ssyncadd.s32 $0xFFFFFC00  }
0x4f5: {  	_ =	swait.ge [sflag:s6], $0x400  }
0x4f6: {  	[sflag:s6] =	ssyncset.done $0x0  }
0x4f7: {  	[sflag:s6] =	ssyncadd.s32 $0xFFFFFC00  }
0x4f8: {  	_ =	swait.ge [sflag:s6], $0x400  }
0x4f9: {  	[sflag:s6] =	ssyncset.done $0x0  }
0x4fa: {  	[sflag:s6] =	ssyncadd.s32 $0xFFFFFC00  }
0x4fb: {  	_ =	swait.ge [sflag:s6], $0x400  }
0x4fc: {  	[sflag:s6] =	ssyncset.done $0x0  }
0x4fd: {  	[sflag:s6] =	ssyncadd.s32 $0xFFFFFC00  }
0x4fe: {  	_ =	swait.ge [sflag:s6], $0x400  }
0x4ff: {  	[sflag:s6] =	ssyncset.done $0x0  }
0x500: {  	[sflag:s6] =	ssyncadd.s32 $0xFFFFFC00  }
0x501: {  	_ =	swait.ge [sflag:s6], $0x400  }
0x502: {  	[sflag:s6] =	ssyncset.done $0x0  }
0x503: {  	[sflag:s6] =	ssyncadd.s32 $0xFFFFFC00  }
0x504: {  	_ =	swait.ge [sflag:s6], $0x400  }
0x505: {  	[sflag:s6] =	ssyncset.done $0x0  }
0x506: {  	[sflag:s6] =	ssyncadd.s32 $0xFFFFFC00  }
0x507: {  	_ =	swait.ge [sflag:s6], $0x400  }
0x508: {  	[sflag:s6] =	ssyncset.done $0x0  }
0x509: {  	[sflag:s6] =	ssyncadd.s32 $0xFFFFFC00  }
0x50a: {  	_ =	swait.ge [sflag:s6], $0x400  }
0x50b: {  	[sflag:s6] =	ssyncset.done $0x0  }
0x50c: {  	[sflag:s6] =	ssyncadd.s32 $0xFFFFFC00  }
0x50d: {  	_ =	swait.ge [sflag:s6], $0x400  }
0x50e: {  	[sflag:s6] =	ssyncset.done $0x0  }
0x50f: {  	[sflag:s6] =	ssyncadd.s32 $0xFFFFFC00  }
0x510: {  	_ =	swait.ge [sflag:s6], $0x400  }
0x511: {  	[sflag:s6] =	ssyncset.done $0x0  }
0x512: {  	[sflag:s6] =	ssyncadd.s32 $0xFFFFFC00  }
0x513: {  	_ =	swait.ge [sflag:s6], $0x400  }
0x514: {  	[sflag:s6] =	ssyncset.done $0x0  }
0x515: {  	[sflag:s6] =	ssyncadd.s32 $0xFFFFFC00  }
0x516: {  	_ =	swait.ge [sflag:s6], $0x400  }
0x517: {  	[sflag:s6] =	ssyncset.done $0x0  }
0x518: {  	[sflag:s6] =	ssyncadd.s32 $0xFFFFFC00  }
0x519: {  	_ =	swait.ge [sflag:s6], $0x400  }
0x51a: {  	[sflag:s6] =	ssyncset.done $0x0  }
0x51b: {  	[sflag:s6] =	ssyncadd.s32 $0xFFFFFC00  }
0x51c: {  	_ =	swait.ge [sflag:s6], $0x400  }
0x51d: {  	[sflag:s6] =	ssyncset.done $0x0  }
0x51e: {  	[sflag:s6] =	ssyncadd.s32 $0xFFFFFC00  }
0x51f: {  	_ =	swait.ge [sflag:s6], $0x400  }
0x520: {  	[sflag:s6] =	ssyncset.done $0x0  }
0x521: {  	[sflag:s6] =	ssyncadd.s32 $0xFFFFFC00  }
0x522: {  	_ =	swait.ge [sflag:s6], $0x400  }
0x523: {  	[sflag:s6] =	ssyncset.done $0x0  }
0x524: {  	[sflag:s6] =	ssyncadd.s32 $0xFFFFFC00  }
0x525: {  	_ =	swait.ge [sflag:s6], $0x400  }
0x526: {  	[sflag:s6] =	ssyncset.done $0x0  }
0x527: {  	[sflag:s6] =	ssyncadd.s32 $0xFFFFFC00  }
0x528: {  	_ =	swait.ge [sflag:s6], $0x400  }
0x529: {  	[sflag:s6] =	ssyncset.done $0x0  }
0x52a: {  	[sflag:s6] =	ssyncadd.s32 $0xFFFFFC00  }
0x52b: {  	_ =	swait.ge [sflag:s6], $0x400  }
0x52c: {  	[sflag:s6] =	ssyncset.done $0x0  }
0x52d: {  	[sflag:s6] =	ssyncadd.s32 $0xFFFFFC00  }
0x52e: {  	_ =	swait.ge [sflag:s6], $0x400  }
0x52f: {  	[sflag:s6] =	ssyncset.done $0x0  }
0x530: {  	[sflag:s6] =	ssyncadd.s32 $0xFFFFFC00  }
0x531: {  	_ =	swait.ge [sflag:s6], $0x400  }
0x532: {  	[sflag:s6] =	ssyncset.done $0x0  }
0x533: {  	[sflag:s6] =	ssyncadd.s32 $0xFFFFFC00  }
0x534: {  	_ =	swait.ge [sflag:s6], $0x400  }
0x535: {  	[sflag:s6] =	ssyncset.done $0x0  }
0x536: {  	[sflag:s6] =	ssyncadd.s32 $0xFFFFFC00  }
0x537: {  	_ =	swait.ge [sflag:s6], $0x400  }
0x538: {  	[sflag:s6] =	ssyncset.done $0x0  }
0x539: {  	[sflag:s6] =	ssyncadd.s32 $0xFFFFFC00  }
0x53a: {  	_ =	swait.ge [sflag:s6], $0x400  }
0x53b: {  	[sflag:s6] =	ssyncset.done $0x0  }
0x53c: {  	[sflag:s6] =	ssyncadd.s32 $0xFFFFFC00  }
0x53d: {  	_ =	swait.ge [sflag:s6], $0x400  }
0x53e: {  	[sflag:s6] =	ssyncset.done $0x0  }
0x53f: {  	[sflag:s6] =	ssyncadd.s32 $0xFFFFFC00  }
0x540: {  	_ =	swait.ge [sflag:s6], $0x400  }
0x541: {  	[sflag:s6] =	ssyncset.done $0x0  }
0x542: {  	[sflag:s6] =	ssyncadd.s32 $0xFFFFFC00  }
0x543: {  	_ =	swait.ge [sflag:s6], $0x400  }
0x544: {  	[sflag:s6] =	ssyncset.done $0x0  }
0x545: {  	[sflag:s6] =	ssyncadd.s32 $0xFFFFFC00  }
0x546: {  	_ =	swait.ge [sflag:s6], $0x400  }
0x547: {  	[sflag:s6] =	ssyncset.done $0x0  }
0x548: {  	[sflag:s6] =	ssyncadd.s32 $0xFFFFFC00  }
0x549: {  	_ =	swait.ge [sflag:s6], $0x400  }
0x54a: {  	[sflag:s6] =	ssyncset.done $0x0  }
0x54b: {  	[sflag:s6] =	ssyncadd.s32 $0xFFFFFC00  }
0x54c: {  	_ =	swait.ge [sflag:s6], $0x400  }
0x54d: {  	[sflag:s6] =	ssyncset.done $0x0  }
0x54e: {  	[sflag:s6] =	ssyncadd.s32 $0xFFFFFC00  }
0x54f: {  	_ =	swait.ge [sflag:s6], $0x400  }
0x550: {  	[sflag:s6] =	ssyncset.done $0x0  }
0x551: {  	[sflag:s6] =	ssyncadd.s32 $0xFFFFFC00  }
0x552: {  	_ =	swait.ge [sflag:s6], $0x400  }
0x553: {  	[sflag:s6] =	ssyncset.done $0x0  }
0x554: {  	[sflag:s6] =	ssyncadd.s32 $0xFFFFFC00  }
0x555: {  	_ =	swait.ge [sflag:s6], $0x400  }
0x556: {  	[sflag:s6] =	ssyncset.done $0x0  }
0x557: {  	[sflag:s6] =	ssyncadd.s32 $0xFFFFFC00  }
0x558: {  	_ =	swait.ge [sflag:s6], $0x400  }
0x559: {  	[sflag:s6] =	ssyncset.done $0x0  }
0x55a: {  	[sflag:s6] =	ssyncadd.s32 $0xFFFFFC00  }
0x55b: {  	_ =	swait.ge [sflag:s6], $0x400  }
0x55c: {  	[sflag:s6] =	ssyncset.done $0x0  }
0x55d: {  	[sflag:s6] =	ssyncadd.s32 $0xFFFFFC00  }
0x55e: {  	_ =	swait.ge [sflag:s6], $0x400  }
0x55f: {  	[sflag:s6] =	ssyncset.done $0x0  }
0x560: {  	[sflag:s6] =	ssyncadd.s32 $0xFFFFFC00  }
0x561: {  	_ =	swait.ge [sflag:s6], $0x400  }
0x562: {  	[sflag:s6] =	ssyncset.done $0x0  }
0x563: {  	[sflag:s6] =	ssyncadd.s32 $0xFFFFFC00  }
0x564: {  	_ =	swait.ge [sflag:s6], $0x400  }
0x565: {  	[sflag:s6] =	ssyncset.done $0x0  }
0x566: {  	[sflag:s6] =	ssyncadd.s32 $0xFFFFFC00  }
0x567: {  	_ =	swait.ge [sflag:s6], $0x400  }
0x568: {  	[sflag:s6] =	ssyncset.done $0x0  }
0x569: {  	[sflag:s6] =	ssyncadd.s32 $0xFFFFFC00  }
0x56a: {  	_ =	swait.ge [sflag:s6], $0x400  }
0x56b: {  	[sflag:s6] =	ssyncset.done $0x0  }
0x56c: {  	[sflag:s6] =	ssyncadd.s32 $0xFFFFFC00  }
0x56d: {  	_ =	swait.ge [sflag:s6], $0x400  }
0x56e: {  	[sflag:s6] =	ssyncset.done $0x0  }
0x56f: {  	[sflag:s6] =	ssyncadd.s32 $0xFFFFFC00  }
0x570: {  	_ =	swait.ge [sflag:s6], $0x400  }
0x571: {  	[sflag:s6] =	ssyncset.done $0x0  }
0x572: {  	[sflag:s6] =	ssyncadd.s32 $0xFFFFFC00  }
0x573: {  	_ =	swait.ge [sflag:s6], $0x400  }
0x574: {  	[sflag:s6] =	ssyncset.done $0x0  }
0x575: {  	[sflag:s6] =	ssyncadd.s32 $0xFFFFFC00  }
0x576: {  	_ =	swait.ge [sflag:s6], $0x400  }
0x577: {  	[sflag:s6] =	ssyncset.done $0x0  }
0x578: {  	[sflag:s6] =	ssyncadd.s32 $0xFFFFFC00  }
0x579: {  	_ =	swait.ge [sflag:s6], $0x400  }
0x57a: {  	[sflag:s6] =	ssyncset.done $0x0  }
0x57b: {  	[sflag:s6] =	ssyncadd.s32 $0xFFFFFC00  }
0x57c: {  	_ =	swait.ge [sflag:s6], $0x400  }
0x57d: {  	[sflag:s6] =	ssyncset.done $0x0  }
0x57e: {  	[sflag:s6] =	ssyncadd.s32 $0xFFFFFC00  }
0x57f: {  	_ =	swait.ge [sflag:s6], $0x400  }
0x580: {  	[sflag:s6] =	ssyncset.done $0x0  }
0x581: {  	s31 =	rddreg [dreg:$0xc];
	[sflag:s6] =	ssyncadd.s32 $0xFFFFFC00  }
0x582: {  	[hbm4b:s31+s2] =	stream.linear.scatter [tilespmem:s5], [sflag:$0x3], $0x10000, $0x38;
	[tilespmem:$0x10180] =	vst v63  }
0x583: {  	_ =	swait.ge [sflag:s3], $0x10000  }
0x584: {  	[sflag:s3] =	ssyncset.done $0x0  }
0x585: {  	[sflag:s3] =	ssyncadd.s32 $0xFFFF0000  }
0x586: {  	_ =	swait.ge [sflag:s4], $0x40  }
0x587: {  	[sflag:s4] =	ssyncset.done $0x0  }
0x588: {  	[sflag:s4] =	ssyncadd.s32 $0xFFFFFFC0  }
0x589: {  	_ =	swait.ge [sflag:s4], $0x40  }
0x58a: {  	[sflag:s4] =	ssyncset.done $0x0  }
0x58b: {  	[sflag:s4] =	ssyncadd.s32 $0xFFFFFFC0  }
0x58c: {  	_ =	sfence.sel $0x180000  }
0x58d: {  	[bflag:$0x0] =	sbarrier.arrive $0xFFFF  }
0x58e: {  	p0 =	sne.s32 s0, $0x0;
	_ =	strace $0x90000047  }
0x58f: {  	s0 =	sadd.s32 @!p0 $0x100000, s1;
	[bflag:$0x2] =	sbarrier.arrive $0xFFFF  }
0x590: {  	[sflag:s0] =	ssyncadd.tile.s32 @!p0 $0x1;
	_ =	shalt  }
.Lfunc_end2:
_tile_overlayer_lowered:
.L_overlay_start_2:
0x591: {  	(tag) =	ssettag $0x2  }
0x592: {  	s0 =	rddreg [dreg:$0x0];
	s2 =	stileid.u32  }
0x593: {  	s1 =	rddreg [dreg:$0x1];
	p0 =	sne.s32 s2, $0x0  }
0x594: {  	s3 =	rddreg [dreg:$0x2];
	[bflag:$0x3] =	sbarrier.arrive $0xFFFF;
	s2 =	simm.s32 @!p0 $0x1C03  }
0x595: {  	[timem:s3], [sflag:s2] =	dma.local @!p0 [hbm:s0], s1  }
0x596: {  	s0 =	simm.s32 @!p0 $0x3  }
0x597: {  	_ =	swait.ge @!p0 [sflag:s0], s1  }
0x598: {  	s1 =	ssub.s32 @!p0 $0x0, s1;
	[sflag:s0] =	ssyncset.done @!p0 $0x0  }
0x599: {  	[sflag:s0] =	ssyncadd.s32 @!p0 s1  }
0x59a: {  	[bflag:$0x3] =	sbarrier.arrive $0xFFFF  }
0x59b: {  	_ =	shalt  }

</sc_bundles>
